<compile_context>
chip_gen: v7x
topology: tpu7x:2x2x1
jax: 0.10.2.dev20260603
libtpu: 0.0.44.dev20260713+nightly
codegen_flags: <defaults>
</compile_context>

<pallas_src>
import functools

import jax
import jax.numpy as jnp
from jax import lax
from jax.experimental import pallas as pl
from jax.experimental.pallas import tpu as pltpu
from jax.experimental.pallas import tpu_sc as plsc

N = 10000
K = 16
D_NODE = 256
D_EDGE = 16

L = 16
NC = 2
NS = 16
NW = NC * NS
G = 8
ROWS = G * K
N_PAD = 10240
PER_W = N_PAD // NW
NGRP = PER_W // G
BN = 2000



def _attn_body(nodes_ref, edges_ref, inv_ref, wq_ref, wk_ref, b_ref, pk_ref):
    f32 = jnp.float32
    q = jnp.dot(nodes_ref[...], wq_ref[...], preferred_element_type=f32)
    r = lax.dot_general(q, wk_ref[...], (((1,), (1,)), ((), ())),
                        preferred_element_type=f32)
    r = r * inv_ref[...]
    cmod = lax.broadcasted_iota(jnp.int32, (D_EDGE, K * D_EDGE), 1) % D_EDGE
    drow = lax.broadcasted_iota(jnp.int32, (D_EDGE, K * D_EDGE), 0)
    T = (cmod == drow).astype(f32)
    rt = jnp.dot(r, T, preferred_element_type=f32)
    p = rt * edges_ref[...]
    cdiv = lax.broadcasted_iota(jnp.int32, (K * D_EDGE, K), 0) // D_EDGE
    jcol = lax.broadcasted_iota(jnp.int32, (K * D_EDGE, K), 1)
    S = (cdiv == jcol).astype(f32)
    qd = jnp.dot(p, S, preferred_element_type=f32)
    m = jnp.max(qd, axis=1, keepdims=True)
    ex = jnp.exp(qd - m)
    b_ref[...] = ex / jnp.sum(ex, axis=1, keepdims=True)

    n = nodes_ref[...]

    def rne16(x):
        xb = lax.bitcast_convert_type(x, jnp.int32)
        xb = xb + 32767 + (lax.shift_right_logical(xb, 16) & 1)
        return lax.shift_right_logical(xb, 16)

    lo = rne16(n[:, :D_NODE // 2])
    hi = rne16(n[:, D_NODE // 2:])
    pk_ref[...] = lo | lax.shift_left(hi, 16)


def _attn_weights(nodes, edges2d, inv2d, wq, wk):
    grid = N // BN
    return pl.pallas_call(
        _attn_body,
        grid=(grid,),
        in_specs=[
            pl.BlockSpec((BN, D_NODE), lambda i: (i, 0)),
            pl.BlockSpec((BN, K * D_EDGE), lambda i: (i, 0)),
            pl.BlockSpec((BN, 1), lambda i: (i, 0)),
            pl.BlockSpec((D_NODE, D_EDGE), lambda i: (0, 0)),
            pl.BlockSpec((D_EDGE, D_EDGE), lambda i: (0, 0)),
        ],
        out_specs=[
            pl.BlockSpec((BN, K), lambda i: (i, 0)),
            pl.BlockSpec((BN, D_NODE // 2), lambda i: (i, 0)),
        ],
        out_shape=[
            jax.ShapeDtypeStruct((N, K), jnp.float32),
            jax.ShapeDtypeStruct((N_PAD, D_NODE // 2), jnp.int32),
        ],
    )(nodes, edges2d, inv2d, wq, wk)



NBUF = 2
N_TAB = 10112


def _sc_mix_body(nodes_hbm, nlist_hbm, b_hbm, out_hbm,
                 idx_v, b_v, buf0, buf1, ost0, ost1, shared,
                 sg0, sg1, so0, so1):
    bufs = (buf0, buf1)
    sgs = (sg0, sg1)
    osts = (ost0, ost1)
    sos = (so0, so1)

    wid = lax.axis_index("s") * NC + lax.axis_index("c")
    base = wid * PER_W

    s = lax.axis_index("s")
    chunk = N_TAB // NS
    pltpu.sync_copy(nodes_hbm.at[pl.ds(s * chunk, chunk)],
                    shared.at[pl.ds(s * chunk, chunk)])

    pltpu.sync_copy(nlist_hbm.at[wid], idx_v)
    pltpu.sync_copy(b_hbm.at[wid], b_v)
    plsc.subcore_barrier()

    for r in range(NBUF):
        pltpu.async_copy(shared.at[idx_v.at[r]], bufs[r], sgs[r])

    dnums = lax.GatherDimensionNumbers(
        offset_dims=(), collapsed_slice_dims=(0,), start_index_map=(0,))

    def compute(grp, buf, ost):
        def node_body(i, carry):
            node = grp * G + i
            bvec = b_v[pl.ds(node * K, K)]
            bjs = [
                lax.gather(
                    bvec, jnp.full((L, 1), j, jnp.int32), dnums,
                    slice_sizes=(1,),
                    mode=lax.GatherScatterMode.PROMISE_IN_BOUNDS)
                for j in range(K)
            ]
            hi_mask = jnp.full((L,), -65536, jnp.int32)
            for t in range(D_NODE // (2 * L)):
                acc_e = jnp.zeros((L,), jnp.float32)
                acc_o = jnp.zeros((L,), jnp.float32)
                for j in range(K):
                    vi = buf[i * K + j, pl.ds(t * L, L)]
                    ev = lax.bitcast_convert_type(
                        lax.shift_left(vi, 16), jnp.float32)
                    od = lax.bitcast_convert_type(vi & hi_mask, jnp.float32)
                    acc_e = acc_e + bjs[j] * ev
                    acc_o = acc_o + bjs[j] * od
                ost[i, pl.ds(t * L, L)] = acc_e
                ost[i, pl.ds(D_NODE // 2 + t * L, L)] = acc_o
            return carry
        lax.fori_loop(0, G, node_body, 0)

    def iter_body(it, carry):
        for r in range(NBUF):
            grp = it * NBUF + r
            p = r % 2
            pltpu.make_async_copy(
                shared.at[idx_v.at[grp]], bufs[r], sgs[r]).wait()

            @pl.when(grp >= 2)
            def _():
                pltpu.make_async_copy(
                    osts[p], out_hbm.at[pl.ds(base, G)], sos[p]).wait()

            compute(grp, bufs[r], osts[p])
            pltpu.async_copy(
                osts[p], out_hbm.at[pl.ds(base + grp * G, G)], sos[p])
            nxt = grp + NBUF

            @pl.when(nxt < NGRP)
            def _():
                pltpu.async_copy(shared.at[idx_v.at[nxt]], bufs[r], sgs[r])
        return carry

    lax.fori_loop(0, NGRP // NBUF, iter_body, 0)
    for p in range(2):
        pltpu.make_async_copy(
            osts[p], out_hbm.at[pl.ds(base, G)], sos[p]).wait()


def _sc_mix(nodes, nlist_w, b_w):
    mesh = plsc.VectorSubcoreMesh(core_axis_name="c", subcore_axis_name="s")
    kern = functools.partial(
        pl.kernel,
        mesh=mesh,
        out_type=jax.ShapeDtypeStruct((N_PAD, D_NODE), jnp.float32),
        scratch_types=[
            pltpu.VMEM((NGRP, ROWS), jnp.int32),
            pltpu.VMEM((PER_W * K,), jnp.float32),
        ] + [pltpu.VMEM((ROWS, D_NODE // 2), jnp.int32)] * NBUF
          + [pltpu.VMEM((G, D_NODE), jnp.float32)] * 2
          + [pltpu.VMEM_SHARED((N_TAB, D_NODE // 2), jnp.int32)]
          + [pltpu.SemaphoreType.DMA] * (NBUF + 2),
    )(_sc_mix_body)
    return kern(nodes, nlist_w, b_w)



def _out_body(mixed_ref, wv_ref, out_ref):
    out_ref[...] = jnp.maximum(
        jnp.dot(mixed_ref[...], wv_ref[...], preferred_element_type=jnp.float32),
        0.0)


def _out_proj(mixed_pad, wv):
    grid = N // BN
    return pl.pallas_call(
        _out_body,
        grid=(grid,),
        in_specs=[
            pl.BlockSpec((BN, D_NODE), lambda i: (i, 0)),
            pl.BlockSpec((D_NODE, D_NODE), lambda i: (0, 0)),
        ],
        out_specs=pl.BlockSpec((BN, D_NODE), lambda i: (i, 0)),
        out_shape=jax.ShapeDtypeStruct((N, D_NODE), jnp.float32),
    )(mixed_pad, wv)



def kernel(nodes, nlist, edges, inv_degree, wq, wk, wv):
    edges2d = edges.reshape(N, K * D_EDGE)
    inv2d = inv_degree.reshape(N, 1)

    b, nodes_pk = _attn_weights(nodes, edges2d, inv2d, wq, wk)

    nlist32 = nlist.astype(jnp.int32)
    nlist_pad = jnp.pad(nlist32, ((0, N_PAD - N), (0, 0)))
    nlist_w = nlist_pad.reshape(NW, NGRP, ROWS)
    b_pad = jnp.pad(b, ((0, N_PAD - N), (0, 0)))
    b_w = b_pad.reshape(NW, PER_W * K)

    mixed = _sc_mix(nodes_pk, nlist_w, b_w)
    return _out_proj(mixed, wv)

# --- scband reference (transcript-rebuilt; emitter-appended) ---
"""Pipeline reference for scband-amplayer-24799141167508 (READ-ONLY COPY).

The authoritative reference and input builder live on the scoring server;
editing this copy changes nothing except your own understanding.
"""

import jax, jax.numpy as jnp
import numpy as np

N = 10000
K = 16
D_NODE = 256
D_EDGE = 16

def setup_inputs(seed: int = 0) -> dict:
    key = jax.random.key(seed)
    k1, k2, k3, k4, k5, k6, k7 = jax.random.split(key, 7)
    nodes = jax.random.normal(k1, (N, D_NODE), dtype=jnp.float32)
    nlist = jax.random.randint(k2, (N, K), 0, N, dtype=jnp.int64)
    edges = jax.random.normal(k3, (N, K, D_EDGE), dtype=jnp.float32)
    inv_degree = jax.random.uniform(k4, (N,), dtype=jnp.float32)
    # learned parameters (glorot-uniform-like init)
    lim_q = np.sqrt(6.0 / (D_NODE + D_EDGE))
    lim_k = np.sqrt(6.0 / (D_EDGE + D_EDGE))
    lim_v = np.sqrt(6.0 / (D_NODE + D_NODE))
    wq = jax.random.uniform(k5, (D_NODE, D_EDGE), minval=-lim_q, maxval=lim_q, dtype=jnp.float32)
    wk = jax.random.uniform(k6, (D_EDGE, D_EDGE), minval=-lim_k, maxval=lim_k, dtype=jnp.float32)
    wv = jax.random.uniform(k7, (D_NODE, D_NODE), minval=-lim_v, maxval=lim_v, dtype=jnp.float32)
    return {"nodes": nodes, "nlist": nlist, "edges": edges, "inv_degree": inv_degree, "wq": wq, "wk": wk, "wv": wv}

def reference(nodes, nlist, edges, inv_degree, wq, wk, wv):
    # gather neighbor node features: [N, K, D_NODE]
    sliced_features = jnp.take(nodes, nlist, axis=0)
    query = nodes @ wq                     # [N, D_EDGE]
    keys = edges @ wk                      # [N, K, D_EDGE]
    values = sliced_features @ wv          # [N, K, D_NODE]
    qdot = jnp.einsum('i,ijk,ik->ij', inv_degree, keys, query)  # [N, K]
    b = jax.nn.softmax(qdot, axis=-1)      # [N, K]
    reduced = jnp.einsum('ij,ijk->ik', b, values)  # [N, D_NODE]
    out = jax.nn.relu(reduced)
    return out

if __name__ == "__main__":
    import jax
    _d = setup_inputs()
    print(jax.jit(kernel)(*tuple(_d.values())))

</pallas_src>

<mosaic_0001>
#map = affine_map<(d0, d1) -> (0, 0)>
#map1 = affine_map<(d0, d1) -> (0, 0, 0)>
module attributes {stable_mosaic.version = 14 : i64} {
  func.func @_sc_mix_body(%arg0: i32, %arg1: i32, %arg2: memref<10240x128xi32, #tpu.memory_space<hbm>>, %arg3: memref<32x40x128xi32, #tpu.memory_space<hbm>>, %arg4: memref<32x5120xf32, #tpu.memory_space<hbm>>, %arg5: memref<10240x256xf32, #tpu.memory_space<hbm>>, %arg6: memref<40x128xi32, #tpu.memory_space<vmem>>, %arg7: memref<5120xf32, #tpu.memory_space<vmem>>, %arg8: memref<128x128xi32, #tpu.memory_space<vmem>>, %arg9: memref<128x128xi32, #tpu.memory_space<vmem>>, %arg10: memref<8x256xf32, #tpu.memory_space<vmem>>, %arg11: memref<8x256xf32, #tpu.memory_space<vmem>>, %arg12: memref<10112x128xi32, #tpu.memory_space<vmem_shared>>, %arg13: memref<!tpu.dma_semaphore, #tpu.memory_space<semaphore_mem>>, %arg14: memref<!tpu.dma_semaphore, #tpu.memory_space<semaphore_mem>>, %arg15: memref<!tpu.dma_semaphore, #tpu.memory_space<semaphore_mem>>, %arg16: memref<!tpu.dma_semaphore, #tpu.memory_space<semaphore_mem>>) attributes {dimension_semantics = [#tpu.dimension_semantics<core_parallel>, #tpu.dimension_semantics<subcore_parallel>], iteration_bounds = array<i64: 2, 16>, scalar_prefetch = 0 : i64, scratch_operands = 11 : i64, tpu.core_type = #tpu.core_type<sc_vector_subcore>, window_params = [{transform_indices = #map}, {transform_indices = #map1}, {transform_indices = #map}, {transform_indices = #map}]} {
    %mul3A = arith.constant 2 : i32
    %mul3A_0 = arith.muli %arg1, %mul3A : i32
    %add3A = arith.addi %mul3A_0, %arg0 : i32
    %mul3A_1 = arith.constant 320 : i32
    %mul3A_2 = arith.muli %add3A, %mul3A_1 : i32
    %mul3A_3 = arith.constant 632 : i32
    %mul3A_4 = arith.muli %arg1, %mul3A_3 : i32
    %mul3A_5 = arith.constant 632 : i32
    %mul3A_6 = arith.muli %arg1, %mul3A_5 : i32
    "tpu.region"() ({
      %run_scoped3A = tpu.sem_alloc : memref<!tpu.dma_semaphore, #tpu.memory_space<semaphore_mem>>
      %dma_start3A_32 = arith.constant 0 : i32
      %dma_start3A_33 = tpu.memref_slice %arg12[%mul3A_6, %dma_start3A_32] : memref<10112x128xi32, #tpu.memory_space<vmem_shared>> -> memref<632x128xi32, #tpu.memory_space<vmem_shared>>
      %dma_start3A_34 = arith.constant 0 : i32
      %dma_start3A_35 = tpu.memref_slice %arg2[%mul3A_4, %dma_start3A_34] : memref<10240x128xi32, #tpu.memory_space<hbm>> -> memref<632x128xi32, #tpu.memory_space<hbm>>
      tpu.enqueue_dma source(%dma_start3A_35 : memref<632x128xi32, #tpu.memory_space<hbm>>) target(%dma_start3A_33 : memref<632x128xi32, #tpu.memory_space<vmem_shared>>) target_semaphore(%run_scoped3A : memref<!tpu.dma_semaphore, #tpu.memory_space<semaphore_mem>>)
      %dma_wait3A_36 = arith.constant 0 : i32
      %dma_wait3A_37 = tpu.memref_slice %arg12[%mul3A_6, %dma_wait3A_36] : memref<10112x128xi32, #tpu.memory_space<vmem_shared>> -> memref<632x128xi32, #tpu.memory_space<vmem_shared>>
      %dma_wait3A_38 = arith.constant 0 : i32
      %dma_wait3A_39 = tpu.memref_slice %arg2[%mul3A_4, %dma_wait3A_38] : memref<10240x128xi32, #tpu.memory_space<hbm>> -> memref<632x128xi32, #tpu.memory_space<hbm>>
      tpu.wait_dma2 semaphore(%run_scoped3A : memref<!tpu.dma_semaphore, #tpu.memory_space<semaphore_mem>>) src(%dma_wait3A_39 : memref<632x128xi32, #tpu.memory_space<hbm>>) dst(%dma_wait3A_37 : memref<632x128xi32, #tpu.memory_space<vmem_shared>>)
      tpu.yield
    }) : () -> ()
    "tpu.region"() ({
      %run_scoped3A = tpu.sem_alloc : memref<!tpu.dma_semaphore, #tpu.memory_space<semaphore_mem>>
      %dma_start3A_32 = arith.constant 0 : i32
      %dma_start3A_33 = arith.constant 0 : i32
      %dma_start3A_34 = tpu.memref_slice %arg3[%add3A, %dma_start3A_32, %dma_start3A_33] : memref<32x40x128xi32, #tpu.memory_space<hbm>> -> memref<1x40x128xi32, #tpu.memory_space<hbm>>
      %dma_start3A_35 = tpu.memref_squeeze %dma_start3A_34 : memref<1x40x128xi32, #tpu.memory_space<hbm>> -> memref<40x128xi32, #tpu.memory_space<hbm>>
      %dma_start3A_36 = arith.constant 0 : i32
      %dma_start3A_37 = arith.constant 0 : i32
      %dma_start3A_38 = tpu.memref_slice %arg3[%add3A, %dma_start3A_36, %dma_start3A_37] : memref<32x40x128xi32, #tpu.memory_space<hbm>> -> memref<1x40x128xi32, #tpu.memory_space<hbm>>
      %dma_start3A_39 = tpu.memref_squeeze %dma_start3A_38 : memref<1x40x128xi32, #tpu.memory_space<hbm>> -> memref<40x128xi32, #tpu.memory_space<hbm>>
      tpu.enqueue_dma source(%dma_start3A_39 : memref<40x128xi32, #tpu.memory_space<hbm>>) target(%arg6 : memref<40x128xi32, #tpu.memory_space<vmem>>) target_semaphore(%run_scoped3A : memref<!tpu.dma_semaphore, #tpu.memory_space<semaphore_mem>>)
      %dma_wait3A_40 = arith.constant 0 : i32
      %dma_wait3A_41 = arith.constant 0 : i32
      %dma_wait3A_42 = tpu.memref_slice %arg3[%add3A, %dma_wait3A_40, %dma_wait3A_41] : memref<32x40x128xi32, #tpu.memory_space<hbm>> -> memref<1x40x128xi32, #tpu.memory_space<hbm>>
      %dma_wait3A_43 = tpu.memref_squeeze %dma_wait3A_42 : memref<1x40x128xi32, #tpu.memory_space<hbm>> -> memref<40x128xi32, #tpu.memory_space<hbm>>
      %dma_wait3A_44 = arith.constant 0 : i32
      %dma_wait3A_45 = arith.constant 0 : i32
      %dma_wait3A_46 = tpu.memref_slice %arg3[%add3A, %dma_wait3A_44, %dma_wait3A_45] : memref<32x40x128xi32, #tpu.memory_space<hbm>> -> memref<1x40x128xi32, #tpu.memory_space<hbm>>
      %dma_wait3A_47 = tpu.memref_squeeze %dma_wait3A_46 : memref<1x40x128xi32, #tpu.memory_space<hbm>> -> memref<40x128xi32, #tpu.memory_space<hbm>>
      tpu.wait_dma2 semaphore(%run_scoped3A : memref<!tpu.dma_semaphore, #tpu.memory_space<semaphore_mem>>) src(%dma_wait3A_47 : memref<40x128xi32, #tpu.memory_space<hbm>>) dst(%arg6 : memref<40x128xi32, #tpu.memory_space<vmem>>)
      tpu.yield
    }) : () -> ()
    "tpu.region"() ({
      %run_scoped3A = tpu.sem_alloc : memref<!tpu.dma_semaphore, #tpu.memory_space<semaphore_mem>>
      %dma_start3A_32 = arith.constant 0 : i32
      %dma_start3A_33 = tpu.memref_slice %arg4[%add3A, %dma_start3A_32] : memref<32x5120xf32, #tpu.memory_space<hbm>> -> memref<1x5120xf32, #tpu.memory_space<hbm>>
      %dma_start3A_34 = tpu.memref_squeeze %dma_start3A_33 : memref<1x5120xf32, #tpu.memory_space<hbm>> -> memref<5120xf32, #tpu.memory_space<hbm>>
      %dma_start3A_35 = arith.constant 0 : i32
      %dma_start3A_36 = tpu.memref_slice %arg4[%add3A, %dma_start3A_35] : memref<32x5120xf32, #tpu.memory_space<hbm>> -> memref<1x5120xf32, #tpu.memory_space<hbm>>
      %dma_start3A_37 = tpu.memref_squeeze %dma_start3A_36 : memref<1x5120xf32, #tpu.memory_space<hbm>> -> memref<5120xf32, #tpu.memory_space<hbm>>
      tpu.enqueue_dma source(%dma_start3A_37 : memref<5120xf32, #tpu.memory_space<hbm>>) target(%arg7 : memref<5120xf32, #tpu.memory_space<vmem>>) target_semaphore(%run_scoped3A : memref<!tpu.dma_semaphore, #tpu.memory_space<semaphore_mem>>)
      %dma_wait3A_38 = arith.constant 0 : i32
      %dma_wait3A_39 = tpu.memref_slice %arg4[%add3A, %dma_wait3A_38] : memref<32x5120xf32, #tpu.memory_space<hbm>> -> memref<1x5120xf32, #tpu.memory_space<hbm>>
      %dma_wait3A_40 = tpu.memref_squeeze %dma_wait3A_39 : memref<1x5120xf32, #tpu.memory_space<hbm>> -> memref<5120xf32, #tpu.memory_space<hbm>>
      %dma_wait3A_41 = arith.constant 0 : i32
      %dma_wait3A_42 = tpu.memref_slice %arg4[%add3A, %dma_wait3A_41] : memref<32x5120xf32, #tpu.memory_space<hbm>> -> memref<1x5120xf32, #tpu.memory_space<hbm>>
      %dma_wait3A_43 = tpu.memref_squeeze %dma_wait3A_42 : memref<1x5120xf32, #tpu.memory_space<hbm>> -> memref<5120xf32, #tpu.memory_space<hbm>>
      tpu.wait_dma2 semaphore(%run_scoped3A : memref<!tpu.dma_semaphore, #tpu.memory_space<semaphore_mem>>) src(%dma_wait3A_43 : memref<5120xf32, #tpu.memory_space<hbm>>) dst(%arg7 : memref<5120xf32, #tpu.memory_space<vmem>>)
      tpu.yield
    }) : () -> ()
    %barrier3A = arith.constant 0 : index
    tpu.barrier barrier_id(%barrier3A)
    %dma_start3A = arith.constant 0 : i32
    %dma_start3A_7 = arith.constant 0 : i32
    %dma_start3A_8 = tpu.memref_slice %arg6[%dma_start3A, %dma_start3A_7] : memref<40x128xi32, #tpu.memory_space<vmem>> -> memref<1x128xi32, #tpu.memory_space<vmem>>
    %dma_start3A_9 = tpu.memref_squeeze %dma_start3A_8 : memref<1x128xi32, #tpu.memory_space<vmem>> -> memref<128xi32, #tpu.memory_space<vmem>>
    %dma_start3A_10 = arith.constant 0 : i32
    %dma_start3A_11 = arith.constant 0 : i32
    %dma_start3A_12 = tpu.memref_slice %arg12[%dma_start3A_10, %dma_start3A_11] : memref<10112x128xi32, #tpu.memory_space<vmem_shared>> -> memref<10112x128xi32, #tpu.memory_space<vmem_shared>>
    tpu.enqueue_indirect_dma source(%dma_start3A_12 : memref<10112x128xi32, #tpu.memory_space<vmem_shared>>) target(%arg8 : memref<128x128xi32, #tpu.memory_space<vmem>>) offsets(%dma_start3A_9 : memref<128xi32, #tpu.memory_space<vmem>>) semaphore(%arg13 : memref<!tpu.dma_semaphore, #tpu.memory_space<semaphore_mem>>)
    %dma_start3A_13 = arith.constant 1 : i32
    %dma_start3A_14 = arith.constant 0 : i32
    %dma_start3A_15 = tpu.memref_slice %arg6[%dma_start3A_13, %dma_start3A_14] : memref<40x128xi32, #tpu.memory_space<vmem>> -> memref<1x128xi32, #tpu.memory_space<vmem>>
    %dma_start3A_16 = tpu.memref_squeeze %dma_start3A_15 : memref<1x128xi32, #tpu.memory_space<vmem>> -> memref<128xi32, #tpu.memory_space<vmem>>
    %dma_start3A_17 = arith.constant 0 : i32
    %dma_start3A_18 = arith.constant 0 : i32
    %dma_start3A_19 = tpu.memref_slice %arg12[%dma_start3A_17, %dma_start3A_18] : memref<10112x128xi32, #tpu.memory_space<vmem_shared>> -> memref<10112x128xi32, #tpu.memory_space<vmem_shared>>
    tpu.enqueue_indirect_dma source(%dma_start3A_19 : memref<10112x128xi32, #tpu.memory_space<vmem_shared>>) target(%arg9 : memref<128x128xi32, #tpu.memory_space<vmem>>) offsets(%dma_start3A_16 : memref<128xi32, #tpu.memory_space<vmem>>) semaphore(%arg14 : memref<!tpu.dma_semaphore, #tpu.memory_space<semaphore_mem>>)
    %scan3A = arith.constant 0 : i32
    %scan3A_20 = arith.constant 0 : i32
    %scan3A_21 = arith.constant 20 : i32
    %scan3A_22 = arith.addi %scan3A_20, %scan3A_21 : i32
    %scan3A_23 = arith.constant 1 : i32
    scf.for %scan3A_32 = %scan3A_20 to %scan3A_22 step %scan3A_23  : i32 {
      %mul3A_33 = arith.constant 2 : i32
      %mul3A_34 = arith.muli %scan3A_32, %mul3A_33 : i32
      %add3A_35 = arith.constant 0 : i32
      %add3A_36 = arith.addi %mul3A_34, %add3A_35 : i32
      %dma_wait3A_37 = arith.constant 0 : i32
      %dma_wait3A_38 = tpu.memref_slice %arg6[%add3A_36, %dma_wait3A_37] : memref<40x128xi32, #tpu.memory_space<vmem>> -> memref<1x128xi32, #tpu.memory_space<vmem>>
      %dma_wait3A_39 = tpu.memref_squeeze %dma_wait3A_38 : memref<1x128xi32, #tpu.memory_space<vmem>> -> memref<128xi32, #tpu.memory_space<vmem>>
      %dma_wait3A_40 = arith.constant 0 : i32
      %dma_wait3A_41 = arith.constant 0 : i32
      %dma_wait3A_42 = tpu.memref_slice %arg12[%dma_wait3A_40, %dma_wait3A_41] : memref<10112x128xi32, #tpu.memory_space<vmem_shared>> -> memref<10112x128xi32, #tpu.memory_space<vmem_shared>>
      tpu.wait_indirect_dma semaphore(%arg13 : memref<!tpu.dma_semaphore, #tpu.memory_space<semaphore_mem>>) src(%dma_wait3A_42 : memref<10112x128xi32, #tpu.memory_space<vmem_shared>>) dst(%arg8 : memref<128x128xi32, #tpu.memory_space<vmem>>)
      %ge3A = arith.constant 2 : i32
      %ge3A_43 = arith.cmpi sge, %add3A_36, %ge3A : i32
      %convert_element_type3A = arith.extui %ge3A_43 : i1 to i32
      %cond3A = arith.constant 0 : i32
      %cond3A_44 = arith.cmpi ne, %convert_element_type3A, %cond3A : i32
      scf.if %cond3A_44 {
        %dma_wait3A_99 = arith.constant 0 : i32
        %dma_wait3A_100 = tpu.memref_slice %arg5[%mul3A_2, %dma_wait3A_99] : memref<10240x256xf32, #tpu.memory_space<hbm>> -> memref<8x256xf32, #tpu.memory_space<hbm>>
        %dma_wait3A_101 = arith.constant 0 : i32
        %dma_wait3A_102 = tpu.memref_slice %arg5[%mul3A_2, %dma_wait3A_101] : memref<10240x256xf32, #tpu.memory_space<hbm>> -> memref<8x256xf32, #tpu.memory_space<hbm>>
        tpu.wait_dma2 semaphore(%arg15 : memref<!tpu.dma_semaphore, #tpu.memory_space<semaphore_mem>>) src(%arg10 : memref<8x256xf32, #tpu.memory_space<vmem>>) dst(%dma_wait3A_102 : memref<8x256xf32, #tpu.memory_space<hbm>>)
      } else {
      }
      %scan3A_45 = arith.constant 0 : i32
      %scan3A_46 = arith.constant 0 : i32
      %scan3A_47 = arith.constant 8 : i32
      %scan3A_48 = arith.addi %scan3A_46, %scan3A_47 : i32
      %scan3A_49 = arith.constant 1 : i32
      scf.for %scan3A_99 = %scan3A_46 to %scan3A_48 step %scan3A_49  : i32 {
        %mul3A_100 = arith.constant 8 : i32
        %mul3A_101 = arith.muli %add3A_36, %mul3A_100 : i32
        %add3A_102 = arith.addi %mul3A_101, %scan3A_99 : i32
        %mul3A_103 = arith.constant 16 : i32
        %mul3A_104 = arith.muli %add3A_102, %mul3A_103 : i32
        %get3A = arith.index_cast %mul3A_104 : i32 to index
        %get3A_105 = tpu.vector_load %arg7[%get3A] {strides = array<i32>} : memref<5120xf32, #tpu.memory_space<vmem>>, vector<16xf32>,
        %get3A_106 = vector.shape_cast %get3A_105 : vector<16xf32> to vector<16xf32>
        %broadcast_in_dim3A = arith.constant 0 : i32
        %broadcast_in_dim3A_107 = vector.broadcast %broadcast_in_dim3A : i32 to vector<16x1xi32>
        %gather3A = vector.shape_cast %broadcast_in_dim3A_107 : vector<16x1xi32> to vector<16xi32>
        %gather3A_108 = tpu.dynamic_gather %get3A_106[%gather3A] in [0] : vector<16xf32>, vector<16xi32> -> vector<16xf32>
        %broadcast_in_dim3A_109 = arith.constant 1 : i32
        %broadcast_in_dim3A_110 = vector.broadcast %broadcast_in_dim3A_109 : i32 to vector<16x1xi32>
        %gather3A_111 = vector.shape_cast %broadcast_in_dim3A_110 : vector<16x1xi32> to vector<16xi32>
        %gather3A_112 = tpu.dynamic_gather %get3A_106[%gather3A_111] in [0] : vector<16xf32>, vector<16xi32> -> vector<16xf32>
        %broadcast_in_dim3A_113 = arith.constant 2 : i32
        %broadcast_in_dim3A_114 = vector.broadcast %broadcast_in_dim3A_113 : i32 to vector<16x1xi32>
        %gather3A_115 = vector.shape_cast %broadcast_in_dim3A_114 : vector<16x1xi32> to vector<16xi32>
        %gather3A_116 = tpu.dynamic_gather %get3A_106[%gather3A_115] in [0] : vector<16xf32>, vector<16xi32> -> vector<16xf32>
        %broadcast_in_dim3A_117 = arith.constant 3 : i32
        %broadcast_in_dim3A_118 = vector.broadcast %broadcast_in_dim3A_117 : i32 to vector<16x1xi32>
        %gather3A_119 = vector.shape_cast %broadcast_in_dim3A_118 : vector<16x1xi32> to vector<16xi32>
        %gather3A_120 = tpu.dynamic_gather %get3A_106[%gather3A_119] in [0] : vector<16xf32>, vector<16xi32> -> vector<16xf32>
        %broadcast_in_dim3A_121 = arith.constant 4 : i32
        %broadcast_in_dim3A_122 = vector.broadcast %broadcast_in_dim3A_121 : i32 to vector<16x1xi32>
        %gather3A_123 = vector.shape_cast %broadcast_in_dim3A_122 : vector<16x1xi32> to vector<16xi32>
        %gather3A_124 = tpu.dynamic_gather %get3A_106[%gather3A_123] in [0] : vector<16xf32>, vector<16xi32> -> vector<16xf32>
        %broadcast_in_dim3A_125 = arith.constant 5 : i32
        %broadcast_in_dim3A_126 = vector.broadcast %broadcast_in_dim3A_125 : i32 to vector<16x1xi32>
        %gather3A_127 = vector.shape_cast %broadcast_in_dim3A_126 : vector<16x1xi32> to vector<16xi32>
        %gather3A_128 = tpu.dynamic_gather %get3A_106[%gather3A_127] in [0] : vector<16xf32>, vector<16xi32> -> vector<16xf32>
        %broadcast_in_dim3A_129 = arith.constant 6 : i32
        %broadcast_in_dim3A_130 = vector.broadcast %broadcast_in_dim3A_129 : i32 to vector<16x1xi32>
        %gather3A_131 = vector.shape_cast %broadcast_in_dim3A_130 : vector<16x1xi32> to vector<16xi32>
        %gather3A_132 = tpu.dynamic_gather %get3A_106[%gather3A_131] in [0] : vector<16xf32>, vector<16xi32> -> vector<16xf32>
        %broadcast_in_dim3A_133 = arith.constant 7 : i32
        %broadcast_in_dim3A_134 = vector.broadcast %broadcast_in_dim3A_133 : i32 to vector<16x1xi32>
        %gather3A_135 = vector.shape_cast %broadcast_in_dim3A_134 : vector<16x1xi32> to vector<16xi32>
        %gather3A_136 = tpu.dynamic_gather %get3A_106[%gather3A_135] in [0] : vector<16xf32>, vector<16xi32> -> vector<16xf32>
        %broadcast_in_dim3A_137 = arith.constant 8 : i32
        %broadcast_in_dim3A_138 = vector.broadcast %broadcast_in_dim3A_137 : i32 to vector<16x1xi32>
        %gather3A_139 = vector.shape_cast %broadcast_in_dim3A_138 : vector<16x1xi32> to vector<16xi32>
        %gather3A_140 = tpu.dynamic_gather %get3A_106[%gather3A_139] in [0] : vector<16xf32>, vector<16xi32> -> vector<16xf32>
        %broadcast_in_dim3A_141 = arith.constant 9 : i32
        %broadcast_in_dim3A_142 = vector.broadcast %broadcast_in_dim3A_141 : i32 to vector<16x1xi32>
        %gather3A_143 = vector.shape_cast %broadcast_in_dim3A_142 : vector<16x1xi32> to vector<16xi32>
        %gather3A_144 = tpu.dynamic_gather %get3A_106[%gather3A_143] in [0] : vector<16xf32>, vector<16xi32> -> vector<16xf32>
        %broadcast_in_dim3A_145 = arith.constant 10 : i32
        %broadcast_in_dim3A_146 = vector.broadcast %broadcast_in_dim3A_145 : i32 to vector<16x1xi32>
        %gather3A_147 = vector.shape_cast %broadcast_in_dim3A_146 : vector<16x1xi32> to vector<16xi32>
        %gather3A_148 = tpu.dynamic_gather %get3A_106[%gather3A_147] in [0] : vector<16xf32>, vector<16xi32> -> vector<16xf32>
        %broadcast_in_dim3A_149 = arith.constant 11 : i32
        %broadcast_in_dim3A_150 = vector.broadcast %broadcast_in_dim3A_149 : i32 to vector<16x1xi32>
        %gather3A_151 = vector.shape_cast %broadcast_in_dim3A_150 : vector<16x1xi32> to vector<16xi32>
        %gather3A_152 = tpu.dynamic_gather %get3A_106[%gather3A_151] in [0] : vector<16xf32>, vector<16xi32> -> vector<16xf32>
        %broadcast_in_dim3A_153 = arith.constant 12 : i32
        %broadcast_in_dim3A_154 = vector.broadcast %broadcast_in_dim3A_153 : i32 to vector<16x1xi32>
        %gather3A_155 = vector.shape_cast %broadcast_in_dim3A_154 : vector<16x1xi32> to vector<16xi32>
        %gather3A_156 = tpu.dynamic_gather %get3A_106[%gather3A_155] in [0] : vector<16xf32>, vector<16xi32> -> vector<16xf32>
        %broadcast_in_dim3A_157 = arith.constant 13 : i32
        %broadcast_in_dim3A_158 = vector.broadcast %broadcast_in_dim3A_157 : i32 to vector<16x1xi32>
        %gather3A_159 = vector.shape_cast %broadcast_in_dim3A_158 : vector<16x1xi32> to vector<16xi32>
        %gather3A_160 = tpu.dynamic_gather %get3A_106[%gather3A_159] in [0] : vector<16xf32>, vector<16xi32> -> vector<16xf32>
        %broadcast_in_dim3A_161 = arith.constant 14 : i32
        %broadcast_in_dim3A_162 = vector.broadcast %broadcast_in_dim3A_161 : i32 to vector<16x1xi32>
        %gather3A_163 = vector.shape_cast %broadcast_in_dim3A_162 : vector<16x1xi32> to vector<16xi32>
        %gather3A_164 = tpu.dynamic_gather %get3A_106[%gather3A_163] in [0] : vector<16xf32>, vector<16xi32> -> vector<16xf32>
        %broadcast_in_dim3A_165 = arith.constant 15 : i32
        %broadcast_in_dim3A_166 = vector.broadcast %broadcast_in_dim3A_165 : i32 to vector<16x1xi32>
        %gather3A_167 = vector.shape_cast %broadcast_in_dim3A_166 : vector<16x1xi32> to vector<16xi32>
        %gather3A_168 = tpu.dynamic_gather %get3A_106[%gather3A_167] in [0] : vector<16xf32>, vector<16xi32> -> vector<16xf32>
        %broadcast_in_dim3A_169 = arith.constant -65536 : i32
        %broadcast_in_dim3A_170 = vector.broadcast %broadcast_in_dim3A_169 : i32 to vector<16xi32>
        %broadcast_in_dim3A_171 = arith.constant 0.000000e+00 : f32
        %broadcast_in_dim3A_172 = vector.broadcast %broadcast_in_dim3A_171 : f32 to vector<16xf32>
        %broadcast_in_dim3A_173 = arith.constant 0.000000e+00 : f32
        %broadcast_in_dim3A_174 = vector.broadcast %broadcast_in_dim3A_173 : f32 to vector<16xf32>
        %mul3A_175 = arith.constant 16 : i32
        %mul3A_176 = arith.muli %scan3A_99, %mul3A_175 : i32
        %add3A_177 = arith.constant 0 : i32
        %add3A_178 = arith.addi %mul3A_176, %add3A_177 : i32
        %get3A_179 = arith.index_cast %add3A_178 : i32 to index
        %get3A_180 = arith.constant 0 : index
        %get3A_181 = tpu.vector_load %arg8[%get3A_179, %get3A_180] {strides = array<i32>} : memref<128x128xi32, #tpu.memory_space<vmem>>, vector<1x16xi32>,
        %get3A_182 = vector.shape_cast %get3A_181 : vector<1x16xi32> to vector<16xi32>
        %shift_left3A = arith.constant 16 : i32
        %shift_left3A_183 = vector.broadcast %shift_left3A : i32 to vector<16xi32>
        %shift_left3A_184 = arith.shli %get3A_182, %shift_left3A_183 : vector<16xi32>
        %bitcast_convert_type3A = tpu.bitcast %shift_left3A_184 : vector<16xi32> -> vector<16xf32>
        %and3A = arith.andi %get3A_182, %broadcast_in_dim3A_170 : vector<16xi32>
        %bitcast_convert_type3A_185 = tpu.bitcast %and3A : vector<16xi32> -> vector<16xf32>
        %mul3A_186 = arith.mulf %gather3A_108, %bitcast_convert_type3A : vector<16xf32>
        %add3A_187 = arith.addf %broadcast_in_dim3A_172, %mul3A_186 : vector<16xf32>
        %mul3A_188 = arith.mulf %gather3A_108, %bitcast_convert_type3A_185 : vector<16xf32>
        %add3A_189 = arith.addf %broadcast_in_dim3A_174, %mul3A_188 : vector<16xf32>
        %mul3A_190 = arith.constant 16 : i32
        %mul3A_191 = arith.muli %scan3A_99, %mul3A_190 : i32
        %add3A_192 = arith.constant 1 : i32
        %add3A_193 = arith.addi %mul3A_191, %add3A_192 : i32
        %get3A_194 = arith.index_cast %add3A_193 : i32 to index
        %get3A_195 = arith.constant 0 : index
        %get3A_196 = tpu.vector_load %arg8[%get3A_194, %get3A_195] {strides = array<i32>} : memref<128x128xi32, #tpu.memory_space<vmem>>, vector<1x16xi32>,
        %get3A_197 = vector.shape_cast %get3A_196 : vector<1x16xi32> to vector<16xi32>
        %shift_left3A_198 = arith.constant 16 : i32
        %shift_left3A_199 = vector.broadcast %shift_left3A_198 : i32 to vector<16xi32>
        %shift_left3A_200 = arith.shli %get3A_197, %shift_left3A_199 : vector<16xi32>
        %bitcast_convert_type3A_201 = tpu.bitcast %shift_left3A_200 : vector<16xi32> -> vector<16xf32>
        %and3A_202 = arith.andi %get3A_197, %broadcast_in_dim3A_170 : vector<16xi32>
        %bitcast_convert_type3A_203 = tpu.bitcast %and3A_202 : vector<16xi32> -> vector<16xf32>
        %mul3A_204 = arith.mulf %gather3A_112, %bitcast_convert_type3A_201 : vector<16xf32>
        %add3A_205 = arith.addf %add3A_187, %mul3A_204 : vector<16xf32>
        %mul3A_206 = arith.mulf %gather3A_112, %bitcast_convert_type3A_203 : vector<16xf32>
        %add3A_207 = arith.addf %add3A_189, %mul3A_206 : vector<16xf32>
        %mul3A_208 = arith.constant 16 : i32
        %mul3A_209 = arith.muli %scan3A_99, %mul3A_208 : i32
        %add3A_210 = arith.constant 2 : i32
        %add3A_211 = arith.addi %mul3A_209, %add3A_210 : i32
        %get3A_212 = arith.index_cast %add3A_211 : i32 to index
        %get3A_213 = arith.constant 0 : index
        %get3A_214 = tpu.vector_load %arg8[%get3A_212, %get3A_213] {strides = array<i32>} : memref<128x128xi32, #tpu.memory_space<vmem>>, vector<1x16xi32>,
        %get3A_215 = vector.shape_cast %get3A_214 : vector<1x16xi32> to vector<16xi32>
        %shift_left3A_216 = arith.constant 16 : i32
        %shift_left3A_217 = vector.broadcast %shift_left3A_216 : i32 to vector<16xi32>
        %shift_left3A_218 = arith.shli %get3A_215, %shift_left3A_217 : vector<16xi32>
        %bitcast_convert_type3A_219 = tpu.bitcast %shift_left3A_218 : vector<16xi32> -> vector<16xf32>
        %and3A_220 = arith.andi %get3A_215, %broadcast_in_dim3A_170 : vector<16xi32>
        %bitcast_convert_type3A_221 = tpu.bitcast %and3A_220 : vector<16xi32> -> vector<16xf32>
        %mul3A_222 = arith.mulf %gather3A_116, %bitcast_convert_type3A_219 : vector<16xf32>
        %add3A_223 = arith.addf %add3A_205, %mul3A_222 : vector<16xf32>
        %mul3A_224 = arith.mulf %gather3A_116, %bitcast_convert_type3A_221 : vector<16xf32>
        %add3A_225 = arith.addf %add3A_207, %mul3A_224 : vector<16xf32>
        %mul3A_226 = arith.constant 16 : i32
        %mul3A_227 = arith.muli %scan3A_99, %mul3A_226 : i32
        %add3A_228 = arith.constant 3 : i32
        %add3A_229 = arith.addi %mul3A_227, %add3A_228 : i32
        %get3A_230 = arith.index_cast %add3A_229 : i32 to index
        %get3A_231 = arith.constant 0 : index
        %get3A_232 = tpu.vector_load %arg8[%get3A_230, %get3A_231] {strides = array<i32>} : memref<128x128xi32, #tpu.memory_space<vmem>>, vector<1x16xi32>,
        %get3A_233 = vector.shape_cast %get3A_232 : vector<1x16xi32> to vector<16xi32>
        %shift_left3A_234 = arith.constant 16 : i32
        %shift_left3A_235 = vector.broadcast %shift_left3A_234 : i32 to vector<16xi32>
        %shift_left3A_236 = arith.shli %get3A_233, %shift_left3A_235 : vector<16xi32>
        %bitcast_convert_type3A_237 = tpu.bitcast %shift_left3A_236 : vector<16xi32> -> vector<16xf32>
        %and3A_238 = arith.andi %get3A_233, %broadcast_in_dim3A_170 : vector<16xi32>
        %bitcast_convert_type3A_239 = tpu.bitcast %and3A_238 : vector<16xi32> -> vector<16xf32>
        %mul3A_240 = arith.mulf %gather3A_120, %bitcast_convert_type3A_237 : vector<16xf32>
        %add3A_241 = arith.addf %add3A_223, %mul3A_240 : vector<16xf32>
        %mul3A_242 = arith.mulf %gather3A_120, %bitcast_convert_type3A_239 : vector<16xf32>
        %add3A_243 = arith.addf %add3A_225, %mul3A_242 : vector<16xf32>
        %mul3A_244 = arith.constant 16 : i32
        %mul3A_245 = arith.muli %scan3A_99, %mul3A_244 : i32
        %add3A_246 = arith.constant 4 : i32
        %add3A_247 = arith.addi %mul3A_245, %add3A_246 : i32
        %get3A_248 = arith.index_cast %add3A_247 : i32 to index
        %get3A_249 = arith.constant 0 : index
        %get3A_250 = tpu.vector_load %arg8[%get3A_248, %get3A_249] {strides = array<i32>} : memref<128x128xi32, #tpu.memory_space<vmem>>, vector<1x16xi32>,
        %get3A_251 = vector.shape_cast %get3A_250 : vector<1x16xi32> to vector<16xi32>
        %shift_left3A_252 = arith.constant 16 : i32
        %shift_left3A_253 = vector.broadcast %shift_left3A_252 : i32 to vector<16xi32>
        %shift_left3A_254 = arith.shli %get3A_251, %shift_left3A_253 : vector<16xi32>
        %bitcast_convert_type3A_255 = tpu.bitcast %shift_left3A_254 : vector<16xi32> -> vector<16xf32>
        %and3A_256 = arith.andi %get3A_251, %broadcast_in_dim3A_170 : vector<16xi32>
        %bitcast_convert_type3A_257 = tpu.bitcast %and3A_256 : vector<16xi32> -> vector<16xf32>
        %mul3A_258 = arith.mulf %gather3A_124, %bitcast_convert_type3A_255 : vector<16xf32>
        %add3A_259 = arith.addf %add3A_241, %mul3A_258 : vector<16xf32>
        %mul3A_260 = arith.mulf %gather3A_124, %bitcast_convert_type3A_257 : vector<16xf32>
        %add3A_261 = arith.addf %add3A_243, %mul3A_260 : vector<16xf32>
        %mul3A_262 = arith.constant 16 : i32
        %mul3A_263 = arith.muli %scan3A_99, %mul3A_262 : i32
        %add3A_264 = arith.constant 5 : i32
        %add3A_265 = arith.addi %mul3A_263, %add3A_264 : i32
        %get3A_266 = arith.index_cast %add3A_265 : i32 to index
        %get3A_267 = arith.constant 0 : index
        %get3A_268 = tpu.vector_load %arg8[%get3A_266, %get3A_267] {strides = array<i32>} : memref<128x128xi32, #tpu.memory_space<vmem>>, vector<1x16xi32>,
        %get3A_269 = vector.shape_cast %get3A_268 : vector<1x16xi32> to vector<16xi32>
        %shift_left3A_270 = arith.constant 16 : i32
        %shift_left3A_271 = vector.broadcast %shift_left3A_270 : i32 to vector<16xi32>
        %shift_left3A_272 = arith.shli %get3A_269, %shift_left3A_271 : vector<16xi32>
        %bitcast_convert_type3A_273 = tpu.bitcast %shift_left3A_272 : vector<16xi32> -> vector<16xf32>
        %and3A_274 = arith.andi %get3A_269, %broadcast_in_dim3A_170 : vector<16xi32>
        %bitcast_convert_type3A_275 = tpu.bitcast %and3A_274 : vector<16xi32> -> vector<16xf32>
        %mul3A_276 = arith.mulf %gather3A_128, %bitcast_convert_type3A_273 : vector<16xf32>
        %add3A_277 = arith.addf %add3A_259, %mul3A_276 : vector<16xf32>
        %mul3A_278 = arith.mulf %gather3A_128, %bitcast_convert_type3A_275 : vector<16xf32>
        %add3A_279 = arith.addf %add3A_261, %mul3A_278 : vector<16xf32>
        %mul3A_280 = arith.constant 16 : i32
        %mul3A_281 = arith.muli %scan3A_99, %mul3A_280 : i32
        %add3A_282 = arith.constant 6 : i32
        %add3A_283 = arith.addi %mul3A_281, %add3A_282 : i32
        %get3A_284 = arith.index_cast %add3A_283 : i32 to index
        %get3A_285 = arith.constant 0 : index
        %get3A_286 = tpu.vector_load %arg8[%get3A_284, %get3A_285] {strides = array<i32>} : memref<128x128xi32, #tpu.memory_space<vmem>>, vector<1x16xi32>,
        %get3A_287 = vector.shape_cast %get3A_286 : vector<1x16xi32> to vector<16xi32>
        %shift_left3A_288 = arith.constant 16 : i32
        %shift_left3A_289 = vector.broadcast %shift_left3A_288 : i32 to vector<16xi32>
        %shift_left3A_290 = arith.shli %get3A_287, %shift_left3A_289 : vector<16xi32>
        %bitcast_convert_type3A_291 = tpu.bitcast %shift_left3A_290 : vector<16xi32> -> vector<16xf32>
        %and3A_292 = arith.andi %get3A_287, %broadcast_in_dim3A_170 : vector<16xi32>
        %bitcast_convert_type3A_293 = tpu.bitcast %and3A_292 : vector<16xi32> -> vector<16xf32>
        %mul3A_294 = arith.mulf %gather3A_132, %bitcast_convert_type3A_291 : vector<16xf32>
        %add3A_295 = arith.addf %add3A_277, %mul3A_294 : vector<16xf32>
        %mul3A_296 = arith.mulf %gather3A_132, %bitcast_convert_type3A_293 : vector<16xf32>
        %add3A_297 = arith.addf %add3A_279, %mul3A_296 : vector<16xf32>
        %mul3A_298 = arith.constant 16 : i32
        %mul3A_299 = arith.muli %scan3A_99, %mul3A_298 : i32
        %add3A_300 = arith.constant 7 : i32
        %add3A_301 = arith.addi %mul3A_299, %add3A_300 : i32
        %get3A_302 = arith.index_cast %add3A_301 : i32 to index
        %get3A_303 = arith.constant 0 : index
        %get3A_304 = tpu.vector_load %arg8[%get3A_302, %get3A_303] {strides = array<i32>} : memref<128x128xi32, #tpu.memory_space<vmem>>, vector<1x16xi32>,
        %get3A_305 = vector.shape_cast %get3A_304 : vector<1x16xi32> to vector<16xi32>
        %shift_left3A_306 = arith.constant 16 : i32
        %shift_left3A_307 = vector.broadcast %shift_left3A_306 : i32 to vector<16xi32>
        %shift_left3A_308 = arith.shli %get3A_305, %shift_left3A_307 : vector<16xi32>
        %bitcast_convert_type3A_309 = tpu.bitcast %shift_left3A_308 : vector<16xi32> -> vector<16xf32>
        %and3A_310 = arith.andi %get3A_305, %broadcast_in_dim3A_170 : vector<16xi32>
        %bitcast_convert_type3A_311 = tpu.bitcast %and3A_310 : vector<16xi32> -> vector<16xf32>
        %mul3A_312 = arith.mulf %gather3A_136, %bitcast_convert_type3A_309 : vector<16xf32>
        %add3A_313 = arith.addf %add3A_295, %mul3A_312 : vector<16xf32>
        %mul3A_314 = arith.mulf %gather3A_136, %bitcast_convert_type3A_311 : vector<16xf32>
        %add3A_315 = arith.addf %add3A_297, %mul3A_314 : vector<16xf32>
        %mul3A_316 = arith.constant 16 : i32
        %mul3A_317 = arith.muli %scan3A_99, %mul3A_316 : i32
        %add3A_318 = arith.constant 8 : i32
        %add3A_319 = arith.addi %mul3A_317, %add3A_318 : i32
        %get3A_320 = arith.index_cast %add3A_319 : i32 to index
        %get3A_321 = arith.constant 0 : index
        %get3A_322 = tpu.vector_load %arg8[%get3A_320, %get3A_321] {strides = array<i32>} : memref<128x128xi32, #tpu.memory_space<vmem>>, vector<1x16xi32>,
        %get3A_323 = vector.shape_cast %get3A_322 : vector<1x16xi32> to vector<16xi32>
        %shift_left3A_324 = arith.constant 16 : i32
        %shift_left3A_325 = vector.broadcast %shift_left3A_324 : i32 to vector<16xi32>
        %shift_left3A_326 = arith.shli %get3A_323, %shift_left3A_325 : vector<16xi32>
        %bitcast_convert_type3A_327 = tpu.bitcast %shift_left3A_326 : vector<16xi32> -> vector<16xf32>
        %and3A_328 = arith.andi %get3A_323, %broadcast_in_dim3A_170 : vector<16xi32>
        %bitcast_convert_type3A_329 = tpu.bitcast %and3A_328 : vector<16xi32> -> vector<16xf32>
        %mul3A_330 = arith.mulf %gather3A_140, %bitcast_convert_type3A_327 : vector<16xf32>
        %add3A_331 = arith.addf %add3A_313, %mul3A_330 : vector<16xf32>
        %mul3A_332 = arith.mulf %gather3A_140, %bitcast_convert_type3A_329 : vector<16xf32>
        %add3A_333 = arith.addf %add3A_315, %mul3A_332 : vector<16xf32>
        %mul3A_334 = arith.constant 16 : i32
        %mul3A_335 = arith.muli %scan3A_99, %mul3A_334 : i32
        %add3A_336 = arith.constant 9 : i32
        %add3A_337 = arith.addi %mul3A_335, %add3A_336 : i32
        %get3A_338 = arith.index_cast %add3A_337 : i32 to index
        %get3A_339 = arith.constant 0 : index
        %get3A_340 = tpu.vector_load %arg8[%get3A_338, %get3A_339] {strides = array<i32>} : memref<128x128xi32, #tpu.memory_space<vmem>>, vector<1x16xi32>,
        %get3A_341 = vector.shape_cast %get3A_340 : vector<1x16xi32> to vector<16xi32>
        %shift_left3A_342 = arith.constant 16 : i32
        %shift_left3A_343 = vector.broadcast %shift_left3A_342 : i32 to vector<16xi32>
        %shift_left3A_344 = arith.shli %get3A_341, %shift_left3A_343 : vector<16xi32>
        %bitcast_convert_type3A_345 = tpu.bitcast %shift_left3A_344 : vector<16xi32> -> vector<16xf32>
        %and3A_346 = arith.andi %get3A_341, %broadcast_in_dim3A_170 : vector<16xi32>
        %bitcast_convert_type3A_347 = tpu.bitcast %and3A_346 : vector<16xi32> -> vector<16xf32>
        %mul3A_348 = arith.mulf %gather3A_144, %bitcast_convert_type3A_345 : vector<16xf32>
        %add3A_349 = arith.addf %add3A_331, %mul3A_348 : vector<16xf32>
        %mul3A_350 = arith.mulf %gather3A_144, %bitcast_convert_type3A_347 : vector<16xf32>
        %add3A_351 = arith.addf %add3A_333, %mul3A_350 : vector<16xf32>
        %mul3A_352 = arith.constant 16 : i32
        %mul3A_353 = arith.muli %scan3A_99, %mul3A_352 : i32
        %add3A_354 = arith.constant 10 : i32
        %add3A_355 = arith.addi %mul3A_353, %add3A_354 : i32
        %get3A_356 = arith.index_cast %add3A_355 : i32 to index
        %get3A_357 = arith.constant 0 : index
        %get3A_358 = tpu.vector_load %arg8[%get3A_356, %get3A_357] {strides = array<i32>} : memref<128x128xi32, #tpu.memory_space<vmem>>, vector<1x16xi32>,
        %get3A_359 = vector.shape_cast %get3A_358 : vector<1x16xi32> to vector<16xi32>
        %shift_left3A_360 = arith.constant 16 : i32
        %shift_left3A_361 = vector.broadcast %shift_left3A_360 : i32 to vector<16xi32>
        %shift_left3A_362 = arith.shli %get3A_359, %shift_left3A_361 : vector<16xi32>
        %bitcast_convert_type3A_363 = tpu.bitcast %shift_left3A_362 : vector<16xi32> -> vector<16xf32>
        %and3A_364 = arith.andi %get3A_359, %broadcast_in_dim3A_170 : vector<16xi32>
        %bitcast_convert_type3A_365 = tpu.bitcast %and3A_364 : vector<16xi32> -> vector<16xf32>
        %mul3A_366 = arith.mulf %gather3A_148, %bitcast_convert_type3A_363 : vector<16xf32>
        %add3A_367 = arith.addf %add3A_349, %mul3A_366 : vector<16xf32>
        %mul3A_368 = arith.mulf %gather3A_148, %bitcast_convert_type3A_365 : vector<16xf32>
        %add3A_369 = arith.addf %add3A_351, %mul3A_368 : vector<16xf32>
        %mul3A_370 = arith.constant 16 : i32
        %mul3A_371 = arith.muli %scan3A_99, %mul3A_370 : i32
        %add3A_372 = arith.constant 11 : i32
        %add3A_373 = arith.addi %mul3A_371, %add3A_372 : i32
        %get3A_374 = arith.index_cast %add3A_373 : i32 to index
        %get3A_375 = arith.constant 0 : index
        %get3A_376 = tpu.vector_load %arg8[%get3A_374, %get3A_375] {strides = array<i32>} : memref<128x128xi32, #tpu.memory_space<vmem>>, vector<1x16xi32>,
        %get3A_377 = vector.shape_cast %get3A_376 : vector<1x16xi32> to vector<16xi32>
        %shift_left3A_378 = arith.constant 16 : i32
        %shift_left3A_379 = vector.broadcast %shift_left3A_378 : i32 to vector<16xi32>
        %shift_left3A_380 = arith.shli %get3A_377, %shift_left3A_379 : vector<16xi32>
        %bitcast_convert_type3A_381 = tpu.bitcast %shift_left3A_380 : vector<16xi32> -> vector<16xf32>
        %and3A_382 = arith.andi %get3A_377, %broadcast_in_dim3A_170 : vector<16xi32>
        %bitcast_convert_type3A_383 = tpu.bitcast %and3A_382 : vector<16xi32> -> vector<16xf32>
        %mul3A_384 = arith.mulf %gather3A_152, %bitcast_convert_type3A_381 : vector<16xf32>
        %add3A_385 = arith.addf %add3A_367, %mul3A_384 : vector<16xf32>
        %mul3A_386 = arith.mulf %gather3A_152, %bitcast_convert_type3A_383 : vector<16xf32>
        %add3A_387 = arith.addf %add3A_369, %mul3A_386 : vector<16xf32>
        %mul3A_388 = arith.constant 16 : i32
        %mul3A_389 = arith.muli %scan3A_99, %mul3A_388 : i32
        %add3A_390 = arith.constant 12 : i32
        %add3A_391 = arith.addi %mul3A_389, %add3A_390 : i32
        %get3A_392 = arith.index_cast %add3A_391 : i32 to index
        %get3A_393 = arith.constant 0 : index
        %get3A_394 = tpu.vector_load %arg8[%get3A_392, %get3A_393] {strides = array<i32>} : memref<128x128xi32, #tpu.memory_space<vmem>>, vector<1x16xi32>,
        %get3A_395 = vector.shape_cast %get3A_394 : vector<1x16xi32> to vector<16xi32>
        %shift_left3A_396 = arith.constant 16 : i32
        %shift_left3A_397 = vector.broadcast %shift_left3A_396 : i32 to vector<16xi32>
        %shift_left3A_398 = arith.shli %get3A_395, %shift_left3A_397 : vector<16xi32>
        %bitcast_convert_type3A_399 = tpu.bitcast %shift_left3A_398 : vector<16xi32> -> vector<16xf32>
        %and3A_400 = arith.andi %get3A_395, %broadcast_in_dim3A_170 : vector<16xi32>
        %bitcast_convert_type3A_401 = tpu.bitcast %and3A_400 : vector<16xi32> -> vector<16xf32>
        %mul3A_402 = arith.mulf %gather3A_156, %bitcast_convert_type3A_399 : vector<16xf32>
        %add3A_403 = arith.addf %add3A_385, %mul3A_402 : vector<16xf32>
        %mul3A_404 = arith.mulf %gather3A_156, %bitcast_convert_type3A_401 : vector<16xf32>
        %add3A_405 = arith.addf %add3A_387, %mul3A_404 : vector<16xf32>
        %mul3A_406 = arith.constant 16 : i32
        %mul3A_407 = arith.muli %scan3A_99, %mul3A_406 : i32
        %add3A_408 = arith.constant 13 : i32
        %add3A_409 = arith.addi %mul3A_407, %add3A_408 : i32
        %get3A_410 = arith.index_cast %add3A_409 : i32 to index
        %get3A_411 = arith.constant 0 : index
        %get3A_412 = tpu.vector_load %arg8[%get3A_410, %get3A_411] {strides = array<i32>} : memref<128x128xi32, #tpu.memory_space<vmem>>, vector<1x16xi32>,
        %get3A_413 = vector.shape_cast %get3A_412 : vector<1x16xi32> to vector<16xi32>
        %shift_left3A_414 = arith.constant 16 : i32
        %shift_left3A_415 = vector.broadcast %shift_left3A_414 : i32 to vector<16xi32>
        %shift_left3A_416 = arith.shli %get3A_413, %shift_left3A_415 : vector<16xi32>
        %bitcast_convert_type3A_417 = tpu.bitcast %shift_left3A_416 : vector<16xi32> -> vector<16xf32>
        %and3A_418 = arith.andi %get3A_413, %broadcast_in_dim3A_170 : vector<16xi32>
        %bitcast_convert_type3A_419 = tpu.bitcast %and3A_418 : vector<16xi32> -> vector<16xf32>
        %mul3A_420 = arith.mulf %gather3A_160, %bitcast_convert_type3A_417 : vector<16xf32>
        %add3A_421 = arith.addf %add3A_403, %mul3A_420 : vector<16xf32>
        %mul3A_422 = arith.mulf %gather3A_160, %bitcast_convert_type3A_419 : vector<16xf32>
        %add3A_423 = arith.addf %add3A_405, %mul3A_422 : vector<16xf32>
        %mul3A_424 = arith.constant 16 : i32
        %mul3A_425 = arith.muli %scan3A_99, %mul3A_424 : i32
        %add3A_426 = arith.constant 14 : i32
        %add3A_427 = arith.addi %mul3A_425, %add3A_426 : i32
        %get3A_428 = arith.index_cast %add3A_427 : i32 to index
        %get3A_429 = arith.constant 0 : index
        %get3A_430 = tpu.vector_load %arg8[%get3A_428, %get3A_429] {strides = array<i32>} : memref<128x128xi32, #tpu.memory_space<vmem>>, vector<1x16xi32>,
        %get3A_431 = vector.shape_cast %get3A_430 : vector<1x16xi32> to vector<16xi32>
        %shift_left3A_432 = arith.constant 16 : i32
        %shift_left3A_433 = vector.broadcast %shift_left3A_432 : i32 to vector<16xi32>
        %shift_left3A_434 = arith.shli %get3A_431, %shift_left3A_433 : vector<16xi32>
        %bitcast_convert_type3A_435 = tpu.bitcast %shift_left3A_434 : vector<16xi32> -> vector<16xf32>
        %and3A_436 = arith.andi %get3A_431, %broadcast_in_dim3A_170 : vector<16xi32>
        %bitcast_convert_type3A_437 = tpu.bitcast %and3A_436 : vector<16xi32> -> vector<16xf32>
        %mul3A_438 = arith.mulf %gather3A_164, %bitcast_convert_type3A_435 : vector<16xf32>
        %add3A_439 = arith.addf %add3A_421, %mul3A_438 : vector<16xf32>
        %mul3A_440 = arith.mulf %gather3A_164, %bitcast_convert_type3A_437 : vector<16xf32>
        %add3A_441 = arith.addf %add3A_423, %mul3A_440 : vector<16xf32>
        %mul3A_442 = arith.constant 16 : i32
        %mul3A_443 = arith.muli %scan3A_99, %mul3A_442 : i32
        %add3A_444 = arith.constant 15 : i32
        %add3A_445 = arith.addi %mul3A_443, %add3A_444 : i32
        %get3A_446 = arith.index_cast %add3A_445 : i32 to index
        %get3A_447 = arith.constant 0 : index
        %get3A_448 = tpu.vector_load %arg8[%get3A_446, %get3A_447] {strides = array<i32>} : memref<128x128xi32, #tpu.memory_space<vmem>>, vector<1x16xi32>,
        %get3A_449 = vector.shape_cast %get3A_448 : vector<1x16xi32> to vector<16xi32>
        %shift_left3A_450 = arith.constant 16 : i32
        %shift_left3A_451 = vector.broadcast %shift_left3A_450 : i32 to vector<16xi32>
        %shift_left3A_452 = arith.shli %get3A_449, %shift_left3A_451 : vector<16xi32>
        %bitcast_convert_type3A_453 = tpu.bitcast %shift_left3A_452 : vector<16xi32> -> vector<16xf32>
        %and3A_454 = arith.andi %get3A_449, %broadcast_in_dim3A_170 : vector<16xi32>
        %bitcast_convert_type3A_455 = tpu.bitcast %and3A_454 : vector<16xi32> -> vector<16xf32>
        %mul3A_456 = arith.mulf %gather3A_168, %bitcast_convert_type3A_453 : vector<16xf32>
        %add3A_457 = arith.addf %add3A_439, %mul3A_456 : vector<16xf32>
        %mul3A_458 = arith.mulf %gather3A_168, %bitcast_convert_type3A_455 : vector<16xf32>
        %add3A_459 = arith.addf %add3A_441, %mul3A_458 : vector<16xf32>
        %swap3A = arith.index_cast %scan3A_99 : i32 to index
        %swap3A_460 = arith.constant 0 : index
        %swap3A_461 = tpu.vector_load %arg10[%swap3A, %swap3A_460] {strides = array<i32>} : memref<8x256xf32, #tpu.memory_space<vmem>>, vector<1x16xf32>,
        %swap3A_462 = vector.shape_cast %swap3A_461 : vector<1x16xf32> to vector<16xf32>
        %swap3A_463 = vector.shape_cast %add3A_457 : vector<16xf32> to vector<1x16xf32>
        tpu.vector_store %arg10[%swap3A, %swap3A_460], %swap3A_463 {strides = array<i32>} : memref<8x256xf32, #tpu.memory_space<vmem>>, vector<1x16xf32>,
        %swap3A_464 = arith.index_cast %scan3A_99 : i32 to index
        %swap3A_465 = arith.constant 128 : index
        %swap3A_466 = tpu.vector_load %arg10[%swap3A_464, %swap3A_465] {strides = array<i32>} : memref<8x256xf32, #tpu.memory_space<vmem>>, vector<1x16xf32>,
        %swap3A_467 = vector.shape_cast %swap3A_466 : vector<1x16xf32> to vector<16xf32>
        %swap3A_468 = vector.shape_cast %add3A_459 : vector<16xf32> to vector<1x16xf32>
        tpu.vector_store %arg10[%swap3A_464, %swap3A_465], %swap3A_468 {strides = array<i32>} : memref<8x256xf32, #tpu.memory_space<vmem>>, vector<1x16xf32>,
        %broadcast_in_dim3A_469 = arith.constant 0.000000e+00 : f32
        %broadcast_in_dim3A_470 = vector.broadcast %broadcast_in_dim3A_469 : f32 to vector<16xf32>
        %broadcast_in_dim3A_471 = arith.constant 0.000000e+00 : f32
        %broadcast_in_dim3A_472 = vector.broadcast %broadcast_in_dim3A_471 : f32 to vector<16xf32>
        %mul3A_473 = arith.constant 16 : i32
        %mul3A_474 = arith.muli %scan3A_99, %mul3A_473 : i32
        %add3A_475 = arith.constant 0 : i32
        %add3A_476 = arith.addi %mul3A_474, %add3A_475 : i32
        %get3A_477 = arith.index_cast %add3A_476 : i32 to index
        %get3A_478 = arith.constant 16 : index
        %get3A_479 = tpu.vector_load %arg8[%get3A_477, %get3A_478] {strides = array<i32>} : memref<128x128xi32, #tpu.memory_space<vmem>>, vector<1x16xi32>,
        %get3A_480 = vector.shape_cast %get3A_479 : vector<1x16xi32> to vector<16xi32>
        %shift_left3A_481 = arith.constant 16 : i32
        %shift_left3A_482 = vector.broadcast %shift_left3A_481 : i32 to vector<16xi32>
        %shift_left3A_483 = arith.shli %get3A_480, %shift_left3A_482 : vector<16xi32>
        %bitcast_convert_type3A_484 = tpu.bitcast %shift_left3A_483 : vector<16xi32> -> vector<16xf32>
        %and3A_485 = arith.andi %get3A_480, %broadcast_in_dim3A_170 : vector<16xi32>
        %bitcast_convert_type3A_486 = tpu.bitcast %and3A_485 : vector<16xi32> -> vector<16xf32>
        %mul3A_487 = arith.mulf %gather3A_108, %bitcast_convert_type3A_484 : vector<16xf32>
        %add3A_488 = arith.addf %broadcast_in_dim3A_470, %mul3A_487 : vector<16xf32>
        %mul3A_489 = arith.mulf %gather3A_108, %bitcast_convert_type3A_486 : vector<16xf32>
        %add3A_490 = arith.addf %broadcast_in_dim3A_472, %mul3A_489 : vector<16xf32>
        %mul3A_491 = arith.constant 16 : i32
        %mul3A_492 = arith.muli %scan3A_99, %mul3A_491 : i32
        %add3A_493 = arith.constant 1 : i32
        %add3A_494 = arith.addi %mul3A_492, %add3A_493 : i32
        %get3A_495 = arith.index_cast %add3A_494 : i32 to index
        %get3A_496 = arith.constant 16 : index
        %get3A_497 = tpu.vector_load %arg8[%get3A_495, %get3A_496] {strides = array<i32>} : memref<128x128xi32, #tpu.memory_space<vmem>>, vector<1x16xi32>,
        %get3A_498 = vector.shape_cast %get3A_497 : vector<1x16xi32> to vector<16xi32>
        %shift_left3A_499 = arith.constant 16 : i32
        %shift_left3A_500 = vector.broadcast %shift_left3A_499 : i32 to vector<16xi32>
        %shift_left3A_501 = arith.shli %get3A_498, %shift_left3A_500 : vector<16xi32>
        %bitcast_convert_type3A_502 = tpu.bitcast %shift_left3A_501 : vector<16xi32> -> vector<16xf32>
        %and3A_503 = arith.andi %get3A_498, %broadcast_in_dim3A_170 : vector<16xi32>
        %bitcast_convert_type3A_504 = tpu.bitcast %and3A_503 : vector<16xi32> -> vector<16xf32>
        %mul3A_505 = arith.mulf %gather3A_112, %bitcast_convert_type3A_502 : vector<16xf32>
        %add3A_506 = arith.addf %add3A_488, %mul3A_505 : vector<16xf32>
        %mul3A_507 = arith.mulf %gather3A_112, %bitcast_convert_type3A_504 : vector<16xf32>
        %add3A_508 = arith.addf %add3A_490, %mul3A_507 : vector<16xf32>
        %mul3A_509 = arith.constant 16 : i32
        %mul3A_510 = arith.muli %scan3A_99, %mul3A_509 : i32
        %add3A_511 = arith.constant 2 : i32
        %add3A_512 = arith.addi %mul3A_510, %add3A_511 : i32
        %get3A_513 = arith.index_cast %add3A_512 : i32 to index
        %get3A_514 = arith.constant 16 : index
        %get3A_515 = tpu.vector_load %arg8[%get3A_513, %get3A_514] {strides = array<i32>} : memref<128x128xi32, #tpu.memory_space<vmem>>, vector<1x16xi32>,
        %get3A_516 = vector.shape_cast %get3A_515 : vector<1x16xi32> to vector<16xi32>
        %shift_left3A_517 = arith.constant 16 : i32
        %shift_left3A_518 = vector.broadcast %shift_left3A_517 : i32 to vector<16xi32>
        %shift_left3A_519 = arith.shli %get3A_516, %shift_left3A_518 : vector<16xi32>
        %bitcast_convert_type3A_520 = tpu.bitcast %shift_left3A_519 : vector<16xi32> -> vector<16xf32>
        %and3A_521 = arith.andi %get3A_516, %broadcast_in_dim3A_170 : vector<16xi32>
        %bitcast_convert_type3A_522 = tpu.bitcast %and3A_521 : vector<16xi32> -> vector<16xf32>
        %mul3A_523 = arith.mulf %gather3A_116, %bitcast_convert_type3A_520 : vector<16xf32>
        %add3A_524 = arith.addf %add3A_506, %mul3A_523 : vector<16xf32>
        %mul3A_525 = arith.mulf %gather3A_116, %bitcast_convert_type3A_522 : vector<16xf32>
        %add3A_526 = arith.addf %add3A_508, %mul3A_525 : vector<16xf32>
        %mul3A_527 = arith.constant 16 : i32
        %mul3A_528 = arith.muli %scan3A_99, %mul3A_527 : i32
        %add3A_529 = arith.constant 3 : i32
        %add3A_530 = arith.addi %mul3A_528, %add3A_529 : i32
        %get3A_531 = arith.index_cast %add3A_530 : i32 to index
        %get3A_532 = arith.constant 16 : index
        %get3A_533 = tpu.vector_load %arg8[%get3A_531, %get3A_532] {strides = array<i32>} : memref<128x128xi32, #tpu.memory_space<vmem>>, vector<1x16xi32>,
        %get3A_534 = vector.shape_cast %get3A_533 : vector<1x16xi32> to vector<16xi32>
        %shift_left3A_535 = arith.constant 16 : i32
        %shift_left3A_536 = vector.broadcast %shift_left3A_535 : i32 to vector<16xi32>
        %shift_left3A_537 = arith.shli %get3A_534, %shift_left3A_536 : vector<16xi32>
        %bitcast_convert_type3A_538 = tpu.bitcast %shift_left3A_537 : vector<16xi32> -> vector<16xf32>
        %and3A_539 = arith.andi %get3A_534, %broadcast_in_dim3A_170 : vector<16xi32>
        %bitcast_convert_type3A_540 = tpu.bitcast %and3A_539 : vector<16xi32> -> vector<16xf32>
        %mul3A_541 = arith.mulf %gather3A_120, %bitcast_convert_type3A_538 : vector<16xf32>
        %add3A_542 = arith.addf %add3A_524, %mul3A_541 : vector<16xf32>
        %mul3A_543 = arith.mulf %gather3A_120, %bitcast_convert_type3A_540 : vector<16xf32>
        %add3A_544 = arith.addf %add3A_526, %mul3A_543 : vector<16xf32>
        %mul3A_545 = arith.constant 16 : i32
        %mul3A_546 = arith.muli %scan3A_99, %mul3A_545 : i32
        %add3A_547 = arith.constant 4 : i32
        %add3A_548 = arith.addi %mul3A_546, %add3A_547 : i32
        %get3A_549 = arith.index_cast %add3A_548 : i32 to index
        %get3A_550 = arith.constant 16 : index
        %get3A_551 = tpu.vector_load %arg8[%get3A_549, %get3A_550] {strides = array<i32>} : memref<128x128xi32, #tpu.memory_space<vmem>>, vector<1x16xi32>,
        %get3A_552 = vector.shape_cast %get3A_551 : vector<1x16xi32> to vector<16xi32>
        %shift_left3A_553 = arith.constant 16 : i32
        %shift_left3A_554 = vector.broadcast %shift_left3A_553 : i32 to vector<16xi32>
        %shift_left3A_555 = arith.shli %get3A_552, %shift_left3A_554 : vector<16xi32>
        %bitcast_convert_type3A_556 = tpu.bitcast %shift_left3A_555 : vector<16xi32> -> vector<16xf32>
        %and3A_557 = arith.andi %get3A_552, %broadcast_in_dim3A_170 : vector<16xi32>
        %bitcast_convert_type3A_558 = tpu.bitcast %and3A_557 : vector<16xi32> -> vector<16xf32>
        %mul3A_559 = arith.mulf %gather3A_124, %bitcast_convert_type3A_556 : vector<16xf32>
        %add3A_560 = arith.addf %add3A_542, %mul3A_559 : vector<16xf32>
        %mul3A_561 = arith.mulf %gather3A_124, %bitcast_convert_type3A_558 : vector<16xf32>
        %add3A_562 = arith.addf %add3A_544, %mul3A_561 : vector<16xf32>
        %mul3A_563 = arith.constant 16 : i32
        %mul3A_564 = arith.muli %scan3A_99, %mul3A_563 : i32
        %add3A_565 = arith.constant 5 : i32
        %add3A_566 = arith.addi %mul3A_564, %add3A_565 : i32
        %get3A_567 = arith.index_cast %add3A_566 : i32 to index
        %get3A_568 = arith.constant 16 : index
        %get3A_569 = tpu.vector_load %arg8[%get3A_567, %get3A_568] {strides = array<i32>} : memref<128x128xi32, #tpu.memory_space<vmem>>, vector<1x16xi32>,
        %get3A_570 = vector.shape_cast %get3A_569 : vector<1x16xi32> to vector<16xi32>
        %shift_left3A_571 = arith.constant 16 : i32
        %shift_left3A_572 = vector.broadcast %shift_left3A_571 : i32 to vector<16xi32>
        %shift_left3A_573 = arith.shli %get3A_570, %shift_left3A_572 : vector<16xi32>
        %bitcast_convert_type3A_574 = tpu.bitcast %shift_left3A_573 : vector<16xi32> -> vector<16xf32>
        %and3A_575 = arith.andi %get3A_570, %broadcast_in_dim3A_170 : vector<16xi32>
        %bitcast_convert_type3A_576 = tpu.bitcast %and3A_575 : vector<16xi32> -> vector<16xf32>
        %mul3A_577 = arith.mulf %gather3A_128, %bitcast_convert_type3A_574 : vector<16xf32>
        %add3A_578 = arith.addf %add3A_560, %mul3A_577 : vector<16xf32>
        %mul3A_579 = arith.mulf %gather3A_128, %bitcast_convert_type3A_576 : vector<16xf32>
        %add3A_580 = arith.addf %add3A_562, %mul3A_579 : vector<16xf32>
        %mul3A_581 = arith.constant 16 : i32
        %mul3A_582 = arith.muli %scan3A_99, %mul3A_581 : i32
        %add3A_583 = arith.constant 6 : i32
        %add3A_584 = arith.addi %mul3A_582, %add3A_583 : i32
        %get3A_585 = arith.index_cast %add3A_584 : i32 to index
        %get3A_586 = arith.constant 16 : index
        %get3A_587 = tpu.vector_load %arg8[%get3A_585, %get3A_586] {strides = array<i32>} : memref<128x128xi32, #tpu.memory_space<vmem>>, vector<1x16xi32>,
        %get3A_588 = vector.shape_cast %get3A_587 : vector<1x16xi32> to vector<16xi32>
        %shift_left3A_589 = arith.constant 16 : i32
        %shift_left3A_590 = vector.broadcast %shift_left3A_589 : i32 to vector<16xi32>
        %shift_left3A_591 = arith.shli %get3A_588, %shift_left3A_590 : vector<16xi32>
        %bitcast_convert_type3A_592 = tpu.bitcast %shift_left3A_591 : vector<16xi32> -> vector<16xf32>
        %and3A_593 = arith.andi %get3A_588, %broadcast_in_dim3A_170 : vector<16xi32>
        %bitcast_convert_type3A_594 = tpu.bitcast %and3A_593 : vector<16xi32> -> vector<16xf32>
        %mul3A_595 = arith.mulf %gather3A_132, %bitcast_convert_type3A_592 : vector<16xf32>
        %add3A_596 = arith.addf %add3A_578, %mul3A_595 : vector<16xf32>
        %mul3A_597 = arith.mulf %gather3A_132, %bitcast_convert_type3A_594 : vector<16xf32>
        %add3A_598 = arith.addf %add3A_580, %mul3A_597 : vector<16xf32>
        %mul3A_599 = arith.constant 16 : i32
        %mul3A_600 = arith.muli %scan3A_99, %mul3A_599 : i32
        %add3A_601 = arith.constant 7 : i32
        %add3A_602 = arith.addi %mul3A_600, %add3A_601 : i32
        %get3A_603 = arith.index_cast %add3A_602 : i32 to index
        %get3A_604 = arith.constant 16 : index
        %get3A_605 = tpu.vector_load %arg8[%get3A_603, %get3A_604] {strides = array<i32>} : memref<128x128xi32, #tpu.memory_space<vmem>>, vector<1x16xi32>,
        %get3A_606 = vector.shape_cast %get3A_605 : vector<1x16xi32> to vector<16xi32>
        %shift_left3A_607 = arith.constant 16 : i32
        %shift_left3A_608 = vector.broadcast %shift_left3A_607 : i32 to vector<16xi32>
        %shift_left3A_609 = arith.shli %get3A_606, %shift_left3A_608 : vector<16xi32>
        %bitcast_convert_type3A_610 = tpu.bitcast %shift_left3A_609 : vector<16xi32> -> vector<16xf32>
        %and3A_611 = arith.andi %get3A_606, %broadcast_in_dim3A_170 : vector<16xi32>
        %bitcast_convert_type3A_612 = tpu.bitcast %and3A_611 : vector<16xi32> -> vector<16xf32>
        %mul3A_613 = arith.mulf %gather3A_136, %bitcast_convert_type3A_610 : vector<16xf32>
        %add3A_614 = arith.addf %add3A_596, %mul3A_613 : vector<16xf32>
        %mul3A_615 = arith.mulf %gather3A_136, %bitcast_convert_type3A_612 : vector<16xf32>
        %add3A_616 = arith.addf %add3A_598, %mul3A_615 : vector<16xf32>
        %mul3A_617 = arith.constant 16 : i32
        %mul3A_618 = arith.muli %scan3A_99, %mul3A_617 : i32
        %add3A_619 = arith.constant 8 : i32
        %add3A_620 = arith.addi %mul3A_618, %add3A_619 : i32
        %get3A_621 = arith.index_cast %add3A_620 : i32 to index
        %get3A_622 = arith.constant 16 : index
        %get3A_623 = tpu.vector_load %arg8[%get3A_621, %get3A_622] {strides = array<i32>} : memref<128x128xi32, #tpu.memory_space<vmem>>, vector<1x16xi32>,
        %get3A_624 = vector.shape_cast %get3A_623 : vector<1x16xi32> to vector<16xi32>
        %shift_left3A_625 = arith.constant 16 : i32
        %shift_left3A_626 = vector.broadcast %shift_left3A_625 : i32 to vector<16xi32>
        %shift_left3A_627 = arith.shli %get3A_624, %shift_left3A_626 : vector<16xi32>
        %bitcast_convert_type3A_628 = tpu.bitcast %shift_left3A_627 : vector<16xi32> -> vector<16xf32>
        %and3A_629 = arith.andi %get3A_624, %broadcast_in_dim3A_170 : vector<16xi32>
        %bitcast_convert_type3A_630 = tpu.bitcast %and3A_629 : vector<16xi32> -> vector<16xf32>
        %mul3A_631 = arith.mulf %gather3A_140, %bitcast_convert_type3A_628 : vector<16xf32>
        %add3A_632 = arith.addf %add3A_614, %mul3A_631 : vector<16xf32>
        %mul3A_633 = arith.mulf %gather3A_140, %bitcast_convert_type3A_630 : vector<16xf32>
        %add3A_634 = arith.addf %add3A_616, %mul3A_633 : vector<16xf32>
        %mul3A_635 = arith.constant 16 : i32
        %mul3A_636 = arith.muli %scan3A_99, %mul3A_635 : i32
        %add3A_637 = arith.constant 9 : i32
        %add3A_638 = arith.addi %mul3A_636, %add3A_637 : i32
        %get3A_639 = arith.index_cast %add3A_638 : i32 to index
        %get3A_640 = arith.constant 16 : index
        %get3A_641 = tpu.vector_load %arg8[%get3A_639, %get3A_640] {strides = array<i32>} : memref<128x128xi32, #tpu.memory_space<vmem>>, vector<1x16xi32>,
        %get3A_642 = vector.shape_cast %get3A_641 : vector<1x16xi32> to vector<16xi32>
        %shift_left3A_643 = arith.constant 16 : i32
        %shift_left3A_644 = vector.broadcast %shift_left3A_643 : i32 to vector<16xi32>
        %shift_left3A_645 = arith.shli %get3A_642, %shift_left3A_644 : vector<16xi32>
        %bitcast_convert_type3A_646 = tpu.bitcast %shift_left3A_645 : vector<16xi32> -> vector<16xf32>
        %and3A_647 = arith.andi %get3A_642, %broadcast_in_dim3A_170 : vector<16xi32>
        %bitcast_convert_type3A_648 = tpu.bitcast %and3A_647 : vector<16xi32> -> vector<16xf32>
        %mul3A_649 = arith.mulf %gather3A_144, %bitcast_convert_type3A_646 : vector<16xf32>
        %add3A_650 = arith.addf %add3A_632, %mul3A_649 : vector<16xf32>
        %mul3A_651 = arith.mulf %gather3A_144, %bitcast_convert_type3A_648 : vector<16xf32>
        %add3A_652 = arith.addf %add3A_634, %mul3A_651 : vector<16xf32>
        %mul3A_653 = arith.constant 16 : i32
        %mul3A_654 = arith.muli %scan3A_99, %mul3A_653 : i32
        %add3A_655 = arith.constant 10 : i32
        %add3A_656 = arith.addi %mul3A_654, %add3A_655 : i32
        %get3A_657 = arith.index_cast %add3A_656 : i32 to index
        %get3A_658 = arith.constant 16 : index
        %get3A_659 = tpu.vector_load %arg8[%get3A_657, %get3A_658] {strides = array<i32>} : memref<128x128xi32, #tpu.memory_space<vmem>>, vector<1x16xi32>,
        %get3A_660 = vector.shape_cast %get3A_659 : vector<1x16xi32> to vector<16xi32>
        %shift_left3A_661 = arith.constant 16 : i32
        %shift_left3A_662 = vector.broadcast %shift_left3A_661 : i32 to vector<16xi32>
        %shift_left3A_663 = arith.shli %get3A_660, %shift_left3A_662 : vector<16xi32>
        %bitcast_convert_type3A_664 = tpu.bitcast %shift_left3A_663 : vector<16xi32> -> vector<16xf32>
        %and3A_665 = arith.andi %get3A_660, %broadcast_in_dim3A_170 : vector<16xi32>
        %bitcast_convert_type3A_666 = tpu.bitcast %and3A_665 : vector<16xi32> -> vector<16xf32>
        %mul3A_667 = arith.mulf %gather3A_148, %bitcast_convert_type3A_664 : vector<16xf32>
        %add3A_668 = arith.addf %add3A_650, %mul3A_667 : vector<16xf32>
        %mul3A_669 = arith.mulf %gather3A_148, %bitcast_convert_type3A_666 : vector<16xf32>
        %add3A_670 = arith.addf %add3A_652, %mul3A_669 : vector<16xf32>
        %mul3A_671 = arith.constant 16 : i32
        %mul3A_672 = arith.muli %scan3A_99, %mul3A_671 : i32
        %add3A_673 = arith.constant 11 : i32
        %add3A_674 = arith.addi %mul3A_672, %add3A_673 : i32
        %get3A_675 = arith.index_cast %add3A_674 : i32 to index
        %get3A_676 = arith.constant 16 : index
        %get3A_677 = tpu.vector_load %arg8[%get3A_675, %get3A_676] {strides = array<i32>} : memref<128x128xi32, #tpu.memory_space<vmem>>, vector<1x16xi32>,
        %get3A_678 = vector.shape_cast %get3A_677 : vector<1x16xi32> to vector<16xi32>
        %shift_left3A_679 = arith.constant 16 : i32
        %shift_left3A_680 = vector.broadcast %shift_left3A_679 : i32 to vector<16xi32>
        %shift_left3A_681 = arith.shli %get3A_678, %shift_left3A_680 : vector<16xi32>
        %bitcast_convert_type3A_682 = tpu.bitcast %shift_left3A_681 : vector<16xi32> -> vector<16xf32>
        %and3A_683 = arith.andi %get3A_678, %broadcast_in_dim3A_170 : vector<16xi32>
        %bitcast_convert_type3A_684 = tpu.bitcast %and3A_683 : vector<16xi32> -> vector<16xf32>
        %mul3A_685 = arith.mulf %gather3A_152, %bitcast_convert_type3A_682 : vector<16xf32>
        %add3A_686 = arith.addf %add3A_668, %mul3A_685 : vector<16xf32>
        %mul3A_687 = arith.mulf %gather3A_152, %bitcast_convert_type3A_684 : vector<16xf32>
        %add3A_688 = arith.addf %add3A_670, %mul3A_687 : vector<16xf32>
        %mul3A_689 = arith.constant 16 : i32
        %mul3A_690 = arith.muli %scan3A_99, %mul3A_689 : i32
        %add3A_691 = arith.constant 12 : i32
        %add3A_692 = arith.addi %mul3A_690, %add3A_691 : i32
        %get3A_693 = arith.index_cast %add3A_692 : i32 to index
        %get3A_694 = arith.constant 16 : index
        %get3A_695 = tpu.vector_load %arg8[%get3A_693, %get3A_694] {strides = array<i32>} : memref<128x128xi32, #tpu.memory_space<vmem>>, vector<1x16xi32>,
        %get3A_696 = vector.shape_cast %get3A_695 : vector<1x16xi32> to vector<16xi32>
        %shift_left3A_697 = arith.constant 16 : i32
        %shift_left3A_698 = vector.broadcast %shift_left3A_697 : i32 to vector<16xi32>
        %shift_left3A_699 = arith.shli %get3A_696, %shift_left3A_698 : vector<16xi32>
        %bitcast_convert_type3A_700 = tpu.bitcast %shift_left3A_699 : vector<16xi32> -> vector<16xf32>
        %and3A_701 = arith.andi %get3A_696, %broadcast_in_dim3A_170 : vector<16xi32>
        %bitcast_convert_type3A_702 = tpu.bitcast %and3A_701 : vector<16xi32> -> vector<16xf32>
        %mul3A_703 = arith.mulf %gather3A_156, %bitcast_convert_type3A_700 : vector<16xf32>
        %add3A_704 = arith.addf %add3A_686, %mul3A_703 : vector<16xf32>
        %mul3A_705 = arith.mulf %gather3A_156, %bitcast_convert_type3A_702 : vector<16xf32>
        %add3A_706 = arith.addf %add3A_688, %mul3A_705 : vector<16xf32>
        %mul3A_707 = arith.constant 16 : i32
        %mul3A_708 = arith.muli %scan3A_99, %mul3A_707 : i32
        %add3A_709 = arith.constant 13 : i32
        %add3A_710 = arith.addi %mul3A_708, %add3A_709 : i32
        %get3A_711 = arith.index_cast %add3A_710 : i32 to index
        %get3A_712 = arith.constant 16 : index
        %get3A_713 = tpu.vector_load %arg8[%get3A_711, %get3A_712] {strides = array<i32>} : memref<128x128xi32, #tpu.memory_space<vmem>>, vector<1x16xi32>,
        %get3A_714 = vector.shape_cast %get3A_713 : vector<1x16xi32> to vector<16xi32>
        %shift_left3A_715 = arith.constant 16 : i32
        %shift_left3A_716 = vector.broadcast %shift_left3A_715 : i32 to vector<16xi32>
        %shift_left3A_717 = arith.shli %get3A_714, %shift_left3A_716 : vector<16xi32>
        %bitcast_convert_type3A_718 = tpu.bitcast %shift_left3A_717 : vector<16xi32> -> vector<16xf32>
        %and3A_719 = arith.andi %get3A_714, %broadcast_in_dim3A_170 : vector<16xi32>
        %bitcast_convert_type3A_720 = tpu.bitcast %and3A_719 : vector<16xi32> -> vector<16xf32>
        %mul3A_721 = arith.mulf %gather3A_160, %bitcast_convert_type3A_718 : vector<16xf32>
        %add3A_722 = arith.addf %add3A_704, %mul3A_721 : vector<16xf32>
        %mul3A_723 = arith.mulf %gather3A_160, %bitcast_convert_type3A_720 : vector<16xf32>
        %add3A_724 = arith.addf %add3A_706, %mul3A_723 : vector<16xf32>
        %mul3A_725 = arith.constant 16 : i32
        %mul3A_726 = arith.muli %scan3A_99, %mul3A_725 : i32
        %add3A_727 = arith.constant 14 : i32
        %add3A_728 = arith.addi %mul3A_726, %add3A_727 : i32
        %get3A_729 = arith.index_cast %add3A_728 : i32 to index
        %get3A_730 = arith.constant 16 : index
        %get3A_731 = tpu.vector_load %arg8[%get3A_729, %get3A_730] {strides = array<i32>} : memref<128x128xi32, #tpu.memory_space<vmem>>, vector<1x16xi32>,
        %get3A_732 = vector.shape_cast %get3A_731 : vector<1x16xi32> to vector<16xi32>
        %shift_left3A_733 = arith.constant 16 : i32
        %shift_left3A_734 = vector.broadcast %shift_left3A_733 : i32 to vector<16xi32>
        %shift_left3A_735 = arith.shli %get3A_732, %shift_left3A_734 : vector<16xi32>
        %bitcast_convert_type3A_736 = tpu.bitcast %shift_left3A_735 : vector<16xi32> -> vector<16xf32>
        %and3A_737 = arith.andi %get3A_732, %broadcast_in_dim3A_170 : vector<16xi32>
        %bitcast_convert_type3A_738 = tpu.bitcast %and3A_737 : vector<16xi32> -> vector<16xf32>
        %mul3A_739 = arith.mulf %gather3A_164, %bitcast_convert_type3A_736 : vector<16xf32>
        %add3A_740 = arith.addf %add3A_722, %mul3A_739 : vector<16xf32>
        %mul3A_741 = arith.mulf %gather3A_164, %bitcast_convert_type3A_738 : vector<16xf32>
        %add3A_742 = arith.addf %add3A_724, %mul3A_741 : vector<16xf32>
        %mul3A_743 = arith.constant 16 : i32
        %mul3A_744 = arith.muli %scan3A_99, %mul3A_743 : i32
        %add3A_745 = arith.constant 15 : i32
        %add3A_746 = arith.addi %mul3A_744, %add3A_745 : i32
        %get3A_747 = arith.index_cast %add3A_746 : i32 to index
        %get3A_748 = arith.constant 16 : index
        %get3A_749 = tpu.vector_load %arg8[%get3A_747, %get3A_748] {strides = array<i32>} : memref<128x128xi32, #tpu.memory_space<vmem>>, vector<1x16xi32>,
        %get3A_750 = vector.shape_cast %get3A_749 : vector<1x16xi32> to vector<16xi32>
        %shift_left3A_751 = arith.constant 16 : i32
        %shift_left3A_752 = vector.broadcast %shift_left3A_751 : i32 to vector<16xi32>
        %shift_left3A_753 = arith.shli %get3A_750, %shift_left3A_752 : vector<16xi32>
        %bitcast_convert_type3A_754 = tpu.bitcast %shift_left3A_753 : vector<16xi32> -> vector<16xf32>
        %and3A_755 = arith.andi %get3A_750, %broadcast_in_dim3A_170 : vector<16xi32>
        %bitcast_convert_type3A_756 = tpu.bitcast %and3A_755 : vector<16xi32> -> vector<16xf32>
        %mul3A_757 = arith.mulf %gather3A_168, %bitcast_convert_type3A_754 : vector<16xf32>
        %add3A_758 = arith.addf %add3A_740, %mul3A_757 : vector<16xf32>
        %mul3A_759 = arith.mulf %gather3A_168, %bitcast_convert_type3A_756 : vector<16xf32>
        %add3A_760 = arith.addf %add3A_742, %mul3A_759 : vector<16xf32>
        %swap3A_761 = arith.index_cast %scan3A_99 : i32 to index
        %swap3A_762 = arith.constant 16 : index
        %swap3A_763 = tpu.vector_load %arg10[%swap3A_761, %swap3A_762] {strides = array<i32>} : memref<8x256xf32, #tpu.memory_space<vmem>>, vector<1x16xf32>,
        %swap3A_764 = vector.shape_cast %swap3A_763 : vector<1x16xf32> to vector<16xf32>
        %swap3A_765 = vector.shape_cast %add3A_758 : vector<16xf32> to vector<1x16xf32>
        tpu.vector_store %arg10[%swap3A_761, %swap3A_762], %swap3A_765 {strides = array<i32>} : memref<8x256xf32, #tpu.memory_space<vmem>>, vector<1x16xf32>,
        %swap3A_766 = arith.index_cast %scan3A_99 : i32 to index
        %swap3A_767 = arith.constant 144 : index
        %swap3A_768 = tpu.vector_load %arg10[%swap3A_766, %swap3A_767] {strides = array<i32>} : memref<8x256xf32, #tpu.memory_space<vmem>>, vector<1x16xf32>,
        %swap3A_769 = vector.shape_cast %swap3A_768 : vector<1x16xf32> to vector<16xf32>
        %swap3A_770 = vector.shape_cast %add3A_760 : vector<16xf32> to vector<1x16xf32>
        tpu.vector_store %arg10[%swap3A_766, %swap3A_767], %swap3A_770 {strides = array<i32>} : memref<8x256xf32, #tpu.memory_space<vmem>>, vector<1x16xf32>,
        %broadcast_in_dim3A_771 = arith.constant 0.000000e+00 : f32
        %broadcast_in_dim3A_772 = vector.broadcast %broadcast_in_dim3A_771 : f32 to vector<16xf32>
        %broadcast_in_dim3A_773 = arith.constant 0.000000e+00 : f32
        %broadcast_in_dim3A_774 = vector.broadcast %broadcast_in_dim3A_773 : f32 to vector<16xf32>
        %mul3A_775 = arith.constant 16 : i32
        %mul3A_776 = arith.muli %scan3A_99, %mul3A_775 : i32
        %add3A_777 = arith.constant 0 : i32
        %add3A_778 = arith.addi %mul3A_776, %add3A_777 : i32
        %get3A_779 = arith.index_cast %add3A_778 : i32 to index
        %get3A_780 = arith.constant 32 : index
        %get3A_781 = tpu.vector_load %arg8[%get3A_779, %get3A_780] {strides = array<i32>} : memref<128x128xi32, #tpu.memory_space<vmem>>, vector<1x16xi32>,
        %get3A_782 = vector.shape_cast %get3A_781 : vector<1x16xi32> to vector<16xi32>
        %shift_left3A_783 = arith.constant 16 : i32
        %shift_left3A_784 = vector.broadcast %shift_left3A_783 : i32 to vector<16xi32>
        %shift_left3A_785 = arith.shli %get3A_782, %shift_left3A_784 : vector<16xi32>
        %bitcast_convert_type3A_786 = tpu.bitcast %shift_left3A_785 : vector<16xi32> -> vector<16xf32>
        %and3A_787 = arith.andi %get3A_782, %broadcast_in_dim3A_170 : vector<16xi32>
        %bitcast_convert_type3A_788 = tpu.bitcast %and3A_787 : vector<16xi32> -> vector<16xf32>
        %mul3A_789 = arith.mulf %gather3A_108, %bitcast_convert_type3A_786 : vector<16xf32>
        %add3A_790 = arith.addf %broadcast_in_dim3A_772, %mul3A_789 : vector<16xf32>
        %mul3A_791 = arith.mulf %gather3A_108, %bitcast_convert_type3A_788 : vector<16xf32>
        %add3A_792 = arith.addf %broadcast_in_dim3A_774, %mul3A_791 : vector<16xf32>
        %mul3A_793 = arith.constant 16 : i32
        %mul3A_794 = arith.muli %scan3A_99, %mul3A_793 : i32
        %add3A_795 = arith.constant 1 : i32
        %add3A_796 = arith.addi %mul3A_794, %add3A_795 : i32
        %get3A_797 = arith.index_cast %add3A_796 : i32 to index
        %get3A_798 = arith.constant 32 : index
        %get3A_799 = tpu.vector_load %arg8[%get3A_797, %get3A_798] {strides = array<i32>} : memref<128x128xi32, #tpu.memory_space<vmem>>, vector<1x16xi32>,
        %get3A_800 = vector.shape_cast %get3A_799 : vector<1x16xi32> to vector<16xi32>
        %shift_left3A_801 = arith.constant 16 : i32
        %shift_left3A_802 = vector.broadcast %shift_left3A_801 : i32 to vector<16xi32>
        %shift_left3A_803 = arith.shli %get3A_800, %shift_left3A_802 : vector<16xi32>
        %bitcast_convert_type3A_804 = tpu.bitcast %shift_left3A_803 : vector<16xi32> -> vector<16xf32>
        %and3A_805 = arith.andi %get3A_800, %broadcast_in_dim3A_170 : vector<16xi32>
        %bitcast_convert_type3A_806 = tpu.bitcast %and3A_805 : vector<16xi32> -> vector<16xf32>
        %mul3A_807 = arith.mulf %gather3A_112, %bitcast_convert_type3A_804 : vector<16xf32>
        %add3A_808 = arith.addf %add3A_790, %mul3A_807 : vector<16xf32>
        %mul3A_809 = arith.mulf %gather3A_112, %bitcast_convert_type3A_806 : vector<16xf32>
        %add3A_810 = arith.addf %add3A_792, %mul3A_809 : vector<16xf32>
        %mul3A_811 = arith.constant 16 : i32
        %mul3A_812 = arith.muli %scan3A_99, %mul3A_811 : i32
        %add3A_813 = arith.constant 2 : i32
        %add3A_814 = arith.addi %mul3A_812, %add3A_813 : i32
        %get3A_815 = arith.index_cast %add3A_814 : i32 to index
        %get3A_816 = arith.constant 32 : index
        %get3A_817 = tpu.vector_load %arg8[%get3A_815, %get3A_816] {strides = array<i32>} : memref<128x128xi32, #tpu.memory_space<vmem>>, vector<1x16xi32>,
        %get3A_818 = vector.shape_cast %get3A_817 : vector<1x16xi32> to vector<16xi32>
        %shift_left3A_819 = arith.constant 16 : i32
        %shift_left3A_820 = vector.broadcast %shift_left3A_819 : i32 to vector<16xi32>
        %shift_left3A_821 = arith.shli %get3A_818, %shift_left3A_820 : vector<16xi32>
        %bitcast_convert_type3A_822 = tpu.bitcast %shift_left3A_821 : vector<16xi32> -> vector<16xf32>
        %and3A_823 = arith.andi %get3A_818, %broadcast_in_dim3A_170 : vector<16xi32>
        %bitcast_convert_type3A_824 = tpu.bitcast %and3A_823 : vector<16xi32> -> vector<16xf32>
        %mul3A_825 = arith.mulf %gather3A_116, %bitcast_convert_type3A_822 : vector<16xf32>
        %add3A_826 = arith.addf %add3A_808, %mul3A_825 : vector<16xf32>
        %mul3A_827 = arith.mulf %gather3A_116, %bitcast_convert_type3A_824 : vector<16xf32>
        %add3A_828 = arith.addf %add3A_810, %mul3A_827 : vector<16xf32>
        %mul3A_829 = arith.constant 16 : i32
        %mul3A_830 = arith.muli %scan3A_99, %mul3A_829 : i32
        %add3A_831 = arith.constant 3 : i32
        %add3A_832 = arith.addi %mul3A_830, %add3A_831 : i32
        %get3A_833 = arith.index_cast %add3A_832 : i32 to index
        %get3A_834 = arith.constant 32 : index
        %get3A_835 = tpu.vector_load %arg8[%get3A_833, %get3A_834] {strides = array<i32>} : memref<128x128xi32, #tpu.memory_space<vmem>>, vector<1x16xi32>,
        %get3A_836 = vector.shape_cast %get3A_835 : vector<1x16xi32> to vector<16xi32>
        %shift_left3A_837 = arith.constant 16 : i32
        %shift_left3A_838 = vector.broadcast %shift_left3A_837 : i32 to vector<16xi32>
        %shift_left3A_839 = arith.shli %get3A_836, %shift_left3A_838 : vector<16xi32>
        %bitcast_convert_type3A_840 = tpu.bitcast %shift_left3A_839 : vector<16xi32> -> vector<16xf32>
        %and3A_841 = arith.andi %get3A_836, %broadcast_in_dim3A_170 : vector<16xi32>
        %bitcast_convert_type3A_842 = tpu.bitcast %and3A_841 : vector<16xi32> -> vector<16xf32>
        %mul3A_843 = arith.mulf %gather3A_120, %bitcast_convert_type3A_840 : vector<16xf32>
        %add3A_844 = arith.addf %add3A_826, %mul3A_843 : vector<16xf32>
        %mul3A_845 = arith.mulf %gather3A_120, %bitcast_convert_type3A_842 : vector<16xf32>
        %add3A_846 = arith.addf %add3A_828, %mul3A_845 : vector<16xf32>
        %mul3A_847 = arith.constant 16 : i32
        %mul3A_848 = arith.muli %scan3A_99, %mul3A_847 : i32
        %add3A_849 = arith.constant 4 : i32
        %add3A_850 = arith.addi %mul3A_848, %add3A_849 : i32
        %get3A_851 = arith.index_cast %add3A_850 : i32 to index
        %get3A_852 = arith.constant 32 : index
        %get3A_853 = tpu.vector_load %arg8[%get3A_851, %get3A_852] {strides = array<i32>} : memref<128x128xi32, #tpu.memory_space<vmem>>, vector<1x16xi32>,
        %get3A_854 = vector.shape_cast %get3A_853 : vector<1x16xi32> to vector<16xi32>
        %shift_left3A_855 = arith.constant 16 : i32
        %shift_left3A_856 = vector.broadcast %shift_left3A_855 : i32 to vector<16xi32>
        %shift_left3A_857 = arith.shli %get3A_854, %shift_left3A_856 : vector<16xi32>
        %bitcast_convert_type3A_858 = tpu.bitcast %shift_left3A_857 : vector<16xi32> -> vector<16xf32>
        %and3A_859 = arith.andi %get3A_854, %broadcast_in_dim3A_170 : vector<16xi32>
        %bitcast_convert_type3A_860 = tpu.bitcast %and3A_859 : vector<16xi32> -> vector<16xf32>
        %mul3A_861 = arith.mulf %gather3A_124, %bitcast_convert_type3A_858 : vector<16xf32>
        %add3A_862 = arith.addf %add3A_844, %mul3A_861 : vector<16xf32>
        %mul3A_863 = arith.mulf %gather3A_124, %bitcast_convert_type3A_860 : vector<16xf32>
        %add3A_864 = arith.addf %add3A_846, %mul3A_863 : vector<16xf32>
        %mul3A_865 = arith.constant 16 : i32
        %mul3A_866 = arith.muli %scan3A_99, %mul3A_865 : i32
        %add3A_867 = arith.constant 5 : i32
        %add3A_868 = arith.addi %mul3A_866, %add3A_867 : i32
        %get3A_869 = arith.index_cast %add3A_868 : i32 to index
        %get3A_870 = arith.constant 32 : index
        %get3A_871 = tpu.vector_load %arg8[%get3A_869, %get3A_870] {strides = array<i32>} : memref<128x128xi32, #tpu.memory_space<vmem>>, vector<1x16xi32>,
        %get3A_872 = vector.shape_cast %get3A_871 : vector<1x16xi32> to vector<16xi32>
        %shift_left3A_873 = arith.constant 16 : i32
        %shift_left3A_874 = vector.broadcast %shift_left3A_873 : i32 to vector<16xi32>
        %shift_left3A_875 = arith.shli %get3A_872, %shift_left3A_874 : vector<16xi32>
        %bitcast_convert_type3A_876 = tpu.bitcast %shift_left3A_875 : vector<16xi32> -> vector<16xf32>
        %and3A_877 = arith.andi %get3A_872, %broadcast_in_dim3A_170 : vector<16xi32>
        %bitcast_convert_type3A_878 = tpu.bitcast %and3A_877 : vector<16xi32> -> vector<16xf32>
        %mul3A_879 = arith.mulf %gather3A_128, %bitcast_convert_type3A_876 : vector<16xf32>
        %add3A_880 = arith.addf %add3A_862, %mul3A_879 : vector<16xf32>
        %mul3A_881 = arith.mulf %gather3A_128, %bitcast_convert_type3A_878 : vector<16xf32>
        %add3A_882 = arith.addf %add3A_864, %mul3A_881 : vector<16xf32>
        %mul3A_883 = arith.constant 16 : i32
        %mul3A_884 = arith.muli %scan3A_99, %mul3A_883 : i32
        %add3A_885 = arith.constant 6 : i32
        %add3A_886 = arith.addi %mul3A_884, %add3A_885 : i32
        %get3A_887 = arith.index_cast %add3A_886 : i32 to index
        %get3A_888 = arith.constant 32 : index
        %get3A_889 = tpu.vector_load %arg8[%get3A_887, %get3A_888] {strides = array<i32>} : memref<128x128xi32, #tpu.memory_space<vmem>>, vector<1x16xi32>,
        %get3A_890 = vector.shape_cast %get3A_889 : vector<1x16xi32> to vector<16xi32>
        %shift_left3A_891 = arith.constant 16 : i32
        %shift_left3A_892 = vector.broadcast %shift_left3A_891 : i32 to vector<16xi32>
        %shift_left3A_893 = arith.shli %get3A_890, %shift_left3A_892 : vector<16xi32>
        %bitcast_convert_type3A_894 = tpu.bitcast %shift_left3A_893 : vector<16xi32> -> vector<16xf32>
        %and3A_895 = arith.andi %get3A_890, %broadcast_in_dim3A_170 : vector<16xi32>
        %bitcast_convert_type3A_896 = tpu.bitcast %and3A_895 : vector<16xi32> -> vector<16xf32>
        %mul3A_897 = arith.mulf %gather3A_132, %bitcast_convert_type3A_894 : vector<16xf32>
        %add3A_898 = arith.addf %add3A_880, %mul3A_897 : vector<16xf32>
        %mul3A_899 = arith.mulf %gather3A_132, %bitcast_convert_type3A_896 : vector<16xf32>
        %add3A_900 = arith.addf %add3A_882, %mul3A_899 : vector<16xf32>
        %mul3A_901 = arith.constant 16 : i32
        %mul3A_902 = arith.muli %scan3A_99, %mul3A_901 : i32
        %add3A_903 = arith.constant 7 : i32
        %add3A_904 = arith.addi %mul3A_902, %add3A_903 : i32
        %get3A_905 = arith.index_cast %add3A_904 : i32 to index
        %get3A_906 = arith.constant 32 : index
        %get3A_907 = tpu.vector_load %arg8[%get3A_905, %get3A_906] {strides = array<i32>} : memref<128x128xi32, #tpu.memory_space<vmem>>, vector<1x16xi32>,
        %get3A_908 = vector.shape_cast %get3A_907 : vector<1x16xi32> to vector<16xi32>
        %shift_left3A_909 = arith.constant 16 : i32
        %shift_left3A_910 = vector.broadcast %shift_left3A_909 : i32 to vector<16xi32>
        %shift_left3A_911 = arith.shli %get3A_908, %shift_left3A_910 : vector<16xi32>
        %bitcast_convert_type3A_912 = tpu.bitcast %shift_left3A_911 : vector<16xi32> -> vector<16xf32>
        %and3A_913 = arith.andi %get3A_908, %broadcast_in_dim3A_170 : vector<16xi32>
        %bitcast_convert_type3A_914 = tpu.bitcast %and3A_913 : vector<16xi32> -> vector<16xf32>
        %mul3A_915 = arith.mulf %gather3A_136, %bitcast_convert_type3A_912 : vector<16xf32>
        %add3A_916 = arith.addf %add3A_898, %mul3A_915 : vector<16xf32>
        %mul3A_917 = arith.mulf %gather3A_136, %bitcast_convert_type3A_914 : vector<16xf32>
        %add3A_918 = arith.addf %add3A_900, %mul3A_917 : vector<16xf32>
        %mul3A_919 = arith.constant 16 : i32
        %mul3A_920 = arith.muli %scan3A_99, %mul3A_919 : i32
        %add3A_921 = arith.constant 8 : i32
        %add3A_922 = arith.addi %mul3A_920, %add3A_921 : i32
        %get3A_923 = arith.index_cast %add3A_922 : i32 to index
        %get3A_924 = arith.constant 32 : index
        %get3A_925 = tpu.vector_load %arg8[%get3A_923, %get3A_924] {strides = array<i32>} : memref<128x128xi32, #tpu.memory_space<vmem>>, vector<1x16xi32>,
        %get3A_926 = vector.shape_cast %get3A_925 : vector<1x16xi32> to vector<16xi32>
        %shift_left3A_927 = arith.constant 16 : i32
        %shift_left3A_928 = vector.broadcast %shift_left3A_927 : i32 to vector<16xi32>
        %shift_left3A_929 = arith.shli %get3A_926, %shift_left3A_928 : vector<16xi32>
        %bitcast_convert_type3A_930 = tpu.bitcast %shift_left3A_929 : vector<16xi32> -> vector<16xf32>
        %and3A_931 = arith.andi %get3A_926, %broadcast_in_dim3A_170 : vector<16xi32>
        %bitcast_convert_type3A_932 = tpu.bitcast %and3A_931 : vector<16xi32> -> vector<16xf32>
        %mul3A_933 = arith.mulf %gather3A_140, %bitcast_convert_type3A_930 : vector<16xf32>
        %add3A_934 = arith.addf %add3A_916, %mul3A_933 : vector<16xf32>
        %mul3A_935 = arith.mulf %gather3A_140, %bitcast_convert_type3A_932 : vector<16xf32>
        %add3A_936 = arith.addf %add3A_918, %mul3A_935 : vector<16xf32>
        %mul3A_937 = arith.constant 16 : i32
        %mul3A_938 = arith.muli %scan3A_99, %mul3A_937 : i32
        %add3A_939 = arith.constant 9 : i32
        %add3A_940 = arith.addi %mul3A_938, %add3A_939 : i32
        %get3A_941 = arith.index_cast %add3A_940 : i32 to index
        %get3A_942 = arith.constant 32 : index
        %get3A_943 = tpu.vector_load %arg8[%get3A_941, %get3A_942] {strides = array<i32>} : memref<128x128xi32, #tpu.memory_space<vmem>>, vector<1x16xi32>,
        %get3A_944 = vector.shape_cast %get3A_943 : vector<1x16xi32> to vector<16xi32>
        %shift_left3A_945 = arith.constant 16 : i32
        %shift_left3A_946 = vector.broadcast %shift_left3A_945 : i32 to vector<16xi32>
        %shift_left3A_947 = arith.shli %get3A_944, %shift_left3A_946 : vector<16xi32>
        %bitcast_convert_type3A_948 = tpu.bitcast %shift_left3A_947 : vector<16xi32> -> vector<16xf32>
        %and3A_949 = arith.andi %get3A_944, %broadcast_in_dim3A_170 : vector<16xi32>
        %bitcast_convert_type3A_950 = tpu.bitcast %and3A_949 : vector<16xi32> -> vector<16xf32>
        %mul3A_951 = arith.mulf %gather3A_144, %bitcast_convert_type3A_948 : vector<16xf32>
        %add3A_952 = arith.addf %add3A_934, %mul3A_951 : vector<16xf32>
        %mul3A_953 = arith.mulf %gather3A_144, %bitcast_convert_type3A_950 : vector<16xf32>
        %add3A_954 = arith.addf %add3A_936, %mul3A_953 : vector<16xf32>
        %mul3A_955 = arith.constant 16 : i32
        %mul3A_956 = arith.muli %scan3A_99, %mul3A_955 : i32
        %add3A_957 = arith.constant 10 : i32
        %add3A_958 = arith.addi %mul3A_956, %add3A_957 : i32
        %get3A_959 = arith.index_cast %add3A_958 : i32 to index
        %get3A_960 = arith.constant 32 : index
        %get3A_961 = tpu.vector_load %arg8[%get3A_959, %get3A_960] {strides = array<i32>} : memref<128x128xi32, #tpu.memory_space<vmem>>, vector<1x16xi32>,
        %get3A_962 = vector.shape_cast %get3A_961 : vector<1x16xi32> to vector<16xi32>
        %shift_left3A_963 = arith.constant 16 : i32
        %shift_left3A_964 = vector.broadcast %shift_left3A_963 : i32 to vector<16xi32>
        %shift_left3A_965 = arith.shli %get3A_962, %shift_left3A_964 : vector<16xi32>
        %bitcast_convert_type3A_966 = tpu.bitcast %shift_left3A_965 : vector<16xi32> -> vector<16xf32>
        %and3A_967 = arith.andi %get3A_962, %broadcast_in_dim3A_170 : vector<16xi32>
        %bitcast_convert_type3A_968 = tpu.bitcast %and3A_967 : vector<16xi32> -> vector<16xf32>
        %mul3A_969 = arith.mulf %gather3A_148, %bitcast_convert_type3A_966 : vector<16xf32>
        %add3A_970 = arith.addf %add3A_952, %mul3A_969 : vector<16xf32>
        %mul3A_971 = arith.mulf %gather3A_148, %bitcast_convert_type3A_968 : vector<16xf32>
        %add3A_972 = arith.addf %add3A_954, %mul3A_971 : vector<16xf32>
        %mul3A_973 = arith.constant 16 : i32
        %mul3A_974 = arith.muli %scan3A_99, %mul3A_973 : i32
        %add3A_975 = arith.constant 11 : i32
        %add3A_976 = arith.addi %mul3A_974, %add3A_975 : i32
        %get3A_977 = arith.index_cast %add3A_976 : i32 to index
        %get3A_978 = arith.constant 32 : index
        %get3A_979 = tpu.vector_load %arg8[%get3A_977, %get3A_978] {strides = array<i32>} : memref<128x128xi32, #tpu.memory_space<vmem>>, vector<1x16xi32>,
        %get3A_980 = vector.shape_cast %get3A_979 : vector<1x16xi32> to vector<16xi32>
        %shift_left3A_981 = arith.constant 16 : i32
        %shift_left3A_982 = vector.broadcast %shift_left3A_981 : i32 to vector<16xi32>
        %shift_left3A_983 = arith.shli %get3A_980, %shift_left3A_982 : vector<16xi32>
        %bitcast_convert_type3A_984 = tpu.bitcast %shift_left3A_983 : vector<16xi32> -> vector<16xf32>
        %and3A_985 = arith.andi %get3A_980, %broadcast_in_dim3A_170 : vector<16xi32>
        %bitcast_convert_type3A_986 = tpu.bitcast %and3A_985 : vector<16xi32> -> vector<16xf32>
        %mul3A_987 = arith.mulf %gather3A_152, %bitcast_convert_type3A_984 : vector<16xf32>
        %add3A_988 = arith.addf %add3A_970, %mul3A_987 : vector<16xf32>
        %mul3A_989 = arith.mulf %gather3A_152, %bitcast_convert_type3A_986 : vector<16xf32>
        %add3A_990 = arith.addf %add3A_972, %mul3A_989 : vector<16xf32>
        %mul3A_991 = arith.constant 16 : i32
        %mul3A_992 = arith.muli %scan3A_99, %mul3A_991 : i32
        %add3A_993 = arith.constant 12 : i32
        %add3A_994 = arith.addi %mul3A_992, %add3A_993 : i32
        %get3A_995 = arith.index_cast %add3A_994 : i32 to index
        %get3A_996 = arith.constant 32 : index
        %get3A_997 = tpu.vector_load %arg8[%get3A_995, %get3A_996] {strides = array<i32>} : memref<128x128xi32, #tpu.memory_space<vmem>>, vector<1x16xi32>,
        %get3A_998 = vector.shape_cast %get3A_997 : vector<1x16xi32> to vector<16xi32>
        %shift_left3A_999 = arith.constant 16 : i32
        %shift_left3A_1000 = vector.broadcast %shift_left3A_999 : i32 to vector<16xi32>
        %shift_left3A_1001 = arith.shli %get3A_998, %shift_left3A_1000 : vector<16xi32>
        %bitcast_convert_type3A_1002 = tpu.bitcast %shift_left3A_1001 : vector<16xi32> -> vector<16xf32>
        %and3A_1003 = arith.andi %get3A_998, %broadcast_in_dim3A_170 : vector<16xi32>
        %bitcast_convert_type3A_1004 = tpu.bitcast %and3A_1003 : vector<16xi32> -> vector<16xf32>
        %mul3A_1005 = arith.mulf %gather3A_156, %bitcast_convert_type3A_1002 : vector<16xf32>
        %add3A_1006 = arith.addf %add3A_988, %mul3A_1005 : vector<16xf32>
        %mul3A_1007 = arith.mulf %gather3A_156, %bitcast_convert_type3A_1004 : vector<16xf32>
        %add3A_1008 = arith.addf %add3A_990, %mul3A_1007 : vector<16xf32>
        %mul3A_1009 = arith.constant 16 : i32
        %mul3A_1010 = arith.muli %scan3A_99, %mul3A_1009 : i32
        %add3A_1011 = arith.constant 13 : i32
        %add3A_1012 = arith.addi %mul3A_1010, %add3A_1011 : i32
        %get3A_1013 = arith.index_cast %add3A_1012 : i32 to index
        %get3A_1014 = arith.constant 32 : index
        %get3A_1015 = tpu.vector_load %arg8[%get3A_1013, %get3A_1014] {strides = array<i32>} : memref<128x128xi32, #tpu.memory_space<vmem>>, vector<1x16xi32>,
        %get3A_1016 = vector.shape_cast %get3A_1015 : vector<1x16xi32> to vector<16xi32>
        %shift_left3A_1017 = arith.constant 16 : i32
        %shift_left3A_1018 = vector.broadcast %shift_left3A_1017 : i32 to vector<16xi32>
        %shift_left3A_1019 = arith.shli %get3A_1016, %shift_left3A_1018 : vector<16xi32>
        %bitcast_convert_type3A_1020 = tpu.bitcast %shift_left3A_1019 : vector<16xi32> -> vector<16xf32>
        %and3A_1021 = arith.andi %get3A_1016, %broadcast_in_dim3A_170 : vector<16xi32>
        %bitcast_convert_type3A_1022 = tpu.bitcast %and3A_1021 : vector<16xi32> -> vector<16xf32>
        %mul3A_1023 = arith.mulf %gather3A_160, %bitcast_convert_type3A_1020 : vector<16xf32>
        %add3A_1024 = arith.addf %add3A_1006, %mul3A_1023 : vector<16xf32>
        %mul3A_1025 = arith.mulf %gather3A_160, %bitcast_convert_type3A_1022 : vector<16xf32>
        %add3A_1026 = arith.addf %add3A_1008, %mul3A_1025 : vector<16xf32>
        %mul3A_1027 = arith.constant 16 : i32
        %mul3A_1028 = arith.muli %scan3A_99, %mul3A_1027 : i32
        %add3A_1029 = arith.constant 14 : i32
        %add3A_1030 = arith.addi %mul3A_1028, %add3A_1029 : i32
        %get3A_1031 = arith.index_cast %add3A_1030 : i32 to index
        %get3A_1032 = arith.constant 32 : index
        %get3A_1033 = tpu.vector_load %arg8[%get3A_1031, %get3A_1032] {strides = array<i32>} : memref<128x128xi32, #tpu.memory_space<vmem>>, vector<1x16xi32>,
        %get3A_1034 = vector.shape_cast %get3A_1033 : vector<1x16xi32> to vector<16xi32>
        %shift_left3A_1035 = arith.constant 16 : i32
        %shift_left3A_1036 = vector.broadcast %shift_left3A_1035 : i32 to vector<16xi32>
        %shift_left3A_1037 = arith.shli %get3A_1034, %shift_left3A_1036 : vector<16xi32>
        %bitcast_convert_type3A_1038 = tpu.bitcast %shift_left3A_1037 : vector<16xi32> -> vector<16xf32>
        %and3A_1039 = arith.andi %get3A_1034, %broadcast_in_dim3A_170 : vector<16xi32>
        %bitcast_convert_type3A_1040 = tpu.bitcast %and3A_1039 : vector<16xi32> -> vector<16xf32>
        %mul3A_1041 = arith.mulf %gather3A_164, %bitcast_convert_type3A_1038 : vector<16xf32>
        %add3A_1042 = arith.addf %add3A_1024, %mul3A_1041 : vector<16xf32>
        %mul3A_1043 = arith.mulf %gather3A_164, %bitcast_convert_type3A_1040 : vector<16xf32>
        %add3A_1044 = arith.addf %add3A_1026, %mul3A_1043 : vector<16xf32>
        %mul3A_1045 = arith.constant 16 : i32
        %mul3A_1046 = arith.muli %scan3A_99, %mul3A_1045 : i32
        %add3A_1047 = arith.constant 15 : i32
        %add3A_1048 = arith.addi %mul3A_1046, %add3A_1047 : i32
        %get3A_1049 = arith.index_cast %add3A_1048 : i32 to index
        %get3A_1050 = arith.constant 32 : index
        %get3A_1051 = tpu.vector_load %arg8[%get3A_1049, %get3A_1050] {strides = array<i32>} : memref<128x128xi32, #tpu.memory_space<vmem>>, vector<1x16xi32>,
        %get3A_1052 = vector.shape_cast %get3A_1051 : vector<1x16xi32> to vector<16xi32>
        %shift_left3A_1053 = arith.constant 16 : i32
        %shift_left3A_1054 = vector.broadcast %shift_left3A_1053 : i32 to vector<16xi32>
        %shift_left3A_1055 = arith.shli %get3A_1052, %shift_left3A_1054 : vector<16xi32>
        %bitcast_convert_type3A_1056 = tpu.bitcast %shift_left3A_1055 : vector<16xi32> -> vector<16xf32>
        %and3A_1057 = arith.andi %get3A_1052, %broadcast_in_dim3A_170 : vector<16xi32>
        %bitcast_convert_type3A_1058 = tpu.bitcast %and3A_1057 : vector<16xi32> -> vector<16xf32>
        %mul3A_1059 = arith.mulf %gather3A_168, %bitcast_convert_type3A_1056 : vector<16xf32>
        %add3A_1060 = arith.addf %add3A_1042, %mul3A_1059 : vector<16xf32>
        %mul3A_1061 = arith.mulf %gather3A_168, %bitcast_convert_type3A_1058 : vector<16xf32>
        %add3A_1062 = arith.addf %add3A_1044, %mul3A_1061 : vector<16xf32>
        %swap3A_1063 = arith.index_cast %scan3A_99 : i32 to index
        %swap3A_1064 = arith.constant 32 : index
        %swap3A_1065 = tpu.vector_load %arg10[%swap3A_1063, %swap3A_1064] {strides = array<i32>} : memref<8x256xf32, #tpu.memory_space<vmem>>, vector<1x16xf32>,
        %swap3A_1066 = vector.shape_cast %swap3A_1065 : vector<1x16xf32> to vector<16xf32>
        %swap3A_1067 = vector.shape_cast %add3A_1060 : vector<16xf32> to vector<1x16xf32>
        tpu.vector_store %arg10[%swap3A_1063, %swap3A_1064], %swap3A_1067 {strides = array<i32>} : memref<8x256xf32, #tpu.memory_space<vmem>>, vector<1x16xf32>,
        %swap3A_1068 = arith.index_cast %scan3A_99 : i32 to index
        %swap3A_1069 = arith.constant 160 : index
        %swap3A_1070 = tpu.vector_load %arg10[%swap3A_1068, %swap3A_1069] {strides = array<i32>} : memref<8x256xf32, #tpu.memory_space<vmem>>, vector<1x16xf32>,
        %swap3A_1071 = vector.shape_cast %swap3A_1070 : vector<1x16xf32> to vector<16xf32>
        %swap3A_1072 = vector.shape_cast %add3A_1062 : vector<16xf32> to vector<1x16xf32>
        tpu.vector_store %arg10[%swap3A_1068, %swap3A_1069], %swap3A_1072 {strides = array<i32>} : memref<8x256xf32, #tpu.memory_space<vmem>>, vector<1x16xf32>,
        %broadcast_in_dim3A_1073 = arith.constant 0.000000e+00 : f32
        %broadcast_in_dim3A_1074 = vector.broadcast %broadcast_in_dim3A_1073 : f32 to vector<16xf32>
        %broadcast_in_dim3A_1075 = arith.constant 0.000000e+00 : f32
        %broadcast_in_dim3A_1076 = vector.broadcast %broadcast_in_dim3A_1075 : f32 to vector<16xf32>
        %mul3A_1077 = arith.constant 16 : i32
        %mul3A_1078 = arith.muli %scan3A_99, %mul3A_1077 : i32
        %add3A_1079 = arith.constant 0 : i32
        %add3A_1080 = arith.addi %mul3A_1078, %add3A_1079 : i32
        %get3A_1081 = arith.index_cast %add3A_1080 : i32 to index
        %get3A_1082 = arith.constant 48 : index
        %get3A_1083 = tpu.vector_load %arg8[%get3A_1081, %get3A_1082] {strides = array<i32>} : memref<128x128xi32, #tpu.memory_space<vmem>>, vector<1x16xi32>,
        %get3A_1084 = vector.shape_cast %get3A_1083 : vector<1x16xi32> to vector<16xi32>
        %shift_left3A_1085 = arith.constant 16 : i32
        %shift_left3A_1086 = vector.broadcast %shift_left3A_1085 : i32 to vector<16xi32>
        %shift_left3A_1087 = arith.shli %get3A_1084, %shift_left3A_1086 : vector<16xi32>
        %bitcast_convert_type3A_1088 = tpu.bitcast %shift_left3A_1087 : vector<16xi32> -> vector<16xf32>
        %and3A_1089 = arith.andi %get3A_1084, %broadcast_in_dim3A_170 : vector<16xi32>
        %bitcast_convert_type3A_1090 = tpu.bitcast %and3A_1089 : vector<16xi32> -> vector<16xf32>
        %mul3A_1091 = arith.mulf %gather3A_108, %bitcast_convert_type3A_1088 : vector<16xf32>
        %add3A_1092 = arith.addf %broadcast_in_dim3A_1074, %mul3A_1091 : vector<16xf32>
        %mul3A_1093 = arith.mulf %gather3A_108, %bitcast_convert_type3A_1090 : vector<16xf32>
        %add3A_1094 = arith.addf %broadcast_in_dim3A_1076, %mul3A_1093 : vector<16xf32>
        %mul3A_1095 = arith.constant 16 : i32
        %mul3A_1096 = arith.muli %scan3A_99, %mul3A_1095 : i32
        %add3A_1097 = arith.constant 1 : i32
        %add3A_1098 = arith.addi %mul3A_1096, %add3A_1097 : i32
        %get3A_1099 = arith.index_cast %add3A_1098 : i32 to index
        %get3A_1100 = arith.constant 48 : index
        %get3A_1101 = tpu.vector_load %arg8[%get3A_1099, %get3A_1100] {strides = array<i32>} : memref<128x128xi32, #tpu.memory_space<vmem>>, vector<1x16xi32>,
        %get3A_1102 = vector.shape_cast %get3A_1101 : vector<1x16xi32> to vector<16xi32>
        %shift_left3A_1103 = arith.constant 16 : i32
        %shift_left3A_1104 = vector.broadcast %shift_left3A_1103 : i32 to vector<16xi32>
        %shift_left3A_1105 = arith.shli %get3A_1102, %shift_left3A_1104 : vector<16xi32>
        %bitcast_convert_type3A_1106 = tpu.bitcast %shift_left3A_1105 : vector<16xi32> -> vector<16xf32>
        %and3A_1107 = arith.andi %get3A_1102, %broadcast_in_dim3A_170 : vector<16xi32>
        %bitcast_convert_type3A_1108 = tpu.bitcast %and3A_1107 : vector<16xi32> -> vector<16xf32>
        %mul3A_1109 = arith.mulf %gather3A_112, %bitcast_convert_type3A_1106 : vector<16xf32>
        %add3A_1110 = arith.addf %add3A_1092, %mul3A_1109 : vector<16xf32>
        %mul3A_1111 = arith.mulf %gather3A_112, %bitcast_convert_type3A_1108 : vector<16xf32>
        %add3A_1112 = arith.addf %add3A_1094, %mul3A_1111 : vector<16xf32>
        %mul3A_1113 = arith.constant 16 : i32
        %mul3A_1114 = arith.muli %scan3A_99, %mul3A_1113 : i32
        %add3A_1115 = arith.constant 2 : i32
        %add3A_1116 = arith.addi %mul3A_1114, %add3A_1115 : i32
        %get3A_1117 = arith.index_cast %add3A_1116 : i32 to index
        %get3A_1118 = arith.constant 48 : index
        %get3A_1119 = tpu.vector_load %arg8[%get3A_1117, %get3A_1118] {strides = array<i32>} : memref<128x128xi32, #tpu.memory_space<vmem>>, vector<1x16xi32>,
        %get3A_1120 = vector.shape_cast %get3A_1119 : vector<1x16xi32> to vector<16xi32>
        %shift_left3A_1121 = arith.constant 16 : i32
        %shift_left3A_1122 = vector.broadcast %shift_left3A_1121 : i32 to vector<16xi32>
        %shift_left3A_1123 = arith.shli %get3A_1120, %shift_left3A_1122 : vector<16xi32>
        %bitcast_convert_type3A_1124 = tpu.bitcast %shift_left3A_1123 : vector<16xi32> -> vector<16xf32>
        %and3A_1125 = arith.andi %get3A_1120, %broadcast_in_dim3A_170 : vector<16xi32>
        %bitcast_convert_type3A_1126 = tpu.bitcast %and3A_1125 : vector<16xi32> -> vector<16xf32>
        %mul3A_1127 = arith.mulf %gather3A_116, %bitcast_convert_type3A_1124 : vector<16xf32>
        %add3A_1128 = arith.addf %add3A_1110, %mul3A_1127 : vector<16xf32>
        %mul3A_1129 = arith.mulf %gather3A_116, %bitcast_convert_type3A_1126 : vector<16xf32>
        %add3A_1130 = arith.addf %add3A_1112, %mul3A_1129 : vector<16xf32>
        %mul3A_1131 = arith.constant 16 : i32
        %mul3A_1132 = arith.muli %scan3A_99, %mul3A_1131 : i32
        %add3A_1133 = arith.constant 3 : i32
        %add3A_1134 = arith.addi %mul3A_1132, %add3A_1133 : i32
        %get3A_1135 = arith.index_cast %add3A_1134 : i32 to index
        %get3A_1136 = arith.constant 48 : index
        %get3A_1137 = tpu.vector_load %arg8[%get3A_1135, %get3A_1136] {strides = array<i32>} : memref<128x128xi32, #tpu.memory_space<vmem>>, vector<1x16xi32>,
        %get3A_1138 = vector.shape_cast %get3A_1137 : vector<1x16xi32> to vector<16xi32>
        %shift_left3A_1139 = arith.constant 16 : i32
        %shift_left3A_1140 = vector.broadcast %shift_left3A_1139 : i32 to vector<16xi32>
        %shift_left3A_1141 = arith.shli %get3A_1138, %shift_left3A_1140 : vector<16xi32>
        %bitcast_convert_type3A_1142 = tpu.bitcast %shift_left3A_1141 : vector<16xi32> -> vector<16xf32>
        %and3A_1143 = arith.andi %get3A_1138, %broadcast_in_dim3A_170 : vector<16xi32>
        %bitcast_convert_type3A_1144 = tpu.bitcast %and3A_1143 : vector<16xi32> -> vector<16xf32>
        %mul3A_1145 = arith.mulf %gather3A_120, %bitcast_convert_type3A_1142 : vector<16xf32>
        %add3A_1146 = arith.addf %add3A_1128, %mul3A_1145 : vector<16xf32>
        %mul3A_1147 = arith.mulf %gather3A_120, %bitcast_convert_type3A_1144 : vector<16xf32>
        %add3A_1148 = arith.addf %add3A_1130, %mul3A_1147 : vector<16xf32>
        %mul3A_1149 = arith.constant 16 : i32
        %mul3A_1150 = arith.muli %scan3A_99, %mul3A_1149 : i32
        %add3A_1151 = arith.constant 4 : i32
        %add3A_1152 = arith.addi %mul3A_1150, %add3A_1151 : i32
        %get3A_1153 = arith.index_cast %add3A_1152 : i32 to index
        %get3A_1154 = arith.constant 48 : index
        %get3A_1155 = tpu.vector_load %arg8[%get3A_1153, %get3A_1154] {strides = array<i32>} : memref<128x128xi32, #tpu.memory_space<vmem>>, vector<1x16xi32>,
        %get3A_1156 = vector.shape_cast %get3A_1155 : vector<1x16xi32> to vector<16xi32>
        %shift_left3A_1157 = arith.constant 16 : i32
        %shift_left3A_1158 = vector.broadcast %shift_left3A_1157 : i32 to vector<16xi32>
        %shift_left3A_1159 = arith.shli %get3A_1156, %shift_left3A_1158 : vector<16xi32>
        %bitcast_convert_type3A_1160 = tpu.bitcast %shift_left3A_1159 : vector<16xi32> -> vector<16xf32>
        %and3A_1161 = arith.andi %get3A_1156, %broadcast_in_dim3A_170 : vector<16xi32>
        %bitcast_convert_type3A_1162 = tpu.bitcast %and3A_1161 : vector<16xi32> -> vector<16xf32>
        %mul3A_1163 = arith.mulf %gather3A_124, %bitcast_convert_type3A_1160 : vector<16xf32>
        %add3A_1164 = arith.addf %add3A_1146, %mul3A_1163 : vector<16xf32>
        %mul3A_1165 = arith.mulf %gather3A_124, %bitcast_convert_type3A_1162 : vector<16xf32>
        %add3A_1166 = arith.addf %add3A_1148, %mul3A_1165 : vector<16xf32>
        %mul3A_1167 = arith.constant 16 : i32
        %mul3A_1168 = arith.muli %scan3A_99, %mul3A_1167 : i32
        %add3A_1169 = arith.constant 5 : i32
        %add3A_1170 = arith.addi %mul3A_1168, %add3A_1169 : i32
        %get3A_1171 = arith.index_cast %add3A_1170 : i32 to index
        %get3A_1172 = arith.constant 48 : index
        %get3A_1173 = tpu.vector_load %arg8[%get3A_1171, %get3A_1172] {strides = array<i32>} : memref<128x128xi32, #tpu.memory_space<vmem>>, vector<1x16xi32>,
        %get3A_1174 = vector.shape_cast %get3A_1173 : vector<1x16xi32> to vector<16xi32>
        %shift_left3A_1175 = arith.constant 16 : i32
        %shift_left3A_1176 = vector.broadcast %shift_left3A_1175 : i32 to vector<16xi32>
        %shift_left3A_1177 = arith.shli %get3A_1174, %shift_left3A_1176 : vector<16xi32>
        %bitcast_convert_type3A_1178 = tpu.bitcast %shift_left3A_1177 : vector<16xi32> -> vector<16xf32>
        %and3A_1179 = arith.andi %get3A_1174, %broadcast_in_dim3A_170 : vector<16xi32>
        %bitcast_convert_type3A_1180 = tpu.bitcast %and3A_1179 : vector<16xi32> -> vector<16xf32>
        %mul3A_1181 = arith.mulf %gather3A_128, %bitcast_convert_type3A_1178 : vector<16xf32>
        %add3A_1182 = arith.addf %add3A_1164, %mul3A_1181 : vector<16xf32>
        %mul3A_1183 = arith.mulf %gather3A_128, %bitcast_convert_type3A_1180 : vector<16xf32>
        %add3A_1184 = arith.addf %add3A_1166, %mul3A_1183 : vector<16xf32>
        %mul3A_1185 = arith.constant 16 : i32
        %mul3A_1186 = arith.muli %scan3A_99, %mul3A_1185 : i32
        %add3A_1187 = arith.constant 6 : i32
        %add3A_1188 = arith.addi %mul3A_1186, %add3A_1187 : i32
        %get3A_1189 = arith.index_cast %add3A_1188 : i32 to index
        %get3A_1190 = arith.constant 48 : index
        %get3A_1191 = tpu.vector_load %arg8[%get3A_1189, %get3A_1190] {strides = array<i32>} : memref<128x128xi32, #tpu.memory_space<vmem>>, vector<1x16xi32>,
        %get3A_1192 = vector.shape_cast %get3A_1191 : vector<1x16xi32> to vector<16xi32>
        %shift_left3A_1193 = arith.constant 16 : i32
        %shift_left3A_1194 = vector.broadcast %shift_left3A_1193 : i32 to vector<16xi32>
        %shift_left3A_1195 = arith.shli %get3A_1192, %shift_left3A_1194 : vector<16xi32>
        %bitcast_convert_type3A_1196 = tpu.bitcast %shift_left3A_1195 : vector<16xi32> -> vector<16xf32>
        %and3A_1197 = arith.andi %get3A_1192, %broadcast_in_dim3A_170 : vector<16xi32>
        %bitcast_convert_type3A_1198 = tpu.bitcast %and3A_1197 : vector<16xi32> -> vector<16xf32>
        %mul3A_1199 = arith.mulf %gather3A_132, %bitcast_convert_type3A_1196 : vector<16xf32>
        %add3A_1200 = arith.addf %add3A_1182, %mul3A_1199 : vector<16xf32>
        %mul3A_1201 = arith.mulf %gather3A_132, %bitcast_convert_type3A_1198 : vector<16xf32>
        %add3A_1202 = arith.addf %add3A_1184, %mul3A_1201 : vector<16xf32>
        %mul3A_1203 = arith.constant 16 : i32
        %mul3A_1204 = arith.muli %scan3A_99, %mul3A_1203 : i32
        %add3A_1205 = arith.constant 7 : i32
        %add3A_1206 = arith.addi %mul3A_1204, %add3A_1205 : i32
        %get3A_1207 = arith.index_cast %add3A_1206 : i32 to index
        %get3A_1208 = arith.constant 48 : index
        %get3A_1209 = tpu.vector_load %arg8[%get3A_1207, %get3A_1208] {strides = array<i32>} : memref<128x128xi32, #tpu.memory_space<vmem>>, vector<1x16xi32>,
        %get3A_1210 = vector.shape_cast %get3A_1209 : vector<1x16xi32> to vector<16xi32>
        %shift_left3A_1211 = arith.constant 16 : i32
        %shift_left3A_1212 = vector.broadcast %shift_left3A_1211 : i32 to vector<16xi32>
        %shift_left3A_1213 = arith.shli %get3A_1210, %shift_left3A_1212 : vector<16xi32>
        %bitcast_convert_type3A_1214 = tpu.bitcast %shift_left3A_1213 : vector<16xi32> -> vector<16xf32>
        %and3A_1215 = arith.andi %get3A_1210, %broadcast_in_dim3A_170 : vector<16xi32>
        %bitcast_convert_type3A_1216 = tpu.bitcast %and3A_1215 : vector<16xi32> -> vector<16xf32>
        %mul3A_1217 = arith.mulf %gather3A_136, %bitcast_convert_type3A_1214 : vector<16xf32>
        %add3A_1218 = arith.addf %add3A_1200, %mul3A_1217 : vector<16xf32>
        %mul3A_1219 = arith.mulf %gather3A_136, %bitcast_convert_type3A_1216 : vector<16xf32>
        %add3A_1220 = arith.addf %add3A_1202, %mul3A_1219 : vector<16xf32>
        %mul3A_1221 = arith.constant 16 : i32
        %mul3A_1222 = arith.muli %scan3A_99, %mul3A_1221 : i32
        %add3A_1223 = arith.constant 8 : i32
        %add3A_1224 = arith.addi %mul3A_1222, %add3A_1223 : i32
        %get3A_1225 = arith.index_cast %add3A_1224 : i32 to index
        %get3A_1226 = arith.constant 48 : index
        %get3A_1227 = tpu.vector_load %arg8[%get3A_1225, %get3A_1226] {strides = array<i32>} : memref<128x128xi32, #tpu.memory_space<vmem>>, vector<1x16xi32>,
        %get3A_1228 = vector.shape_cast %get3A_1227 : vector<1x16xi32> to vector<16xi32>
        %shift_left3A_1229 = arith.constant 16 : i32
        %shift_left3A_1230 = vector.broadcast %shift_left3A_1229 : i32 to vector<16xi32>
        %shift_left3A_1231 = arith.shli %get3A_1228, %shift_left3A_1230 : vector<16xi32>
        %bitcast_convert_type3A_1232 = tpu.bitcast %shift_left3A_1231 : vector<16xi32> -> vector<16xf32>
        %and3A_1233 = arith.andi %get3A_1228, %broadcast_in_dim3A_170 : vector<16xi32>
        %bitcast_convert_type3A_1234 = tpu.bitcast %and3A_1233 : vector<16xi32> -> vector<16xf32>
        %mul3A_1235 = arith.mulf %gather3A_140, %bitcast_convert_type3A_1232 : vector<16xf32>
        %add3A_1236 = arith.addf %add3A_1218, %mul3A_1235 : vector<16xf32>
        %mul3A_1237 = arith.mulf %gather3A_140, %bitcast_convert_type3A_1234 : vector<16xf32>
        %add3A_1238 = arith.addf %add3A_1220, %mul3A_1237 : vector<16xf32>
        %mul3A_1239 = arith.constant 16 : i32
        %mul3A_1240 = arith.muli %scan3A_99, %mul3A_1239 : i32
        %add3A_1241 = arith.constant 9 : i32
        %add3A_1242 = arith.addi %mul3A_1240, %add3A_1241 : i32
        %get3A_1243 = arith.index_cast %add3A_1242 : i32 to index
        %get3A_1244 = arith.constant 48 : index
        %get3A_1245 = tpu.vector_load %arg8[%get3A_1243, %get3A_1244] {strides = array<i32>} : memref<128x128xi32, #tpu.memory_space<vmem>>, vector<1x16xi32>,
        %get3A_1246 = vector.shape_cast %get3A_1245 : vector<1x16xi32> to vector<16xi32>
        %shift_left3A_1247 = arith.constant 16 : i32
        %shift_left3A_1248 = vector.broadcast %shift_left3A_1247 : i32 to vector<16xi32>
        %shift_left3A_1249 = arith.shli %get3A_1246, %shift_left3A_1248 : vector<16xi32>
        %bitcast_convert_type3A_1250 = tpu.bitcast %shift_left3A_1249 : vector<16xi32> -> vector<16xf32>
        %and3A_1251 = arith.andi %get3A_1246, %broadcast_in_dim3A_170 : vector<16xi32>
        %bitcast_convert_type3A_1252 = tpu.bitcast %and3A_1251 : vector<16xi32> -> vector<16xf32>
        %mul3A_1253 = arith.mulf %gather3A_144, %bitcast_convert_type3A_1250 : vector<16xf32>
        %add3A_1254 = arith.addf %add3A_1236, %mul3A_1253 : vector<16xf32>
        %mul3A_1255 = arith.mulf %gather3A_144, %bitcast_convert_type3A_1252 : vector<16xf32>
        %add3A_1256 = arith.addf %add3A_1238, %mul3A_1255 : vector<16xf32>
        %mul3A_1257 = arith.constant 16 : i32
        %mul3A_1258 = arith.muli %scan3A_99, %mul3A_1257 : i32
        %add3A_1259 = arith.constant 10 : i32
        %add3A_1260 = arith.addi %mul3A_1258, %add3A_1259 : i32
        %get3A_1261 = arith.index_cast %add3A_1260 : i32 to index
        %get3A_1262 = arith.constant 48 : index
        %get3A_1263 = tpu.vector_load %arg8[%get3A_1261, %get3A_1262] {strides = array<i32>} : memref<128x128xi32, #tpu.memory_space<vmem>>, vector<1x16xi32>,
        %get3A_1264 = vector.shape_cast %get3A_1263 : vector<1x16xi32> to vector<16xi32>
        %shift_left3A_1265 = arith.constant 16 : i32
        %shift_left3A_1266 = vector.broadcast %shift_left3A_1265 : i32 to vector<16xi32>
        %shift_left3A_1267 = arith.shli %get3A_1264, %shift_left3A_1266 : vector<16xi32>
        %bitcast_convert_type3A_1268 = tpu.bitcast %shift_left3A_1267 : vector<16xi32> -> vector<16xf32>
        %and3A_1269 = arith.andi %get3A_1264, %broadcast_in_dim3A_170 : vector<16xi32>
        %bitcast_convert_type3A_1270 = tpu.bitcast %and3A_1269 : vector<16xi32> -> vector<16xf32>
        %mul3A_1271 = arith.mulf %gather3A_148, %bitcast_convert_type3A_1268 : vector<16xf32>
        %add3A_1272 = arith.addf %add3A_1254, %mul3A_1271 : vector<16xf32>
        %mul3A_1273 = arith.mulf %gather3A_148, %bitcast_convert_type3A_1270 : vector<16xf32>
        %add3A_1274 = arith.addf %add3A_1256, %mul3A_1273 : vector<16xf32>
        %mul3A_1275 = arith.constant 16 : i32
        %mul3A_1276 = arith.muli %scan3A_99, %mul3A_1275 : i32
        %add3A_1277 = arith.constant 11 : i32
        %add3A_1278 = arith.addi %mul3A_1276, %add3A_1277 : i32
        %get3A_1279 = arith.index_cast %add3A_1278 : i32 to index
        %get3A_1280 = arith.constant 48 : index
        %get3A_1281 = tpu.vector_load %arg8[%get3A_1279, %get3A_1280] {strides = array<i32>} : memref<128x128xi32, #tpu.memory_space<vmem>>, vector<1x16xi32>,
        %get3A_1282 = vector.shape_cast %get3A_1281 : vector<1x16xi32> to vector<16xi32>
        %shift_left3A_1283 = arith.constant 16 : i32
        %shift_left3A_1284 = vector.broadcast %shift_left3A_1283 : i32 to vector<16xi32>
        %shift_left3A_1285 = arith.shli %get3A_1282, %shift_left3A_1284 : vector<16xi32>
        %bitcast_convert_type3A_1286 = tpu.bitcast %shift_left3A_1285 : vector<16xi32> -> vector<16xf32>
        %and3A_1287 = arith.andi %get3A_1282, %broadcast_in_dim3A_170 : vector<16xi32>
        %bitcast_convert_type3A_1288 = tpu.bitcast %and3A_1287 : vector<16xi32> -> vector<16xf32>
        %mul3A_1289 = arith.mulf %gather3A_152, %bitcast_convert_type3A_1286 : vector<16xf32>
        %add3A_1290 = arith.addf %add3A_1272, %mul3A_1289 : vector<16xf32>
        %mul3A_1291 = arith.mulf %gather3A_152, %bitcast_convert_type3A_1288 : vector<16xf32>
        %add3A_1292 = arith.addf %add3A_1274, %mul3A_1291 : vector<16xf32>
        %mul3A_1293 = arith.constant 16 : i32
        %mul3A_1294 = arith.muli %scan3A_99, %mul3A_1293 : i32
        %add3A_1295 = arith.constant 12 : i32
        %add3A_1296 = arith.addi %mul3A_1294, %add3A_1295 : i32
        %get3A_1297 = arith.index_cast %add3A_1296 : i32 to index
        %get3A_1298 = arith.constant 48 : index
        %get3A_1299 = tpu.vector_load %arg8[%get3A_1297, %get3A_1298] {strides = array<i32>} : memref<128x128xi32, #tpu.memory_space<vmem>>, vector<1x16xi32>,
        %get3A_1300 = vector.shape_cast %get3A_1299 : vector<1x16xi32> to vector<16xi32>
        %shift_left3A_1301 = arith.constant 16 : i32
        %shift_left3A_1302 = vector.broadcast %shift_left3A_1301 : i32 to vector<16xi32>
        %shift_left3A_1303 = arith.shli %get3A_1300, %shift_left3A_1302 : vector<16xi32>
        %bitcast_convert_type3A_1304 = tpu.bitcast %shift_left3A_1303 : vector<16xi32> -> vector<16xf32>
        %and3A_1305 = arith.andi %get3A_1300, %broadcast_in_dim3A_170 : vector<16xi32>
        %bitcast_convert_type3A_1306 = tpu.bitcast %and3A_1305 : vector<16xi32> -> vector<16xf32>
        %mul3A_1307 = arith.mulf %gather3A_156, %bitcast_convert_type3A_1304 : vector<16xf32>
        %add3A_1308 = arith.addf %add3A_1290, %mul3A_1307 : vector<16xf32>
        %mul3A_1309 = arith.mulf %gather3A_156, %bitcast_convert_type3A_1306 : vector<16xf32>
        %add3A_1310 = arith.addf %add3A_1292, %mul3A_1309 : vector<16xf32>
        %mul3A_1311 = arith.constant 16 : i32
        %mul3A_1312 = arith.muli %scan3A_99, %mul3A_1311 : i32
        %add3A_1313 = arith.constant 13 : i32
        %add3A_1314 = arith.addi %mul3A_1312, %add3A_1313 : i32
        %get3A_1315 = arith.index_cast %add3A_1314 : i32 to index
        %get3A_1316 = arith.constant 48 : index
        %get3A_1317 = tpu.vector_load %arg8[%get3A_1315, %get3A_1316] {strides = array<i32>} : memref<128x128xi32, #tpu.memory_space<vmem>>, vector<1x16xi32>,
        %get3A_1318 = vector.shape_cast %get3A_1317 : vector<1x16xi32> to vector<16xi32>
        %shift_left3A_1319 = arith.constant 16 : i32
        %shift_left3A_1320 = vector.broadcast %shift_left3A_1319 : i32 to vector<16xi32>
        %shift_left3A_1321 = arith.shli %get3A_1318, %shift_left3A_1320 : vector<16xi32>
        %bitcast_convert_type3A_1322 = tpu.bitcast %shift_left3A_1321 : vector<16xi32> -> vector<16xf32>
        %and3A_1323 = arith.andi %get3A_1318, %broadcast_in_dim3A_170 : vector<16xi32>
        %bitcast_convert_type3A_1324 = tpu.bitcast %and3A_1323 : vector<16xi32> -> vector<16xf32>
        %mul3A_1325 = arith.mulf %gather3A_160, %bitcast_convert_type3A_1322 : vector<16xf32>
        %add3A_1326 = arith.addf %add3A_1308, %mul3A_1325 : vector<16xf32>
        %mul3A_1327 = arith.mulf %gather3A_160, %bitcast_convert_type3A_1324 : vector<16xf32>
        %add3A_1328 = arith.addf %add3A_1310, %mul3A_1327 : vector<16xf32>
        %mul3A_1329 = arith.constant 16 : i32
        %mul3A_1330 = arith.muli %scan3A_99, %mul3A_1329 : i32
        %add3A_1331 = arith.constant 14 : i32
        %add3A_1332 = arith.addi %mul3A_1330, %add3A_1331 : i32
        %get3A_1333 = arith.index_cast %add3A_1332 : i32 to index
        %get3A_1334 = arith.constant 48 : index
        %get3A_1335 = tpu.vector_load %arg8[%get3A_1333, %get3A_1334] {strides = array<i32>} : memref<128x128xi32, #tpu.memory_space<vmem>>, vector<1x16xi32>,
        %get3A_1336 = vector.shape_cast %get3A_1335 : vector<1x16xi32> to vector<16xi32>
        %shift_left3A_1337 = arith.constant 16 : i32
        %shift_left3A_1338 = vector.broadcast %shift_left3A_1337 : i32 to vector<16xi32>
        %shift_left3A_1339 = arith.shli %get3A_1336, %shift_left3A_1338 : vector<16xi32>
        %bitcast_convert_type3A_1340 = tpu.bitcast %shift_left3A_1339 : vector<16xi32> -> vector<16xf32>
        %and3A_1341 = arith.andi %get3A_1336, %broadcast_in_dim3A_170 : vector<16xi32>
        %bitcast_convert_type3A_1342 = tpu.bitcast %and3A_1341 : vector<16xi32> -> vector<16xf32>
        %mul3A_1343 = arith.mulf %gather3A_164, %bitcast_convert_type3A_1340 : vector<16xf32>
        %add3A_1344 = arith.addf %add3A_1326, %mul3A_1343 : vector<16xf32>
        %mul3A_1345 = arith.mulf %gather3A_164, %bitcast_convert_type3A_1342 : vector<16xf32>
        %add3A_1346 = arith.addf %add3A_1328, %mul3A_1345 : vector<16xf32>
        %mul3A_1347 = arith.constant 16 : i32
        %mul3A_1348 = arith.muli %scan3A_99, %mul3A_1347 : i32
        %add3A_1349 = arith.constant 15 : i32
        %add3A_1350 = arith.addi %mul3A_1348, %add3A_1349 : i32
        %get3A_1351 = arith.index_cast %add3A_1350 : i32 to index
        %get3A_1352 = arith.constant 48 : index
        %get3A_1353 = tpu.vector_load %arg8[%get3A_1351, %get3A_1352] {strides = array<i32>} : memref<128x128xi32, #tpu.memory_space<vmem>>, vector<1x16xi32>,
        %get3A_1354 = vector.shape_cast %get3A_1353 : vector<1x16xi32> to vector<16xi32>
        %shift_left3A_1355 = arith.constant 16 : i32
        %shift_left3A_1356 = vector.broadcast %shift_left3A_1355 : i32 to vector<16xi32>
        %shift_left3A_1357 = arith.shli %get3A_1354, %shift_left3A_1356 : vector<16xi32>
        %bitcast_convert_type3A_1358 = tpu.bitcast %shift_left3A_1357 : vector<16xi32> -> vector<16xf32>
        %and3A_1359 = arith.andi %get3A_1354, %broadcast_in_dim3A_170 : vector<16xi32>
        %bitcast_convert_type3A_1360 = tpu.bitcast %and3A_1359 : vector<16xi32> -> vector<16xf32>
        %mul3A_1361 = arith.mulf %gather3A_168, %bitcast_convert_type3A_1358 : vector<16xf32>
        %add3A_1362 = arith.addf %add3A_1344, %mul3A_1361 : vector<16xf32>
        %mul3A_1363 = arith.mulf %gather3A_168, %bitcast_convert_type3A_1360 : vector<16xf32>
        %add3A_1364 = arith.addf %add3A_1346, %mul3A_1363 : vector<16xf32>
        %swap3A_1365 = arith.index_cast %scan3A_99 : i32 to index
        %swap3A_1366 = arith.constant 48 : index
        %swap3A_1367 = tpu.vector_load %arg10[%swap3A_1365, %swap3A_1366] {strides = array<i32>} : memref<8x256xf32, #tpu.memory_space<vmem>>, vector<1x16xf32>,
        %swap3A_1368 = vector.shape_cast %swap3A_1367 : vector<1x16xf32> to vector<16xf32>
        %swap3A_1369 = vector.shape_cast %add3A_1362 : vector<16xf32> to vector<1x16xf32>
        tpu.vector_store %arg10[%swap3A_1365, %swap3A_1366], %swap3A_1369 {strides = array<i32>} : memref<8x256xf32, #tpu.memory_space<vmem>>, vector<1x16xf32>,
        %swap3A_1370 = arith.index_cast %scan3A_99 : i32 to index
        %swap3A_1371 = arith.constant 176 : index
        %swap3A_1372 = tpu.vector_load %arg10[%swap3A_1370, %swap3A_1371] {strides = array<i32>} : memref<8x256xf32, #tpu.memory_space<vmem>>, vector<1x16xf32>,
        %swap3A_1373 = vector.shape_cast %swap3A_1372 : vector<1x16xf32> to vector<16xf32>
        %swap3A_1374 = vector.shape_cast %add3A_1364 : vector<16xf32> to vector<1x16xf32>
        tpu.vector_store %arg10[%swap3A_1370, %swap3A_1371], %swap3A_1374 {strides = array<i32>} : memref<8x256xf32, #tpu.memory_space<vmem>>, vector<1x16xf32>,
        %broadcast_in_dim3A_1375 = arith.constant 0.000000e+00 : f32
        %broadcast_in_dim3A_1376 = vector.broadcast %broadcast_in_dim3A_1375 : f32 to vector<16xf32>
        %broadcast_in_dim3A_1377 = arith.constant 0.000000e+00 : f32
        %broadcast_in_dim3A_1378 = vector.broadcast %broadcast_in_dim3A_1377 : f32 to vector<16xf32>
        %mul3A_1379 = arith.constant 16 : i32
        %mul3A_1380 = arith.muli %scan3A_99, %mul3A_1379 : i32
        %add3A_1381 = arith.constant 0 : i32
        %add3A_1382 = arith.addi %mul3A_1380, %add3A_1381 : i32
        %get3A_1383 = arith.index_cast %add3A_1382 : i32 to index
        %get3A_1384 = arith.constant 64 : index
        %get3A_1385 = tpu.vector_load %arg8[%get3A_1383, %get3A_1384] {strides = array<i32>} : memref<128x128xi32, #tpu.memory_space<vmem>>, vector<1x16xi32>,
        %get3A_1386 = vector.shape_cast %get3A_1385 : vector<1x16xi32> to vector<16xi32>
        %shift_left3A_1387 = arith.constant 16 : i32
        %shift_left3A_1388 = vector.broadcast %shift_left3A_1387 : i32 to vector<16xi32>
        %shift_left3A_1389 = arith.shli %get3A_1386, %shift_left3A_1388 : vector<16xi32>
        %bitcast_convert_type3A_1390 = tpu.bitcast %shift_left3A_1389 : vector<16xi32> -> vector<16xf32>
        %and3A_1391 = arith.andi %get3A_1386, %broadcast_in_dim3A_170 : vector<16xi32>
        %bitcast_convert_type3A_1392 = tpu.bitcast %and3A_1391 : vector<16xi32> -> vector<16xf32>
        %mul3A_1393 = arith.mulf %gather3A_108, %bitcast_convert_type3A_1390 : vector<16xf32>
        %add3A_1394 = arith.addf %broadcast_in_dim3A_1376, %mul3A_1393 : vector<16xf32>
        %mul3A_1395 = arith.mulf %gather3A_108, %bitcast_convert_type3A_1392 : vector<16xf32>
        %add3A_1396 = arith.addf %broadcast_in_dim3A_1378, %mul3A_1395 : vector<16xf32>
        %mul3A_1397 = arith.constant 16 : i32
        %mul3A_1398 = arith.muli %scan3A_99, %mul3A_1397 : i32
        %add3A_1399 = arith.constant 1 : i32
        %add3A_1400 = arith.addi %mul3A_1398, %add3A_1399 : i32
        %get3A_1401 = arith.index_cast %add3A_1400 : i32 to index
        %get3A_1402 = arith.constant 64 : index
        %get3A_1403 = tpu.vector_load %arg8[%get3A_1401, %get3A_1402] {strides = array<i32>} : memref<128x128xi32, #tpu.memory_space<vmem>>, vector<1x16xi32>,
        %get3A_1404 = vector.shape_cast %get3A_1403 : vector<1x16xi32> to vector<16xi32>
        %shift_left3A_1405 = arith.constant 16 : i32
        %shift_left3A_1406 = vector.broadcast %shift_left3A_1405 : i32 to vector<16xi32>
        %shift_left3A_1407 = arith.shli %get3A_1404, %shift_left3A_1406 : vector<16xi32>
        %bitcast_convert_type3A_1408 = tpu.bitcast %shift_left3A_1407 : vector<16xi32> -> vector<16xf32>
        %and3A_1409 = arith.andi %get3A_1404, %broadcast_in_dim3A_170 : vector<16xi32>
        %bitcast_convert_type3A_1410 = tpu.bitcast %and3A_1409 : vector<16xi32> -> vector<16xf32>
        %mul3A_1411 = arith.mulf %gather3A_112, %bitcast_convert_type3A_1408 : vector<16xf32>
        %add3A_1412 = arith.addf %add3A_1394, %mul3A_1411 : vector<16xf32>
        %mul3A_1413 = arith.mulf %gather3A_112, %bitcast_convert_type3A_1410 : vector<16xf32>
        %add3A_1414 = arith.addf %add3A_1396, %mul3A_1413 : vector<16xf32>
        %mul3A_1415 = arith.constant 16 : i32
        %mul3A_1416 = arith.muli %scan3A_99, %mul3A_1415 : i32
        %add3A_1417 = arith.constant 2 : i32
        %add3A_1418 = arith.addi %mul3A_1416, %add3A_1417 : i32
        %get3A_1419 = arith.index_cast %add3A_1418 : i32 to index
        %get3A_1420 = arith.constant 64 : index
        %get3A_1421 = tpu.vector_load %arg8[%get3A_1419, %get3A_1420] {strides = array<i32>} : memref<128x128xi32, #tpu.memory_space<vmem>>, vector<1x16xi32>,
        %get3A_1422 = vector.shape_cast %get3A_1421 : vector<1x16xi32> to vector<16xi32>
        %shift_left3A_1423 = arith.constant 16 : i32
        %shift_left3A_1424 = vector.broadcast %shift_left3A_1423 : i32 to vector<16xi32>
        %shift_left3A_1425 = arith.shli %get3A_1422, %shift_left3A_1424 : vector<16xi32>
        %bitcast_convert_type3A_1426 = tpu.bitcast %shift_left3A_1425 : vector<16xi32> -> vector<16xf32>
        %and3A_1427 = arith.andi %get3A_1422, %broadcast_in_dim3A_170 : vector<16xi32>
        %bitcast_convert_type3A_1428 = tpu.bitcast %and3A_1427 : vector<16xi32> -> vector<16xf32>
        %mul3A_1429 = arith.mulf %gather3A_116, %bitcast_convert_type3A_1426 : vector<16xf32>
        %add3A_1430 = arith.addf %add3A_1412, %mul3A_1429 : vector<16xf32>
        %mul3A_1431 = arith.mulf %gather3A_116, %bitcast_convert_type3A_1428 : vector<16xf32>
        %add3A_1432 = arith.addf %add3A_1414, %mul3A_1431 : vector<16xf32>
        %mul3A_1433 = arith.constant 16 : i32
        %mul3A_1434 = arith.muli %scan3A_99, %mul3A_1433 : i32
        %add3A_1435 = arith.constant 3 : i32
        %add3A_1436 = arith.addi %mul3A_1434, %add3A_1435 : i32
        %get3A_1437 = arith.index_cast %add3A_1436 : i32 to index
        %get3A_1438 = arith.constant 64 : index
        %get3A_1439 = tpu.vector_load %arg8[%get3A_1437, %get3A_1438] {strides = array<i32>} : memref<128x128xi32, #tpu.memory_space<vmem>>, vector<1x16xi32>,
        %get3A_1440 = vector.shape_cast %get3A_1439 : vector<1x16xi32> to vector<16xi32>
        %shift_left3A_1441 = arith.constant 16 : i32
        %shift_left3A_1442 = vector.broadcast %shift_left3A_1441 : i32 to vector<16xi32>
        %shift_left3A_1443 = arith.shli %get3A_1440, %shift_left3A_1442 : vector<16xi32>
        %bitcast_convert_type3A_1444 = tpu.bitcast %shift_left3A_1443 : vector<16xi32> -> vector<16xf32>
        %and3A_1445 = arith.andi %get3A_1440, %broadcast_in_dim3A_170 : vector<16xi32>
        %bitcast_convert_type3A_1446 = tpu.bitcast %and3A_1445 : vector<16xi32> -> vector<16xf32>
        %mul3A_1447 = arith.mulf %gather3A_120, %bitcast_convert_type3A_1444 : vector<16xf32>
        %add3A_1448 = arith.addf %add3A_1430, %mul3A_1447 : vector<16xf32>
        %mul3A_1449 = arith.mulf %gather3A_120, %bitcast_convert_type3A_1446 : vector<16xf32>
        %add3A_1450 = arith.addf %add3A_1432, %mul3A_1449 : vector<16xf32>
        %mul3A_1451 = arith.constant 16 : i32
        %mul3A_1452 = arith.muli %scan3A_99, %mul3A_1451 : i32
        %add3A_1453 = arith.constant 4 : i32
        %add3A_1454 = arith.addi %mul3A_1452, %add3A_1453 : i32
        %get3A_1455 = arith.index_cast %add3A_1454 : i32 to index
        %get3A_1456 = arith.constant 64 : index
        %get3A_1457 = tpu.vector_load %arg8[%get3A_1455, %get3A_1456] {strides = array<i32>} : memref<128x128xi32, #tpu.memory_space<vmem>>, vector<1x16xi32>,
        %get3A_1458 = vector.shape_cast %get3A_1457 : vector<1x16xi32> to vector<16xi32>
        %shift_left3A_1459 = arith.constant 16 : i32
        %shift_left3A_1460 = vector.broadcast %shift_left3A_1459 : i32 to vector<16xi32>
        %shift_left3A_1461 = arith.shli %get3A_1458, %shift_left3A_1460 : vector<16xi32>
        %bitcast_convert_type3A_1462 = tpu.bitcast %shift_left3A_1461 : vector<16xi32> -> vector<16xf32>
        %and3A_1463 = arith.andi %get3A_1458, %broadcast_in_dim3A_170 : vector<16xi32>
        %bitcast_convert_type3A_1464 = tpu.bitcast %and3A_1463 : vector<16xi32> -> vector<16xf32>
        %mul3A_1465 = arith.mulf %gather3A_124, %bitcast_convert_type3A_1462 : vector<16xf32>
        %add3A_1466 = arith.addf %add3A_1448, %mul3A_1465 : vector<16xf32>
        %mul3A_1467 = arith.mulf %gather3A_124, %bitcast_convert_type3A_1464 : vector<16xf32>
        %add3A_1468 = arith.addf %add3A_1450, %mul3A_1467 : vector<16xf32>
        %mul3A_1469 = arith.constant 16 : i32
        %mul3A_1470 = arith.muli %scan3A_99, %mul3A_1469 : i32
        %add3A_1471 = arith.constant 5 : i32
        %add3A_1472 = arith.addi %mul3A_1470, %add3A_1471 : i32
        %get3A_1473 = arith.index_cast %add3A_1472 : i32 to index
        %get3A_1474 = arith.constant 64 : index
        %get3A_1475 = tpu.vector_load %arg8[%get3A_1473, %get3A_1474] {strides = array<i32>} : memref<128x128xi32, #tpu.memory_space<vmem>>, vector<1x16xi32>,
        %get3A_1476 = vector.shape_cast %get3A_1475 : vector<1x16xi32> to vector<16xi32>
        %shift_left3A_1477 = arith.constant 16 : i32
        %shift_left3A_1478 = vector.broadcast %shift_left3A_1477 : i32 to vector<16xi32>
        %shift_left3A_1479 = arith.shli %get3A_1476, %shift_left3A_1478 : vector<16xi32>
        %bitcast_convert_type3A_1480 = tpu.bitcast %shift_left3A_1479 : vector<16xi32> -> vector<16xf32>
        %and3A_1481 = arith.andi %get3A_1476, %broadcast_in_dim3A_170 : vector<16xi32>
        %bitcast_convert_type3A_1482 = tpu.bitcast %and3A_1481 : vector<16xi32> -> vector<16xf32>
        %mul3A_1483 = arith.mulf %gather3A_128, %bitcast_convert_type3A_1480 : vector<16xf32>
        %add3A_1484 = arith.addf %add3A_1466, %mul3A_1483 : vector<16xf32>
        %mul3A_1485 = arith.mulf %gather3A_128, %bitcast_convert_type3A_1482 : vector<16xf32>
        %add3A_1486 = arith.addf %add3A_1468, %mul3A_1485 : vector<16xf32>
        %mul3A_1487 = arith.constant 16 : i32
        %mul3A_1488 = arith.muli %scan3A_99, %mul3A_1487 : i32
        %add3A_1489 = arith.constant 6 : i32
        %add3A_1490 = arith.addi %mul3A_1488, %add3A_1489 : i32
        %get3A_1491 = arith.index_cast %add3A_1490 : i32 to index
        %get3A_1492 = arith.constant 64 : index
        %get3A_1493 = tpu.vector_load %arg8[%get3A_1491, %get3A_1492] {strides = array<i32>} : memref<128x128xi32, #tpu.memory_space<vmem>>, vector<1x16xi32>,
        %get3A_1494 = vector.shape_cast %get3A_1493 : vector<1x16xi32> to vector<16xi32>
        %shift_left3A_1495 = arith.constant 16 : i32
        %shift_left3A_1496 = vector.broadcast %shift_left3A_1495 : i32 to vector<16xi32>
        %shift_left3A_1497 = arith.shli %get3A_1494, %shift_left3A_1496 : vector<16xi32>
        %bitcast_convert_type3A_1498 = tpu.bitcast %shift_left3A_1497 : vector<16xi32> -> vector<16xf32>
        %and3A_1499 = arith.andi %get3A_1494, %broadcast_in_dim3A_170 : vector<16xi32>
        %bitcast_convert_type3A_1500 = tpu.bitcast %and3A_1499 : vector<16xi32> -> vector<16xf32>
        %mul3A_1501 = arith.mulf %gather3A_132, %bitcast_convert_type3A_1498 : vector<16xf32>
        %add3A_1502 = arith.addf %add3A_1484, %mul3A_1501 : vector<16xf32>
        %mul3A_1503 = arith.mulf %gather3A_132, %bitcast_convert_type3A_1500 : vector<16xf32>
        %add3A_1504 = arith.addf %add3A_1486, %mul3A_1503 : vector<16xf32>
        %mul3A_1505 = arith.constant 16 : i32
        %mul3A_1506 = arith.muli %scan3A_99, %mul3A_1505 : i32
        %add3A_1507 = arith.constant 7 : i32
        %add3A_1508 = arith.addi %mul3A_1506, %add3A_1507 : i32
        %get3A_1509 = arith.index_cast %add3A_1508 : i32 to index
        %get3A_1510 = arith.constant 64 : index
        %get3A_1511 = tpu.vector_load %arg8[%get3A_1509, %get3A_1510] {strides = array<i32>} : memref<128x128xi32, #tpu.memory_space<vmem>>, vector<1x16xi32>,
        %get3A_1512 = vector.shape_cast %get3A_1511 : vector<1x16xi32> to vector<16xi32>
        %shift_left3A_1513 = arith.constant 16 : i32
        %shift_left3A_1514 = vector.broadcast %shift_left3A_1513 : i32 to vector<16xi32>
        %shift_left3A_1515 = arith.shli %get3A_1512, %shift_left3A_1514 : vector<16xi32>
        %bitcast_convert_type3A_1516 = tpu.bitcast %shift_left3A_1515 : vector<16xi32> -> vector<16xf32>
        %and3A_1517 = arith.andi %get3A_1512, %broadcast_in_dim3A_170 : vector<16xi32>
        %bitcast_convert_type3A_1518 = tpu.bitcast %and3A_1517 : vector<16xi32> -> vector<16xf32>
        %mul3A_1519 = arith.mulf %gather3A_136, %bitcast_convert_type3A_1516 : vector<16xf32>
        %add3A_1520 = arith.addf %add3A_1502, %mul3A_1519 : vector<16xf32>
        %mul3A_1521 = arith.mulf %gather3A_136, %bitcast_convert_type3A_1518 : vector<16xf32>
        %add3A_1522 = arith.addf %add3A_1504, %mul3A_1521 : vector<16xf32>
        %mul3A_1523 = arith.constant 16 : i32
        %mul3A_1524 = arith.muli %scan3A_99, %mul3A_1523 : i32
        %add3A_1525 = arith.constant 8 : i32
        %add3A_1526 = arith.addi %mul3A_1524, %add3A_1525 : i32
        %get3A_1527 = arith.index_cast %add3A_1526 : i32 to index
        %get3A_1528 = arith.constant 64 : index
        %get3A_1529 = tpu.vector_load %arg8[%get3A_1527, %get3A_1528] {strides = array<i32>} : memref<128x128xi32, #tpu.memory_space<vmem>>, vector<1x16xi32>,
        %get3A_1530 = vector.shape_cast %get3A_1529 : vector<1x16xi32> to vector<16xi32>
        %shift_left3A_1531 = arith.constant 16 : i32
        %shift_left3A_1532 = vector.broadcast %shift_left3A_1531 : i32 to vector<16xi32>
        %shift_left3A_1533 = arith.shli %get3A_1530, %shift_left3A_1532 : vector<16xi32>
        %bitcast_convert_type3A_1534 = tpu.bitcast %shift_left3A_1533 : vector<16xi32> -> vector<16xf32>
        %and3A_1535 = arith.andi %get3A_1530, %broadcast_in_dim3A_170 : vector<16xi32>
        %bitcast_convert_type3A_1536 = tpu.bitcast %and3A_1535 : vector<16xi32> -> vector<16xf32>
        %mul3A_1537 = arith.mulf %gather3A_140, %bitcast_convert_type3A_1534 : vector<16xf32>
        %add3A_1538 = arith.addf %add3A_1520, %mul3A_1537 : vector<16xf32>
        %mul3A_1539 = arith.mulf %gather3A_140, %bitcast_convert_type3A_1536 : vector<16xf32>
        %add3A_1540 = arith.addf %add3A_1522, %mul3A_1539 : vector<16xf32>
        %mul3A_1541 = arith.constant 16 : i32
        %mul3A_1542 = arith.muli %scan3A_99, %mul3A_1541 : i32
        %add3A_1543 = arith.constant 9 : i32
        %add3A_1544 = arith.addi %mul3A_1542, %add3A_1543 : i32
        %get3A_1545 = arith.index_cast %add3A_1544 : i32 to index
        %get3A_1546 = arith.constant 64 : index
        %get3A_1547 = tpu.vector_load %arg8[%get3A_1545, %get3A_1546] {strides = array<i32>} : memref<128x128xi32, #tpu.memory_space<vmem>>, vector<1x16xi32>,
        %get3A_1548 = vector.shape_cast %get3A_1547 : vector<1x16xi32> to vector<16xi32>
        %shift_left3A_1549 = arith.constant 16 : i32
        %shift_left3A_1550 = vector.broadcast %shift_left3A_1549 : i32 to vector<16xi32>
        %shift_left3A_1551 = arith.shli %get3A_1548, %shift_left3A_1550 : vector<16xi32>
        %bitcast_convert_type3A_1552 = tpu.bitcast %shift_left3A_1551 : vector<16xi32> -> vector<16xf32>
        %and3A_1553 = arith.andi %get3A_1548, %broadcast_in_dim3A_170 : vector<16xi32>
        %bitcast_convert_type3A_1554 = tpu.bitcast %and3A_1553 : vector<16xi32> -> vector<16xf32>
        %mul3A_1555 = arith.mulf %gather3A_144, %bitcast_convert_type3A_1552 : vector<16xf32>
        %add3A_1556 = arith.addf %add3A_1538, %mul3A_1555 : vector<16xf32>
        %mul3A_1557 = arith.mulf %gather3A_144, %bitcast_convert_type3A_1554 : vector<16xf32>
        %add3A_1558 = arith.addf %add3A_1540, %mul3A_1557 : vector<16xf32>
        %mul3A_1559 = arith.constant 16 : i32
        %mul3A_1560 = arith.muli %scan3A_99, %mul3A_1559 : i32
        %add3A_1561 = arith.constant 10 : i32
        %add3A_1562 = arith.addi %mul3A_1560, %add3A_1561 : i32
        %get3A_1563 = arith.index_cast %add3A_1562 : i32 to index
        %get3A_1564 = arith.constant 64 : index
        %get3A_1565 = tpu.vector_load %arg8[%get3A_1563, %get3A_1564] {strides = array<i32>} : memref<128x128xi32, #tpu.memory_space<vmem>>, vector<1x16xi32>,
        %get3A_1566 = vector.shape_cast %get3A_1565 : vector<1x16xi32> to vector<16xi32>
        %shift_left3A_1567 = arith.constant 16 : i32
        %shift_left3A_1568 = vector.broadcast %shift_left3A_1567 : i32 to vector<16xi32>
        %shift_left3A_1569 = arith.shli %get3A_1566, %shift_left3A_1568 : vector<16xi32>
        %bitcast_convert_type3A_1570 = tpu.bitcast %shift_left3A_1569 : vector<16xi32> -> vector<16xf32>
        %and3A_1571 = arith.andi %get3A_1566, %broadcast_in_dim3A_170 : vector<16xi32>
        %bitcast_convert_type3A_1572 = tpu.bitcast %and3A_1571 : vector<16xi32> -> vector<16xf32>
        %mul3A_1573 = arith.mulf %gather3A_148, %bitcast_convert_type3A_1570 : vector<16xf32>
        %add3A_1574 = arith.addf %add3A_1556, %mul3A_1573 : vector<16xf32>
        %mul3A_1575 = arith.mulf %gather3A_148, %bitcast_convert_type3A_1572 : vector<16xf32>
        %add3A_1576 = arith.addf %add3A_1558, %mul3A_1575 : vector<16xf32>
        %mul3A_1577 = arith.constant 16 : i32
        %mul3A_1578 = arith.muli %scan3A_99, %mul3A_1577 : i32
        %add3A_1579 = arith.constant 11 : i32
        %add3A_1580 = arith.addi %mul3A_1578, %add3A_1579 : i32
        %get3A_1581 = arith.index_cast %add3A_1580 : i32 to index
        %get3A_1582 = arith.constant 64 : index
        %get3A_1583 = tpu.vector_load %arg8[%get3A_1581, %get3A_1582] {strides = array<i32>} : memref<128x128xi32, #tpu.memory_space<vmem>>, vector<1x16xi32>,
        %get3A_1584 = vector.shape_cast %get3A_1583 : vector<1x16xi32> to vector<16xi32>
        %shift_left3A_1585 = arith.constant 16 : i32
        %shift_left3A_1586 = vector.broadcast %shift_left3A_1585 : i32 to vector<16xi32>
        %shift_left3A_1587 = arith.shli %get3A_1584, %shift_left3A_1586 : vector<16xi32>
        %bitcast_convert_type3A_1588 = tpu.bitcast %shift_left3A_1587 : vector<16xi32> -> vector<16xf32>
        %and3A_1589 = arith.andi %get3A_1584, %broadcast_in_dim3A_170 : vector<16xi32>
        %bitcast_convert_type3A_1590 = tpu.bitcast %and3A_1589 : vector<16xi32> -> vector<16xf32>
        %mul3A_1591 = arith.mulf %gather3A_152, %bitcast_convert_type3A_1588 : vector<16xf32>
        %add3A_1592 = arith.addf %add3A_1574, %mul3A_1591 : vector<16xf32>
        %mul3A_1593 = arith.mulf %gather3A_152, %bitcast_convert_type3A_1590 : vector<16xf32>
        %add3A_1594 = arith.addf %add3A_1576, %mul3A_1593 : vector<16xf32>
        %mul3A_1595 = arith.constant 16 : i32
        %mul3A_1596 = arith.muli %scan3A_99, %mul3A_1595 : i32
        %add3A_1597 = arith.constant 12 : i32
        %add3A_1598 = arith.addi %mul3A_1596, %add3A_1597 : i32
        %get3A_1599 = arith.index_cast %add3A_1598 : i32 to index
        %get3A_1600 = arith.constant 64 : index
        %get3A_1601 = tpu.vector_load %arg8[%get3A_1599, %get3A_1600] {strides = array<i32>} : memref<128x128xi32, #tpu.memory_space<vmem>>, vector<1x16xi32>,
        %get3A_1602 = vector.shape_cast %get3A_1601 : vector<1x16xi32> to vector<16xi32>
        %shift_left3A_1603 = arith.constant 16 : i32
        %shift_left3A_1604 = vector.broadcast %shift_left3A_1603 : i32 to vector<16xi32>
        %shift_left3A_1605 = arith.shli %get3A_1602, %shift_left3A_1604 : vector<16xi32>
        %bitcast_convert_type3A_1606 = tpu.bitcast %shift_left3A_1605 : vector<16xi32> -> vector<16xf32>
        %and3A_1607 = arith.andi %get3A_1602, %broadcast_in_dim3A_170 : vector<16xi32>
        %bitcast_convert_type3A_1608 = tpu.bitcast %and3A_1607 : vector<16xi32> -> vector<16xf32>
        %mul3A_1609 = arith.mulf %gather3A_156, %bitcast_convert_type3A_1606 : vector<16xf32>
        %add3A_1610 = arith.addf %add3A_1592, %mul3A_1609 : vector<16xf32>
        %mul3A_1611 = arith.mulf %gather3A_156, %bitcast_convert_type3A_1608 : vector<16xf32>
        %add3A_1612 = arith.addf %add3A_1594, %mul3A_1611 : vector<16xf32>
        %mul3A_1613 = arith.constant 16 : i32
        %mul3A_1614 = arith.muli %scan3A_99, %mul3A_1613 : i32
        %add3A_1615 = arith.constant 13 : i32
        %add3A_1616 = arith.addi %mul3A_1614, %add3A_1615 : i32
        %get3A_1617 = arith.index_cast %add3A_1616 : i32 to index
        %get3A_1618 = arith.constant 64 : index
        %get3A_1619 = tpu.vector_load %arg8[%get3A_1617, %get3A_1618] {strides = array<i32>} : memref<128x128xi32, #tpu.memory_space<vmem>>, vector<1x16xi32>,
        %get3A_1620 = vector.shape_cast %get3A_1619 : vector<1x16xi32> to vector<16xi32>
        %shift_left3A_1621 = arith.constant 16 : i32
        %shift_left3A_1622 = vector.broadcast %shift_left3A_1621 : i32 to vector<16xi32>
        %shift_left3A_1623 = arith.shli %get3A_1620, %shift_left3A_1622 : vector<16xi32>
        %bitcast_convert_type3A_1624 = tpu.bitcast %shift_left3A_1623 : vector<16xi32> -> vector<16xf32>
        %and3A_1625 = arith.andi %get3A_1620, %broadcast_in_dim3A_170 : vector<16xi32>
        %bitcast_convert_type3A_1626 = tpu.bitcast %and3A_1625 : vector<16xi32> -> vector<16xf32>
        %mul3A_1627 = arith.mulf %gather3A_160, %bitcast_convert_type3A_1624 : vector<16xf32>
        %add3A_1628 = arith.addf %add3A_1610, %mul3A_1627 : vector<16xf32>
        %mul3A_1629 = arith.mulf %gather3A_160, %bitcast_convert_type3A_1626 : vector<16xf32>
        %add3A_1630 = arith.addf %add3A_1612, %mul3A_1629 : vector<16xf32>
        %mul3A_1631 = arith.constant 16 : i32
        %mul3A_1632 = arith.muli %scan3A_99, %mul3A_1631 : i32
        %add3A_1633 = arith.constant 14 : i32
        %add3A_1634 = arith.addi %mul3A_1632, %add3A_1633 : i32
        %get3A_1635 = arith.index_cast %add3A_1634 : i32 to index
        %get3A_1636 = arith.constant 64 : index
        %get3A_1637 = tpu.vector_load %arg8[%get3A_1635, %get3A_1636] {strides = array<i32>} : memref<128x128xi32, #tpu.memory_space<vmem>>, vector<1x16xi32>,
        %get3A_1638 = vector.shape_cast %get3A_1637 : vector<1x16xi32> to vector<16xi32>
        %shift_left3A_1639 = arith.constant 16 : i32
        %shift_left3A_1640 = vector.broadcast %shift_left3A_1639 : i32 to vector<16xi32>
        %shift_left3A_1641 = arith.shli %get3A_1638, %shift_left3A_1640 : vector<16xi32>
        %bitcast_convert_type3A_1642 = tpu.bitcast %shift_left3A_1641 : vector<16xi32> -> vector<16xf32>
        %and3A_1643 = arith.andi %get3A_1638, %broadcast_in_dim3A_170 : vector<16xi32>
        %bitcast_convert_type3A_1644 = tpu.bitcast %and3A_1643 : vector<16xi32> -> vector<16xf32>
        %mul3A_1645 = arith.mulf %gather3A_164, %bitcast_convert_type3A_1642 : vector<16xf32>
        %add3A_1646 = arith.addf %add3A_1628, %mul3A_1645 : vector<16xf32>
        %mul3A_1647 = arith.mulf %gather3A_164, %bitcast_convert_type3A_1644 : vector<16xf32>
        %add3A_1648 = arith.addf %add3A_1630, %mul3A_1647 : vector<16xf32>
        %mul3A_1649 = arith.constant 16 : i32
        %mul3A_1650 = arith.muli %scan3A_99, %mul3A_1649 : i32
        %add3A_1651 = arith.constant 15 : i32
        %add3A_1652 = arith.addi %mul3A_1650, %add3A_1651 : i32
        %get3A_1653 = arith.index_cast %add3A_1652 : i32 to index
        %get3A_1654 = arith.constant 64 : index
        %get3A_1655 = tpu.vector_load %arg8[%get3A_1653, %get3A_1654] {strides = array<i32>} : memref<128x128xi32, #tpu.memory_space<vmem>>, vector<1x16xi32>,
        %get3A_1656 = vector.shape_cast %get3A_1655 : vector<1x16xi32> to vector<16xi32>
        %shift_left3A_1657 = arith.constant 16 : i32
        %shift_left3A_1658 = vector.broadcast %shift_left3A_1657 : i32 to vector<16xi32>
        %shift_left3A_1659 = arith.shli %get3A_1656, %shift_left3A_1658 : vector<16xi32>
        %bitcast_convert_type3A_1660 = tpu.bitcast %shift_left3A_1659 : vector<16xi32> -> vector<16xf32>
        %and3A_1661 = arith.andi %get3A_1656, %broadcast_in_dim3A_170 : vector<16xi32>
        %bitcast_convert_type3A_1662 = tpu.bitcast %and3A_1661 : vector<16xi32> -> vector<16xf32>
        %mul3A_1663 = arith.mulf %gather3A_168, %bitcast_convert_type3A_1660 : vector<16xf32>
        %add3A_1664 = arith.addf %add3A_1646, %mul3A_1663 : vector<16xf32>
        %mul3A_1665 = arith.mulf %gather3A_168, %bitcast_convert_type3A_1662 : vector<16xf32>
        %add3A_1666 = arith.addf %add3A_1648, %mul3A_1665 : vector<16xf32>
        %swap3A_1667 = arith.index_cast %scan3A_99 : i32 to index
        %swap3A_1668 = arith.constant 64 : index
        %swap3A_1669 = tpu.vector_load %arg10[%swap3A_1667, %swap3A_1668] {strides = array<i32>} : memref<8x256xf32, #tpu.memory_space<vmem>>, vector<1x16xf32>,
        %swap3A_1670 = vector.shape_cast %swap3A_1669 : vector<1x16xf32> to vector<16xf32>
        %swap3A_1671 = vector.shape_cast %add3A_1664 : vector<16xf32> to vector<1x16xf32>
        tpu.vector_store %arg10[%swap3A_1667, %swap3A_1668], %swap3A_1671 {strides = array<i32>} : memref<8x256xf32, #tpu.memory_space<vmem>>, vector<1x16xf32>,
        %swap3A_1672 = arith.index_cast %scan3A_99 : i32 to index
        %swap3A_1673 = arith.constant 192 : index
        %swap3A_1674 = tpu.vector_load %arg10[%swap3A_1672, %swap3A_1673] {strides = array<i32>} : memref<8x256xf32, #tpu.memory_space<vmem>>, vector<1x16xf32>,
        %swap3A_1675 = vector.shape_cast %swap3A_1674 : vector<1x16xf32> to vector<16xf32>
        %swap3A_1676 = vector.shape_cast %add3A_1666 : vector<16xf32> to vector<1x16xf32>
        tpu.vector_store %arg10[%swap3A_1672, %swap3A_1673], %swap3A_1676 {strides = array<i32>} : memref<8x256xf32, #tpu.memory_space<vmem>>, vector<1x16xf32>,
        %broadcast_in_dim3A_1677 = arith.constant 0.000000e+00 : f32
        %broadcast_in_dim3A_1678 = vector.broadcast %broadcast_in_dim3A_1677 : f32 to vector<16xf32>
        %broadcast_in_dim3A_1679 = arith.constant 0.000000e+00 : f32
        %broadcast_in_dim3A_1680 = vector.broadcast %broadcast_in_dim3A_1679 : f32 to vector<16xf32>
        %mul3A_1681 = arith.constant 16 : i32
        %mul3A_1682 = arith.muli %scan3A_99, %mul3A_1681 : i32
        %add3A_1683 = arith.constant 0 : i32
        %add3A_1684 = arith.addi %mul3A_1682, %add3A_1683 : i32
        %get3A_1685 = arith.index_cast %add3A_1684 : i32 to index
        %get3A_1686 = arith.constant 80 : index
        %get3A_1687 = tpu.vector_load %arg8[%get3A_1685, %get3A_1686] {strides = array<i32>} : memref<128x128xi32, #tpu.memory_space<vmem>>, vector<1x16xi32>,
        %get3A_1688 = vector.shape_cast %get3A_1687 : vector<1x16xi32> to vector<16xi32>
        %shift_left3A_1689 = arith.constant 16 : i32
        %shift_left3A_1690 = vector.broadcast %shift_left3A_1689 : i32 to vector<16xi32>
        %shift_left3A_1691 = arith.shli %get3A_1688, %shift_left3A_1690 : vector<16xi32>
        %bitcast_convert_type3A_1692 = tpu.bitcast %shift_left3A_1691 : vector<16xi32> -> vector<16xf32>
        %and3A_1693 = arith.andi %get3A_1688, %broadcast_in_dim3A_170 : vector<16xi32>
        %bitcast_convert_type3A_1694 = tpu.bitcast %and3A_1693 : vector<16xi32> -> vector<16xf32>
        %mul3A_1695 = arith.mulf %gather3A_108, %bitcast_convert_type3A_1692 : vector<16xf32>
        %add3A_1696 = arith.addf %broadcast_in_dim3A_1678, %mul3A_1695 : vector<16xf32>
        %mul3A_1697 = arith.mulf %gather3A_108, %bitcast_convert_type3A_1694 : vector<16xf32>
        %add3A_1698 = arith.addf %broadcast_in_dim3A_1680, %mul3A_1697 : vector<16xf32>
        %mul3A_1699 = arith.constant 16 : i32
        %mul3A_1700 = arith.muli %scan3A_99, %mul3A_1699 : i32
        %add3A_1701 = arith.constant 1 : i32
        %add3A_1702 = arith.addi %mul3A_1700, %add3A_1701 : i32
        %get3A_1703 = arith.index_cast %add3A_1702 : i32 to index
        %get3A_1704 = arith.constant 80 : index
        %get3A_1705 = tpu.vector_load %arg8[%get3A_1703, %get3A_1704] {strides = array<i32>} : memref<128x128xi32, #tpu.memory_space<vmem>>, vector<1x16xi32>,
        %get3A_1706 = vector.shape_cast %get3A_1705 : vector<1x16xi32> to vector<16xi32>
        %shift_left3A_1707 = arith.constant 16 : i32
        %shift_left3A_1708 = vector.broadcast %shift_left3A_1707 : i32 to vector<16xi32>
        %shift_left3A_1709 = arith.shli %get3A_1706, %shift_left3A_1708 : vector<16xi32>
        %bitcast_convert_type3A_1710 = tpu.bitcast %shift_left3A_1709 : vector<16xi32> -> vector<16xf32>
        %and3A_1711 = arith.andi %get3A_1706, %broadcast_in_dim3A_170 : vector<16xi32>
        %bitcast_convert_type3A_1712 = tpu.bitcast %and3A_1711 : vector<16xi32> -> vector<16xf32>
        %mul3A_1713 = arith.mulf %gather3A_112, %bitcast_convert_type3A_1710 : vector<16xf32>
        %add3A_1714 = arith.addf %add3A_1696, %mul3A_1713 : vector<16xf32>
        %mul3A_1715 = arith.mulf %gather3A_112, %bitcast_convert_type3A_1712 : vector<16xf32>
        %add3A_1716 = arith.addf %add3A_1698, %mul3A_1715 : vector<16xf32>
        %mul3A_1717 = arith.constant 16 : i32
        %mul3A_1718 = arith.muli %scan3A_99, %mul3A_1717 : i32
        %add3A_1719 = arith.constant 2 : i32
        %add3A_1720 = arith.addi %mul3A_1718, %add3A_1719 : i32
        %get3A_1721 = arith.index_cast %add3A_1720 : i32 to index
        %get3A_1722 = arith.constant 80 : index
        %get3A_1723 = tpu.vector_load %arg8[%get3A_1721, %get3A_1722] {strides = array<i32>} : memref<128x128xi32, #tpu.memory_space<vmem>>, vector<1x16xi32>,
        %get3A_1724 = vector.shape_cast %get3A_1723 : vector<1x16xi32> to vector<16xi32>
        %shift_left3A_1725 = arith.constant 16 : i32
        %shift_left3A_1726 = vector.broadcast %shift_left3A_1725 : i32 to vector<16xi32>
        %shift_left3A_1727 = arith.shli %get3A_1724, %shift_left3A_1726 : vector<16xi32>
        %bitcast_convert_type3A_1728 = tpu.bitcast %shift_left3A_1727 : vector<16xi32> -> vector<16xf32>
        %and3A_1729 = arith.andi %get3A_1724, %broadcast_in_dim3A_170 : vector<16xi32>
        %bitcast_convert_type3A_1730 = tpu.bitcast %and3A_1729 : vector<16xi32> -> vector<16xf32>
        %mul3A_1731 = arith.mulf %gather3A_116, %bitcast_convert_type3A_1728 : vector<16xf32>
        %add3A_1732 = arith.addf %add3A_1714, %mul3A_1731 : vector<16xf32>
        %mul3A_1733 = arith.mulf %gather3A_116, %bitcast_convert_type3A_1730 : vector<16xf32>
        %add3A_1734 = arith.addf %add3A_1716, %mul3A_1733 : vector<16xf32>
        %mul3A_1735 = arith.constant 16 : i32
        %mul3A_1736 = arith.muli %scan3A_99, %mul3A_1735 : i32
        %add3A_1737 = arith.constant 3 : i32
        %add3A_1738 = arith.addi %mul3A_1736, %add3A_1737 : i32
        %get3A_1739 = arith.index_cast %add3A_1738 : i32 to index
        %get3A_1740 = arith.constant 80 : index
        %get3A_1741 = tpu.vector_load %arg8[%get3A_1739, %get3A_1740] {strides = array<i32>} : memref<128x128xi32, #tpu.memory_space<vmem>>, vector<1x16xi32>,
        %get3A_1742 = vector.shape_cast %get3A_1741 : vector<1x16xi32> to vector<16xi32>
        %shift_left3A_1743 = arith.constant 16 : i32
        %shift_left3A_1744 = vector.broadcast %shift_left3A_1743 : i32 to vector<16xi32>
        %shift_left3A_1745 = arith.shli %get3A_1742, %shift_left3A_1744 : vector<16xi32>
        %bitcast_convert_type3A_1746 = tpu.bitcast %shift_left3A_1745 : vector<16xi32> -> vector<16xf32>
        %and3A_1747 = arith.andi %get3A_1742, %broadcast_in_dim3A_170 : vector<16xi32>
        %bitcast_convert_type3A_1748 = tpu.bitcast %and3A_1747 : vector<16xi32> -> vector<16xf32>
        %mul3A_1749 = arith.mulf %gather3A_120, %bitcast_convert_type3A_1746 : vector<16xf32>
        %add3A_1750 = arith.addf %add3A_1732, %mul3A_1749 : vector<16xf32>
        %mul3A_1751 = arith.mulf %gather3A_120, %bitcast_convert_type3A_1748 : vector<16xf32>
        %add3A_1752 = arith.addf %add3A_1734, %mul3A_1751 : vector<16xf32>
        %mul3A_1753 = arith.constant 16 : i32
        %mul3A_1754 = arith.muli %scan3A_99, %mul3A_1753 : i32
        %add3A_1755 = arith.constant 4 : i32
        %add3A_1756 = arith.addi %mul3A_1754, %add3A_1755 : i32
        %get3A_1757 = arith.index_cast %add3A_1756 : i32 to index
        %get3A_1758 = arith.constant 80 : index
        %get3A_1759 = tpu.vector_load %arg8[%get3A_1757, %get3A_1758] {strides = array<i32>} : memref<128x128xi32, #tpu.memory_space<vmem>>, vector<1x16xi32>,
        %get3A_1760 = vector.shape_cast %get3A_1759 : vector<1x16xi32> to vector<16xi32>
        %shift_left3A_1761 = arith.constant 16 : i32
        %shift_left3A_1762 = vector.broadcast %shift_left3A_1761 : i32 to vector<16xi32>
        %shift_left3A_1763 = arith.shli %get3A_1760, %shift_left3A_1762 : vector<16xi32>
        %bitcast_convert_type3A_1764 = tpu.bitcast %shift_left3A_1763 : vector<16xi32> -> vector<16xf32>
        %and3A_1765 = arith.andi %get3A_1760, %broadcast_in_dim3A_170 : vector<16xi32>
        %bitcast_convert_type3A_1766 = tpu.bitcast %and3A_1765 : vector<16xi32> -> vector<16xf32>
        %mul3A_1767 = arith.mulf %gather3A_124, %bitcast_convert_type3A_1764 : vector<16xf32>
        %add3A_1768 = arith.addf %add3A_1750, %mul3A_1767 : vector<16xf32>
        %mul3A_1769 = arith.mulf %gather3A_124, %bitcast_convert_type3A_1766 : vector<16xf32>
        %add3A_1770 = arith.addf %add3A_1752, %mul3A_1769 : vector<16xf32>
        %mul3A_1771 = arith.constant 16 : i32
        %mul3A_1772 = arith.muli %scan3A_99, %mul3A_1771 : i32
        %add3A_1773 = arith.constant 5 : i32
        %add3A_1774 = arith.addi %mul3A_1772, %add3A_1773 : i32
        %get3A_1775 = arith.index_cast %add3A_1774 : i32 to index
        %get3A_1776 = arith.constant 80 : index
        %get3A_1777 = tpu.vector_load %arg8[%get3A_1775, %get3A_1776] {strides = array<i32>} : memref<128x128xi32, #tpu.memory_space<vmem>>, vector<1x16xi32>,
        %get3A_1778 = vector.shape_cast %get3A_1777 : vector<1x16xi32> to vector<16xi32>
        %shift_left3A_1779 = arith.constant 16 : i32
        %shift_left3A_1780 = vector.broadcast %shift_left3A_1779 : i32 to vector<16xi32>
        %shift_left3A_1781 = arith.shli %get3A_1778, %shift_left3A_1780 : vector<16xi32>
        %bitcast_convert_type3A_1782 = tpu.bitcast %shift_left3A_1781 : vector<16xi32> -> vector<16xf32>
        %and3A_1783 = arith.andi %get3A_1778, %broadcast_in_dim3A_170 : vector<16xi32>
        %bitcast_convert_type3A_1784 = tpu.bitcast %and3A_1783 : vector<16xi32> -> vector<16xf32>
        %mul3A_1785 = arith.mulf %gather3A_128, %bitcast_convert_type3A_1782 : vector<16xf32>
        %add3A_1786 = arith.addf %add3A_1768, %mul3A_1785 : vector<16xf32>
        %mul3A_1787 = arith.mulf %gather3A_128, %bitcast_convert_type3A_1784 : vector<16xf32>
        %add3A_1788 = arith.addf %add3A_1770, %mul3A_1787 : vector<16xf32>
        %mul3A_1789 = arith.constant 16 : i32
        %mul3A_1790 = arith.muli %scan3A_99, %mul3A_1789 : i32
        %add3A_1791 = arith.constant 6 : i32
        %add3A_1792 = arith.addi %mul3A_1790, %add3A_1791 : i32
        %get3A_1793 = arith.index_cast %add3A_1792 : i32 to index
        %get3A_1794 = arith.constant 80 : index
        %get3A_1795 = tpu.vector_load %arg8[%get3A_1793, %get3A_1794] {strides = array<i32>} : memref<128x128xi32, #tpu.memory_space<vmem>>, vector<1x16xi32>,
        %get3A_1796 = vector.shape_cast %get3A_1795 : vector<1x16xi32> to vector<16xi32>
        %shift_left3A_1797 = arith.constant 16 : i32
        %shift_left3A_1798 = vector.broadcast %shift_left3A_1797 : i32 to vector<16xi32>
        %shift_left3A_1799 = arith.shli %get3A_1796, %shift_left3A_1798 : vector<16xi32>
        %bitcast_convert_type3A_1800 = tpu.bitcast %shift_left3A_1799 : vector<16xi32> -> vector<16xf32>
        %and3A_1801 = arith.andi %get3A_1796, %broadcast_in_dim3A_170 : vector<16xi32>
        %bitcast_convert_type3A_1802 = tpu.bitcast %and3A_1801 : vector<16xi32> -> vector<16xf32>
        %mul3A_1803 = arith.mulf %gather3A_132, %bitcast_convert_type3A_1800 : vector<16xf32>
        %add3A_1804 = arith.addf %add3A_1786, %mul3A_1803 : vector<16xf32>
        %mul3A_1805 = arith.mulf %gather3A_132, %bitcast_convert_type3A_1802 : vector<16xf32>
        %add3A_1806 = arith.addf %add3A_1788, %mul3A_1805 : vector<16xf32>
        %mul3A_1807 = arith.constant 16 : i32
        %mul3A_1808 = arith.muli %scan3A_99, %mul3A_1807 : i32
        %add3A_1809 = arith.constant 7 : i32
        %add3A_1810 = arith.addi %mul3A_1808, %add3A_1809 : i32
        %get3A_1811 = arith.index_cast %add3A_1810 : i32 to index
        %get3A_1812 = arith.constant 80 : index
        %get3A_1813 = tpu.vector_load %arg8[%get3A_1811, %get3A_1812] {strides = array<i32>} : memref<128x128xi32, #tpu.memory_space<vmem>>, vector<1x16xi32>,
        %get3A_1814 = vector.shape_cast %get3A_1813 : vector<1x16xi32> to vector<16xi32>
        %shift_left3A_1815 = arith.constant 16 : i32
        %shift_left3A_1816 = vector.broadcast %shift_left3A_1815 : i32 to vector<16xi32>
        %shift_left3A_1817 = arith.shli %get3A_1814, %shift_left3A_1816 : vector<16xi32>
        %bitcast_convert_type3A_1818 = tpu.bitcast %shift_left3A_1817 : vector<16xi32> -> vector<16xf32>
        %and3A_1819 = arith.andi %get3A_1814, %broadcast_in_dim3A_170 : vector<16xi32>
        %bitcast_convert_type3A_1820 = tpu.bitcast %and3A_1819 : vector<16xi32> -> vector<16xf32>
        %mul3A_1821 = arith.mulf %gather3A_136, %bitcast_convert_type3A_1818 : vector<16xf32>
        %add3A_1822 = arith.addf %add3A_1804, %mul3A_1821 : vector<16xf32>
        %mul3A_1823 = arith.mulf %gather3A_136, %bitcast_convert_type3A_1820 : vector<16xf32>
        %add3A_1824 = arith.addf %add3A_1806, %mul3A_1823 : vector<16xf32>
        %mul3A_1825 = arith.constant 16 : i32
        %mul3A_1826 = arith.muli %scan3A_99, %mul3A_1825 : i32
        %add3A_1827 = arith.constant 8 : i32
        %add3A_1828 = arith.addi %mul3A_1826, %add3A_1827 : i32
        %get3A_1829 = arith.index_cast %add3A_1828 : i32 to index
        %get3A_1830 = arith.constant 80 : index
        %get3A_1831 = tpu.vector_load %arg8[%get3A_1829, %get3A_1830] {strides = array<i32>} : memref<128x128xi32, #tpu.memory_space<vmem>>, vector<1x16xi32>,
        %get3A_1832 = vector.shape_cast %get3A_1831 : vector<1x16xi32> to vector<16xi32>
        %shift_left3A_1833 = arith.constant 16 : i32
        %shift_left3A_1834 = vector.broadcast %shift_left3A_1833 : i32 to vector<16xi32>
        %shift_left3A_1835 = arith.shli %get3A_1832, %shift_left3A_1834 : vector<16xi32>
        %bitcast_convert_type3A_1836 = tpu.bitcast %shift_left3A_1835 : vector<16xi32> -> vector<16xf32>
        %and3A_1837 = arith.andi %get3A_1832, %broadcast_in_dim3A_170 : vector<16xi32>
        %bitcast_convert_type3A_1838 = tpu.bitcast %and3A_1837 : vector<16xi32> -> vector<16xf32>
        %mul3A_1839 = arith.mulf %gather3A_140, %bitcast_convert_type3A_1836 : vector<16xf32>
        %add3A_1840 = arith.addf %add3A_1822, %mul3A_1839 : vector<16xf32>
        %mul3A_1841 = arith.mulf %gather3A_140, %bitcast_convert_type3A_1838 : vector<16xf32>
        %add3A_1842 = arith.addf %add3A_1824, %mul3A_1841 : vector<16xf32>
        %mul3A_1843 = arith.constant 16 : i32
        %mul3A_1844 = arith.muli %scan3A_99, %mul3A_1843 : i32
        %add3A_1845 = arith.constant 9 : i32
        %add3A_1846 = arith.addi %mul3A_1844, %add3A_1845 : i32
        %get3A_1847 = arith.index_cast %add3A_1846 : i32 to index
        %get3A_1848 = arith.constant 80 : index
        %get3A_1849 = tpu.vector_load %arg8[%get3A_1847, %get3A_1848] {strides = array<i32>} : memref<128x128xi32, #tpu.memory_space<vmem>>, vector<1x16xi32>,
        %get3A_1850 = vector.shape_cast %get3A_1849 : vector<1x16xi32> to vector<16xi32>
        %shift_left3A_1851 = arith.constant 16 : i32
        %shift_left3A_1852 = vector.broadcast %shift_left3A_1851 : i32 to vector<16xi32>
        %shift_left3A_1853 = arith.shli %get3A_1850, %shift_left3A_1852 : vector<16xi32>
        %bitcast_convert_type3A_1854 = tpu.bitcast %shift_left3A_1853 : vector<16xi32> -> vector<16xf32>
        %and3A_1855 = arith.andi %get3A_1850, %broadcast_in_dim3A_170 : vector<16xi32>
        %bitcast_convert_type3A_1856 = tpu.bitcast %and3A_1855 : vector<16xi32> -> vector<16xf32>
        %mul3A_1857 = arith.mulf %gather3A_144, %bitcast_convert_type3A_1854 : vector<16xf32>
        %add3A_1858 = arith.addf %add3A_1840, %mul3A_1857 : vector<16xf32>
        %mul3A_1859 = arith.mulf %gather3A_144, %bitcast_convert_type3A_1856 : vector<16xf32>
        %add3A_1860 = arith.addf %add3A_1842, %mul3A_1859 : vector<16xf32>
        %mul3A_1861 = arith.constant 16 : i32
        %mul3A_1862 = arith.muli %scan3A_99, %mul3A_1861 : i32
        %add3A_1863 = arith.constant 10 : i32
        %add3A_1864 = arith.addi %mul3A_1862, %add3A_1863 : i32
        %get3A_1865 = arith.index_cast %add3A_1864 : i32 to index
        %get3A_1866 = arith.constant 80 : index
        %get3A_1867 = tpu.vector_load %arg8[%get3A_1865, %get3A_1866] {strides = array<i32>} : memref<128x128xi32, #tpu.memory_space<vmem>>, vector<1x16xi32>,
        %get3A_1868 = vector.shape_cast %get3A_1867 : vector<1x16xi32> to vector<16xi32>
        %shift_left3A_1869 = arith.constant 16 : i32
        %shift_left3A_1870 = vector.broadcast %shift_left3A_1869 : i32 to vector<16xi32>
        %shift_left3A_1871 = arith.shli %get3A_1868, %shift_left3A_1870 : vector<16xi32>
        %bitcast_convert_type3A_1872 = tpu.bitcast %shift_left3A_1871 : vector<16xi32> -> vector<16xf32>
        %and3A_1873 = arith.andi %get3A_1868, %broadcast_in_dim3A_170 : vector<16xi32>
        %bitcast_convert_type3A_1874 = tpu.bitcast %and3A_1873 : vector<16xi32> -> vector<16xf32>
        %mul3A_1875 = arith.mulf %gather3A_148, %bitcast_convert_type3A_1872 : vector<16xf32>
        %add3A_1876 = arith.addf %add3A_1858, %mul3A_1875 : vector<16xf32>
        %mul3A_1877 = arith.mulf %gather3A_148, %bitcast_convert_type3A_1874 : vector<16xf32>
        %add3A_1878 = arith.addf %add3A_1860, %mul3A_1877 : vector<16xf32>
        %mul3A_1879 = arith.constant 16 : i32
        %mul3A_1880 = arith.muli %scan3A_99, %mul3A_1879 : i32
        %add3A_1881 = arith.constant 11 : i32
        %add3A_1882 = arith.addi %mul3A_1880, %add3A_1881 : i32
        %get3A_1883 = arith.index_cast %add3A_1882 : i32 to index
        %get3A_1884 = arith.constant 80 : index
        %get3A_1885 = tpu.vector_load %arg8[%get3A_1883, %get3A_1884] {strides = array<i32>} : memref<128x128xi32, #tpu.memory_space<vmem>>, vector<1x16xi32>,
        %get3A_1886 = vector.shape_cast %get3A_1885 : vector<1x16xi32> to vector<16xi32>
        %shift_left3A_1887 = arith.constant 16 : i32
        %shift_left3A_1888 = vector.broadcast %shift_left3A_1887 : i32 to vector<16xi32>
        %shift_left3A_1889 = arith.shli %get3A_1886, %shift_left3A_1888 : vector<16xi32>
        %bitcast_convert_type3A_1890 = tpu.bitcast %shift_left3A_1889 : vector<16xi32> -> vector<16xf32>
        %and3A_1891 = arith.andi %get3A_1886, %broadcast_in_dim3A_170 : vector<16xi32>
        %bitcast_convert_type3A_1892 = tpu.bitcast %and3A_1891 : vector<16xi32> -> vector<16xf32>
        %mul3A_1893 = arith.mulf %gather3A_152, %bitcast_convert_type3A_1890 : vector<16xf32>
        %add3A_1894 = arith.addf %add3A_1876, %mul3A_1893 : vector<16xf32>
        %mul3A_1895 = arith.mulf %gather3A_152, %bitcast_convert_type3A_1892 : vector<16xf32>
        %add3A_1896 = arith.addf %add3A_1878, %mul3A_1895 : vector<16xf32>
        %mul3A_1897 = arith.constant 16 : i32
        %mul3A_1898 = arith.muli %scan3A_99, %mul3A_1897 : i32
        %add3A_1899 = arith.constant 12 : i32
        %add3A_1900 = arith.addi %mul3A_1898, %add3A_1899 : i32
        %get3A_1901 = arith.index_cast %add3A_1900 : i32 to index
        %get3A_1902 = arith.constant 80 : index
        %get3A_1903 = tpu.vector_load %arg8[%get3A_1901, %get3A_1902] {strides = array<i32>} : memref<128x128xi32, #tpu.memory_space<vmem>>, vector<1x16xi32>,
        %get3A_1904 = vector.shape_cast %get3A_1903 : vector<1x16xi32> to vector<16xi32>
        %shift_left3A_1905 = arith.constant 16 : i32
        %shift_left3A_1906 = vector.broadcast %shift_left3A_1905 : i32 to vector<16xi32>
        %shift_left3A_1907 = arith.shli %get3A_1904, %shift_left3A_1906 : vector<16xi32>
        %bitcast_convert_type3A_1908 = tpu.bitcast %shift_left3A_1907 : vector<16xi32> -> vector<16xf32>
        %and3A_1909 = arith.andi %get3A_1904, %broadcast_in_dim3A_170 : vector<16xi32>
        %bitcast_convert_type3A_1910 = tpu.bitcast %and3A_1909 : vector<16xi32> -> vector<16xf32>
        %mul3A_1911 = arith.mulf %gather3A_156, %bitcast_convert_type3A_1908 : vector<16xf32>
        %add3A_1912 = arith.addf %add3A_1894, %mul3A_1911 : vector<16xf32>
        %mul3A_1913 = arith.mulf %gather3A_156, %bitcast_convert_type3A_1910 : vector<16xf32>
        %add3A_1914 = arith.addf %add3A_1896, %mul3A_1913 : vector<16xf32>
        %mul3A_1915 = arith.constant 16 : i32
        %mul3A_1916 = arith.muli %scan3A_99, %mul3A_1915 : i32
        %add3A_1917 = arith.constant 13 : i32
        %add3A_1918 = arith.addi %mul3A_1916, %add3A_1917 : i32
        %get3A_1919 = arith.index_cast %add3A_1918 : i32 to index
        %get3A_1920 = arith.constant 80 : index
        %get3A_1921 = tpu.vector_load %arg8[%get3A_1919, %get3A_1920] {strides = array<i32>} : memref<128x128xi32, #tpu.memory_space<vmem>>, vector<1x16xi32>,
        %get3A_1922 = vector.shape_cast %get3A_1921 : vector<1x16xi32> to vector<16xi32>
        %shift_left3A_1923 = arith.constant 16 : i32
        %shift_left3A_1924 = vector.broadcast %shift_left3A_1923 : i32 to vector<16xi32>
        %shift_left3A_1925 = arith.shli %get3A_1922, %shift_left3A_1924 : vector<16xi32>
        %bitcast_convert_type3A_1926 = tpu.bitcast %shift_left3A_1925 : vector<16xi32> -> vector<16xf32>
        %and3A_1927 = arith.andi %get3A_1922, %broadcast_in_dim3A_170 : vector<16xi32>
        %bitcast_convert_type3A_1928 = tpu.bitcast %and3A_1927 : vector<16xi32> -> vector<16xf32>
        %mul3A_1929 = arith.mulf %gather3A_160, %bitcast_convert_type3A_1926 : vector<16xf32>
        %add3A_1930 = arith.addf %add3A_1912, %mul3A_1929 : vector<16xf32>
        %mul3A_1931 = arith.mulf %gather3A_160, %bitcast_convert_type3A_1928 : vector<16xf32>
        %add3A_1932 = arith.addf %add3A_1914, %mul3A_1931 : vector<16xf32>
        %mul3A_1933 = arith.constant 16 : i32
        %mul3A_1934 = arith.muli %scan3A_99, %mul3A_1933 : i32
        %add3A_1935 = arith.constant 14 : i32
        %add3A_1936 = arith.addi %mul3A_1934, %add3A_1935 : i32
        %get3A_1937 = arith.index_cast %add3A_1936 : i32 to index
        %get3A_1938 = arith.constant 80 : index
        %get3A_1939 = tpu.vector_load %arg8[%get3A_1937, %get3A_1938] {strides = array<i32>} : memref<128x128xi32, #tpu.memory_space<vmem>>, vector<1x16xi32>,
        %get3A_1940 = vector.shape_cast %get3A_1939 : vector<1x16xi32> to vector<16xi32>
        %shift_left3A_1941 = arith.constant 16 : i32
        %shift_left3A_1942 = vector.broadcast %shift_left3A_1941 : i32 to vector<16xi32>
        %shift_left3A_1943 = arith.shli %get3A_1940, %shift_left3A_1942 : vector<16xi32>
        %bitcast_convert_type3A_1944 = tpu.bitcast %shift_left3A_1943 : vector<16xi32> -> vector<16xf32>
        %and3A_1945 = arith.andi %get3A_1940, %broadcast_in_dim3A_170 : vector<16xi32>
        %bitcast_convert_type3A_1946 = tpu.bitcast %and3A_1945 : vector<16xi32> -> vector<16xf32>
        %mul3A_1947 = arith.mulf %gather3A_164, %bitcast_convert_type3A_1944 : vector<16xf32>
        %add3A_1948 = arith.addf %add3A_1930, %mul3A_1947 : vector<16xf32>
        %mul3A_1949 = arith.mulf %gather3A_164, %bitcast_convert_type3A_1946 : vector<16xf32>
        %add3A_1950 = arith.addf %add3A_1932, %mul3A_1949 : vector<16xf32>
        %mul3A_1951 = arith.constant 16 : i32
        %mul3A_1952 = arith.muli %scan3A_99, %mul3A_1951 : i32
        %add3A_1953 = arith.constant 15 : i32
        %add3A_1954 = arith.addi %mul3A_1952, %add3A_1953 : i32
        %get3A_1955 = arith.index_cast %add3A_1954 : i32 to index
        %get3A_1956 = arith.constant 80 : index
        %get3A_1957 = tpu.vector_load %arg8[%get3A_1955, %get3A_1956] {strides = array<i32>} : memref<128x128xi32, #tpu.memory_space<vmem>>, vector<1x16xi32>,
        %get3A_1958 = vector.shape_cast %get3A_1957 : vector<1x16xi32> to vector<16xi32>
        %shift_left3A_1959 = arith.constant 16 : i32
        %shift_left3A_1960 = vector.broadcast %shift_left3A_1959 : i32 to vector<16xi32>
        %shift_left3A_1961 = arith.shli %get3A_1958, %shift_left3A_1960 : vector<16xi32>
        %bitcast_convert_type3A_1962 = tpu.bitcast %shift_left3A_1961 : vector<16xi32> -> vector<16xf32>
        %and3A_1963 = arith.andi %get3A_1958, %broadcast_in_dim3A_170 : vector<16xi32>
        %bitcast_convert_type3A_1964 = tpu.bitcast %and3A_1963 : vector<16xi32> -> vector<16xf32>
        %mul3A_1965 = arith.mulf %gather3A_168, %bitcast_convert_type3A_1962 : vector<16xf32>
        %add3A_1966 = arith.addf %add3A_1948, %mul3A_1965 : vector<16xf32>
        %mul3A_1967 = arith.mulf %gather3A_168, %bitcast_convert_type3A_1964 : vector<16xf32>
        %add3A_1968 = arith.addf %add3A_1950, %mul3A_1967 : vector<16xf32>
        %swap3A_1969 = arith.index_cast %scan3A_99 : i32 to index
        %swap3A_1970 = arith.constant 80 : index
        %swap3A_1971 = tpu.vector_load %arg10[%swap3A_1969, %swap3A_1970] {strides = array<i32>} : memref<8x256xf32, #tpu.memory_space<vmem>>, vector<1x16xf32>,
        %swap3A_1972 = vector.shape_cast %swap3A_1971 : vector<1x16xf32> to vector<16xf32>
        %swap3A_1973 = vector.shape_cast %add3A_1966 : vector<16xf32> to vector<1x16xf32>
        tpu.vector_store %arg10[%swap3A_1969, %swap3A_1970], %swap3A_1973 {strides = array<i32>} : memref<8x256xf32, #tpu.memory_space<vmem>>, vector<1x16xf32>,
        %swap3A_1974 = arith.index_cast %scan3A_99 : i32 to index
        %swap3A_1975 = arith.constant 208 : index
        %swap3A_1976 = tpu.vector_load %arg10[%swap3A_1974, %swap3A_1975] {strides = array<i32>} : memref<8x256xf32, #tpu.memory_space<vmem>>, vector<1x16xf32>,
        %swap3A_1977 = vector.shape_cast %swap3A_1976 : vector<1x16xf32> to vector<16xf32>
        %swap3A_1978 = vector.shape_cast %add3A_1968 : vector<16xf32> to vector<1x16xf32>
        tpu.vector_store %arg10[%swap3A_1974, %swap3A_1975], %swap3A_1978 {strides = array<i32>} : memref<8x256xf32, #tpu.memory_space<vmem>>, vector<1x16xf32>,
        %broadcast_in_dim3A_1979 = arith.constant 0.000000e+00 : f32
        %broadcast_in_dim3A_1980 = vector.broadcast %broadcast_in_dim3A_1979 : f32 to vector<16xf32>
        %broadcast_in_dim3A_1981 = arith.constant 0.000000e+00 : f32
        %broadcast_in_dim3A_1982 = vector.broadcast %broadcast_in_dim3A_1981 : f32 to vector<16xf32>
        %mul3A_1983 = arith.constant 16 : i32
        %mul3A_1984 = arith.muli %scan3A_99, %mul3A_1983 : i32
        %add3A_1985 = arith.constant 0 : i32
        %add3A_1986 = arith.addi %mul3A_1984, %add3A_1985 : i32
        %get3A_1987 = arith.index_cast %add3A_1986 : i32 to index
        %get3A_1988 = arith.constant 96 : index
        %get3A_1989 = tpu.vector_load %arg8[%get3A_1987, %get3A_1988] {strides = array<i32>} : memref<128x128xi32, #tpu.memory_space<vmem>>, vector<1x16xi32>,
        %get3A_1990 = vector.shape_cast %get3A_1989 : vector<1x16xi32> to vector<16xi32>
        %shift_left3A_1991 = arith.constant 16 : i32
        %shift_left3A_1992 = vector.broadcast %shift_left3A_1991 : i32 to vector<16xi32>
        %shift_left3A_1993 = arith.shli %get3A_1990, %shift_left3A_1992 : vector<16xi32>
        %bitcast_convert_type3A_1994 = tpu.bitcast %shift_left3A_1993 : vector<16xi32> -> vector<16xf32>
        %and3A_1995 = arith.andi %get3A_1990, %broadcast_in_dim3A_170 : vector<16xi32>
        %bitcast_convert_type3A_1996 = tpu.bitcast %and3A_1995 : vector<16xi32> -> vector<16xf32>
        %mul3A_1997 = arith.mulf %gather3A_108, %bitcast_convert_type3A_1994 : vector<16xf32>
        %add3A_1998 = arith.addf %broadcast_in_dim3A_1980, %mul3A_1997 : vector<16xf32>
        %mul3A_1999 = arith.mulf %gather3A_108, %bitcast_convert_type3A_1996 : vector<16xf32>
        %add3A_2000 = arith.addf %broadcast_in_dim3A_1982, %mul3A_1999 : vector<16xf32>
        %mul3A_2001 = arith.constant 16 : i32
        %mul3A_2002 = arith.muli %scan3A_99, %mul3A_2001 : i32
        %add3A_2003 = arith.constant 1 : i32
        %add3A_2004 = arith.addi %mul3A_2002, %add3A_2003 : i32
        %get3A_2005 = arith.index_cast %add3A_2004 : i32 to index
        %get3A_2006 = arith.constant 96 : index
        %get3A_2007 = tpu.vector_load %arg8[%get3A_2005, %get3A_2006] {strides = array<i32>} : memref<128x128xi32, #tpu.memory_space<vmem>>, vector<1x16xi32>,
        %get3A_2008 = vector.shape_cast %get3A_2007 : vector<1x16xi32> to vector<16xi32>
        %shift_left3A_2009 = arith.constant 16 : i32
        %shift_left3A_2010 = vector.broadcast %shift_left3A_2009 : i32 to vector<16xi32>
        %shift_left3A_2011 = arith.shli %get3A_2008, %shift_left3A_2010 : vector<16xi32>
        %bitcast_convert_type3A_2012 = tpu.bitcast %shift_left3A_2011 : vector<16xi32> -> vector<16xf32>
        %and3A_2013 = arith.andi %get3A_2008, %broadcast_in_dim3A_170 : vector<16xi32>
        %bitcast_convert_type3A_2014 = tpu.bitcast %and3A_2013 : vector<16xi32> -> vector<16xf32>
        %mul3A_2015 = arith.mulf %gather3A_112, %bitcast_convert_type3A_2012 : vector<16xf32>
        %add3A_2016 = arith.addf %add3A_1998, %mul3A_2015 : vector<16xf32>
        %mul3A_2017 = arith.mulf %gather3A_112, %bitcast_convert_type3A_2014 : vector<16xf32>
        %add3A_2018 = arith.addf %add3A_2000, %mul3A_2017 : vector<16xf32>
        %mul3A_2019 = arith.constant 16 : i32
        %mul3A_2020 = arith.muli %scan3A_99, %mul3A_2019 : i32
        %add3A_2021 = arith.constant 2 : i32
        %add3A_2022 = arith.addi %mul3A_2020, %add3A_2021 : i32
        %get3A_2023 = arith.index_cast %add3A_2022 : i32 to index
        %get3A_2024 = arith.constant 96 : index
        %get3A_2025 = tpu.vector_load %arg8[%get3A_2023, %get3A_2024] {strides = array<i32>} : memref<128x128xi32, #tpu.memory_space<vmem>>, vector<1x16xi32>,
        %get3A_2026 = vector.shape_cast %get3A_2025 : vector<1x16xi32> to vector<16xi32>
        %shift_left3A_2027 = arith.constant 16 : i32
        %shift_left3A_2028 = vector.broadcast %shift_left3A_2027 : i32 to vector<16xi32>
        %shift_left3A_2029 = arith.shli %get3A_2026, %shift_left3A_2028 : vector<16xi32>
        %bitcast_convert_type3A_2030 = tpu.bitcast %shift_left3A_2029 : vector<16xi32> -> vector<16xf32>
        %and3A_2031 = arith.andi %get3A_2026, %broadcast_in_dim3A_170 : vector<16xi32>
        %bitcast_convert_type3A_2032 = tpu.bitcast %and3A_2031 : vector<16xi32> -> vector<16xf32>
        %mul3A_2033 = arith.mulf %gather3A_116, %bitcast_convert_type3A_2030 : vector<16xf32>
        %add3A_2034 = arith.addf %add3A_2016, %mul3A_2033 : vector<16xf32>
        %mul3A_2035 = arith.mulf %gather3A_116, %bitcast_convert_type3A_2032 : vector<16xf32>
        %add3A_2036 = arith.addf %add3A_2018, %mul3A_2035 : vector<16xf32>
        %mul3A_2037 = arith.constant 16 : i32
        %mul3A_2038 = arith.muli %scan3A_99, %mul3A_2037 : i32
        %add3A_2039 = arith.constant 3 : i32
        %add3A_2040 = arith.addi %mul3A_2038, %add3A_2039 : i32
        %get3A_2041 = arith.index_cast %add3A_2040 : i32 to index
        %get3A_2042 = arith.constant 96 : index
        %get3A_2043 = tpu.vector_load %arg8[%get3A_2041, %get3A_2042] {strides = array<i32>} : memref<128x128xi32, #tpu.memory_space<vmem>>, vector<1x16xi32>,
        %get3A_2044 = vector.shape_cast %get3A_2043 : vector<1x16xi32> to vector<16xi32>
        %shift_left3A_2045 = arith.constant 16 : i32
        %shift_left3A_2046 = vector.broadcast %shift_left3A_2045 : i32 to vector<16xi32>
        %shift_left3A_2047 = arith.shli %get3A_2044, %shift_left3A_2046 : vector<16xi32>
        %bitcast_convert_type3A_2048 = tpu.bitcast %shift_left3A_2047 : vector<16xi32> -> vector<16xf32>
        %and3A_2049 = arith.andi %get3A_2044, %broadcast_in_dim3A_170 : vector<16xi32>
        %bitcast_convert_type3A_2050 = tpu.bitcast %and3A_2049 : vector<16xi32> -> vector<16xf32>
        %mul3A_2051 = arith.mulf %gather3A_120, %bitcast_convert_type3A_2048 : vector<16xf32>
        %add3A_2052 = arith.addf %add3A_2034, %mul3A_2051 : vector<16xf32>
        %mul3A_2053 = arith.mulf %gather3A_120, %bitcast_convert_type3A_2050 : vector<16xf32>
        %add3A_2054 = arith.addf %add3A_2036, %mul3A_2053 : vector<16xf32>
        %mul3A_2055 = arith.constant 16 : i32
        %mul3A_2056 = arith.muli %scan3A_99, %mul3A_2055 : i32
        %add3A_2057 = arith.constant 4 : i32
        %add3A_2058 = arith.addi %mul3A_2056, %add3A_2057 : i32
        %get3A_2059 = arith.index_cast %add3A_2058 : i32 to index
        %get3A_2060 = arith.constant 96 : index
        %get3A_2061 = tpu.vector_load %arg8[%get3A_2059, %get3A_2060] {strides = array<i32>} : memref<128x128xi32, #tpu.memory_space<vmem>>, vector<1x16xi32>,
        %get3A_2062 = vector.shape_cast %get3A_2061 : vector<1x16xi32> to vector<16xi32>
        %shift_left3A_2063 = arith.constant 16 : i32
        %shift_left3A_2064 = vector.broadcast %shift_left3A_2063 : i32 to vector<16xi32>
        %shift_left3A_2065 = arith.shli %get3A_2062, %shift_left3A_2064 : vector<16xi32>
        %bitcast_convert_type3A_2066 = tpu.bitcast %shift_left3A_2065 : vector<16xi32> -> vector<16xf32>
        %and3A_2067 = arith.andi %get3A_2062, %broadcast_in_dim3A_170 : vector<16xi32>
        %bitcast_convert_type3A_2068 = tpu.bitcast %and3A_2067 : vector<16xi32> -> vector<16xf32>
        %mul3A_2069 = arith.mulf %gather3A_124, %bitcast_convert_type3A_2066 : vector<16xf32>
        %add3A_2070 = arith.addf %add3A_2052, %mul3A_2069 : vector<16xf32>
        %mul3A_2071 = arith.mulf %gather3A_124, %bitcast_convert_type3A_2068 : vector<16xf32>
        %add3A_2072 = arith.addf %add3A_2054, %mul3A_2071 : vector<16xf32>
        %mul3A_2073 = arith.constant 16 : i32
        %mul3A_2074 = arith.muli %scan3A_99, %mul3A_2073 : i32
        %add3A_2075 = arith.constant 5 : i32
        %add3A_2076 = arith.addi %mul3A_2074, %add3A_2075 : i32
        %get3A_2077 = arith.index_cast %add3A_2076 : i32 to index
        %get3A_2078 = arith.constant 96 : index
        %get3A_2079 = tpu.vector_load %arg8[%get3A_2077, %get3A_2078] {strides = array<i32>} : memref<128x128xi32, #tpu.memory_space<vmem>>, vector<1x16xi32>,
        %get3A_2080 = vector.shape_cast %get3A_2079 : vector<1x16xi32> to vector<16xi32>
        %shift_left3A_2081 = arith.constant 16 : i32
        %shift_left3A_2082 = vector.broadcast %shift_left3A_2081 : i32 to vector<16xi32>
        %shift_left3A_2083 = arith.shli %get3A_2080, %shift_left3A_2082 : vector<16xi32>
        %bitcast_convert_type3A_2084 = tpu.bitcast %shift_left3A_2083 : vector<16xi32> -> vector<16xf32>
        %and3A_2085 = arith.andi %get3A_2080, %broadcast_in_dim3A_170 : vector<16xi32>
        %bitcast_convert_type3A_2086 = tpu.bitcast %and3A_2085 : vector<16xi32> -> vector<16xf32>
        %mul3A_2087 = arith.mulf %gather3A_128, %bitcast_convert_type3A_2084 : vector<16xf32>
        %add3A_2088 = arith.addf %add3A_2070, %mul3A_2087 : vector<16xf32>
        %mul3A_2089 = arith.mulf %gather3A_128, %bitcast_convert_type3A_2086 : vector<16xf32>
        %add3A_2090 = arith.addf %add3A_2072, %mul3A_2089 : vector<16xf32>
        %mul3A_2091 = arith.constant 16 : i32
        %mul3A_2092 = arith.muli %scan3A_99, %mul3A_2091 : i32
        %add3A_2093 = arith.constant 6 : i32
        %add3A_2094 = arith.addi %mul3A_2092, %add3A_2093 : i32
        %get3A_2095 = arith.index_cast %add3A_2094 : i32 to index
        %get3A_2096 = arith.constant 96 : index
        %get3A_2097 = tpu.vector_load %arg8[%get3A_2095, %get3A_2096] {strides = array<i32>} : memref<128x128xi32, #tpu.memory_space<vmem>>, vector<1x16xi32>,
        %get3A_2098 = vector.shape_cast %get3A_2097 : vector<1x16xi32> to vector<16xi32>
        %shift_left3A_2099 = arith.constant 16 : i32
        %shift_left3A_2100 = vector.broadcast %shift_left3A_2099 : i32 to vector<16xi32>
        %shift_left3A_2101 = arith.shli %get3A_2098, %shift_left3A_2100 : vector<16xi32>
        %bitcast_convert_type3A_2102 = tpu.bitcast %shift_left3A_2101 : vector<16xi32> -> vector<16xf32>
        %and3A_2103 = arith.andi %get3A_2098, %broadcast_in_dim3A_170 : vector<16xi32>
        %bitcast_convert_type3A_2104 = tpu.bitcast %and3A_2103 : vector<16xi32> -> vector<16xf32>
        %mul3A_2105 = arith.mulf %gather3A_132, %bitcast_convert_type3A_2102 : vector<16xf32>
        %add3A_2106 = arith.addf %add3A_2088, %mul3A_2105 : vector<16xf32>
        %mul3A_2107 = arith.mulf %gather3A_132, %bitcast_convert_type3A_2104 : vector<16xf32>
        %add3A_2108 = arith.addf %add3A_2090, %mul3A_2107 : vector<16xf32>
        %mul3A_2109 = arith.constant 16 : i32
        %mul3A_2110 = arith.muli %scan3A_99, %mul3A_2109 : i32
        %add3A_2111 = arith.constant 7 : i32
        %add3A_2112 = arith.addi %mul3A_2110, %add3A_2111 : i32
        %get3A_2113 = arith.index_cast %add3A_2112 : i32 to index
        %get3A_2114 = arith.constant 96 : index
        %get3A_2115 = tpu.vector_load %arg8[%get3A_2113, %get3A_2114] {strides = array<i32>} : memref<128x128xi32, #tpu.memory_space<vmem>>, vector<1x16xi32>,
        %get3A_2116 = vector.shape_cast %get3A_2115 : vector<1x16xi32> to vector<16xi32>
        %shift_left3A_2117 = arith.constant 16 : i32
        %shift_left3A_2118 = vector.broadcast %shift_left3A_2117 : i32 to vector<16xi32>
        %shift_left3A_2119 = arith.shli %get3A_2116, %shift_left3A_2118 : vector<16xi32>
        %bitcast_convert_type3A_2120 = tpu.bitcast %shift_left3A_2119 : vector<16xi32> -> vector<16xf32>
        %and3A_2121 = arith.andi %get3A_2116, %broadcast_in_dim3A_170 : vector<16xi32>
        %bitcast_convert_type3A_2122 = tpu.bitcast %and3A_2121 : vector<16xi32> -> vector<16xf32>
        %mul3A_2123 = arith.mulf %gather3A_136, %bitcast_convert_type3A_2120 : vector<16xf32>
        %add3A_2124 = arith.addf %add3A_2106, %mul3A_2123 : vector<16xf32>
        %mul3A_2125 = arith.mulf %gather3A_136, %bitcast_convert_type3A_2122 : vector<16xf32>
        %add3A_2126 = arith.addf %add3A_2108, %mul3A_2125 : vector<16xf32>
        %mul3A_2127 = arith.constant 16 : i32
        %mul3A_2128 = arith.muli %scan3A_99, %mul3A_2127 : i32
        %add3A_2129 = arith.constant 8 : i32
        %add3A_2130 = arith.addi %mul3A_2128, %add3A_2129 : i32
        %get3A_2131 = arith.index_cast %add3A_2130 : i32 to index
        %get3A_2132 = arith.constant 96 : index
        %get3A_2133 = tpu.vector_load %arg8[%get3A_2131, %get3A_2132] {strides = array<i32>} : memref<128x128xi32, #tpu.memory_space<vmem>>, vector<1x16xi32>,
        %get3A_2134 = vector.shape_cast %get3A_2133 : vector<1x16xi32> to vector<16xi32>
        %shift_left3A_2135 = arith.constant 16 : i32
        %shift_left3A_2136 = vector.broadcast %shift_left3A_2135 : i32 to vector<16xi32>
        %shift_left3A_2137 = arith.shli %get3A_2134, %shift_left3A_2136 : vector<16xi32>
        %bitcast_convert_type3A_2138 = tpu.bitcast %shift_left3A_2137 : vector<16xi32> -> vector<16xf32>
        %and3A_2139 = arith.andi %get3A_2134, %broadcast_in_dim3A_170 : vector<16xi32>
        %bitcast_convert_type3A_2140 = tpu.bitcast %and3A_2139 : vector<16xi32> -> vector<16xf32>
        %mul3A_2141 = arith.mulf %gather3A_140, %bitcast_convert_type3A_2138 : vector<16xf32>
        %add3A_2142 = arith.addf %add3A_2124, %mul3A_2141 : vector<16xf32>
        %mul3A_2143 = arith.mulf %gather3A_140, %bitcast_convert_type3A_2140 : vector<16xf32>
        %add3A_2144 = arith.addf %add3A_2126, %mul3A_2143 : vector<16xf32>
        %mul3A_2145 = arith.constant 16 : i32
        %mul3A_2146 = arith.muli %scan3A_99, %mul3A_2145 : i32
        %add3A_2147 = arith.constant 9 : i32
        %add3A_2148 = arith.addi %mul3A_2146, %add3A_2147 : i32
        %get3A_2149 = arith.index_cast %add3A_2148 : i32 to index
        %get3A_2150 = arith.constant 96 : index
        %get3A_2151 = tpu.vector_load %arg8[%get3A_2149, %get3A_2150] {strides = array<i32>} : memref<128x128xi32, #tpu.memory_space<vmem>>, vector<1x16xi32>,
        %get3A_2152 = vector.shape_cast %get3A_2151 : vector<1x16xi32> to vector<16xi32>
        %shift_left3A_2153 = arith.constant 16 : i32
        %shift_left3A_2154 = vector.broadcast %shift_left3A_2153 : i32 to vector<16xi32>
        %shift_left3A_2155 = arith.shli %get3A_2152, %shift_left3A_2154 : vector<16xi32>
        %bitcast_convert_type3A_2156 = tpu.bitcast %shift_left3A_2155 : vector<16xi32> -> vector<16xf32>
        %and3A_2157 = arith.andi %get3A_2152, %broadcast_in_dim3A_170 : vector<16xi32>
        %bitcast_convert_type3A_2158 = tpu.bitcast %and3A_2157 : vector<16xi32> -> vector<16xf32>
        %mul3A_2159 = arith.mulf %gather3A_144, %bitcast_convert_type3A_2156 : vector<16xf32>
        %add3A_2160 = arith.addf %add3A_2142, %mul3A_2159 : vector<16xf32>
        %mul3A_2161 = arith.mulf %gather3A_144, %bitcast_convert_type3A_2158 : vector<16xf32>
        %add3A_2162 = arith.addf %add3A_2144, %mul3A_2161 : vector<16xf32>
        %mul3A_2163 = arith.constant 16 : i32
        %mul3A_2164 = arith.muli %scan3A_99, %mul3A_2163 : i32
        %add3A_2165 = arith.constant 10 : i32
        %add3A_2166 = arith.addi %mul3A_2164, %add3A_2165 : i32
        %get3A_2167 = arith.index_cast %add3A_2166 : i32 to index
        %get3A_2168 = arith.constant 96 : index
        %get3A_2169 = tpu.vector_load %arg8[%get3A_2167, %get3A_2168] {strides = array<i32>} : memref<128x128xi32, #tpu.memory_space<vmem>>, vector<1x16xi32>,
        %get3A_2170 = vector.shape_cast %get3A_2169 : vector<1x16xi32> to vector<16xi32>
        %shift_left3A_2171 = arith.constant 16 : i32
        %shift_left3A_2172 = vector.broadcast %shift_left3A_2171 : i32 to vector<16xi32>
        %shift_left3A_2173 = arith.shli %get3A_2170, %shift_left3A_2172 : vector<16xi32>
        %bitcast_convert_type3A_2174 = tpu.bitcast %shift_left3A_2173 : vector<16xi32> -> vector<16xf32>
        %and3A_2175 = arith.andi %get3A_2170, %broadcast_in_dim3A_170 : vector<16xi32>
        %bitcast_convert_type3A_2176 = tpu.bitcast %and3A_2175 : vector<16xi32> -> vector<16xf32>
        %mul3A_2177 = arith.mulf %gather3A_148, %bitcast_convert_type3A_2174 : vector<16xf32>
        %add3A_2178 = arith.addf %add3A_2160, %mul3A_2177 : vector<16xf32>
        %mul3A_2179 = arith.mulf %gather3A_148, %bitcast_convert_type3A_2176 : vector<16xf32>
        %add3A_2180 = arith.addf %add3A_2162, %mul3A_2179 : vector<16xf32>
        %mul3A_2181 = arith.constant 16 : i32
        %mul3A_2182 = arith.muli %scan3A_99, %mul3A_2181 : i32
        %add3A_2183 = arith.constant 11 : i32
        %add3A_2184 = arith.addi %mul3A_2182, %add3A_2183 : i32
        %get3A_2185 = arith.index_cast %add3A_2184 : i32 to index
        %get3A_2186 = arith.constant 96 : index
        %get3A_2187 = tpu.vector_load %arg8[%get3A_2185, %get3A_2186] {strides = array<i32>} : memref<128x128xi32, #tpu.memory_space<vmem>>, vector<1x16xi32>,
        %get3A_2188 = vector.shape_cast %get3A_2187 : vector<1x16xi32> to vector<16xi32>
        %shift_left3A_2189 = arith.constant 16 : i32
        %shift_left3A_2190 = vector.broadcast %shift_left3A_2189 : i32 to vector<16xi32>
        %shift_left3A_2191 = arith.shli %get3A_2188, %shift_left3A_2190 : vector<16xi32>
        %bitcast_convert_type3A_2192 = tpu.bitcast %shift_left3A_2191 : vector<16xi32> -> vector<16xf32>
        %and3A_2193 = arith.andi %get3A_2188, %broadcast_in_dim3A_170 : vector<16xi32>
        %bitcast_convert_type3A_2194 = tpu.bitcast %and3A_2193 : vector<16xi32> -> vector<16xf32>
        %mul3A_2195 = arith.mulf %gather3A_152, %bitcast_convert_type3A_2192 : vector<16xf32>
        %add3A_2196 = arith.addf %add3A_2178, %mul3A_2195 : vector<16xf32>
        %mul3A_2197 = arith.mulf %gather3A_152, %bitcast_convert_type3A_2194 : vector<16xf32>
        %add3A_2198 = arith.addf %add3A_2180, %mul3A_2197 : vector<16xf32>
        %mul3A_2199 = arith.constant 16 : i32
        %mul3A_2200 = arith.muli %scan3A_99, %mul3A_2199 : i32
        %add3A_2201 = arith.constant 12 : i32
        %add3A_2202 = arith.addi %mul3A_2200, %add3A_2201 : i32
        %get3A_2203 = arith.index_cast %add3A_2202 : i32 to index
        %get3A_2204 = arith.constant 96 : index
        %get3A_2205 = tpu.vector_load %arg8[%get3A_2203, %get3A_2204] {strides = array<i32>} : memref<128x128xi32, #tpu.memory_space<vmem>>, vector<1x16xi32>,
        %get3A_2206 = vector.shape_cast %get3A_2205 : vector<1x16xi32> to vector<16xi32>
        %shift_left3A_2207 = arith.constant 16 : i32
        %shift_left3A_2208 = vector.broadcast %shift_left3A_2207 : i32 to vector<16xi32>
        %shift_left3A_2209 = arith.shli %get3A_2206, %shift_left3A_2208 : vector<16xi32>
        %bitcast_convert_type3A_2210 = tpu.bitcast %shift_left3A_2209 : vector<16xi32> -> vector<16xf32>
        %and3A_2211 = arith.andi %get3A_2206, %broadcast_in_dim3A_170 : vector<16xi32>
        %bitcast_convert_type3A_2212 = tpu.bitcast %and3A_2211 : vector<16xi32> -> vector<16xf32>
        %mul3A_2213 = arith.mulf %gather3A_156, %bitcast_convert_type3A_2210 : vector<16xf32>
        %add3A_2214 = arith.addf %add3A_2196, %mul3A_2213 : vector<16xf32>
        %mul3A_2215 = arith.mulf %gather3A_156, %bitcast_convert_type3A_2212 : vector<16xf32>
        %add3A_2216 = arith.addf %add3A_2198, %mul3A_2215 : vector<16xf32>
        %mul3A_2217 = arith.constant 16 : i32
        %mul3A_2218 = arith.muli %scan3A_99, %mul3A_2217 : i32
        %add3A_2219 = arith.constant 13 : i32
        %add3A_2220 = arith.addi %mul3A_2218, %add3A_2219 : i32
        %get3A_2221 = arith.index_cast %add3A_2220 : i32 to index
        %get3A_2222 = arith.constant 96 : index
        %get3A_2223 = tpu.vector_load %arg8[%get3A_2221, %get3A_2222] {strides = array<i32>} : memref<128x128xi32, #tpu.memory_space<vmem>>, vector<1x16xi32>,
        %get3A_2224 = vector.shape_cast %get3A_2223 : vector<1x16xi32> to vector<16xi32>
        %shift_left3A_2225 = arith.constant 16 : i32
        %shift_left3A_2226 = vector.broadcast %shift_left3A_2225 : i32 to vector<16xi32>
        %shift_left3A_2227 = arith.shli %get3A_2224, %shift_left3A_2226 : vector<16xi32>
        %bitcast_convert_type3A_2228 = tpu.bitcast %shift_left3A_2227 : vector<16xi32> -> vector<16xf32>
        %and3A_2229 = arith.andi %get3A_2224, %broadcast_in_dim3A_170 : vector<16xi32>
        %bitcast_convert_type3A_2230 = tpu.bitcast %and3A_2229 : vector<16xi32> -> vector<16xf32>
        %mul3A_2231 = arith.mulf %gather3A_160, %bitcast_convert_type3A_2228 : vector<16xf32>
        %add3A_2232 = arith.addf %add3A_2214, %mul3A_2231 : vector<16xf32>
        %mul3A_2233 = arith.mulf %gather3A_160, %bitcast_convert_type3A_2230 : vector<16xf32>
        %add3A_2234 = arith.addf %add3A_2216, %mul3A_2233 : vector<16xf32>
        %mul3A_2235 = arith.constant 16 : i32
        %mul3A_2236 = arith.muli %scan3A_99, %mul3A_2235 : i32
        %add3A_2237 = arith.constant 14 : i32
        %add3A_2238 = arith.addi %mul3A_2236, %add3A_2237 : i32
        %get3A_2239 = arith.index_cast %add3A_2238 : i32 to index
        %get3A_2240 = arith.constant 96 : index
        %get3A_2241 = tpu.vector_load %arg8[%get3A_2239, %get3A_2240] {strides = array<i32>} : memref<128x128xi32, #tpu.memory_space<vmem>>, vector<1x16xi32>,
        %get3A_2242 = vector.shape_cast %get3A_2241 : vector<1x16xi32> to vector<16xi32>
        %shift_left3A_2243 = arith.constant 16 : i32
        %shift_left3A_2244 = vector.broadcast %shift_left3A_2243 : i32 to vector<16xi32>
        %shift_left3A_2245 = arith.shli %get3A_2242, %shift_left3A_2244 : vector<16xi32>
        %bitcast_convert_type3A_2246 = tpu.bitcast %shift_left3A_2245 : vector<16xi32> -> vector<16xf32>
        %and3A_2247 = arith.andi %get3A_2242, %broadcast_in_dim3A_170 : vector<16xi32>
        %bitcast_convert_type3A_2248 = tpu.bitcast %and3A_2247 : vector<16xi32> -> vector<16xf32>
        %mul3A_2249 = arith.mulf %gather3A_164, %bitcast_convert_type3A_2246 : vector<16xf32>
        %add3A_2250 = arith.addf %add3A_2232, %mul3A_2249 : vector<16xf32>
        %mul3A_2251 = arith.mulf %gather3A_164, %bitcast_convert_type3A_2248 : vector<16xf32>
        %add3A_2252 = arith.addf %add3A_2234, %mul3A_2251 : vector<16xf32>
        %mul3A_2253 = arith.constant 16 : i32
        %mul3A_2254 = arith.muli %scan3A_99, %mul3A_2253 : i32
        %add3A_2255 = arith.constant 15 : i32
        %add3A_2256 = arith.addi %mul3A_2254, %add3A_2255 : i32
        %get3A_2257 = arith.index_cast %add3A_2256 : i32 to index
        %get3A_2258 = arith.constant 96 : index
        %get3A_2259 = tpu.vector_load %arg8[%get3A_2257, %get3A_2258] {strides = array<i32>} : memref<128x128xi32, #tpu.memory_space<vmem>>, vector<1x16xi32>,
        %get3A_2260 = vector.shape_cast %get3A_2259 : vector<1x16xi32> to vector<16xi32>
        %shift_left3A_2261 = arith.constant 16 : i32
        %shift_left3A_2262 = vector.broadcast %shift_left3A_2261 : i32 to vector<16xi32>
        %shift_left3A_2263 = arith.shli %get3A_2260, %shift_left3A_2262 : vector<16xi32>
        %bitcast_convert_type3A_2264 = tpu.bitcast %shift_left3A_2263 : vector<16xi32> -> vector<16xf32>
        %and3A_2265 = arith.andi %get3A_2260, %broadcast_in_dim3A_170 : vector<16xi32>
        %bitcast_convert_type3A_2266 = tpu.bitcast %and3A_2265 : vector<16xi32> -> vector<16xf32>
        %mul3A_2267 = arith.mulf %gather3A_168, %bitcast_convert_type3A_2264 : vector<16xf32>
        %add3A_2268 = arith.addf %add3A_2250, %mul3A_2267 : vector<16xf32>
        %mul3A_2269 = arith.mulf %gather3A_168, %bitcast_convert_type3A_2266 : vector<16xf32>
        %add3A_2270 = arith.addf %add3A_2252, %mul3A_2269 : vector<16xf32>
        %swap3A_2271 = arith.index_cast %scan3A_99 : i32 to index
        %swap3A_2272 = arith.constant 96 : index
        %swap3A_2273 = tpu.vector_load %arg10[%swap3A_2271, %swap3A_2272] {strides = array<i32>} : memref<8x256xf32, #tpu.memory_space<vmem>>, vector<1x16xf32>,
        %swap3A_2274 = vector.shape_cast %swap3A_2273 : vector<1x16xf32> to vector<16xf32>
        %swap3A_2275 = vector.shape_cast %add3A_2268 : vector<16xf32> to vector<1x16xf32>
        tpu.vector_store %arg10[%swap3A_2271, %swap3A_2272], %swap3A_2275 {strides = array<i32>} : memref<8x256xf32, #tpu.memory_space<vmem>>, vector<1x16xf32>,
        %swap3A_2276 = arith.index_cast %scan3A_99 : i32 to index
        %swap3A_2277 = arith.constant 224 : index
        %swap3A_2278 = tpu.vector_load %arg10[%swap3A_2276, %swap3A_2277] {strides = array<i32>} : memref<8x256xf32, #tpu.memory_space<vmem>>, vector<1x16xf32>,
        %swap3A_2279 = vector.shape_cast %swap3A_2278 : vector<1x16xf32> to vector<16xf32>
        %swap3A_2280 = vector.shape_cast %add3A_2270 : vector<16xf32> to vector<1x16xf32>
        tpu.vector_store %arg10[%swap3A_2276, %swap3A_2277], %swap3A_2280 {strides = array<i32>} : memref<8x256xf32, #tpu.memory_space<vmem>>, vector<1x16xf32>,
        %broadcast_in_dim3A_2281 = arith.constant 0.000000e+00 : f32
        %broadcast_in_dim3A_2282 = vector.broadcast %broadcast_in_dim3A_2281 : f32 to vector<16xf32>
        %broadcast_in_dim3A_2283 = arith.constant 0.000000e+00 : f32
        %broadcast_in_dim3A_2284 = vector.broadcast %broadcast_in_dim3A_2283 : f32 to vector<16xf32>
        %mul3A_2285 = arith.constant 16 : i32
        %mul3A_2286 = arith.muli %scan3A_99, %mul3A_2285 : i32
        %add3A_2287 = arith.constant 0 : i32
        %add3A_2288 = arith.addi %mul3A_2286, %add3A_2287 : i32
        %get3A_2289 = arith.index_cast %add3A_2288 : i32 to index
        %get3A_2290 = arith.constant 112 : index
        %get3A_2291 = tpu.vector_load %arg8[%get3A_2289, %get3A_2290] {strides = array<i32>} : memref<128x128xi32, #tpu.memory_space<vmem>>, vector<1x16xi32>,
        %get3A_2292 = vector.shape_cast %get3A_2291 : vector<1x16xi32> to vector<16xi32>
        %shift_left3A_2293 = arith.constant 16 : i32
        %shift_left3A_2294 = vector.broadcast %shift_left3A_2293 : i32 to vector<16xi32>
        %shift_left3A_2295 = arith.shli %get3A_2292, %shift_left3A_2294 : vector<16xi32>
        %bitcast_convert_type3A_2296 = tpu.bitcast %shift_left3A_2295 : vector<16xi32> -> vector<16xf32>
        %and3A_2297 = arith.andi %get3A_2292, %broadcast_in_dim3A_170 : vector<16xi32>
        %bitcast_convert_type3A_2298 = tpu.bitcast %and3A_2297 : vector<16xi32> -> vector<16xf32>
        %mul3A_2299 = arith.mulf %gather3A_108, %bitcast_convert_type3A_2296 : vector<16xf32>
        %add3A_2300 = arith.addf %broadcast_in_dim3A_2282, %mul3A_2299 : vector<16xf32>
        %mul3A_2301 = arith.mulf %gather3A_108, %bitcast_convert_type3A_2298 : vector<16xf32>
        %add3A_2302 = arith.addf %broadcast_in_dim3A_2284, %mul3A_2301 : vector<16xf32>
        %mul3A_2303 = arith.constant 16 : i32
        %mul3A_2304 = arith.muli %scan3A_99, %mul3A_2303 : i32
        %add3A_2305 = arith.constant 1 : i32
        %add3A_2306 = arith.addi %mul3A_2304, %add3A_2305 : i32
        %get3A_2307 = arith.index_cast %add3A_2306 : i32 to index
        %get3A_2308 = arith.constant 112 : index
        %get3A_2309 = tpu.vector_load %arg8[%get3A_2307, %get3A_2308] {strides = array<i32>} : memref<128x128xi32, #tpu.memory_space<vmem>>, vector<1x16xi32>,
        %get3A_2310 = vector.shape_cast %get3A_2309 : vector<1x16xi32> to vector<16xi32>
        %shift_left3A_2311 = arith.constant 16 : i32
        %shift_left3A_2312 = vector.broadcast %shift_left3A_2311 : i32 to vector<16xi32>
        %shift_left3A_2313 = arith.shli %get3A_2310, %shift_left3A_2312 : vector<16xi32>
        %bitcast_convert_type3A_2314 = tpu.bitcast %shift_left3A_2313 : vector<16xi32> -> vector<16xf32>
        %and3A_2315 = arith.andi %get3A_2310, %broadcast_in_dim3A_170 : vector<16xi32>
        %bitcast_convert_type3A_2316 = tpu.bitcast %and3A_2315 : vector<16xi32> -> vector<16xf32>
        %mul3A_2317 = arith.mulf %gather3A_112, %bitcast_convert_type3A_2314 : vector<16xf32>
        %add3A_2318 = arith.addf %add3A_2300, %mul3A_2317 : vector<16xf32>
        %mul3A_2319 = arith.mulf %gather3A_112, %bitcast_convert_type3A_2316 : vector<16xf32>
        %add3A_2320 = arith.addf %add3A_2302, %mul3A_2319 : vector<16xf32>
        %mul3A_2321 = arith.constant 16 : i32
        %mul3A_2322 = arith.muli %scan3A_99, %mul3A_2321 : i32
        %add3A_2323 = arith.constant 2 : i32
        %add3A_2324 = arith.addi %mul3A_2322, %add3A_2323 : i32
        %get3A_2325 = arith.index_cast %add3A_2324 : i32 to index
        %get3A_2326 = arith.constant 112 : index
        %get3A_2327 = tpu.vector_load %arg8[%get3A_2325, %get3A_2326] {strides = array<i32>} : memref<128x128xi32, #tpu.memory_space<vmem>>, vector<1x16xi32>,
        %get3A_2328 = vector.shape_cast %get3A_2327 : vector<1x16xi32> to vector<16xi32>
        %shift_left3A_2329 = arith.constant 16 : i32
        %shift_left3A_2330 = vector.broadcast %shift_left3A_2329 : i32 to vector<16xi32>
        %shift_left3A_2331 = arith.shli %get3A_2328, %shift_left3A_2330 : vector<16xi32>
        %bitcast_convert_type3A_2332 = tpu.bitcast %shift_left3A_2331 : vector<16xi32> -> vector<16xf32>
        %and3A_2333 = arith.andi %get3A_2328, %broadcast_in_dim3A_170 : vector<16xi32>
        %bitcast_convert_type3A_2334 = tpu.bitcast %and3A_2333 : vector<16xi32> -> vector<16xf32>
        %mul3A_2335 = arith.mulf %gather3A_116, %bitcast_convert_type3A_2332 : vector<16xf32>
        %add3A_2336 = arith.addf %add3A_2318, %mul3A_2335 : vector<16xf32>
        %mul3A_2337 = arith.mulf %gather3A_116, %bitcast_convert_type3A_2334 : vector<16xf32>
        %add3A_2338 = arith.addf %add3A_2320, %mul3A_2337 : vector<16xf32>
        %mul3A_2339 = arith.constant 16 : i32
        %mul3A_2340 = arith.muli %scan3A_99, %mul3A_2339 : i32
        %add3A_2341 = arith.constant 3 : i32
        %add3A_2342 = arith.addi %mul3A_2340, %add3A_2341 : i32
        %get3A_2343 = arith.index_cast %add3A_2342 : i32 to index
        %get3A_2344 = arith.constant 112 : index
        %get3A_2345 = tpu.vector_load %arg8[%get3A_2343, %get3A_2344] {strides = array<i32>} : memref<128x128xi32, #tpu.memory_space<vmem>>, vector<1x16xi32>,
        %get3A_2346 = vector.shape_cast %get3A_2345 : vector<1x16xi32> to vector<16xi32>
        %shift_left3A_2347 = arith.constant 16 : i32
        %shift_left3A_2348 = vector.broadcast %shift_left3A_2347 : i32 to vector<16xi32>
        %shift_left3A_2349 = arith.shli %get3A_2346, %shift_left3A_2348 : vector<16xi32>
        %bitcast_convert_type3A_2350 = tpu.bitcast %shift_left3A_2349 : vector<16xi32> -> vector<16xf32>
        %and3A_2351 = arith.andi %get3A_2346, %broadcast_in_dim3A_170 : vector<16xi32>
        %bitcast_convert_type3A_2352 = tpu.bitcast %and3A_2351 : vector<16xi32> -> vector<16xf32>
        %mul3A_2353 = arith.mulf %gather3A_120, %bitcast_convert_type3A_2350 : vector<16xf32>
        %add3A_2354 = arith.addf %add3A_2336, %mul3A_2353 : vector<16xf32>
        %mul3A_2355 = arith.mulf %gather3A_120, %bitcast_convert_type3A_2352 : vector<16xf32>
        %add3A_2356 = arith.addf %add3A_2338, %mul3A_2355 : vector<16xf32>
        %mul3A_2357 = arith.constant 16 : i32
        %mul3A_2358 = arith.muli %scan3A_99, %mul3A_2357 : i32
        %add3A_2359 = arith.constant 4 : i32
        %add3A_2360 = arith.addi %mul3A_2358, %add3A_2359 : i32
        %get3A_2361 = arith.index_cast %add3A_2360 : i32 to index
        %get3A_2362 = arith.constant 112 : index
        %get3A_2363 = tpu.vector_load %arg8[%get3A_2361, %get3A_2362] {strides = array<i32>} : memref<128x128xi32, #tpu.memory_space<vmem>>, vector<1x16xi32>,
        %get3A_2364 = vector.shape_cast %get3A_2363 : vector<1x16xi32> to vector<16xi32>
        %shift_left3A_2365 = arith.constant 16 : i32
        %shift_left3A_2366 = vector.broadcast %shift_left3A_2365 : i32 to vector<16xi32>
        %shift_left3A_2367 = arith.shli %get3A_2364, %shift_left3A_2366 : vector<16xi32>
        %bitcast_convert_type3A_2368 = tpu.bitcast %shift_left3A_2367 : vector<16xi32> -> vector<16xf32>
        %and3A_2369 = arith.andi %get3A_2364, %broadcast_in_dim3A_170 : vector<16xi32>
        %bitcast_convert_type3A_2370 = tpu.bitcast %and3A_2369 : vector<16xi32> -> vector<16xf32>
        %mul3A_2371 = arith.mulf %gather3A_124, %bitcast_convert_type3A_2368 : vector<16xf32>
        %add3A_2372 = arith.addf %add3A_2354, %mul3A_2371 : vector<16xf32>
        %mul3A_2373 = arith.mulf %gather3A_124, %bitcast_convert_type3A_2370 : vector<16xf32>
        %add3A_2374 = arith.addf %add3A_2356, %mul3A_2373 : vector<16xf32>
        %mul3A_2375 = arith.constant 16 : i32
        %mul3A_2376 = arith.muli %scan3A_99, %mul3A_2375 : i32
        %add3A_2377 = arith.constant 5 : i32
        %add3A_2378 = arith.addi %mul3A_2376, %add3A_2377 : i32
        %get3A_2379 = arith.index_cast %add3A_2378 : i32 to index
        %get3A_2380 = arith.constant 112 : index
        %get3A_2381 = tpu.vector_load %arg8[%get3A_2379, %get3A_2380] {strides = array<i32>} : memref<128x128xi32, #tpu.memory_space<vmem>>, vector<1x16xi32>,
        %get3A_2382 = vector.shape_cast %get3A_2381 : vector<1x16xi32> to vector<16xi32>
        %shift_left3A_2383 = arith.constant 16 : i32
        %shift_left3A_2384 = vector.broadcast %shift_left3A_2383 : i32 to vector<16xi32>
        %shift_left3A_2385 = arith.shli %get3A_2382, %shift_left3A_2384 : vector<16xi32>
        %bitcast_convert_type3A_2386 = tpu.bitcast %shift_left3A_2385 : vector<16xi32> -> vector<16xf32>
        %and3A_2387 = arith.andi %get3A_2382, %broadcast_in_dim3A_170 : vector<16xi32>
        %bitcast_convert_type3A_2388 = tpu.bitcast %and3A_2387 : vector<16xi32> -> vector<16xf32>
        %mul3A_2389 = arith.mulf %gather3A_128, %bitcast_convert_type3A_2386 : vector<16xf32>
        %add3A_2390 = arith.addf %add3A_2372, %mul3A_2389 : vector<16xf32>
        %mul3A_2391 = arith.mulf %gather3A_128, %bitcast_convert_type3A_2388 : vector<16xf32>
        %add3A_2392 = arith.addf %add3A_2374, %mul3A_2391 : vector<16xf32>
        %mul3A_2393 = arith.constant 16 : i32
        %mul3A_2394 = arith.muli %scan3A_99, %mul3A_2393 : i32
        %add3A_2395 = arith.constant 6 : i32
        %add3A_2396 = arith.addi %mul3A_2394, %add3A_2395 : i32
        %get3A_2397 = arith.index_cast %add3A_2396 : i32 to index
        %get3A_2398 = arith.constant 112 : index
        %get3A_2399 = tpu.vector_load %arg8[%get3A_2397, %get3A_2398] {strides = array<i32>} : memref<128x128xi32, #tpu.memory_space<vmem>>, vector<1x16xi32>,
        %get3A_2400 = vector.shape_cast %get3A_2399 : vector<1x16xi32> to vector<16xi32>
        %shift_left3A_2401 = arith.constant 16 : i32
        %shift_left3A_2402 = vector.broadcast %shift_left3A_2401 : i32 to vector<16xi32>
        %shift_left3A_2403 = arith.shli %get3A_2400, %shift_left3A_2402 : vector<16xi32>
        %bitcast_convert_type3A_2404 = tpu.bitcast %shift_left3A_2403 : vector<16xi32> -> vector<16xf32>
        %and3A_2405 = arith.andi %get3A_2400, %broadcast_in_dim3A_170 : vector<16xi32>
        %bitcast_convert_type3A_2406 = tpu.bitcast %and3A_2405 : vector<16xi32> -> vector<16xf32>
        %mul3A_2407 = arith.mulf %gather3A_132, %bitcast_convert_type3A_2404 : vector<16xf32>
        %add3A_2408 = arith.addf %add3A_2390, %mul3A_2407 : vector<16xf32>
        %mul3A_2409 = arith.mulf %gather3A_132, %bitcast_convert_type3A_2406 : vector<16xf32>
        %add3A_2410 = arith.addf %add3A_2392, %mul3A_2409 : vector<16xf32>
        %mul3A_2411 = arith.constant 16 : i32
        %mul3A_2412 = arith.muli %scan3A_99, %mul3A_2411 : i32
        %add3A_2413 = arith.constant 7 : i32
        %add3A_2414 = arith.addi %mul3A_2412, %add3A_2413 : i32
        %get3A_2415 = arith.index_cast %add3A_2414 : i32 to index
        %get3A_2416 = arith.constant 112 : index
        %get3A_2417 = tpu.vector_load %arg8[%get3A_2415, %get3A_2416] {strides = array<i32>} : memref<128x128xi32, #tpu.memory_space<vmem>>, vector<1x16xi32>,
        %get3A_2418 = vector.shape_cast %get3A_2417 : vector<1x16xi32> to vector<16xi32>
        %shift_left3A_2419 = arith.constant 16 : i32
        %shift_left3A_2420 = vector.broadcast %shift_left3A_2419 : i32 to vector<16xi32>
        %shift_left3A_2421 = arith.shli %get3A_2418, %shift_left3A_2420 : vector<16xi32>
        %bitcast_convert_type3A_2422 = tpu.bitcast %shift_left3A_2421 : vector<16xi32> -> vector<16xf32>
        %and3A_2423 = arith.andi %get3A_2418, %broadcast_in_dim3A_170 : vector<16xi32>
        %bitcast_convert_type3A_2424 = tpu.bitcast %and3A_2423 : vector<16xi32> -> vector<16xf32>
        %mul3A_2425 = arith.mulf %gather3A_136, %bitcast_convert_type3A_2422 : vector<16xf32>
        %add3A_2426 = arith.addf %add3A_2408, %mul3A_2425 : vector<16xf32>
        %mul3A_2427 = arith.mulf %gather3A_136, %bitcast_convert_type3A_2424 : vector<16xf32>
        %add3A_2428 = arith.addf %add3A_2410, %mul3A_2427 : vector<16xf32>
        %mul3A_2429 = arith.constant 16 : i32
        %mul3A_2430 = arith.muli %scan3A_99, %mul3A_2429 : i32
        %add3A_2431 = arith.constant 8 : i32
        %add3A_2432 = arith.addi %mul3A_2430, %add3A_2431 : i32
        %get3A_2433 = arith.index_cast %add3A_2432 : i32 to index
        %get3A_2434 = arith.constant 112 : index
        %get3A_2435 = tpu.vector_load %arg8[%get3A_2433, %get3A_2434] {strides = array<i32>} : memref<128x128xi32, #tpu.memory_space<vmem>>, vector<1x16xi32>,
        %get3A_2436 = vector.shape_cast %get3A_2435 : vector<1x16xi32> to vector<16xi32>
        %shift_left3A_2437 = arith.constant 16 : i32
        %shift_left3A_2438 = vector.broadcast %shift_left3A_2437 : i32 to vector<16xi32>
        %shift_left3A_2439 = arith.shli %get3A_2436, %shift_left3A_2438 : vector<16xi32>
        %bitcast_convert_type3A_2440 = tpu.bitcast %shift_left3A_2439 : vector<16xi32> -> vector<16xf32>
        %and3A_2441 = arith.andi %get3A_2436, %broadcast_in_dim3A_170 : vector<16xi32>
        %bitcast_convert_type3A_2442 = tpu.bitcast %and3A_2441 : vector<16xi32> -> vector<16xf32>
        %mul3A_2443 = arith.mulf %gather3A_140, %bitcast_convert_type3A_2440 : vector<16xf32>
        %add3A_2444 = arith.addf %add3A_2426, %mul3A_2443 : vector<16xf32>
        %mul3A_2445 = arith.mulf %gather3A_140, %bitcast_convert_type3A_2442 : vector<16xf32>
        %add3A_2446 = arith.addf %add3A_2428, %mul3A_2445 : vector<16xf32>
        %mul3A_2447 = arith.constant 16 : i32
        %mul3A_2448 = arith.muli %scan3A_99, %mul3A_2447 : i32
        %add3A_2449 = arith.constant 9 : i32
        %add3A_2450 = arith.addi %mul3A_2448, %add3A_2449 : i32
        %get3A_2451 = arith.index_cast %add3A_2450 : i32 to index
        %get3A_2452 = arith.constant 112 : index
        %get3A_2453 = tpu.vector_load %arg8[%get3A_2451, %get3A_2452] {strides = array<i32>} : memref<128x128xi32, #tpu.memory_space<vmem>>, vector<1x16xi32>,
        %get3A_2454 = vector.shape_cast %get3A_2453 : vector<1x16xi32> to vector<16xi32>
        %shift_left3A_2455 = arith.constant 16 : i32
        %shift_left3A_2456 = vector.broadcast %shift_left3A_2455 : i32 to vector<16xi32>
        %shift_left3A_2457 = arith.shli %get3A_2454, %shift_left3A_2456 : vector<16xi32>
        %bitcast_convert_type3A_2458 = tpu.bitcast %shift_left3A_2457 : vector<16xi32> -> vector<16xf32>
        %and3A_2459 = arith.andi %get3A_2454, %broadcast_in_dim3A_170 : vector<16xi32>
        %bitcast_convert_type3A_2460 = tpu.bitcast %and3A_2459 : vector<16xi32> -> vector<16xf32>
        %mul3A_2461 = arith.mulf %gather3A_144, %bitcast_convert_type3A_2458 : vector<16xf32>
        %add3A_2462 = arith.addf %add3A_2444, %mul3A_2461 : vector<16xf32>
        %mul3A_2463 = arith.mulf %gather3A_144, %bitcast_convert_type3A_2460 : vector<16xf32>
        %add3A_2464 = arith.addf %add3A_2446, %mul3A_2463 : vector<16xf32>
        %mul3A_2465 = arith.constant 16 : i32
        %mul3A_2466 = arith.muli %scan3A_99, %mul3A_2465 : i32
        %add3A_2467 = arith.constant 10 : i32
        %add3A_2468 = arith.addi %mul3A_2466, %add3A_2467 : i32
        %get3A_2469 = arith.index_cast %add3A_2468 : i32 to index
        %get3A_2470 = arith.constant 112 : index
        %get3A_2471 = tpu.vector_load %arg8[%get3A_2469, %get3A_2470] {strides = array<i32>} : memref<128x128xi32, #tpu.memory_space<vmem>>, vector<1x16xi32>,
        %get3A_2472 = vector.shape_cast %get3A_2471 : vector<1x16xi32> to vector<16xi32>
        %shift_left3A_2473 = arith.constant 16 : i32
        %shift_left3A_2474 = vector.broadcast %shift_left3A_2473 : i32 to vector<16xi32>
        %shift_left3A_2475 = arith.shli %get3A_2472, %shift_left3A_2474 : vector<16xi32>
        %bitcast_convert_type3A_2476 = tpu.bitcast %shift_left3A_2475 : vector<16xi32> -> vector<16xf32>
        %and3A_2477 = arith.andi %get3A_2472, %broadcast_in_dim3A_170 : vector<16xi32>
        %bitcast_convert_type3A_2478 = tpu.bitcast %and3A_2477 : vector<16xi32> -> vector<16xf32>
        %mul3A_2479 = arith.mulf %gather3A_148, %bitcast_convert_type3A_2476 : vector<16xf32>
        %add3A_2480 = arith.addf %add3A_2462, %mul3A_2479 : vector<16xf32>
        %mul3A_2481 = arith.mulf %gather3A_148, %bitcast_convert_type3A_2478 : vector<16xf32>
        %add3A_2482 = arith.addf %add3A_2464, %mul3A_2481 : vector<16xf32>
        %mul3A_2483 = arith.constant 16 : i32
        %mul3A_2484 = arith.muli %scan3A_99, %mul3A_2483 : i32
        %add3A_2485 = arith.constant 11 : i32
        %add3A_2486 = arith.addi %mul3A_2484, %add3A_2485 : i32
        %get3A_2487 = arith.index_cast %add3A_2486 : i32 to index
        %get3A_2488 = arith.constant 112 : index
        %get3A_2489 = tpu.vector_load %arg8[%get3A_2487, %get3A_2488] {strides = array<i32>} : memref<128x128xi32, #tpu.memory_space<vmem>>, vector<1x16xi32>,
        %get3A_2490 = vector.shape_cast %get3A_2489 : vector<1x16xi32> to vector<16xi32>
        %shift_left3A_2491 = arith.constant 16 : i32
        %shift_left3A_2492 = vector.broadcast %shift_left3A_2491 : i32 to vector<16xi32>
        %shift_left3A_2493 = arith.shli %get3A_2490, %shift_left3A_2492 : vector<16xi32>
        %bitcast_convert_type3A_2494 = tpu.bitcast %shift_left3A_2493 : vector<16xi32> -> vector<16xf32>
        %and3A_2495 = arith.andi %get3A_2490, %broadcast_in_dim3A_170 : vector<16xi32>
        %bitcast_convert_type3A_2496 = tpu.bitcast %and3A_2495 : vector<16xi32> -> vector<16xf32>
        %mul3A_2497 = arith.mulf %gather3A_152, %bitcast_convert_type3A_2494 : vector<16xf32>
        %add3A_2498 = arith.addf %add3A_2480, %mul3A_2497 : vector<16xf32>
        %mul3A_2499 = arith.mulf %gather3A_152, %bitcast_convert_type3A_2496 : vector<16xf32>
        %add3A_2500 = arith.addf %add3A_2482, %mul3A_2499 : vector<16xf32>
        %mul3A_2501 = arith.constant 16 : i32
        %mul3A_2502 = arith.muli %scan3A_99, %mul3A_2501 : i32
        %add3A_2503 = arith.constant 12 : i32
        %add3A_2504 = arith.addi %mul3A_2502, %add3A_2503 : i32
        %get3A_2505 = arith.index_cast %add3A_2504 : i32 to index
        %get3A_2506 = arith.constant 112 : index
        %get3A_2507 = tpu.vector_load %arg8[%get3A_2505, %get3A_2506] {strides = array<i32>} : memref<128x128xi32, #tpu.memory_space<vmem>>, vector<1x16xi32>,
        %get3A_2508 = vector.shape_cast %get3A_2507 : vector<1x16xi32> to vector<16xi32>
        %shift_left3A_2509 = arith.constant 16 : i32
        %shift_left3A_2510 = vector.broadcast %shift_left3A_2509 : i32 to vector<16xi32>
        %shift_left3A_2511 = arith.shli %get3A_2508, %shift_left3A_2510 : vector<16xi32>
        %bitcast_convert_type3A_2512 = tpu.bitcast %shift_left3A_2511 : vector<16xi32> -> vector<16xf32>
        %and3A_2513 = arith.andi %get3A_2508, %broadcast_in_dim3A_170 : vector<16xi32>
        %bitcast_convert_type3A_2514 = tpu.bitcast %and3A_2513 : vector<16xi32> -> vector<16xf32>
        %mul3A_2515 = arith.mulf %gather3A_156, %bitcast_convert_type3A_2512 : vector<16xf32>
        %add3A_2516 = arith.addf %add3A_2498, %mul3A_2515 : vector<16xf32>
        %mul3A_2517 = arith.mulf %gather3A_156, %bitcast_convert_type3A_2514 : vector<16xf32>
        %add3A_2518 = arith.addf %add3A_2500, %mul3A_2517 : vector<16xf32>
        %mul3A_2519 = arith.constant 16 : i32
        %mul3A_2520 = arith.muli %scan3A_99, %mul3A_2519 : i32
        %add3A_2521 = arith.constant 13 : i32
        %add3A_2522 = arith.addi %mul3A_2520, %add3A_2521 : i32
        %get3A_2523 = arith.index_cast %add3A_2522 : i32 to index
        %get3A_2524 = arith.constant 112 : index
        %get3A_2525 = tpu.vector_load %arg8[%get3A_2523, %get3A_2524] {strides = array<i32>} : memref<128x128xi32, #tpu.memory_space<vmem>>, vector<1x16xi32>,
        %get3A_2526 = vector.shape_cast %get3A_2525 : vector<1x16xi32> to vector<16xi32>
        %shift_left3A_2527 = arith.constant 16 : i32
        %shift_left3A_2528 = vector.broadcast %shift_left3A_2527 : i32 to vector<16xi32>
        %shift_left3A_2529 = arith.shli %get3A_2526, %shift_left3A_2528 : vector<16xi32>
        %bitcast_convert_type3A_2530 = tpu.bitcast %shift_left3A_2529 : vector<16xi32> -> vector<16xf32>
        %and3A_2531 = arith.andi %get3A_2526, %broadcast_in_dim3A_170 : vector<16xi32>
        %bitcast_convert_type3A_2532 = tpu.bitcast %and3A_2531 : vector<16xi32> -> vector<16xf32>
        %mul3A_2533 = arith.mulf %gather3A_160, %bitcast_convert_type3A_2530 : vector<16xf32>
        %add3A_2534 = arith.addf %add3A_2516, %mul3A_2533 : vector<16xf32>
        %mul3A_2535 = arith.mulf %gather3A_160, %bitcast_convert_type3A_2532 : vector<16xf32>
        %add3A_2536 = arith.addf %add3A_2518, %mul3A_2535 : vector<16xf32>
        %mul3A_2537 = arith.constant 16 : i32
        %mul3A_2538 = arith.muli %scan3A_99, %mul3A_2537 : i32
        %add3A_2539 = arith.constant 14 : i32
        %add3A_2540 = arith.addi %mul3A_2538, %add3A_2539 : i32
        %get3A_2541 = arith.index_cast %add3A_2540 : i32 to index
        %get3A_2542 = arith.constant 112 : index
        %get3A_2543 = tpu.vector_load %arg8[%get3A_2541, %get3A_2542] {strides = array<i32>} : memref<128x128xi32, #tpu.memory_space<vmem>>, vector<1x16xi32>,
        %get3A_2544 = vector.shape_cast %get3A_2543 : vector<1x16xi32> to vector<16xi32>
        %shift_left3A_2545 = arith.constant 16 : i32
        %shift_left3A_2546 = vector.broadcast %shift_left3A_2545 : i32 to vector<16xi32>
        %shift_left3A_2547 = arith.shli %get3A_2544, %shift_left3A_2546 : vector<16xi32>
        %bitcast_convert_type3A_2548 = tpu.bitcast %shift_left3A_2547 : vector<16xi32> -> vector<16xf32>
        %and3A_2549 = arith.andi %get3A_2544, %broadcast_in_dim3A_170 : vector<16xi32>
        %bitcast_convert_type3A_2550 = tpu.bitcast %and3A_2549 : vector<16xi32> -> vector<16xf32>
        %mul3A_2551 = arith.mulf %gather3A_164, %bitcast_convert_type3A_2548 : vector<16xf32>
        %add3A_2552 = arith.addf %add3A_2534, %mul3A_2551 : vector<16xf32>
        %mul3A_2553 = arith.mulf %gather3A_164, %bitcast_convert_type3A_2550 : vector<16xf32>
        %add3A_2554 = arith.addf %add3A_2536, %mul3A_2553 : vector<16xf32>
        %mul3A_2555 = arith.constant 16 : i32
        %mul3A_2556 = arith.muli %scan3A_99, %mul3A_2555 : i32
        %add3A_2557 = arith.constant 15 : i32
        %add3A_2558 = arith.addi %mul3A_2556, %add3A_2557 : i32
        %get3A_2559 = arith.index_cast %add3A_2558 : i32 to index
        %get3A_2560 = arith.constant 112 : index
        %get3A_2561 = tpu.vector_load %arg8[%get3A_2559, %get3A_2560] {strides = array<i32>} : memref<128x128xi32, #tpu.memory_space<vmem>>, vector<1x16xi32>,
        %get3A_2562 = vector.shape_cast %get3A_2561 : vector<1x16xi32> to vector<16xi32>
        %shift_left3A_2563 = arith.constant 16 : i32
        %shift_left3A_2564 = vector.broadcast %shift_left3A_2563 : i32 to vector<16xi32>
        %shift_left3A_2565 = arith.shli %get3A_2562, %shift_left3A_2564 : vector<16xi32>
        %bitcast_convert_type3A_2566 = tpu.bitcast %shift_left3A_2565 : vector<16xi32> -> vector<16xf32>
        %and3A_2567 = arith.andi %get3A_2562, %broadcast_in_dim3A_170 : vector<16xi32>
        %bitcast_convert_type3A_2568 = tpu.bitcast %and3A_2567 : vector<16xi32> -> vector<16xf32>
        %mul3A_2569 = arith.mulf %gather3A_168, %bitcast_convert_type3A_2566 : vector<16xf32>
        %add3A_2570 = arith.addf %add3A_2552, %mul3A_2569 : vector<16xf32>
        %mul3A_2571 = arith.mulf %gather3A_168, %bitcast_convert_type3A_2568 : vector<16xf32>
        %add3A_2572 = arith.addf %add3A_2554, %mul3A_2571 : vector<16xf32>
        %swap3A_2573 = arith.index_cast %scan3A_99 : i32 to index
        %swap3A_2574 = arith.constant 112 : index
        %swap3A_2575 = tpu.vector_load %arg10[%swap3A_2573, %swap3A_2574] {strides = array<i32>} : memref<8x256xf32, #tpu.memory_space<vmem>>, vector<1x16xf32>,
        %swap3A_2576 = vector.shape_cast %swap3A_2575 : vector<1x16xf32> to vector<16xf32>
        %swap3A_2577 = vector.shape_cast %add3A_2570 : vector<16xf32> to vector<1x16xf32>
        tpu.vector_store %arg10[%swap3A_2573, %swap3A_2574], %swap3A_2577 {strides = array<i32>} : memref<8x256xf32, #tpu.memory_space<vmem>>, vector<1x16xf32>,
        %swap3A_2578 = arith.index_cast %scan3A_99 : i32 to index
        %swap3A_2579 = arith.constant 240 : index
        %swap3A_2580 = tpu.vector_load %arg10[%swap3A_2578, %swap3A_2579] {strides = array<i32>} : memref<8x256xf32, #tpu.memory_space<vmem>>, vector<1x16xf32>,
        %swap3A_2581 = vector.shape_cast %swap3A_2580 : vector<1x16xf32> to vector<16xf32>
        %swap3A_2582 = vector.shape_cast %add3A_2572 : vector<16xf32> to vector<1x16xf32>
        tpu.vector_store %arg10[%swap3A_2578, %swap3A_2579], %swap3A_2582 {strides = array<i32>} : memref<8x256xf32, #tpu.memory_space<vmem>>, vector<1x16xf32>,
      }
      %scan3A_50 = arith.constant 8 : i32
      %mul3A_51 = arith.constant 8 : i32
      %mul3A_52 = arith.muli %add3A_36, %mul3A_51 : i32
      %add3A_53 = arith.addi %mul3A_2, %mul3A_52 : i32
      %dma_start3A_54 = arith.constant 0 : i32
      %dma_start3A_55 = tpu.memref_slice %arg5[%add3A_53, %dma_start3A_54] : memref<10240x256xf32, #tpu.memory_space<hbm>> -> memref<8x256xf32, #tpu.memory_space<hbm>>
      %dma_start3A_56 = arith.constant 0 : i32
      %dma_start3A_57 = tpu.memref_slice %arg5[%add3A_53, %dma_start3A_56] : memref<10240x256xf32, #tpu.memory_space<hbm>> -> memref<8x256xf32, #tpu.memory_space<hbm>>
      tpu.enqueue_dma source(%arg10 : memref<8x256xf32, #tpu.memory_space<vmem>>) target(%dma_start3A_57 : memref<8x256xf32, #tpu.memory_space<hbm>>) target_semaphore(%arg15 : memref<!tpu.dma_semaphore, #tpu.memory_space<semaphore_mem>>)
      %add3A_58 = arith.constant 2 : i32
      %add3A_59 = arith.addi %add3A_36, %add3A_58 : i32
      %lt3A = arith.constant 40 : i32
      %lt3A_60 = arith.cmpi slt, %add3A_59, %lt3A : i32
      %convert_element_type3A_61 = arith.extui %lt3A_60 : i1 to i32
      %cond3A_62 = arith.constant 0 : i32
      %cond3A_63 = arith.cmpi ne, %convert_element_type3A_61, %cond3A_62 : i32
      scf.if %cond3A_63 {
        %dma_start3A_99 = arith.constant 0 : i32
        %dma_start3A_100 = tpu.memref_slice %arg6[%add3A_59, %dma_start3A_99] : memref<40x128xi32, #tpu.memory_space<vmem>> -> memref<1x128xi32, #tpu.memory_space<vmem>>
        %dma_start3A_101 = tpu.memref_squeeze %dma_start3A_100 : memref<1x128xi32, #tpu.memory_space<vmem>> -> memref<128xi32, #tpu.memory_space<vmem>>
        %dma_start3A_102 = arith.constant 0 : i32
        %dma_start3A_103 = arith.constant 0 : i32
        %dma_start3A_104 = tpu.memref_slice %arg12[%dma_start3A_102, %dma_start3A_103] : memref<10112x128xi32, #tpu.memory_space<vmem_shared>> -> memref<10112x128xi32, #tpu.memory_space<vmem_shared>>
        tpu.enqueue_indirect_dma source(%dma_start3A_104 : memref<10112x128xi32, #tpu.memory_space<vmem_shared>>) target(%arg8 : memref<128x128xi32, #tpu.memory_space<vmem>>) offsets(%dma_start3A_101 : memref<128xi32, #tpu.memory_space<vmem>>) semaphore(%arg13 : memref<!tpu.dma_semaphore, #tpu.memory_space<semaphore_mem>>)
      } else {
      }
      %mul3A_64 = arith.constant 2 : i32
      %mul3A_65 = arith.muli %scan3A_32, %mul3A_64 : i32
      %add3A_66 = arith.constant 1 : i32
      %add3A_67 = arith.addi %mul3A_65, %add3A_66 : i32
      %dma_wait3A_68 = arith.constant 0 : i32
      %dma_wait3A_69 = tpu.memref_slice %arg6[%add3A_67, %dma_wait3A_68] : memref<40x128xi32, #tpu.memory_space<vmem>> -> memref<1x128xi32, #tpu.memory_space<vmem>>
      %dma_wait3A_70 = tpu.memref_squeeze %dma_wait3A_69 : memref<1x128xi32, #tpu.memory_space<vmem>> -> memref<128xi32, #tpu.memory_space<vmem>>
      %dma_wait3A_71 = arith.constant 0 : i32
      %dma_wait3A_72 = arith.constant 0 : i32
      %dma_wait3A_73 = tpu.memref_slice %arg12[%dma_wait3A_71, %dma_wait3A_72] : memref<10112x128xi32, #tpu.memory_space<vmem_shared>> -> memref<10112x128xi32, #tpu.memory_space<vmem_shared>>
      tpu.wait_indirect_dma semaphore(%arg14 : memref<!tpu.dma_semaphore, #tpu.memory_space<semaphore_mem>>) src(%dma_wait3A_73 : memref<10112x128xi32, #tpu.memory_space<vmem_shared>>) dst(%arg9 : memref<128x128xi32, #tpu.memory_space<vmem>>)
      %ge3A_74 = arith.constant 2 : i32
      %ge3A_75 = arith.cmpi sge, %add3A_67, %ge3A_74 : i32
      %convert_element_type3A_76 = arith.extui %ge3A_75 : i1 to i32
      %cond3A_77 = arith.constant 0 : i32
      %cond3A_78 = arith.cmpi ne, %convert_element_type3A_76, %cond3A_77 : i32
      scf.if %cond3A_78 {
        %dma_wait3A_99 = arith.constant 0 : i32
        %dma_wait3A_100 = tpu.memref_slice %arg5[%mul3A_2, %dma_wait3A_99] : memref<10240x256xf32, #tpu.memory_space<hbm>> -> memref<8x256xf32, #tpu.memory_space<hbm>>
        %dma_wait3A_101 = arith.constant 0 : i32
        %dma_wait3A_102 = tpu.memref_slice %arg5[%mul3A_2, %dma_wait3A_101] : memref<10240x256xf32, #tpu.memory_space<hbm>> -> memref<8x256xf32, #tpu.memory_space<hbm>>
        tpu.wait_dma2 semaphore(%arg16 : memref<!tpu.dma_semaphore, #tpu.memory_space<semaphore_mem>>) src(%arg11 : memref<8x256xf32, #tpu.memory_space<vmem>>) dst(%dma_wait3A_102 : memref<8x256xf32, #tpu.memory_space<hbm>>)
      } else {
      }
      %scan3A_79 = arith.constant 0 : i32
      %scan3A_80 = arith.constant 0 : i32
      %scan3A_81 = arith.constant 8 : i32
      %scan3A_82 = arith.addi %scan3A_80, %scan3A_81 : i32
      %scan3A_83 = arith.constant 1 : i32
      scf.for %scan3A_99 = %scan3A_80 to %scan3A_82 step %scan3A_83  : i32 {
        %mul3A_100 = arith.constant 8 : i32
        %mul3A_101 = arith.muli %add3A_67, %mul3A_100 : i32
        %add3A_102 = arith.addi %mul3A_101, %scan3A_99 : i32
        %mul3A_103 = arith.constant 16 : i32
        %mul3A_104 = arith.muli %add3A_102, %mul3A_103 : i32
        %get3A = arith.index_cast %mul3A_104 : i32 to index
        %get3A_105 = tpu.vector_load %arg7[%get3A] {strides = array<i32>} : memref<5120xf32, #tpu.memory_space<vmem>>, vector<16xf32>,
        %get3A_106 = vector.shape_cast %get3A_105 : vector<16xf32> to vector<16xf32>
        %broadcast_in_dim3A = arith.constant 0 : i32
        %broadcast_in_dim3A_107 = vector.broadcast %broadcast_in_dim3A : i32 to vector<16x1xi32>
        %gather3A = vector.shape_cast %broadcast_in_dim3A_107 : vector<16x1xi32> to vector<16xi32>
        %gather3A_108 = tpu.dynamic_gather %get3A_106[%gather3A] in [0] : vector<16xf32>, vector<16xi32> -> vector<16xf32>
        %broadcast_in_dim3A_109 = arith.constant 1 : i32
        %broadcast_in_dim3A_110 = vector.broadcast %broadcast_in_dim3A_109 : i32 to vector<16x1xi32>
        %gather3A_111 = vector.shape_cast %broadcast_in_dim3A_110 : vector<16x1xi32> to vector<16xi32>
        %gather3A_112 = tpu.dynamic_gather %get3A_106[%gather3A_111] in [0] : vector<16xf32>, vector<16xi32> -> vector<16xf32>
        %broadcast_in_dim3A_113 = arith.constant 2 : i32
        %broadcast_in_dim3A_114 = vector.broadcast %broadcast_in_dim3A_113 : i32 to vector<16x1xi32>
        %gather3A_115 = vector.shape_cast %broadcast_in_dim3A_114 : vector<16x1xi32> to vector<16xi32>
        %gather3A_116 = tpu.dynamic_gather %get3A_106[%gather3A_115] in [0] : vector<16xf32>, vector<16xi32> -> vector<16xf32>
        %broadcast_in_dim3A_117 = arith.constant 3 : i32
        %broadcast_in_dim3A_118 = vector.broadcast %broadcast_in_dim3A_117 : i32 to vector<16x1xi32>
        %gather3A_119 = vector.shape_cast %broadcast_in_dim3A_118 : vector<16x1xi32> to vector<16xi32>
        %gather3A_120 = tpu.dynamic_gather %get3A_106[%gather3A_119] in [0] : vector<16xf32>, vector<16xi32> -> vector<16xf32>
        %broadcast_in_dim3A_121 = arith.constant 4 : i32
        %broadcast_in_dim3A_122 = vector.broadcast %broadcast_in_dim3A_121 : i32 to vector<16x1xi32>
        %gather3A_123 = vector.shape_cast %broadcast_in_dim3A_122 : vector<16x1xi32> to vector<16xi32>
        %gather3A_124 = tpu.dynamic_gather %get3A_106[%gather3A_123] in [0] : vector<16xf32>, vector<16xi32> -> vector<16xf32>
        %broadcast_in_dim3A_125 = arith.constant 5 : i32
        %broadcast_in_dim3A_126 = vector.broadcast %broadcast_in_dim3A_125 : i32 to vector<16x1xi32>
        %gather3A_127 = vector.shape_cast %broadcast_in_dim3A_126 : vector<16x1xi32> to vector<16xi32>
        %gather3A_128 = tpu.dynamic_gather %get3A_106[%gather3A_127] in [0] : vector<16xf32>, vector<16xi32> -> vector<16xf32>
        %broadcast_in_dim3A_129 = arith.constant 6 : i32
        %broadcast_in_dim3A_130 = vector.broadcast %broadcast_in_dim3A_129 : i32 to vector<16x1xi32>
        %gather3A_131 = vector.shape_cast %broadcast_in_dim3A_130 : vector<16x1xi32> to vector<16xi32>
        %gather3A_132 = tpu.dynamic_gather %get3A_106[%gather3A_131] in [0] : vector<16xf32>, vector<16xi32> -> vector<16xf32>
        %broadcast_in_dim3A_133 = arith.constant 7 : i32
        %broadcast_in_dim3A_134 = vector.broadcast %broadcast_in_dim3A_133 : i32 to vector<16x1xi32>
        %gather3A_135 = vector.shape_cast %broadcast_in_dim3A_134 : vector<16x1xi32> to vector<16xi32>
        %gather3A_136 = tpu.dynamic_gather %get3A_106[%gather3A_135] in [0] : vector<16xf32>, vector<16xi32> -> vector<16xf32>
        %broadcast_in_dim3A_137 = arith.constant 8 : i32
        %broadcast_in_dim3A_138 = vector.broadcast %broadcast_in_dim3A_137 : i32 to vector<16x1xi32>
        %gather3A_139 = vector.shape_cast %broadcast_in_dim3A_138 : vector<16x1xi32> to vector<16xi32>
        %gather3A_140 = tpu.dynamic_gather %get3A_106[%gather3A_139] in [0] : vector<16xf32>, vector<16xi32> -> vector<16xf32>
        %broadcast_in_dim3A_141 = arith.constant 9 : i32
        %broadcast_in_dim3A_142 = vector.broadcast %broadcast_in_dim3A_141 : i32 to vector<16x1xi32>
        %gather3A_143 = vector.shape_cast %broadcast_in_dim3A_142 : vector<16x1xi32> to vector<16xi32>
        %gather3A_144 = tpu.dynamic_gather %get3A_106[%gather3A_143] in [0] : vector<16xf32>, vector<16xi32> -> vector<16xf32>
        %broadcast_in_dim3A_145 = arith.constant 10 : i32
        %broadcast_in_dim3A_146 = vector.broadcast %broadcast_in_dim3A_145 : i32 to vector<16x1xi32>
        %gather3A_147 = vector.shape_cast %broadcast_in_dim3A_146 : vector<16x1xi32> to vector<16xi32>
        %gather3A_148 = tpu.dynamic_gather %get3A_106[%gather3A_147] in [0] : vector<16xf32>, vector<16xi32> -> vector<16xf32>
        %broadcast_in_dim3A_149 = arith.constant 11 : i32
        %broadcast_in_dim3A_150 = vector.broadcast %broadcast_in_dim3A_149 : i32 to vector<16x1xi32>
        %gather3A_151 = vector.shape_cast %broadcast_in_dim3A_150 : vector<16x1xi32> to vector<16xi32>
        %gather3A_152 = tpu.dynamic_gather %get3A_106[%gather3A_151] in [0] : vector<16xf32>, vector<16xi32> -> vector<16xf32>
        %broadcast_in_dim3A_153 = arith.constant 12 : i32
        %broadcast_in_dim3A_154 = vector.broadcast %broadcast_in_dim3A_153 : i32 to vector<16x1xi32>
        %gather3A_155 = vector.shape_cast %broadcast_in_dim3A_154 : vector<16x1xi32> to vector<16xi32>
        %gather3A_156 = tpu.dynamic_gather %get3A_106[%gather3A_155] in [0] : vector<16xf32>, vector<16xi32> -> vector<16xf32>
        %broadcast_in_dim3A_157 = arith.constant 13 : i32
        %broadcast_in_dim3A_158 = vector.broadcast %broadcast_in_dim3A_157 : i32 to vector<16x1xi32>
        %gather3A_159 = vector.shape_cast %broadcast_in_dim3A_158 : vector<16x1xi32> to vector<16xi32>
        %gather3A_160 = tpu.dynamic_gather %get3A_106[%gather3A_159] in [0] : vector<16xf32>, vector<16xi32> -> vector<16xf32>
        %broadcast_in_dim3A_161 = arith.constant 14 : i32
        %broadcast_in_dim3A_162 = vector.broadcast %broadcast_in_dim3A_161 : i32 to vector<16x1xi32>
        %gather3A_163 = vector.shape_cast %broadcast_in_dim3A_162 : vector<16x1xi32> to vector<16xi32>
        %gather3A_164 = tpu.dynamic_gather %get3A_106[%gather3A_163] in [0] : vector<16xf32>, vector<16xi32> -> vector<16xf32>
        %broadcast_in_dim3A_165 = arith.constant 15 : i32
        %broadcast_in_dim3A_166 = vector.broadcast %broadcast_in_dim3A_165 : i32 to vector<16x1xi32>
        %gather3A_167 = vector.shape_cast %broadcast_in_dim3A_166 : vector<16x1xi32> to vector<16xi32>
        %gather3A_168 = tpu.dynamic_gather %get3A_106[%gather3A_167] in [0] : vector<16xf32>, vector<16xi32> -> vector<16xf32>
        %broadcast_in_dim3A_169 = arith.constant -65536 : i32
        %broadcast_in_dim3A_170 = vector.broadcast %broadcast_in_dim3A_169 : i32 to vector<16xi32>
        %broadcast_in_dim3A_171 = arith.constant 0.000000e+00 : f32
        %broadcast_in_dim3A_172 = vector.broadcast %broadcast_in_dim3A_171 : f32 to vector<16xf32>
        %broadcast_in_dim3A_173 = arith.constant 0.000000e+00 : f32
        %broadcast_in_dim3A_174 = vector.broadcast %broadcast_in_dim3A_173 : f32 to vector<16xf32>
        %mul3A_175 = arith.constant 16 : i32
        %mul3A_176 = arith.muli %scan3A_99, %mul3A_175 : i32
        %add3A_177 = arith.constant 0 : i32
        %add3A_178 = arith.addi %mul3A_176, %add3A_177 : i32
        %get3A_179 = arith.index_cast %add3A_178 : i32 to index
        %get3A_180 = arith.constant 0 : index
        %get3A_181 = tpu.vector_load %arg9[%get3A_179, %get3A_180] {strides = array<i32>} : memref<128x128xi32, #tpu.memory_space<vmem>>, vector<1x16xi32>,
        %get3A_182 = vector.shape_cast %get3A_181 : vector<1x16xi32> to vector<16xi32>
        %shift_left3A = arith.constant 16 : i32
        %shift_left3A_183 = vector.broadcast %shift_left3A : i32 to vector<16xi32>
        %shift_left3A_184 = arith.shli %get3A_182, %shift_left3A_183 : vector<16xi32>
        %bitcast_convert_type3A = tpu.bitcast %shift_left3A_184 : vector<16xi32> -> vector<16xf32>
        %and3A = arith.andi %get3A_182, %broadcast_in_dim3A_170 : vector<16xi32>
        %bitcast_convert_type3A_185 = tpu.bitcast %and3A : vector<16xi32> -> vector<16xf32>
        %mul3A_186 = arith.mulf %gather3A_108, %bitcast_convert_type3A : vector<16xf32>
        %add3A_187 = arith.addf %broadcast_in_dim3A_172, %mul3A_186 : vector<16xf32>
        %mul3A_188 = arith.mulf %gather3A_108, %bitcast_convert_type3A_185 : vector<16xf32>
        %add3A_189 = arith.addf %broadcast_in_dim3A_174, %mul3A_188 : vector<16xf32>
        %mul3A_190 = arith.constant 16 : i32
        %mul3A_191 = arith.muli %scan3A_99, %mul3A_190 : i32
        %add3A_192 = arith.constant 1 : i32
        %add3A_193 = arith.addi %mul3A_191, %add3A_192 : i32
        %get3A_194 = arith.index_cast %add3A_193 : i32 to index
        %get3A_195 = arith.constant 0 : index
        %get3A_196 = tpu.vector_load %arg9[%get3A_194, %get3A_195] {strides = array<i32>} : memref<128x128xi32, #tpu.memory_space<vmem>>, vector<1x16xi32>,
        %get3A_197 = vector.shape_cast %get3A_196 : vector<1x16xi32> to vector<16xi32>
        %shift_left3A_198 = arith.constant 16 : i32
        %shift_left3A_199 = vector.broadcast %shift_left3A_198 : i32 to vector<16xi32>
        %shift_left3A_200 = arith.shli %get3A_197, %shift_left3A_199 : vector<16xi32>
        %bitcast_convert_type3A_201 = tpu.bitcast %shift_left3A_200 : vector<16xi32> -> vector<16xf32>
        %and3A_202 = arith.andi %get3A_197, %broadcast_in_dim3A_170 : vector<16xi32>
        %bitcast_convert_type3A_203 = tpu.bitcast %and3A_202 : vector<16xi32> -> vector<16xf32>
        %mul3A_204 = arith.mulf %gather3A_112, %bitcast_convert_type3A_201 : vector<16xf32>
        %add3A_205 = arith.addf %add3A_187, %mul3A_204 : vector<16xf32>
        %mul3A_206 = arith.mulf %gather3A_112, %bitcast_convert_type3A_203 : vector<16xf32>
        %add3A_207 = arith.addf %add3A_189, %mul3A_206 : vector<16xf32>
        %mul3A_208 = arith.constant 16 : i32
        %mul3A_209 = arith.muli %scan3A_99, %mul3A_208 : i32
        %add3A_210 = arith.constant 2 : i32
        %add3A_211 = arith.addi %mul3A_209, %add3A_210 : i32
        %get3A_212 = arith.index_cast %add3A_211 : i32 to index
        %get3A_213 = arith.constant 0 : index
        %get3A_214 = tpu.vector_load %arg9[%get3A_212, %get3A_213] {strides = array<i32>} : memref<128x128xi32, #tpu.memory_space<vmem>>, vector<1x16xi32>,
        %get3A_215 = vector.shape_cast %get3A_214 : vector<1x16xi32> to vector<16xi32>
        %shift_left3A_216 = arith.constant 16 : i32
        %shift_left3A_217 = vector.broadcast %shift_left3A_216 : i32 to vector<16xi32>
        %shift_left3A_218 = arith.shli %get3A_215, %shift_left3A_217 : vector<16xi32>
        %bitcast_convert_type3A_219 = tpu.bitcast %shift_left3A_218 : vector<16xi32> -> vector<16xf32>
        %and3A_220 = arith.andi %get3A_215, %broadcast_in_dim3A_170 : vector<16xi32>
        %bitcast_convert_type3A_221 = tpu.bitcast %and3A_220 : vector<16xi32> -> vector<16xf32>
        %mul3A_222 = arith.mulf %gather3A_116, %bitcast_convert_type3A_219 : vector<16xf32>
        %add3A_223 = arith.addf %add3A_205, %mul3A_222 : vector<16xf32>
        %mul3A_224 = arith.mulf %gather3A_116, %bitcast_convert_type3A_221 : vector<16xf32>
        %add3A_225 = arith.addf %add3A_207, %mul3A_224 : vector<16xf32>
        %mul3A_226 = arith.constant 16 : i32
        %mul3A_227 = arith.muli %scan3A_99, %mul3A_226 : i32
        %add3A_228 = arith.constant 3 : i32
        %add3A_229 = arith.addi %mul3A_227, %add3A_228 : i32
        %get3A_230 = arith.index_cast %add3A_229 : i32 to index
        %get3A_231 = arith.constant 0 : index
        %get3A_232 = tpu.vector_load %arg9[%get3A_230, %get3A_231] {strides = array<i32>} : memref<128x128xi32, #tpu.memory_space<vmem>>, vector<1x16xi32>,
        %get3A_233 = vector.shape_cast %get3A_232 : vector<1x16xi32> to vector<16xi32>
        %shift_left3A_234 = arith.constant 16 : i32
        %shift_left3A_235 = vector.broadcast %shift_left3A_234 : i32 to vector<16xi32>
        %shift_left3A_236 = arith.shli %get3A_233, %shift_left3A_235 : vector<16xi32>
        %bitcast_convert_type3A_237 = tpu.bitcast %shift_left3A_236 : vector<16xi32> -> vector<16xf32>
        %and3A_238 = arith.andi %get3A_233, %broadcast_in_dim3A_170 : vector<16xi32>
        %bitcast_convert_type3A_239 = tpu.bitcast %and3A_238 : vector<16xi32> -> vector<16xf32>
        %mul3A_240 = arith.mulf %gather3A_120, %bitcast_convert_type3A_237 : vector<16xf32>
        %add3A_241 = arith.addf %add3A_223, %mul3A_240 : vector<16xf32>
        %mul3A_242 = arith.mulf %gather3A_120, %bitcast_convert_type3A_239 : vector<16xf32>
        %add3A_243 = arith.addf %add3A_225, %mul3A_242 : vector<16xf32>
        %mul3A_244 = arith.constant 16 : i32
        %mul3A_245 = arith.muli %scan3A_99, %mul3A_244 : i32
        %add3A_246 = arith.constant 4 : i32
        %add3A_247 = arith.addi %mul3A_245, %add3A_246 : i32
        %get3A_248 = arith.index_cast %add3A_247 : i32 to index
        %get3A_249 = arith.constant 0 : index
        %get3A_250 = tpu.vector_load %arg9[%get3A_248, %get3A_249] {strides = array<i32>} : memref<128x128xi32, #tpu.memory_space<vmem>>, vector<1x16xi32>,
        %get3A_251 = vector.shape_cast %get3A_250 : vector<1x16xi32> to vector<16xi32>
        %shift_left3A_252 = arith.constant 16 : i32
        %shift_left3A_253 = vector.broadcast %shift_left3A_252 : i32 to vector<16xi32>
        %shift_left3A_254 = arith.shli %get3A_251, %shift_left3A_253 : vector<16xi32>
        %bitcast_convert_type3A_255 = tpu.bitcast %shift_left3A_254 : vector<16xi32> -> vector<16xf32>
        %and3A_256 = arith.andi %get3A_251, %broadcast_in_dim3A_170 : vector<16xi32>
        %bitcast_convert_type3A_257 = tpu.bitcast %and3A_256 : vector<16xi32> -> vector<16xf32>
        %mul3A_258 = arith.mulf %gather3A_124, %bitcast_convert_type3A_255 : vector<16xf32>
        %add3A_259 = arith.addf %add3A_241, %mul3A_258 : vector<16xf32>
        %mul3A_260 = arith.mulf %gather3A_124, %bitcast_convert_type3A_257 : vector<16xf32>
        %add3A_261 = arith.addf %add3A_243, %mul3A_260 : vector<16xf32>
        %mul3A_262 = arith.constant 16 : i32
        %mul3A_263 = arith.muli %scan3A_99, %mul3A_262 : i32
        %add3A_264 = arith.constant 5 : i32
        %add3A_265 = arith.addi %mul3A_263, %add3A_264 : i32
        %get3A_266 = arith.index_cast %add3A_265 : i32 to index
        %get3A_267 = arith.constant 0 : index
        %get3A_268 = tpu.vector_load %arg9[%get3A_266, %get3A_267] {strides = array<i32>} : memref<128x128xi32, #tpu.memory_space<vmem>>, vector<1x16xi32>,
        %get3A_269 = vector.shape_cast %get3A_268 : vector<1x16xi32> to vector<16xi32>
        %shift_left3A_270 = arith.constant 16 : i32
        %shift_left3A_271 = vector.broadcast %shift_left3A_270 : i32 to vector<16xi32>
        %shift_left3A_272 = arith.shli %get3A_269, %shift_left3A_271 : vector<16xi32>
        %bitcast_convert_type3A_273 = tpu.bitcast %shift_left3A_272 : vector<16xi32> -> vector<16xf32>
        %and3A_274 = arith.andi %get3A_269, %broadcast_in_dim3A_170 : vector<16xi32>
        %bitcast_convert_type3A_275 = tpu.bitcast %and3A_274 : vector<16xi32> -> vector<16xf32>
        %mul3A_276 = arith.mulf %gather3A_128, %bitcast_convert_type3A_273 : vector<16xf32>
        %add3A_277 = arith.addf %add3A_259, %mul3A_276 : vector<16xf32>
        %mul3A_278 = arith.mulf %gather3A_128, %bitcast_convert_type3A_275 : vector<16xf32>
        %add3A_279 = arith.addf %add3A_261, %mul3A_278 : vector<16xf32>
        %mul3A_280 = arith.constant 16 : i32
        %mul3A_281 = arith.muli %scan3A_99, %mul3A_280 : i32
        %add3A_282 = arith.constant 6 : i32
        %add3A_283 = arith.addi %mul3A_281, %add3A_282 : i32
        %get3A_284 = arith.index_cast %add3A_283 : i32 to index
        %get3A_285 = arith.constant 0 : index
        %get3A_286 = tpu.vector_load %arg9[%get3A_284, %get3A_285] {strides = array<i32>} : memref<128x128xi32, #tpu.memory_space<vmem>>, vector<1x16xi32>,
        %get3A_287 = vector.shape_cast %get3A_286 : vector<1x16xi32> to vector<16xi32>
        %shift_left3A_288 = arith.constant 16 : i32
        %shift_left3A_289 = vector.broadcast %shift_left3A_288 : i32 to vector<16xi32>
        %shift_left3A_290 = arith.shli %get3A_287, %shift_left3A_289 : vector<16xi32>
        %bitcast_convert_type3A_291 = tpu.bitcast %shift_left3A_290 : vector<16xi32> -> vector<16xf32>
        %and3A_292 = arith.andi %get3A_287, %broadcast_in_dim3A_170 : vector<16xi32>
        %bitcast_convert_type3A_293 = tpu.bitcast %and3A_292 : vector<16xi32> -> vector<16xf32>
        %mul3A_294 = arith.mulf %gather3A_132, %bitcast_convert_type3A_291 : vector<16xf32>
        %add3A_295 = arith.addf %add3A_277, %mul3A_294 : vector<16xf32>
        %mul3A_296 = arith.mulf %gather3A_132, %bitcast_convert_type3A_293 : vector<16xf32>
        %add3A_297 = arith.addf %add3A_279, %mul3A_296 : vector<16xf32>
        %mul3A_298 = arith.constant 16 : i32
        %mul3A_299 = arith.muli %scan3A_99, %mul3A_298 : i32
        %add3A_300 = arith.constant 7 : i32
        %add3A_301 = arith.addi %mul3A_299, %add3A_300 : i32
        %get3A_302 = arith.index_cast %add3A_301 : i32 to index
        %get3A_303 = arith.constant 0 : index
        %get3A_304 = tpu.vector_load %arg9[%get3A_302, %get3A_303] {strides = array<i32>} : memref<128x128xi32, #tpu.memory_space<vmem>>, vector<1x16xi32>,
        %get3A_305 = vector.shape_cast %get3A_304 : vector<1x16xi32> to vector<16xi32>
        %shift_left3A_306 = arith.constant 16 : i32
        %shift_left3A_307 = vector.broadcast %shift_left3A_306 : i32 to vector<16xi32>
        %shift_left3A_308 = arith.shli %get3A_305, %shift_left3A_307 : vector<16xi32>
        %bitcast_convert_type3A_309 = tpu.bitcast %shift_left3A_308 : vector<16xi32> -> vector<16xf32>
        %and3A_310 = arith.andi %get3A_305, %broadcast_in_dim3A_170 : vector<16xi32>
        %bitcast_convert_type3A_311 = tpu.bitcast %and3A_310 : vector<16xi32> -> vector<16xf32>
        %mul3A_312 = arith.mulf %gather3A_136, %bitcast_convert_type3A_309 : vector<16xf32>
        %add3A_313 = arith.addf %add3A_295, %mul3A_312 : vector<16xf32>
        %mul3A_314 = arith.mulf %gather3A_136, %bitcast_convert_type3A_311 : vector<16xf32>
        %add3A_315 = arith.addf %add3A_297, %mul3A_314 : vector<16xf32>
        %mul3A_316 = arith.constant 16 : i32
        %mul3A_317 = arith.muli %scan3A_99, %mul3A_316 : i32
        %add3A_318 = arith.constant 8 : i32
        %add3A_319 = arith.addi %mul3A_317, %add3A_318 : i32
        %get3A_320 = arith.index_cast %add3A_319 : i32 to index
        %get3A_321 = arith.constant 0 : index
        %get3A_322 = tpu.vector_load %arg9[%get3A_320, %get3A_321] {strides = array<i32>} : memref<128x128xi32, #tpu.memory_space<vmem>>, vector<1x16xi32>,
        %get3A_323 = vector.shape_cast %get3A_322 : vector<1x16xi32> to vector<16xi32>
        %shift_left3A_324 = arith.constant 16 : i32
        %shift_left3A_325 = vector.broadcast %shift_left3A_324 : i32 to vector<16xi32>
        %shift_left3A_326 = arith.shli %get3A_323, %shift_left3A_325 : vector<16xi32>
        %bitcast_convert_type3A_327 = tpu.bitcast %shift_left3A_326 : vector<16xi32> -> vector<16xf32>
        %and3A_328 = arith.andi %get3A_323, %broadcast_in_dim3A_170 : vector<16xi32>
        %bitcast_convert_type3A_329 = tpu.bitcast %and3A_328 : vector<16xi32> -> vector<16xf32>
        %mul3A_330 = arith.mulf %gather3A_140, %bitcast_convert_type3A_327 : vector<16xf32>
        %add3A_331 = arith.addf %add3A_313, %mul3A_330 : vector<16xf32>
        %mul3A_332 = arith.mulf %gather3A_140, %bitcast_convert_type3A_329 : vector<16xf32>
        %add3A_333 = arith.addf %add3A_315, %mul3A_332 : vector<16xf32>
        %mul3A_334 = arith.constant 16 : i32
        %mul3A_335 = arith.muli %scan3A_99, %mul3A_334 : i32
        %add3A_336 = arith.constant 9 : i32
        %add3A_337 = arith.addi %mul3A_335, %add3A_336 : i32
        %get3A_338 = arith.index_cast %add3A_337 : i32 to index
        %get3A_339 = arith.constant 0 : index
        %get3A_340 = tpu.vector_load %arg9[%get3A_338, %get3A_339] {strides = array<i32>} : memref<128x128xi32, #tpu.memory_space<vmem>>, vector<1x16xi32>,
        %get3A_341 = vector.shape_cast %get3A_340 : vector<1x16xi32> to vector<16xi32>
        %shift_left3A_342 = arith.constant 16 : i32
        %shift_left3A_343 = vector.broadcast %shift_left3A_342 : i32 to vector<16xi32>
        %shift_left3A_344 = arith.shli %get3A_341, %shift_left3A_343 : vector<16xi32>
        %bitcast_convert_type3A_345 = tpu.bitcast %shift_left3A_344 : vector<16xi32> -> vector<16xf32>
        %and3A_346 = arith.andi %get3A_341, %broadcast_in_dim3A_170 : vector<16xi32>
        %bitcast_convert_type3A_347 = tpu.bitcast %and3A_346 : vector<16xi32> -> vector<16xf32>
        %mul3A_348 = arith.mulf %gather3A_144, %bitcast_convert_type3A_345 : vector<16xf32>
        %add3A_349 = arith.addf %add3A_331, %mul3A_348 : vector<16xf32>
        %mul3A_350 = arith.mulf %gather3A_144, %bitcast_convert_type3A_347 : vector<16xf32>
        %add3A_351 = arith.addf %add3A_333, %mul3A_350 : vector<16xf32>
        %mul3A_352 = arith.constant 16 : i32
        %mul3A_353 = arith.muli %scan3A_99, %mul3A_352 : i32
        %add3A_354 = arith.constant 10 : i32
        %add3A_355 = arith.addi %mul3A_353, %add3A_354 : i32
        %get3A_356 = arith.index_cast %add3A_355 : i32 to index
        %get3A_357 = arith.constant 0 : index
        %get3A_358 = tpu.vector_load %arg9[%get3A_356, %get3A_357] {strides = array<i32>} : memref<128x128xi32, #tpu.memory_space<vmem>>, vector<1x16xi32>,
        %get3A_359 = vector.shape_cast %get3A_358 : vector<1x16xi32> to vector<16xi32>
        %shift_left3A_360 = arith.constant 16 : i32
        %shift_left3A_361 = vector.broadcast %shift_left3A_360 : i32 to vector<16xi32>
        %shift_left3A_362 = arith.shli %get3A_359, %shift_left3A_361 : vector<16xi32>
        %bitcast_convert_type3A_363 = tpu.bitcast %shift_left3A_362 : vector<16xi32> -> vector<16xf32>
        %and3A_364 = arith.andi %get3A_359, %broadcast_in_dim3A_170 : vector<16xi32>
        %bitcast_convert_type3A_365 = tpu.bitcast %and3A_364 : vector<16xi32> -> vector<16xf32>
        %mul3A_366 = arith.mulf %gather3A_148, %bitcast_convert_type3A_363 : vector<16xf32>
        %add3A_367 = arith.addf %add3A_349, %mul3A_366 : vector<16xf32>
        %mul3A_368 = arith.mulf %gather3A_148, %bitcast_convert_type3A_365 : vector<16xf32>
        %add3A_369 = arith.addf %add3A_351, %mul3A_368 : vector<16xf32>
        %mul3A_370 = arith.constant 16 : i32
        %mul3A_371 = arith.muli %scan3A_99, %mul3A_370 : i32
        %add3A_372 = arith.constant 11 : i32
        %add3A_373 = arith.addi %mul3A_371, %add3A_372 : i32
        %get3A_374 = arith.index_cast %add3A_373 : i32 to index
        %get3A_375 = arith.constant 0 : index
        %get3A_376 = tpu.vector_load %arg9[%get3A_374, %get3A_375] {strides = array<i32>} : memref<128x128xi32, #tpu.memory_space<vmem>>, vector<1x16xi32>,
        %get3A_377 = vector.shape_cast %get3A_376 : vector<1x16xi32> to vector<16xi32>
        %shift_left3A_378 = arith.constant 16 : i32
        %shift_left3A_379 = vector.broadcast %shift_left3A_378 : i32 to vector<16xi32>
        %shift_left3A_380 = arith.shli %get3A_377, %shift_left3A_379 : vector<16xi32>
        %bitcast_convert_type3A_381 = tpu.bitcast %shift_left3A_380 : vector<16xi32> -> vector<16xf32>
        %and3A_382 = arith.andi %get3A_377, %broadcast_in_dim3A_170 : vector<16xi32>
        %bitcast_convert_type3A_383 = tpu.bitcast %and3A_382 : vector<16xi32> -> vector<16xf32>
        %mul3A_384 = arith.mulf %gather3A_152, %bitcast_convert_type3A_381 : vector<16xf32>
        %add3A_385 = arith.addf %add3A_367, %mul3A_384 : vector<16xf32>
        %mul3A_386 = arith.mulf %gather3A_152, %bitcast_convert_type3A_383 : vector<16xf32>
        %add3A_387 = arith.addf %add3A_369, %mul3A_386 : vector<16xf32>
        %mul3A_388 = arith.constant 16 : i32
        %mul3A_389 = arith.muli %scan3A_99, %mul3A_388 : i32
        %add3A_390 = arith.constant 12 : i32
        %add3A_391 = arith.addi %mul3A_389, %add3A_390 : i32
        %get3A_392 = arith.index_cast %add3A_391 : i32 to index
        %get3A_393 = arith.constant 0 : index
        %get3A_394 = tpu.vector_load %arg9[%get3A_392, %get3A_393] {strides = array<i32>} : memref<128x128xi32, #tpu.memory_space<vmem>>, vector<1x16xi32>,
        %get3A_395 = vector.shape_cast %get3A_394 : vector<1x16xi32> to vector<16xi32>
        %shift_left3A_396 = arith.constant 16 : i32
        %shift_left3A_397 = vector.broadcast %shift_left3A_396 : i32 to vector<16xi32>
        %shift_left3A_398 = arith.shli %get3A_395, %shift_left3A_397 : vector<16xi32>
        %bitcast_convert_type3A_399 = tpu.bitcast %shift_left3A_398 : vector<16xi32> -> vector<16xf32>
        %and3A_400 = arith.andi %get3A_395, %broadcast_in_dim3A_170 : vector<16xi32>
        %bitcast_convert_type3A_401 = tpu.bitcast %and3A_400 : vector<16xi32> -> vector<16xf32>
        %mul3A_402 = arith.mulf %gather3A_156, %bitcast_convert_type3A_399 : vector<16xf32>
        %add3A_403 = arith.addf %add3A_385, %mul3A_402 : vector<16xf32>
        %mul3A_404 = arith.mulf %gather3A_156, %bitcast_convert_type3A_401 : vector<16xf32>
        %add3A_405 = arith.addf %add3A_387, %mul3A_404 : vector<16xf32>
        %mul3A_406 = arith.constant 16 : i32
        %mul3A_407 = arith.muli %scan3A_99, %mul3A_406 : i32
        %add3A_408 = arith.constant 13 : i32
        %add3A_409 = arith.addi %mul3A_407, %add3A_408 : i32
        %get3A_410 = arith.index_cast %add3A_409 : i32 to index
        %get3A_411 = arith.constant 0 : index
        %get3A_412 = tpu.vector_load %arg9[%get3A_410, %get3A_411] {strides = array<i32>} : memref<128x128xi32, #tpu.memory_space<vmem>>, vector<1x16xi32>,
        %get3A_413 = vector.shape_cast %get3A_412 : vector<1x16xi32> to vector<16xi32>
        %shift_left3A_414 = arith.constant 16 : i32
        %shift_left3A_415 = vector.broadcast %shift_left3A_414 : i32 to vector<16xi32>
        %shift_left3A_416 = arith.shli %get3A_413, %shift_left3A_415 : vector<16xi32>
        %bitcast_convert_type3A_417 = tpu.bitcast %shift_left3A_416 : vector<16xi32> -> vector<16xf32>
        %and3A_418 = arith.andi %get3A_413, %broadcast_in_dim3A_170 : vector<16xi32>
        %bitcast_convert_type3A_419 = tpu.bitcast %and3A_418 : vector<16xi32> -> vector<16xf32>
        %mul3A_420 = arith.mulf %gather3A_160, %bitcast_convert_type3A_417 : vector<16xf32>
        %add3A_421 = arith.addf %add3A_403, %mul3A_420 : vector<16xf32>
        %mul3A_422 = arith.mulf %gather3A_160, %bitcast_convert_type3A_419 : vector<16xf32>
        %add3A_423 = arith.addf %add3A_405, %mul3A_422 : vector<16xf32>
        %mul3A_424 = arith.constant 16 : i32
        %mul3A_425 = arith.muli %scan3A_99, %mul3A_424 : i32
        %add3A_426 = arith.constant 14 : i32
        %add3A_427 = arith.addi %mul3A_425, %add3A_426 : i32
        %get3A_428 = arith.index_cast %add3A_427 : i32 to index
        %get3A_429 = arith.constant 0 : index
        %get3A_430 = tpu.vector_load %arg9[%get3A_428, %get3A_429] {strides = array<i32>} : memref<128x128xi32, #tpu.memory_space<vmem>>, vector<1x16xi32>,
        %get3A_431 = vector.shape_cast %get3A_430 : vector<1x16xi32> to vector<16xi32>
        %shift_left3A_432 = arith.constant 16 : i32
        %shift_left3A_433 = vector.broadcast %shift_left3A_432 : i32 to vector<16xi32>
        %shift_left3A_434 = arith.shli %get3A_431, %shift_left3A_433 : vector<16xi32>
        %bitcast_convert_type3A_435 = tpu.bitcast %shift_left3A_434 : vector<16xi32> -> vector<16xf32>
        %and3A_436 = arith.andi %get3A_431, %broadcast_in_dim3A_170 : vector<16xi32>
        %bitcast_convert_type3A_437 = tpu.bitcast %and3A_436 : vector<16xi32> -> vector<16xf32>
        %mul3A_438 = arith.mulf %gather3A_164, %bitcast_convert_type3A_435 : vector<16xf32>
        %add3A_439 = arith.addf %add3A_421, %mul3A_438 : vector<16xf32>
        %mul3A_440 = arith.mulf %gather3A_164, %bitcast_convert_type3A_437 : vector<16xf32>
        %add3A_441 = arith.addf %add3A_423, %mul3A_440 : vector<16xf32>
        %mul3A_442 = arith.constant 16 : i32
        %mul3A_443 = arith.muli %scan3A_99, %mul3A_442 : i32
        %add3A_444 = arith.constant 15 : i32
        %add3A_445 = arith.addi %mul3A_443, %add3A_444 : i32
        %get3A_446 = arith.index_cast %add3A_445 : i32 to index
        %get3A_447 = arith.constant 0 : index
        %get3A_448 = tpu.vector_load %arg9[%get3A_446, %get3A_447] {strides = array<i32>} : memref<128x128xi32, #tpu.memory_space<vmem>>, vector<1x16xi32>,
        %get3A_449 = vector.shape_cast %get3A_448 : vector<1x16xi32> to vector<16xi32>
        %shift_left3A_450 = arith.constant 16 : i32
        %shift_left3A_451 = vector.broadcast %shift_left3A_450 : i32 to vector<16xi32>
        %shift_left3A_452 = arith.shli %get3A_449, %shift_left3A_451 : vector<16xi32>
        %bitcast_convert_type3A_453 = tpu.bitcast %shift_left3A_452 : vector<16xi32> -> vector<16xf32>
        %and3A_454 = arith.andi %get3A_449, %broadcast_in_dim3A_170 : vector<16xi32>
        %bitcast_convert_type3A_455 = tpu.bitcast %and3A_454 : vector<16xi32> -> vector<16xf32>
        %mul3A_456 = arith.mulf %gather3A_168, %bitcast_convert_type3A_453 : vector<16xf32>
        %add3A_457 = arith.addf %add3A_439, %mul3A_456 : vector<16xf32>
        %mul3A_458 = arith.mulf %gather3A_168, %bitcast_convert_type3A_455 : vector<16xf32>
        %add3A_459 = arith.addf %add3A_441, %mul3A_458 : vector<16xf32>
        %swap3A = arith.index_cast %scan3A_99 : i32 to index
        %swap3A_460 = arith.constant 0 : index
        %swap3A_461 = tpu.vector_load %arg11[%swap3A, %swap3A_460] {strides = array<i32>} : memref<8x256xf32, #tpu.memory_space<vmem>>, vector<1x16xf32>,
        %swap3A_462 = vector.shape_cast %swap3A_461 : vector<1x16xf32> to vector<16xf32>
        %swap3A_463 = vector.shape_cast %add3A_457 : vector<16xf32> to vector<1x16xf32>
        tpu.vector_store %arg11[%swap3A, %swap3A_460], %swap3A_463 {strides = array<i32>} : memref<8x256xf32, #tpu.memory_space<vmem>>, vector<1x16xf32>,
        %swap3A_464 = arith.index_cast %scan3A_99 : i32 to index
        %swap3A_465 = arith.constant 128 : index
        %swap3A_466 = tpu.vector_load %arg11[%swap3A_464, %swap3A_465] {strides = array<i32>} : memref<8x256xf32, #tpu.memory_space<vmem>>, vector<1x16xf32>,
        %swap3A_467 = vector.shape_cast %swap3A_466 : vector<1x16xf32> to vector<16xf32>
        %swap3A_468 = vector.shape_cast %add3A_459 : vector<16xf32> to vector<1x16xf32>
        tpu.vector_store %arg11[%swap3A_464, %swap3A_465], %swap3A_468 {strides = array<i32>} : memref<8x256xf32, #tpu.memory_space<vmem>>, vector<1x16xf32>,
        %broadcast_in_dim3A_469 = arith.constant 0.000000e+00 : f32
        %broadcast_in_dim3A_470 = vector.broadcast %broadcast_in_dim3A_469 : f32 to vector<16xf32>
        %broadcast_in_dim3A_471 = arith.constant 0.000000e+00 : f32
        %broadcast_in_dim3A_472 = vector.broadcast %broadcast_in_dim3A_471 : f32 to vector<16xf32>
        %mul3A_473 = arith.constant 16 : i32
        %mul3A_474 = arith.muli %scan3A_99, %mul3A_473 : i32
        %add3A_475 = arith.constant 0 : i32
        %add3A_476 = arith.addi %mul3A_474, %add3A_475 : i32
        %get3A_477 = arith.index_cast %add3A_476 : i32 to index
        %get3A_478 = arith.constant 16 : index
        %get3A_479 = tpu.vector_load %arg9[%get3A_477, %get3A_478] {strides = array<i32>} : memref<128x128xi32, #tpu.memory_space<vmem>>, vector<1x16xi32>,
        %get3A_480 = vector.shape_cast %get3A_479 : vector<1x16xi32> to vector<16xi32>
        %shift_left3A_481 = arith.constant 16 : i32
        %shift_left3A_482 = vector.broadcast %shift_left3A_481 : i32 to vector<16xi32>
        %shift_left3A_483 = arith.shli %get3A_480, %shift_left3A_482 : vector<16xi32>
        %bitcast_convert_type3A_484 = tpu.bitcast %shift_left3A_483 : vector<16xi32> -> vector<16xf32>
        %and3A_485 = arith.andi %get3A_480, %broadcast_in_dim3A_170 : vector<16xi32>
        %bitcast_convert_type3A_486 = tpu.bitcast %and3A_485 : vector<16xi32> -> vector<16xf32>
        %mul3A_487 = arith.mulf %gather3A_108, %bitcast_convert_type3A_484 : vector<16xf32>
        %add3A_488 = arith.addf %broadcast_in_dim3A_470, %mul3A_487 : vector<16xf32>
        %mul3A_489 = arith.mulf %gather3A_108, %bitcast_convert_type3A_486 : vector<16xf32>
        %add3A_490 = arith.addf %broadcast_in_dim3A_472, %mul3A_489 : vector<16xf32>
        %mul3A_491 = arith.constant 16 : i32
        %mul3A_492 = arith.muli %scan3A_99, %mul3A_491 : i32
        %add3A_493 = arith.constant 1 : i32
        %add3A_494 = arith.addi %mul3A_492, %add3A_493 : i32
        %get3A_495 = arith.index_cast %add3A_494 : i32 to index
        %get3A_496 = arith.constant 16 : index
        %get3A_497 = tpu.vector_load %arg9[%get3A_495, %get3A_496] {strides = array<i32>} : memref<128x128xi32, #tpu.memory_space<vmem>>, vector<1x16xi32>,
        %get3A_498 = vector.shape_cast %get3A_497 : vector<1x16xi32> to vector<16xi32>
        %shift_left3A_499 = arith.constant 16 : i32
        %shift_left3A_500 = vector.broadcast %shift_left3A_499 : i32 to vector<16xi32>
        %shift_left3A_501 = arith.shli %get3A_498, %shift_left3A_500 : vector<16xi32>
        %bitcast_convert_type3A_502 = tpu.bitcast %shift_left3A_501 : vector<16xi32> -> vector<16xf32>
        %and3A_503 = arith.andi %get3A_498, %broadcast_in_dim3A_170 : vector<16xi32>
        %bitcast_convert_type3A_504 = tpu.bitcast %and3A_503 : vector<16xi32> -> vector<16xf32>
        %mul3A_505 = arith.mulf %gather3A_112, %bitcast_convert_type3A_502 : vector<16xf32>
        %add3A_506 = arith.addf %add3A_488, %mul3A_505 : vector<16xf32>
        %mul3A_507 = arith.mulf %gather3A_112, %bitcast_convert_type3A_504 : vector<16xf32>
        %add3A_508 = arith.addf %add3A_490, %mul3A_507 : vector<16xf32>
        %mul3A_509 = arith.constant 16 : i32
        %mul3A_510 = arith.muli %scan3A_99, %mul3A_509 : i32
        %add3A_511 = arith.constant 2 : i32
        %add3A_512 = arith.addi %mul3A_510, %add3A_511 : i32
        %get3A_513 = arith.index_cast %add3A_512 : i32 to index
        %get3A_514 = arith.constant 16 : index
        %get3A_515 = tpu.vector_load %arg9[%get3A_513, %get3A_514] {strides = array<i32>} : memref<128x128xi32, #tpu.memory_space<vmem>>, vector<1x16xi32>,
        %get3A_516 = vector.shape_cast %get3A_515 : vector<1x16xi32> to vector<16xi32>
        %shift_left3A_517 = arith.constant 16 : i32
        %shift_left3A_518 = vector.broadcast %shift_left3A_517 : i32 to vector<16xi32>
        %shift_left3A_519 = arith.shli %get3A_516, %shift_left3A_518 : vector<16xi32>
        %bitcast_convert_type3A_520 = tpu.bitcast %shift_left3A_519 : vector<16xi32> -> vector<16xf32>
        %and3A_521 = arith.andi %get3A_516, %broadcast_in_dim3A_170 : vector<16xi32>
        %bitcast_convert_type3A_522 = tpu.bitcast %and3A_521 : vector<16xi32> -> vector<16xf32>
        %mul3A_523 = arith.mulf %gather3A_116, %bitcast_convert_type3A_520 : vector<16xf32>
        %add3A_524 = arith.addf %add3A_506, %mul3A_523 : vector<16xf32>
        %mul3A_525 = arith.mulf %gather3A_116, %bitcast_convert_type3A_522 : vector<16xf32>
        %add3A_526 = arith.addf %add3A_508, %mul3A_525 : vector<16xf32>
        %mul3A_527 = arith.constant 16 : i32
        %mul3A_528 = arith.muli %scan3A_99, %mul3A_527 : i32
        %add3A_529 = arith.constant 3 : i32
        %add3A_530 = arith.addi %mul3A_528, %add3A_529 : i32
        %get3A_531 = arith.index_cast %add3A_530 : i32 to index
        %get3A_532 = arith.constant 16 : index
        %get3A_533 = tpu.vector_load %arg9[%get3A_531, %get3A_532] {strides = array<i32>} : memref<128x128xi32, #tpu.memory_space<vmem>>, vector<1x16xi32>,
        %get3A_534 = vector.shape_cast %get3A_533 : vector<1x16xi32> to vector<16xi32>
        %shift_left3A_535 = arith.constant 16 : i32
        %shift_left3A_536 = vector.broadcast %shift_left3A_535 : i32 to vector<16xi32>
        %shift_left3A_537 = arith.shli %get3A_534, %shift_left3A_536 : vector<16xi32>
        %bitcast_convert_type3A_538 = tpu.bitcast %shift_left3A_537 : vector<16xi32> -> vector<16xf32>
        %and3A_539 = arith.andi %get3A_534, %broadcast_in_dim3A_170 : vector<16xi32>
        %bitcast_convert_type3A_540 = tpu.bitcast %and3A_539 : vector<16xi32> -> vector<16xf32>
        %mul3A_541 = arith.mulf %gather3A_120, %bitcast_convert_type3A_538 : vector<16xf32>
        %add3A_542 = arith.addf %add3A_524, %mul3A_541 : vector<16xf32>
        %mul3A_543 = arith.mulf %gather3A_120, %bitcast_convert_type3A_540 : vector<16xf32>
        %add3A_544 = arith.addf %add3A_526, %mul3A_543 : vector<16xf32>
        %mul3A_545 = arith.constant 16 : i32
        %mul3A_546 = arith.muli %scan3A_99, %mul3A_545 : i32
        %add3A_547 = arith.constant 4 : i32
        %add3A_548 = arith.addi %mul3A_546, %add3A_547 : i32
        %get3A_549 = arith.index_cast %add3A_548 : i32 to index
        %get3A_550 = arith.constant 16 : index
        %get3A_551 = tpu.vector_load %arg9[%get3A_549, %get3A_550] {strides = array<i32>} : memref<128x128xi32, #tpu.memory_space<vmem>>, vector<1x16xi32>,
        %get3A_552 = vector.shape_cast %get3A_551 : vector<1x16xi32> to vector<16xi32>
        %shift_left3A_553 = arith.constant 16 : i32
        %shift_left3A_554 = vector.broadcast %shift_left3A_553 : i32 to vector<16xi32>
        %shift_left3A_555 = arith.shli %get3A_552, %shift_left3A_554 : vector<16xi32>
        %bitcast_convert_type3A_556 = tpu.bitcast %shift_left3A_555 : vector<16xi32> -> vector<16xf32>
        %and3A_557 = arith.andi %get3A_552, %broadcast_in_dim3A_170 : vector<16xi32>
        %bitcast_convert_type3A_558 = tpu.bitcast %and3A_557 : vector<16xi32> -> vector<16xf32>
        %mul3A_559 = arith.mulf %gather3A_124, %bitcast_convert_type3A_556 : vector<16xf32>
        %add3A_560 = arith.addf %add3A_542, %mul3A_559 : vector<16xf32>
        %mul3A_561 = arith.mulf %gather3A_124, %bitcast_convert_type3A_558 : vector<16xf32>
        %add3A_562 = arith.addf %add3A_544, %mul3A_561 : vector<16xf32>
        %mul3A_563 = arith.constant 16 : i32
        %mul3A_564 = arith.muli %scan3A_99, %mul3A_563 : i32
        %add3A_565 = arith.constant 5 : i32
        %add3A_566 = arith.addi %mul3A_564, %add3A_565 : i32
        %get3A_567 = arith.index_cast %add3A_566 : i32 to index
        %get3A_568 = arith.constant 16 : index
        %get3A_569 = tpu.vector_load %arg9[%get3A_567, %get3A_568] {strides = array<i32>} : memref<128x128xi32, #tpu.memory_space<vmem>>, vector<1x16xi32>,
        %get3A_570 = vector.shape_cast %get3A_569 : vector<1x16xi32> to vector<16xi32>
        %shift_left3A_571 = arith.constant 16 : i32
        %shift_left3A_572 = vector.broadcast %shift_left3A_571 : i32 to vector<16xi32>
        %shift_left3A_573 = arith.shli %get3A_570, %shift_left3A_572 : vector<16xi32>
        %bitcast_convert_type3A_574 = tpu.bitcast %shift_left3A_573 : vector<16xi32> -> vector<16xf32>
        %and3A_575 = arith.andi %get3A_570, %broadcast_in_dim3A_170 : vector<16xi32>
        %bitcast_convert_type3A_576 = tpu.bitcast %and3A_575 : vector<16xi32> -> vector<16xf32>
        %mul3A_577 = arith.mulf %gather3A_128, %bitcast_convert_type3A_574 : vector<16xf32>
        %add3A_578 = arith.addf %add3A_560, %mul3A_577 : vector<16xf32>
        %mul3A_579 = arith.mulf %gather3A_128, %bitcast_convert_type3A_576 : vector<16xf32>
        %add3A_580 = arith.addf %add3A_562, %mul3A_579 : vector<16xf32>
        %mul3A_581 = arith.constant 16 : i32
        %mul3A_582 = arith.muli %scan3A_99, %mul3A_581 : i32
        %add3A_583 = arith.constant 6 : i32
        %add3A_584 = arith.addi %mul3A_582, %add3A_583 : i32
        %get3A_585 = arith.index_cast %add3A_584 : i32 to index
        %get3A_586 = arith.constant 16 : index
        %get3A_587 = tpu.vector_load %arg9[%get3A_585, %get3A_586] {strides = array<i32>} : memref<128x128xi32, #tpu.memory_space<vmem>>, vector<1x16xi32>,
        %get3A_588 = vector.shape_cast %get3A_587 : vector<1x16xi32> to vector<16xi32>
        %shift_left3A_589 = arith.constant 16 : i32
        %shift_left3A_590 = vector.broadcast %shift_left3A_589 : i32 to vector<16xi32>
        %shift_left3A_591 = arith.shli %get3A_588, %shift_left3A_590 : vector<16xi32>
        %bitcast_convert_type3A_592 = tpu.bitcast %shift_left3A_591 : vector<16xi32> -> vector<16xf32>
        %and3A_593 = arith.andi %get3A_588, %broadcast_in_dim3A_170 : vector<16xi32>
        %bitcast_convert_type3A_594 = tpu.bitcast %and3A_593 : vector<16xi32> -> vector<16xf32>
        %mul3A_595 = arith.mulf %gather3A_132, %bitcast_convert_type3A_592 : vector<16xf32>
        %add3A_596 = arith.addf %add3A_578, %mul3A_595 : vector<16xf32>
        %mul3A_597 = arith.mulf %gather3A_132, %bitcast_convert_type3A_594 : vector<16xf32>
        %add3A_598 = arith.addf %add3A_580, %mul3A_597 : vector<16xf32>
        %mul3A_599 = arith.constant 16 : i32
        %mul3A_600 = arith.muli %scan3A_99, %mul3A_599 : i32
        %add3A_601 = arith.constant 7 : i32
        %add3A_602 = arith.addi %mul3A_600, %add3A_601 : i32
        %get3A_603 = arith.index_cast %add3A_602 : i32 to index
        %get3A_604 = arith.constant 16 : index
        %get3A_605 = tpu.vector_load %arg9[%get3A_603, %get3A_604] {strides = array<i32>} : memref<128x128xi32, #tpu.memory_space<vmem>>, vector<1x16xi32>,
        %get3A_606 = vector.shape_cast %get3A_605 : vector<1x16xi32> to vector<16xi32>
        %shift_left3A_607 = arith.constant 16 : i32
        %shift_left3A_608 = vector.broadcast %shift_left3A_607 : i32 to vector<16xi32>
        %shift_left3A_609 = arith.shli %get3A_606, %shift_left3A_608 : vector<16xi32>
        %bitcast_convert_type3A_610 = tpu.bitcast %shift_left3A_609 : vector<16xi32> -> vector<16xf32>
        %and3A_611 = arith.andi %get3A_606, %broadcast_in_dim3A_170 : vector<16xi32>
        %bitcast_convert_type3A_612 = tpu.bitcast %and3A_611 : vector<16xi32> -> vector<16xf32>
        %mul3A_613 = arith.mulf %gather3A_136, %bitcast_convert_type3A_610 : vector<16xf32>
        %add3A_614 = arith.addf %add3A_596, %mul3A_613 : vector<16xf32>
        %mul3A_615 = arith.mulf %gather3A_136, %bitcast_convert_type3A_612 : vector<16xf32>
        %add3A_616 = arith.addf %add3A_598, %mul3A_615 : vector<16xf32>
        %mul3A_617 = arith.constant 16 : i32
        %mul3A_618 = arith.muli %scan3A_99, %mul3A_617 : i32
        %add3A_619 = arith.constant 8 : i32
        %add3A_620 = arith.addi %mul3A_618, %add3A_619 : i32
        %get3A_621 = arith.index_cast %add3A_620 : i32 to index
        %get3A_622 = arith.constant 16 : index
        %get3A_623 = tpu.vector_load %arg9[%get3A_621, %get3A_622] {strides = array<i32>} : memref<128x128xi32, #tpu.memory_space<vmem>>, vector<1x16xi32>,
        %get3A_624 = vector.shape_cast %get3A_623 : vector<1x16xi32> to vector<16xi32>
        %shift_left3A_625 = arith.constant 16 : i32
        %shift_left3A_626 = vector.broadcast %shift_left3A_625 : i32 to vector<16xi32>
        %shift_left3A_627 = arith.shli %get3A_624, %shift_left3A_626 : vector<16xi32>
        %bitcast_convert_type3A_628 = tpu.bitcast %shift_left3A_627 : vector<16xi32> -> vector<16xf32>
        %and3A_629 = arith.andi %get3A_624, %broadcast_in_dim3A_170 : vector<16xi32>
        %bitcast_convert_type3A_630 = tpu.bitcast %and3A_629 : vector<16xi32> -> vector<16xf32>
        %mul3A_631 = arith.mulf %gather3A_140, %bitcast_convert_type3A_628 : vector<16xf32>
        %add3A_632 = arith.addf %add3A_614, %mul3A_631 : vector<16xf32>
        %mul3A_633 = arith.mulf %gather3A_140, %bitcast_convert_type3A_630 : vector<16xf32>
        %add3A_634 = arith.addf %add3A_616, %mul3A_633 : vector<16xf32>
        %mul3A_635 = arith.constant 16 : i32
        %mul3A_636 = arith.muli %scan3A_99, %mul3A_635 : i32
        %add3A_637 = arith.constant 9 : i32
        %add3A_638 = arith.addi %mul3A_636, %add3A_637 : i32
        %get3A_639 = arith.index_cast %add3A_638 : i32 to index
        %get3A_640 = arith.constant 16 : index
        %get3A_641 = tpu.vector_load %arg9[%get3A_639, %get3A_640] {strides = array<i32>} : memref<128x128xi32, #tpu.memory_space<vmem>>, vector<1x16xi32>,
        %get3A_642 = vector.shape_cast %get3A_641 : vector<1x16xi32> to vector<16xi32>
        %shift_left3A_643 = arith.constant 16 : i32
        %shift_left3A_644 = vector.broadcast %shift_left3A_643 : i32 to vector<16xi32>
        %shift_left3A_645 = arith.shli %get3A_642, %shift_left3A_644 : vector<16xi32>
        %bitcast_convert_type3A_646 = tpu.bitcast %shift_left3A_645 : vector<16xi32> -> vector<16xf32>
        %and3A_647 = arith.andi %get3A_642, %broadcast_in_dim3A_170 : vector<16xi32>
        %bitcast_convert_type3A_648 = tpu.bitcast %and3A_647 : vector<16xi32> -> vector<16xf32>
        %mul3A_649 = arith.mulf %gather3A_144, %bitcast_convert_type3A_646 : vector<16xf32>
        %add3A_650 = arith.addf %add3A_632, %mul3A_649 : vector<16xf32>
        %mul3A_651 = arith.mulf %gather3A_144, %bitcast_convert_type3A_648 : vector<16xf32>
        %add3A_652 = arith.addf %add3A_634, %mul3A_651 : vector<16xf32>
        %mul3A_653 = arith.constant 16 : i32
        %mul3A_654 = arith.muli %scan3A_99, %mul3A_653 : i32
        %add3A_655 = arith.constant 10 : i32
        %add3A_656 = arith.addi %mul3A_654, %add3A_655 : i32
        %get3A_657 = arith.index_cast %add3A_656 : i32 to index
        %get3A_658 = arith.constant 16 : index
        %get3A_659 = tpu.vector_load %arg9[%get3A_657, %get3A_658] {strides = array<i32>} : memref<128x128xi32, #tpu.memory_space<vmem>>, vector<1x16xi32>,
        %get3A_660 = vector.shape_cast %get3A_659 : vector<1x16xi32> to vector<16xi32>
        %shift_left3A_661 = arith.constant 16 : i32
        %shift_left3A_662 = vector.broadcast %shift_left3A_661 : i32 to vector<16xi32>
        %shift_left3A_663 = arith.shli %get3A_660, %shift_left3A_662 : vector<16xi32>
        %bitcast_convert_type3A_664 = tpu.bitcast %shift_left3A_663 : vector<16xi32> -> vector<16xf32>
        %and3A_665 = arith.andi %get3A_660, %broadcast_in_dim3A_170 : vector<16xi32>
        %bitcast_convert_type3A_666 = tpu.bitcast %and3A_665 : vector<16xi32> -> vector<16xf32>
        %mul3A_667 = arith.mulf %gather3A_148, %bitcast_convert_type3A_664 : vector<16xf32>
        %add3A_668 = arith.addf %add3A_650, %mul3A_667 : vector<16xf32>
        %mul3A_669 = arith.mulf %gather3A_148, %bitcast_convert_type3A_666 : vector<16xf32>
        %add3A_670 = arith.addf %add3A_652, %mul3A_669 : vector<16xf32>
        %mul3A_671 = arith.constant 16 : i32
        %mul3A_672 = arith.muli %scan3A_99, %mul3A_671 : i32
        %add3A_673 = arith.constant 11 : i32
        %add3A_674 = arith.addi %mul3A_672, %add3A_673 : i32
        %get3A_675 = arith.index_cast %add3A_674 : i32 to index
        %get3A_676 = arith.constant 16 : index
        %get3A_677 = tpu.vector_load %arg9[%get3A_675, %get3A_676] {strides = array<i32>} : memref<128x128xi32, #tpu.memory_space<vmem>>, vector<1x16xi32>,
        %get3A_678 = vector.shape_cast %get3A_677 : vector<1x16xi32> to vector<16xi32>
        %shift_left3A_679 = arith.constant 16 : i32
        %shift_left3A_680 = vector.broadcast %shift_left3A_679 : i32 to vector<16xi32>
        %shift_left3A_681 = arith.shli %get3A_678, %shift_left3A_680 : vector<16xi32>
        %bitcast_convert_type3A_682 = tpu.bitcast %shift_left3A_681 : vector<16xi32> -> vector<16xf32>
        %and3A_683 = arith.andi %get3A_678, %broadcast_in_dim3A_170 : vector<16xi32>
        %bitcast_convert_type3A_684 = tpu.bitcast %and3A_683 : vector<16xi32> -> vector<16xf32>
        %mul3A_685 = arith.mulf %gather3A_152, %bitcast_convert_type3A_682 : vector<16xf32>
        %add3A_686 = arith.addf %add3A_668, %mul3A_685 : vector<16xf32>
        %mul3A_687 = arith.mulf %gather3A_152, %bitcast_convert_type3A_684 : vector<16xf32>
        %add3A_688 = arith.addf %add3A_670, %mul3A_687 : vector<16xf32>
        %mul3A_689 = arith.constant 16 : i32
        %mul3A_690 = arith.muli %scan3A_99, %mul3A_689 : i32
        %add3A_691 = arith.constant 12 : i32
        %add3A_692 = arith.addi %mul3A_690, %add3A_691 : i32
        %get3A_693 = arith.index_cast %add3A_692 : i32 to index
        %get3A_694 = arith.constant 16 : index
        %get3A_695 = tpu.vector_load %arg9[%get3A_693, %get3A_694] {strides = array<i32>} : memref<128x128xi32, #tpu.memory_space<vmem>>, vector<1x16xi32>,
        %get3A_696 = vector.shape_cast %get3A_695 : vector<1x16xi32> to vector<16xi32>
        %shift_left3A_697 = arith.constant 16 : i32
        %shift_left3A_698 = vector.broadcast %shift_left3A_697 : i32 to vector<16xi32>
        %shift_left3A_699 = arith.shli %get3A_696, %shift_left3A_698 : vector<16xi32>
        %bitcast_convert_type3A_700 = tpu.bitcast %shift_left3A_699 : vector<16xi32> -> vector<16xf32>
        %and3A_701 = arith.andi %get3A_696, %broadcast_in_dim3A_170 : vector<16xi32>
        %bitcast_convert_type3A_702 = tpu.bitcast %and3A_701 : vector<16xi32> -> vector<16xf32>
        %mul3A_703 = arith.mulf %gather3A_156, %bitcast_convert_type3A_700 : vector<16xf32>
        %add3A_704 = arith.addf %add3A_686, %mul3A_703 : vector<16xf32>
        %mul3A_705 = arith.mulf %gather3A_156, %bitcast_convert_type3A_702 : vector<16xf32>
        %add3A_706 = arith.addf %add3A_688, %mul3A_705 : vector<16xf32>
        %mul3A_707 = arith.constant 16 : i32
        %mul3A_708 = arith.muli %scan3A_99, %mul3A_707 : i32
        %add3A_709 = arith.constant 13 : i32
        %add3A_710 = arith.addi %mul3A_708, %add3A_709 : i32
        %get3A_711 = arith.index_cast %add3A_710 : i32 to index
        %get3A_712 = arith.constant 16 : index
        %get3A_713 = tpu.vector_load %arg9[%get3A_711, %get3A_712] {strides = array<i32>} : memref<128x128xi32, #tpu.memory_space<vmem>>, vector<1x16xi32>,
        %get3A_714 = vector.shape_cast %get3A_713 : vector<1x16xi32> to vector<16xi32>
        %shift_left3A_715 = arith.constant 16 : i32
        %shift_left3A_716 = vector.broadcast %shift_left3A_715 : i32 to vector<16xi32>
        %shift_left3A_717 = arith.shli %get3A_714, %shift_left3A_716 : vector<16xi32>
        %bitcast_convert_type3A_718 = tpu.bitcast %shift_left3A_717 : vector<16xi32> -> vector<16xf32>
        %and3A_719 = arith.andi %get3A_714, %broadcast_in_dim3A_170 : vector<16xi32>
        %bitcast_convert_type3A_720 = tpu.bitcast %and3A_719 : vector<16xi32> -> vector<16xf32>
        %mul3A_721 = arith.mulf %gather3A_160, %bitcast_convert_type3A_718 : vector<16xf32>
        %add3A_722 = arith.addf %add3A_704, %mul3A_721 : vector<16xf32>
        %mul3A_723 = arith.mulf %gather3A_160, %bitcast_convert_type3A_720 : vector<16xf32>
        %add3A_724 = arith.addf %add3A_706, %mul3A_723 : vector<16xf32>
        %mul3A_725 = arith.constant 16 : i32
        %mul3A_726 = arith.muli %scan3A_99, %mul3A_725 : i32
        %add3A_727 = arith.constant 14 : i32
        %add3A_728 = arith.addi %mul3A_726, %add3A_727 : i32
        %get3A_729 = arith.index_cast %add3A_728 : i32 to index
        %get3A_730 = arith.constant 16 : index
        %get3A_731 = tpu.vector_load %arg9[%get3A_729, %get3A_730] {strides = array<i32>} : memref<128x128xi32, #tpu.memory_space<vmem>>, vector<1x16xi32>,
        %get3A_732 = vector.shape_cast %get3A_731 : vector<1x16xi32> to vector<16xi32>
        %shift_left3A_733 = arith.constant 16 : i32
        %shift_left3A_734 = vector.broadcast %shift_left3A_733 : i32 to vector<16xi32>
        %shift_left3A_735 = arith.shli %get3A_732, %shift_left3A_734 : vector<16xi32>
        %bitcast_convert_type3A_736 = tpu.bitcast %shift_left3A_735 : vector<16xi32> -> vector<16xf32>
        %and3A_737 = arith.andi %get3A_732, %broadcast_in_dim3A_170 : vector<16xi32>
        %bitcast_convert_type3A_738 = tpu.bitcast %and3A_737 : vector<16xi32> -> vector<16xf32>
        %mul3A_739 = arith.mulf %gather3A_164, %bitcast_convert_type3A_736 : vector<16xf32>
        %add3A_740 = arith.addf %add3A_722, %mul3A_739 : vector<16xf32>
        %mul3A_741 = arith.mulf %gather3A_164, %bitcast_convert_type3A_738 : vector<16xf32>
        %add3A_742 = arith.addf %add3A_724, %mul3A_741 : vector<16xf32>
        %mul3A_743 = arith.constant 16 : i32
        %mul3A_744 = arith.muli %scan3A_99, %mul3A_743 : i32
        %add3A_745 = arith.constant 15 : i32
        %add3A_746 = arith.addi %mul3A_744, %add3A_745 : i32
        %get3A_747 = arith.index_cast %add3A_746 : i32 to index
        %get3A_748 = arith.constant 16 : index
        %get3A_749 = tpu.vector_load %arg9[%get3A_747, %get3A_748] {strides = array<i32>} : memref<128x128xi32, #tpu.memory_space<vmem>>, vector<1x16xi32>,
        %get3A_750 = vector.shape_cast %get3A_749 : vector<1x16xi32> to vector<16xi32>
        %shift_left3A_751 = arith.constant 16 : i32
        %shift_left3A_752 = vector.broadcast %shift_left3A_751 : i32 to vector<16xi32>
        %shift_left3A_753 = arith.shli %get3A_750, %shift_left3A_752 : vector<16xi32>
        %bitcast_convert_type3A_754 = tpu.bitcast %shift_left3A_753 : vector<16xi32> -> vector<16xf32>
        %and3A_755 = arith.andi %get3A_750, %broadcast_in_dim3A_170 : vector<16xi32>
        %bitcast_convert_type3A_756 = tpu.bitcast %and3A_755 : vector<16xi32> -> vector<16xf32>
        %mul3A_757 = arith.mulf %gather3A_168, %bitcast_convert_type3A_754 : vector<16xf32>
        %add3A_758 = arith.addf %add3A_740, %mul3A_757 : vector<16xf32>
        %mul3A_759 = arith.mulf %gather3A_168, %bitcast_convert_type3A_756 : vector<16xf32>
        %add3A_760 = arith.addf %add3A_742, %mul3A_759 : vector<16xf32>
        %swap3A_761 = arith.index_cast %scan3A_99 : i32 to index
        %swap3A_762 = arith.constant 16 : index
        %swap3A_763 = tpu.vector_load %arg11[%swap3A_761, %swap3A_762] {strides = array<i32>} : memref<8x256xf32, #tpu.memory_space<vmem>>, vector<1x16xf32>,
        %swap3A_764 = vector.shape_cast %swap3A_763 : vector<1x16xf32> to vector<16xf32>
        %swap3A_765 = vector.shape_cast %add3A_758 : vector<16xf32> to vector<1x16xf32>
        tpu.vector_store %arg11[%swap3A_761, %swap3A_762], %swap3A_765 {strides = array<i32>} : memref<8x256xf32, #tpu.memory_space<vmem>>, vector<1x16xf32>,
        %swap3A_766 = arith.index_cast %scan3A_99 : i32 to index
        %swap3A_767 = arith.constant 144 : index
        %swap3A_768 = tpu.vector_load %arg11[%swap3A_766, %swap3A_767] {strides = array<i32>} : memref<8x256xf32, #tpu.memory_space<vmem>>, vector<1x16xf32>,
        %swap3A_769 = vector.shape_cast %swap3A_768 : vector<1x16xf32> to vector<16xf32>
        %swap3A_770 = vector.shape_cast %add3A_760 : vector<16xf32> to vector<1x16xf32>
        tpu.vector_store %arg11[%swap3A_766, %swap3A_767], %swap3A_770 {strides = array<i32>} : memref<8x256xf32, #tpu.memory_space<vmem>>, vector<1x16xf32>,
        %broadcast_in_dim3A_771 = arith.constant 0.000000e+00 : f32
        %broadcast_in_dim3A_772 = vector.broadcast %broadcast_in_dim3A_771 : f32 to vector<16xf32>
        %broadcast_in_dim3A_773 = arith.constant 0.000000e+00 : f32
        %broadcast_in_dim3A_774 = vector.broadcast %broadcast_in_dim3A_773 : f32 to vector<16xf32>
        %mul3A_775 = arith.constant 16 : i32
        %mul3A_776 = arith.muli %scan3A_99, %mul3A_775 : i32
        %add3A_777 = arith.constant 0 : i32
        %add3A_778 = arith.addi %mul3A_776, %add3A_777 : i32
        %get3A_779 = arith.index_cast %add3A_778 : i32 to index
        %get3A_780 = arith.constant 32 : index
        %get3A_781 = tpu.vector_load %arg9[%get3A_779, %get3A_780] {strides = array<i32>} : memref<128x128xi32, #tpu.memory_space<vmem>>, vector<1x16xi32>,
        %get3A_782 = vector.shape_cast %get3A_781 : vector<1x16xi32> to vector<16xi32>
        %shift_left3A_783 = arith.constant 16 : i32
        %shift_left3A_784 = vector.broadcast %shift_left3A_783 : i32 to vector<16xi32>
        %shift_left3A_785 = arith.shli %get3A_782, %shift_left3A_784 : vector<16xi32>
        %bitcast_convert_type3A_786 = tpu.bitcast %shift_left3A_785 : vector<16xi32> -> vector<16xf32>
        %and3A_787 = arith.andi %get3A_782, %broadcast_in_dim3A_170 : vector<16xi32>
        %bitcast_convert_type3A_788 = tpu.bitcast %and3A_787 : vector<16xi32> -> vector<16xf32>
        %mul3A_789 = arith.mulf %gather3A_108, %bitcast_convert_type3A_786 : vector<16xf32>
        %add3A_790 = arith.addf %broadcast_in_dim3A_772, %mul3A_789 : vector<16xf32>
        %mul3A_791 = arith.mulf %gather3A_108, %bitcast_convert_type3A_788 : vector<16xf32>
        %add3A_792 = arith.addf %broadcast_in_dim3A_774, %mul3A_791 : vector<16xf32>
        %mul3A_793 = arith.constant 16 : i32
        %mul3A_794 = arith.muli %scan3A_99, %mul3A_793 : i32
        %add3A_795 = arith.constant 1 : i32
        %add3A_796 = arith.addi %mul3A_794, %add3A_795 : i32
        %get3A_797 = arith.index_cast %add3A_796 : i32 to index
        %get3A_798 = arith.constant 32 : index
        %get3A_799 = tpu.vector_load %arg9[%get3A_797, %get3A_798] {strides = array<i32>} : memref<128x128xi32, #tpu.memory_space<vmem>>, vector<1x16xi32>,
        %get3A_800 = vector.shape_cast %get3A_799 : vector<1x16xi32> to vector<16xi32>
        %shift_left3A_801 = arith.constant 16 : i32
        %shift_left3A_802 = vector.broadcast %shift_left3A_801 : i32 to vector<16xi32>
        %shift_left3A_803 = arith.shli %get3A_800, %shift_left3A_802 : vector<16xi32>
        %bitcast_convert_type3A_804 = tpu.bitcast %shift_left3A_803 : vector<16xi32> -> vector<16xf32>
        %and3A_805 = arith.andi %get3A_800, %broadcast_in_dim3A_170 : vector<16xi32>
        %bitcast_convert_type3A_806 = tpu.bitcast %and3A_805 : vector<16xi32> -> vector<16xf32>
        %mul3A_807 = arith.mulf %gather3A_112, %bitcast_convert_type3A_804 : vector<16xf32>
        %add3A_808 = arith.addf %add3A_790, %mul3A_807 : vector<16xf32>
        %mul3A_809 = arith.mulf %gather3A_112, %bitcast_convert_type3A_806 : vector<16xf32>
        %add3A_810 = arith.addf %add3A_792, %mul3A_809 : vector<16xf32>
        %mul3A_811 = arith.constant 16 : i32
        %mul3A_812 = arith.muli %scan3A_99, %mul3A_811 : i32
        %add3A_813 = arith.constant 2 : i32
        %add3A_814 = arith.addi %mul3A_812, %add3A_813 : i32
        %get3A_815 = arith.index_cast %add3A_814 : i32 to index
        %get3A_816 = arith.constant 32 : index
        %get3A_817 = tpu.vector_load %arg9[%get3A_815, %get3A_816] {strides = array<i32>} : memref<128x128xi32, #tpu.memory_space<vmem>>, vector<1x16xi32>,
        %get3A_818 = vector.shape_cast %get3A_817 : vector<1x16xi32> to vector<16xi32>
        %shift_left3A_819 = arith.constant 16 : i32
        %shift_left3A_820 = vector.broadcast %shift_left3A_819 : i32 to vector<16xi32>
        %shift_left3A_821 = arith.shli %get3A_818, %shift_left3A_820 : vector<16xi32>
        %bitcast_convert_type3A_822 = tpu.bitcast %shift_left3A_821 : vector<16xi32> -> vector<16xf32>
        %and3A_823 = arith.andi %get3A_818, %broadcast_in_dim3A_170 : vector<16xi32>
        %bitcast_convert_type3A_824 = tpu.bitcast %and3A_823 : vector<16xi32> -> vector<16xf32>
        %mul3A_825 = arith.mulf %gather3A_116, %bitcast_convert_type3A_822 : vector<16xf32>
        %add3A_826 = arith.addf %add3A_808, %mul3A_825 : vector<16xf32>
        %mul3A_827 = arith.mulf %gather3A_116, %bitcast_convert_type3A_824 : vector<16xf32>
        %add3A_828 = arith.addf %add3A_810, %mul3A_827 : vector<16xf32>
        %mul3A_829 = arith.constant 16 : i32
        %mul3A_830 = arith.muli %scan3A_99, %mul3A_829 : i32
        %add3A_831 = arith.constant 3 : i32
        %add3A_832 = arith.addi %mul3A_830, %add3A_831 : i32
        %get3A_833 = arith.index_cast %add3A_832 : i32 to index
        %get3A_834 = arith.constant 32 : index
        %get3A_835 = tpu.vector_load %arg9[%get3A_833, %get3A_834] {strides = array<i32>} : memref<128x128xi32, #tpu.memory_space<vmem>>, vector<1x16xi32>,
        %get3A_836 = vector.shape_cast %get3A_835 : vector<1x16xi32> to vector<16xi32>
        %shift_left3A_837 = arith.constant 16 : i32
        %shift_left3A_838 = vector.broadcast %shift_left3A_837 : i32 to vector<16xi32>
        %shift_left3A_839 = arith.shli %get3A_836, %shift_left3A_838 : vector<16xi32>
        %bitcast_convert_type3A_840 = tpu.bitcast %shift_left3A_839 : vector<16xi32> -> vector<16xf32>
        %and3A_841 = arith.andi %get3A_836, %broadcast_in_dim3A_170 : vector<16xi32>
        %bitcast_convert_type3A_842 = tpu.bitcast %and3A_841 : vector<16xi32> -> vector<16xf32>
        %mul3A_843 = arith.mulf %gather3A_120, %bitcast_convert_type3A_840 : vector<16xf32>
        %add3A_844 = arith.addf %add3A_826, %mul3A_843 : vector<16xf32>
        %mul3A_845 = arith.mulf %gather3A_120, %bitcast_convert_type3A_842 : vector<16xf32>
        %add3A_846 = arith.addf %add3A_828, %mul3A_845 : vector<16xf32>
        %mul3A_847 = arith.constant 16 : i32
        %mul3A_848 = arith.muli %scan3A_99, %mul3A_847 : i32
        %add3A_849 = arith.constant 4 : i32
        %add3A_850 = arith.addi %mul3A_848, %add3A_849 : i32
        %get3A_851 = arith.index_cast %add3A_850 : i32 to index
        %get3A_852 = arith.constant 32 : index
        %get3A_853 = tpu.vector_load %arg9[%get3A_851, %get3A_852] {strides = array<i32>} : memref<128x128xi32, #tpu.memory_space<vmem>>, vector<1x16xi32>,
        %get3A_854 = vector.shape_cast %get3A_853 : vector<1x16xi32> to vector<16xi32>
        %shift_left3A_855 = arith.constant 16 : i32
        %shift_left3A_856 = vector.broadcast %shift_left3A_855 : i32 to vector<16xi32>
        %shift_left3A_857 = arith.shli %get3A_854, %shift_left3A_856 : vector<16xi32>
        %bitcast_convert_type3A_858 = tpu.bitcast %shift_left3A_857 : vector<16xi32> -> vector<16xf32>
        %and3A_859 = arith.andi %get3A_854, %broadcast_in_dim3A_170 : vector<16xi32>
        %bitcast_convert_type3A_860 = tpu.bitcast %and3A_859 : vector<16xi32> -> vector<16xf32>
        %mul3A_861 = arith.mulf %gather3A_124, %bitcast_convert_type3A_858 : vector<16xf32>
        %add3A_862 = arith.addf %add3A_844, %mul3A_861 : vector<16xf32>
        %mul3A_863 = arith.mulf %gather3A_124, %bitcast_convert_type3A_860 : vector<16xf32>
        %add3A_864 = arith.addf %add3A_846, %mul3A_863 : vector<16xf32>
        %mul3A_865 = arith.constant 16 : i32
        %mul3A_866 = arith.muli %scan3A_99, %mul3A_865 : i32
        %add3A_867 = arith.constant 5 : i32
        %add3A_868 = arith.addi %mul3A_866, %add3A_867 : i32
        %get3A_869 = arith.index_cast %add3A_868 : i32 to index
        %get3A_870 = arith.constant 32 : index
        %get3A_871 = tpu.vector_load %arg9[%get3A_869, %get3A_870] {strides = array<i32>} : memref<128x128xi32, #tpu.memory_space<vmem>>, vector<1x16xi32>,
        %get3A_872 = vector.shape_cast %get3A_871 : vector<1x16xi32> to vector<16xi32>
        %shift_left3A_873 = arith.constant 16 : i32
        %shift_left3A_874 = vector.broadcast %shift_left3A_873 : i32 to vector<16xi32>
        %shift_left3A_875 = arith.shli %get3A_872, %shift_left3A_874 : vector<16xi32>
        %bitcast_convert_type3A_876 = tpu.bitcast %shift_left3A_875 : vector<16xi32> -> vector<16xf32>
        %and3A_877 = arith.andi %get3A_872, %broadcast_in_dim3A_170 : vector<16xi32>
        %bitcast_convert_type3A_878 = tpu.bitcast %and3A_877 : vector<16xi32> -> vector<16xf32>
        %mul3A_879 = arith.mulf %gather3A_128, %bitcast_convert_type3A_876 : vector<16xf32>
        %add3A_880 = arith.addf %add3A_862, %mul3A_879 : vector<16xf32>
        %mul3A_881 = arith.mulf %gather3A_128, %bitcast_convert_type3A_878 : vector<16xf32>
        %add3A_882 = arith.addf %add3A_864, %mul3A_881 : vector<16xf32>
        %mul3A_883 = arith.constant 16 : i32
        %mul3A_884 = arith.muli %scan3A_99, %mul3A_883 : i32
        %add3A_885 = arith.constant 6 : i32
        %add3A_886 = arith.addi %mul3A_884, %add3A_885 : i32
        %get3A_887 = arith.index_cast %add3A_886 : i32 to index
        %get3A_888 = arith.constant 32 : index
        %get3A_889 = tpu.vector_load %arg9[%get3A_887, %get3A_888] {strides = array<i32>} : memref<128x128xi32, #tpu.memory_space<vmem>>, vector<1x16xi32>,
        %get3A_890 = vector.shape_cast %get3A_889 : vector<1x16xi32> to vector<16xi32>
        %shift_left3A_891 = arith.constant 16 : i32
        %shift_left3A_892 = vector.broadcast %shift_left3A_891 : i32 to vector<16xi32>
        %shift_left3A_893 = arith.shli %get3A_890, %shift_left3A_892 : vector<16xi32>
        %bitcast_convert_type3A_894 = tpu.bitcast %shift_left3A_893 : vector<16xi32> -> vector<16xf32>
        %and3A_895 = arith.andi %get3A_890, %broadcast_in_dim3A_170 : vector<16xi32>
        %bitcast_convert_type3A_896 = tpu.bitcast %and3A_895 : vector<16xi32> -> vector<16xf32>
        %mul3A_897 = arith.mulf %gather3A_132, %bitcast_convert_type3A_894 : vector<16xf32>
        %add3A_898 = arith.addf %add3A_880, %mul3A_897 : vector<16xf32>
        %mul3A_899 = arith.mulf %gather3A_132, %bitcast_convert_type3A_896 : vector<16xf32>
        %add3A_900 = arith.addf %add3A_882, %mul3A_899 : vector<16xf32>
        %mul3A_901 = arith.constant 16 : i32
        %mul3A_902 = arith.muli %scan3A_99, %mul3A_901 : i32
        %add3A_903 = arith.constant 7 : i32
        %add3A_904 = arith.addi %mul3A_902, %add3A_903 : i32
        %get3A_905 = arith.index_cast %add3A_904 : i32 to index
        %get3A_906 = arith.constant 32 : index
        %get3A_907 = tpu.vector_load %arg9[%get3A_905, %get3A_906] {strides = array<i32>} : memref<128x128xi32, #tpu.memory_space<vmem>>, vector<1x16xi32>,
        %get3A_908 = vector.shape_cast %get3A_907 : vector<1x16xi32> to vector<16xi32>
        %shift_left3A_909 = arith.constant 16 : i32
        %shift_left3A_910 = vector.broadcast %shift_left3A_909 : i32 to vector<16xi32>
        %shift_left3A_911 = arith.shli %get3A_908, %shift_left3A_910 : vector<16xi32>
        %bitcast_convert_type3A_912 = tpu.bitcast %shift_left3A_911 : vector<16xi32> -> vector<16xf32>
        %and3A_913 = arith.andi %get3A_908, %broadcast_in_dim3A_170 : vector<16xi32>
        %bitcast_convert_type3A_914 = tpu.bitcast %and3A_913 : vector<16xi32> -> vector<16xf32>
        %mul3A_915 = arith.mulf %gather3A_136, %bitcast_convert_type3A_912 : vector<16xf32>
        %add3A_916 = arith.addf %add3A_898, %mul3A_915 : vector<16xf32>
        %mul3A_917 = arith.mulf %gather3A_136, %bitcast_convert_type3A_914 : vector<16xf32>
        %add3A_918 = arith.addf %add3A_900, %mul3A_917 : vector<16xf32>
        %mul3A_919 = arith.constant 16 : i32
        %mul3A_920 = arith.muli %scan3A_99, %mul3A_919 : i32
        %add3A_921 = arith.constant 8 : i32
        %add3A_922 = arith.addi %mul3A_920, %add3A_921 : i32
        %get3A_923 = arith.index_cast %add3A_922 : i32 to index
        %get3A_924 = arith.constant 32 : index
        %get3A_925 = tpu.vector_load %arg9[%get3A_923, %get3A_924] {strides = array<i32>} : memref<128x128xi32, #tpu.memory_space<vmem>>, vector<1x16xi32>,
        %get3A_926 = vector.shape_cast %get3A_925 : vector<1x16xi32> to vector<16xi32>
        %shift_left3A_927 = arith.constant 16 : i32
        %shift_left3A_928 = vector.broadcast %shift_left3A_927 : i32 to vector<16xi32>
        %shift_left3A_929 = arith.shli %get3A_926, %shift_left3A_928 : vector<16xi32>
        %bitcast_convert_type3A_930 = tpu.bitcast %shift_left3A_929 : vector<16xi32> -> vector<16xf32>
        %and3A_931 = arith.andi %get3A_926, %broadcast_in_dim3A_170 : vector<16xi32>
        %bitcast_convert_type3A_932 = tpu.bitcast %and3A_931 : vector<16xi32> -> vector<16xf32>
        %mul3A_933 = arith.mulf %gather3A_140, %bitcast_convert_type3A_930 : vector<16xf32>
        %add3A_934 = arith.addf %add3A_916, %mul3A_933 : vector<16xf32>
        %mul3A_935 = arith.mulf %gather3A_140, %bitcast_convert_type3A_932 : vector<16xf32>
        %add3A_936 = arith.addf %add3A_918, %mul3A_935 : vector<16xf32>
        %mul3A_937 = arith.constant 16 : i32
        %mul3A_938 = arith.muli %scan3A_99, %mul3A_937 : i32
        %add3A_939 = arith.constant 9 : i32
        %add3A_940 = arith.addi %mul3A_938, %add3A_939 : i32
        %get3A_941 = arith.index_cast %add3A_940 : i32 to index
        %get3A_942 = arith.constant 32 : index
        %get3A_943 = tpu.vector_load %arg9[%get3A_941, %get3A_942] {strides = array<i32>} : memref<128x128xi32, #tpu.memory_space<vmem>>, vector<1x16xi32>,
        %get3A_944 = vector.shape_cast %get3A_943 : vector<1x16xi32> to vector<16xi32>
        %shift_left3A_945 = arith.constant 16 : i32
        %shift_left3A_946 = vector.broadcast %shift_left3A_945 : i32 to vector<16xi32>
        %shift_left3A_947 = arith.shli %get3A_944, %shift_left3A_946 : vector<16xi32>
        %bitcast_convert_type3A_948 = tpu.bitcast %shift_left3A_947 : vector<16xi32> -> vector<16xf32>
        %and3A_949 = arith.andi %get3A_944, %broadcast_in_dim3A_170 : vector<16xi32>
        %bitcast_convert_type3A_950 = tpu.bitcast %and3A_949 : vector<16xi32> -> vector<16xf32>
        %mul3A_951 = arith.mulf %gather3A_144, %bitcast_convert_type3A_948 : vector<16xf32>
        %add3A_952 = arith.addf %add3A_934, %mul3A_951 : vector<16xf32>
        %mul3A_953 = arith.mulf %gather3A_144, %bitcast_convert_type3A_950 : vector<16xf32>
        %add3A_954 = arith.addf %add3A_936, %mul3A_953 : vector<16xf32>
        %mul3A_955 = arith.constant 16 : i32
        %mul3A_956 = arith.muli %scan3A_99, %mul3A_955 : i32
        %add3A_957 = arith.constant 10 : i32
        %add3A_958 = arith.addi %mul3A_956, %add3A_957 : i32
        %get3A_959 = arith.index_cast %add3A_958 : i32 to index
        %get3A_960 = arith.constant 32 : index
        %get3A_961 = tpu.vector_load %arg9[%get3A_959, %get3A_960] {strides = array<i32>} : memref<128x128xi32, #tpu.memory_space<vmem>>, vector<1x16xi32>,
        %get3A_962 = vector.shape_cast %get3A_961 : vector<1x16xi32> to vector<16xi32>
        %shift_left3A_963 = arith.constant 16 : i32
        %shift_left3A_964 = vector.broadcast %shift_left3A_963 : i32 to vector<16xi32>
        %shift_left3A_965 = arith.shli %get3A_962, %shift_left3A_964 : vector<16xi32>
        %bitcast_convert_type3A_966 = tpu.bitcast %shift_left3A_965 : vector<16xi32> -> vector<16xf32>
        %and3A_967 = arith.andi %get3A_962, %broadcast_in_dim3A_170 : vector<16xi32>
        %bitcast_convert_type3A_968 = tpu.bitcast %and3A_967 : vector<16xi32> -> vector<16xf32>
        %mul3A_969 = arith.mulf %gather3A_148, %bitcast_convert_type3A_966 : vector<16xf32>
        %add3A_970 = arith.addf %add3A_952, %mul3A_969 : vector<16xf32>
        %mul3A_971 = arith.mulf %gather3A_148, %bitcast_convert_type3A_968 : vector<16xf32>
        %add3A_972 = arith.addf %add3A_954, %mul3A_971 : vector<16xf32>
        %mul3A_973 = arith.constant 16 : i32
        %mul3A_974 = arith.muli %scan3A_99, %mul3A_973 : i32
        %add3A_975 = arith.constant 11 : i32
        %add3A_976 = arith.addi %mul3A_974, %add3A_975 : i32
        %get3A_977 = arith.index_cast %add3A_976 : i32 to index
        %get3A_978 = arith.constant 32 : index
        %get3A_979 = tpu.vector_load %arg9[%get3A_977, %get3A_978] {strides = array<i32>} : memref<128x128xi32, #tpu.memory_space<vmem>>, vector<1x16xi32>,
        %get3A_980 = vector.shape_cast %get3A_979 : vector<1x16xi32> to vector<16xi32>
        %shift_left3A_981 = arith.constant 16 : i32
        %shift_left3A_982 = vector.broadcast %shift_left3A_981 : i32 to vector<16xi32>
        %shift_left3A_983 = arith.shli %get3A_980, %shift_left3A_982 : vector<16xi32>
        %bitcast_convert_type3A_984 = tpu.bitcast %shift_left3A_983 : vector<16xi32> -> vector<16xf32>
        %and3A_985 = arith.andi %get3A_980, %broadcast_in_dim3A_170 : vector<16xi32>
        %bitcast_convert_type3A_986 = tpu.bitcast %and3A_985 : vector<16xi32> -> vector<16xf32>
        %mul3A_987 = arith.mulf %gather3A_152, %bitcast_convert_type3A_984 : vector<16xf32>
        %add3A_988 = arith.addf %add3A_970, %mul3A_987 : vector<16xf32>
        %mul3A_989 = arith.mulf %gather3A_152, %bitcast_convert_type3A_986 : vector<16xf32>
        %add3A_990 = arith.addf %add3A_972, %mul3A_989 : vector<16xf32>
        %mul3A_991 = arith.constant 16 : i32
        %mul3A_992 = arith.muli %scan3A_99, %mul3A_991 : i32
        %add3A_993 = arith.constant 12 : i32
        %add3A_994 = arith.addi %mul3A_992, %add3A_993 : i32
        %get3A_995 = arith.index_cast %add3A_994 : i32 to index
        %get3A_996 = arith.constant 32 : index
        %get3A_997 = tpu.vector_load %arg9[%get3A_995, %get3A_996] {strides = array<i32>} : memref<128x128xi32, #tpu.memory_space<vmem>>, vector<1x16xi32>,
        %get3A_998 = vector.shape_cast %get3A_997 : vector<1x16xi32> to vector<16xi32>
        %shift_left3A_999 = arith.constant 16 : i32
        %shift_left3A_1000 = vector.broadcast %shift_left3A_999 : i32 to vector<16xi32>
        %shift_left3A_1001 = arith.shli %get3A_998, %shift_left3A_1000 : vector<16xi32>
        %bitcast_convert_type3A_1002 = tpu.bitcast %shift_left3A_1001 : vector<16xi32> -> vector<16xf32>
        %and3A_1003 = arith.andi %get3A_998, %broadcast_in_dim3A_170 : vector<16xi32>
        %bitcast_convert_type3A_1004 = tpu.bitcast %and3A_1003 : vector<16xi32> -> vector<16xf32>
        %mul3A_1005 = arith.mulf %gather3A_156, %bitcast_convert_type3A_1002 : vector<16xf32>
        %add3A_1006 = arith.addf %add3A_988, %mul3A_1005 : vector<16xf32>
        %mul3A_1007 = arith.mulf %gather3A_156, %bitcast_convert_type3A_1004 : vector<16xf32>
        %add3A_1008 = arith.addf %add3A_990, %mul3A_1007 : vector<16xf32>
        %mul3A_1009 = arith.constant 16 : i32
        %mul3A_1010 = arith.muli %scan3A_99, %mul3A_1009 : i32
        %add3A_1011 = arith.constant 13 : i32
        %add3A_1012 = arith.addi %mul3A_1010, %add3A_1011 : i32
        %get3A_1013 = arith.index_cast %add3A_1012 : i32 to index
        %get3A_1014 = arith.constant 32 : index
        %get3A_1015 = tpu.vector_load %arg9[%get3A_1013, %get3A_1014] {strides = array<i32>} : memref<128x128xi32, #tpu.memory_space<vmem>>, vector<1x16xi32>,
        %get3A_1016 = vector.shape_cast %get3A_1015 : vector<1x16xi32> to vector<16xi32>
        %shift_left3A_1017 = arith.constant 16 : i32
        %shift_left3A_1018 = vector.broadcast %shift_left3A_1017 : i32 to vector<16xi32>
        %shift_left3A_1019 = arith.shli %get3A_1016, %shift_left3A_1018 : vector<16xi32>
        %bitcast_convert_type3A_1020 = tpu.bitcast %shift_left3A_1019 : vector<16xi32> -> vector<16xf32>
        %and3A_1021 = arith.andi %get3A_1016, %broadcast_in_dim3A_170 : vector<16xi32>
        %bitcast_convert_type3A_1022 = tpu.bitcast %and3A_1021 : vector<16xi32> -> vector<16xf32>
        %mul3A_1023 = arith.mulf %gather3A_160, %bitcast_convert_type3A_1020 : vector<16xf32>
        %add3A_1024 = arith.addf %add3A_1006, %mul3A_1023 : vector<16xf32>
        %mul3A_1025 = arith.mulf %gather3A_160, %bitcast_convert_type3A_1022 : vector<16xf32>
        %add3A_1026 = arith.addf %add3A_1008, %mul3A_1025 : vector<16xf32>
        %mul3A_1027 = arith.constant 16 : i32
        %mul3A_1028 = arith.muli %scan3A_99, %mul3A_1027 : i32
        %add3A_1029 = arith.constant 14 : i32
        %add3A_1030 = arith.addi %mul3A_1028, %add3A_1029 : i32
        %get3A_1031 = arith.index_cast %add3A_1030 : i32 to index
        %get3A_1032 = arith.constant 32 : index
        %get3A_1033 = tpu.vector_load %arg9[%get3A_1031, %get3A_1032] {strides = array<i32>} : memref<128x128xi32, #tpu.memory_space<vmem>>, vector<1x16xi32>,
        %get3A_1034 = vector.shape_cast %get3A_1033 : vector<1x16xi32> to vector<16xi32>
        %shift_left3A_1035 = arith.constant 16 : i32
        %shift_left3A_1036 = vector.broadcast %shift_left3A_1035 : i32 to vector<16xi32>
        %shift_left3A_1037 = arith.shli %get3A_1034, %shift_left3A_1036 : vector<16xi32>
        %bitcast_convert_type3A_1038 = tpu.bitcast %shift_left3A_1037 : vector<16xi32> -> vector<16xf32>
        %and3A_1039 = arith.andi %get3A_1034, %broadcast_in_dim3A_170 : vector<16xi32>
        %bitcast_convert_type3A_1040 = tpu.bitcast %and3A_1039 : vector<16xi32> -> vector<16xf32>
        %mul3A_1041 = arith.mulf %gather3A_164, %bitcast_convert_type3A_1038 : vector<16xf32>
        %add3A_1042 = arith.addf %add3A_1024, %mul3A_1041 : vector<16xf32>
        %mul3A_1043 = arith.mulf %gather3A_164, %bitcast_convert_type3A_1040 : vector<16xf32>
        %add3A_1044 = arith.addf %add3A_1026, %mul3A_1043 : vector<16xf32>
        %mul3A_1045 = arith.constant 16 : i32
        %mul3A_1046 = arith.muli %scan3A_99, %mul3A_1045 : i32
        %add3A_1047 = arith.constant 15 : i32
        %add3A_1048 = arith.addi %mul3A_1046, %add3A_1047 : i32
        %get3A_1049 = arith.index_cast %add3A_1048 : i32 to index
        %get3A_1050 = arith.constant 32 : index
        %get3A_1051 = tpu.vector_load %arg9[%get3A_1049, %get3A_1050] {strides = array<i32>} : memref<128x128xi32, #tpu.memory_space<vmem>>, vector<1x16xi32>,
        %get3A_1052 = vector.shape_cast %get3A_1051 : vector<1x16xi32> to vector<16xi32>
        %shift_left3A_1053 = arith.constant 16 : i32
        %shift_left3A_1054 = vector.broadcast %shift_left3A_1053 : i32 to vector<16xi32>
        %shift_left3A_1055 = arith.shli %get3A_1052, %shift_left3A_1054 : vector<16xi32>
        %bitcast_convert_type3A_1056 = tpu.bitcast %shift_left3A_1055 : vector<16xi32> -> vector<16xf32>
        %and3A_1057 = arith.andi %get3A_1052, %broadcast_in_dim3A_170 : vector<16xi32>
        %bitcast_convert_type3A_1058 = tpu.bitcast %and3A_1057 : vector<16xi32> -> vector<16xf32>
        %mul3A_1059 = arith.mulf %gather3A_168, %bitcast_convert_type3A_1056 : vector<16xf32>
        %add3A_1060 = arith.addf %add3A_1042, %mul3A_1059 : vector<16xf32>
        %mul3A_1061 = arith.mulf %gather3A_168, %bitcast_convert_type3A_1058 : vector<16xf32>
        %add3A_1062 = arith.addf %add3A_1044, %mul3A_1061 : vector<16xf32>
        %swap3A_1063 = arith.index_cast %scan3A_99 : i32 to index
        %swap3A_1064 = arith.constant 32 : index
        %swap3A_1065 = tpu.vector_load %arg11[%swap3A_1063, %swap3A_1064] {strides = array<i32>} : memref<8x256xf32, #tpu.memory_space<vmem>>, vector<1x16xf32>,
        %swap3A_1066 = vector.shape_cast %swap3A_1065 : vector<1x16xf32> to vector<16xf32>
        %swap3A_1067 = vector.shape_cast %add3A_1060 : vector<16xf32> to vector<1x16xf32>
        tpu.vector_store %arg11[%swap3A_1063, %swap3A_1064], %swap3A_1067 {strides = array<i32>} : memref<8x256xf32, #tpu.memory_space<vmem>>, vector<1x16xf32>,
        %swap3A_1068 = arith.index_cast %scan3A_99 : i32 to index
        %swap3A_1069 = arith.constant 160 : index
        %swap3A_1070 = tpu.vector_load %arg11[%swap3A_1068, %swap3A_1069] {strides = array<i32>} : memref<8x256xf32, #tpu.memory_space<vmem>>, vector<1x16xf32>,
        %swap3A_1071 = vector.shape_cast %swap3A_1070 : vector<1x16xf32> to vector<16xf32>
        %swap3A_1072 = vector.shape_cast %add3A_1062 : vector<16xf32> to vector<1x16xf32>
        tpu.vector_store %arg11[%swap3A_1068, %swap3A_1069], %swap3A_1072 {strides = array<i32>} : memref<8x256xf32, #tpu.memory_space<vmem>>, vector<1x16xf32>,
        %broadcast_in_dim3A_1073 = arith.constant 0.000000e+00 : f32
        %broadcast_in_dim3A_1074 = vector.broadcast %broadcast_in_dim3A_1073 : f32 to vector<16xf32>
        %broadcast_in_dim3A_1075 = arith.constant 0.000000e+00 : f32
        %broadcast_in_dim3A_1076 = vector.broadcast %broadcast_in_dim3A_1075 : f32 to vector<16xf32>
        %mul3A_1077 = arith.constant 16 : i32
        %mul3A_1078 = arith.muli %scan3A_99, %mul3A_1077 : i32
        %add3A_1079 = arith.constant 0 : i32
        %add3A_1080 = arith.addi %mul3A_1078, %add3A_1079 : i32
        %get3A_1081 = arith.index_cast %add3A_1080 : i32 to index
        %get3A_1082 = arith.constant 48 : index
        %get3A_1083 = tpu.vector_load %arg9[%get3A_1081, %get3A_1082] {strides = array<i32>} : memref<128x128xi32, #tpu.memory_space<vmem>>, vector<1x16xi32>,
        %get3A_1084 = vector.shape_cast %get3A_1083 : vector<1x16xi32> to vector<16xi32>
        %shift_left3A_1085 = arith.constant 16 : i32
        %shift_left3A_1086 = vector.broadcast %shift_left3A_1085 : i32 to vector<16xi32>
        %shift_left3A_1087 = arith.shli %get3A_1084, %shift_left3A_1086 : vector<16xi32>
        %bitcast_convert_type3A_1088 = tpu.bitcast %shift_left3A_1087 : vector<16xi32> -> vector<16xf32>
        %and3A_1089 = arith.andi %get3A_1084, %broadcast_in_dim3A_170 : vector<16xi32>
        %bitcast_convert_type3A_1090 = tpu.bitcast %and3A_1089 : vector<16xi32> -> vector<16xf32>
        %mul3A_1091 = arith.mulf %gather3A_108, %bitcast_convert_type3A_1088 : vector<16xf32>
        %add3A_1092 = arith.addf %broadcast_in_dim3A_1074, %mul3A_1091 : vector<16xf32>
        %mul3A_1093 = arith.mulf %gather3A_108, %bitcast_convert_type3A_1090 : vector<16xf32>
        %add3A_1094 = arith.addf %broadcast_in_dim3A_1076, %mul3A_1093 : vector<16xf32>
        %mul3A_1095 = arith.constant 16 : i32
        %mul3A_1096 = arith.muli %scan3A_99, %mul3A_1095 : i32
        %add3A_1097 = arith.constant 1 : i32
        %add3A_1098 = arith.addi %mul3A_1096, %add3A_1097 : i32
        %get3A_1099 = arith.index_cast %add3A_1098 : i32 to index
        %get3A_1100 = arith.constant 48 : index
        %get3A_1101 = tpu.vector_load %arg9[%get3A_1099, %get3A_1100] {strides = array<i32>} : memref<128x128xi32, #tpu.memory_space<vmem>>, vector<1x16xi32>,
        %get3A_1102 = vector.shape_cast %get3A_1101 : vector<1x16xi32> to vector<16xi32>
        %shift_left3A_1103 = arith.constant 16 : i32
        %shift_left3A_1104 = vector.broadcast %shift_left3A_1103 : i32 to vector<16xi32>
        %shift_left3A_1105 = arith.shli %get3A_1102, %shift_left3A_1104 : vector<16xi32>
        %bitcast_convert_type3A_1106 = tpu.bitcast %shift_left3A_1105 : vector<16xi32> -> vector<16xf32>
        %and3A_1107 = arith.andi %get3A_1102, %broadcast_in_dim3A_170 : vector<16xi32>
        %bitcast_convert_type3A_1108 = tpu.bitcast %and3A_1107 : vector<16xi32> -> vector<16xf32>
        %mul3A_1109 = arith.mulf %gather3A_112, %bitcast_convert_type3A_1106 : vector<16xf32>
        %add3A_1110 = arith.addf %add3A_1092, %mul3A_1109 : vector<16xf32>
        %mul3A_1111 = arith.mulf %gather3A_112, %bitcast_convert_type3A_1108 : vector<16xf32>
        %add3A_1112 = arith.addf %add3A_1094, %mul3A_1111 : vector<16xf32>
        %mul3A_1113 = arith.constant 16 : i32
        %mul3A_1114 = arith.muli %scan3A_99, %mul3A_1113 : i32
        %add3A_1115 = arith.constant 2 : i32
        %add3A_1116 = arith.addi %mul3A_1114, %add3A_1115 : i32
        %get3A_1117 = arith.index_cast %add3A_1116 : i32 to index
        %get3A_1118 = arith.constant 48 : index
        %get3A_1119 = tpu.vector_load %arg9[%get3A_1117, %get3A_1118] {strides = array<i32>} : memref<128x128xi32, #tpu.memory_space<vmem>>, vector<1x16xi32>,
        %get3A_1120 = vector.shape_cast %get3A_1119 : vector<1x16xi32> to vector<16xi32>
        %shift_left3A_1121 = arith.constant 16 : i32
        %shift_left3A_1122 = vector.broadcast %shift_left3A_1121 : i32 to vector<16xi32>
        %shift_left3A_1123 = arith.shli %get3A_1120, %shift_left3A_1122 : vector<16xi32>
        %bitcast_convert_type3A_1124 = tpu.bitcast %shift_left3A_1123 : vector<16xi32> -> vector<16xf32>
        %and3A_1125 = arith.andi %get3A_1120, %broadcast_in_dim3A_170 : vector<16xi32>
        %bitcast_convert_type3A_1126 = tpu.bitcast %and3A_1125 : vector<16xi32> -> vector<16xf32>
        %mul3A_1127 = arith.mulf %gather3A_116, %bitcast_convert_type3A_1124 : vector<16xf32>
        %add3A_1128 = arith.addf %add3A_1110, %mul3A_1127 : vector<16xf32>
        %mul3A_1129 = arith.mulf %gather3A_116, %bitcast_convert_type3A_1126 : vector<16xf32>
        %add3A_1130 = arith.addf %add3A_1112, %mul3A_1129 : vector<16xf32>
        %mul3A_1131 = arith.constant 16 : i32
        %mul3A_1132 = arith.muli %scan3A_99, %mul3A_1131 : i32
        %add3A_1133 = arith.constant 3 : i32
        %add3A_1134 = arith.addi %mul3A_1132, %add3A_1133 : i32
        %get3A_1135 = arith.index_cast %add3A_1134 : i32 to index
        %get3A_1136 = arith.constant 48 : index
        %get3A_1137 = tpu.vector_load %arg9[%get3A_1135, %get3A_1136] {strides = array<i32>} : memref<128x128xi32, #tpu.memory_space<vmem>>, vector<1x16xi32>,
        %get3A_1138 = vector.shape_cast %get3A_1137 : vector<1x16xi32> to vector<16xi32>
        %shift_left3A_1139 = arith.constant 16 : i32
        %shift_left3A_1140 = vector.broadcast %shift_left3A_1139 : i32 to vector<16xi32>
        %shift_left3A_1141 = arith.shli %get3A_1138, %shift_left3A_1140 : vector<16xi32>
        %bitcast_convert_type3A_1142 = tpu.bitcast %shift_left3A_1141 : vector<16xi32> -> vector<16xf32>
        %and3A_1143 = arith.andi %get3A_1138, %broadcast_in_dim3A_170 : vector<16xi32>
        %bitcast_convert_type3A_1144 = tpu.bitcast %and3A_1143 : vector<16xi32> -> vector<16xf32>
        %mul3A_1145 = arith.mulf %gather3A_120, %bitcast_convert_type3A_1142 : vector<16xf32>
        %add3A_1146 = arith.addf %add3A_1128, %mul3A_1145 : vector<16xf32>
        %mul3A_1147 = arith.mulf %gather3A_120, %bitcast_convert_type3A_1144 : vector<16xf32>
        %add3A_1148 = arith.addf %add3A_1130, %mul3A_1147 : vector<16xf32>
        %mul3A_1149 = arith.constant 16 : i32
        %mul3A_1150 = arith.muli %scan3A_99, %mul3A_1149 : i32
        %add3A_1151 = arith.constant 4 : i32
        %add3A_1152 = arith.addi %mul3A_1150, %add3A_1151 : i32
        %get3A_1153 = arith.index_cast %add3A_1152 : i32 to index
        %get3A_1154 = arith.constant 48 : index
        %get3A_1155 = tpu.vector_load %arg9[%get3A_1153, %get3A_1154] {strides = array<i32>} : memref<128x128xi32, #tpu.memory_space<vmem>>, vector<1x16xi32>,
        %get3A_1156 = vector.shape_cast %get3A_1155 : vector<1x16xi32> to vector<16xi32>
        %shift_left3A_1157 = arith.constant 16 : i32
        %shift_left3A_1158 = vector.broadcast %shift_left3A_1157 : i32 to vector<16xi32>
        %shift_left3A_1159 = arith.shli %get3A_1156, %shift_left3A_1158 : vector<16xi32>
        %bitcast_convert_type3A_1160 = tpu.bitcast %shift_left3A_1159 : vector<16xi32> -> vector<16xf32>
        %and3A_1161 = arith.andi %get3A_1156, %broadcast_in_dim3A_170 : vector<16xi32>
        %bitcast_convert_type3A_1162 = tpu.bitcast %and3A_1161 : vector<16xi32> -> vector<16xf32>
        %mul3A_1163 = arith.mulf %gather3A_124, %bitcast_convert_type3A_1160 : vector<16xf32>
        %add3A_1164 = arith.addf %add3A_1146, %mul3A_1163 : vector<16xf32>
        %mul3A_1165 = arith.mulf %gather3A_124, %bitcast_convert_type3A_1162 : vector<16xf32>
        %add3A_1166 = arith.addf %add3A_1148, %mul3A_1165 : vector<16xf32>
        %mul3A_1167 = arith.constant 16 : i32
        %mul3A_1168 = arith.muli %scan3A_99, %mul3A_1167 : i32
        %add3A_1169 = arith.constant 5 : i32
        %add3A_1170 = arith.addi %mul3A_1168, %add3A_1169 : i32
        %get3A_1171 = arith.index_cast %add3A_1170 : i32 to index
        %get3A_1172 = arith.constant 48 : index
        %get3A_1173 = tpu.vector_load %arg9[%get3A_1171, %get3A_1172] {strides = array<i32>} : memref<128x128xi32, #tpu.memory_space<vmem>>, vector<1x16xi32>,
        %get3A_1174 = vector.shape_cast %get3A_1173 : vector<1x16xi32> to vector<16xi32>
        %shift_left3A_1175 = arith.constant 16 : i32
        %shift_left3A_1176 = vector.broadcast %shift_left3A_1175 : i32 to vector<16xi32>
        %shift_left3A_1177 = arith.shli %get3A_1174, %shift_left3A_1176 : vector<16xi32>
        %bitcast_convert_type3A_1178 = tpu.bitcast %shift_left3A_1177 : vector<16xi32> -> vector<16xf32>
        %and3A_1179 = arith.andi %get3A_1174, %broadcast_in_dim3A_170 : vector<16xi32>
        %bitcast_convert_type3A_1180 = tpu.bitcast %and3A_1179 : vector<16xi32> -> vector<16xf32>
        %mul3A_1181 = arith.mulf %gather3A_128, %bitcast_convert_type3A_1178 : vector<16xf32>
        %add3A_1182 = arith.addf %add3A_1164, %mul3A_1181 : vector<16xf32>
        %mul3A_1183 = arith.mulf %gather3A_128, %bitcast_convert_type3A_1180 : vector<16xf32>
        %add3A_1184 = arith.addf %add3A_1166, %mul3A_1183 : vector<16xf32>
        %mul3A_1185 = arith.constant 16 : i32
        %mul3A_1186 = arith.muli %scan3A_99, %mul3A_1185 : i32
        %add3A_1187 = arith.constant 6 : i32
        %add3A_1188 = arith.addi %mul3A_1186, %add3A_1187 : i32
        %get3A_1189 = arith.index_cast %add3A_1188 : i32 to index
        %get3A_1190 = arith.constant 48 : index
        %get3A_1191 = tpu.vector_load %arg9[%get3A_1189, %get3A_1190] {strides = array<i32>} : memref<128x128xi32, #tpu.memory_space<vmem>>, vector<1x16xi32>,
        %get3A_1192 = vector.shape_cast %get3A_1191 : vector<1x16xi32> to vector<16xi32>
        %shift_left3A_1193 = arith.constant 16 : i32
        %shift_left3A_1194 = vector.broadcast %shift_left3A_1193 : i32 to vector<16xi32>
        %shift_left3A_1195 = arith.shli %get3A_1192, %shift_left3A_1194 : vector<16xi32>
        %bitcast_convert_type3A_1196 = tpu.bitcast %shift_left3A_1195 : vector<16xi32> -> vector<16xf32>
        %and3A_1197 = arith.andi %get3A_1192, %broadcast_in_dim3A_170 : vector<16xi32>
        %bitcast_convert_type3A_1198 = tpu.bitcast %and3A_1197 : vector<16xi32> -> vector<16xf32>
        %mul3A_1199 = arith.mulf %gather3A_132, %bitcast_convert_type3A_1196 : vector<16xf32>
        %add3A_1200 = arith.addf %add3A_1182, %mul3A_1199 : vector<16xf32>
        %mul3A_1201 = arith.mulf %gather3A_132, %bitcast_convert_type3A_1198 : vector<16xf32>
        %add3A_1202 = arith.addf %add3A_1184, %mul3A_1201 : vector<16xf32>
        %mul3A_1203 = arith.constant 16 : i32
        %mul3A_1204 = arith.muli %scan3A_99, %mul3A_1203 : i32
        %add3A_1205 = arith.constant 7 : i32
        %add3A_1206 = arith.addi %mul3A_1204, %add3A_1205 : i32
        %get3A_1207 = arith.index_cast %add3A_1206 : i32 to index
        %get3A_1208 = arith.constant 48 : index
        %get3A_1209 = tpu.vector_load %arg9[%get3A_1207, %get3A_1208] {strides = array<i32>} : memref<128x128xi32, #tpu.memory_space<vmem>>, vector<1x16xi32>,
        %get3A_1210 = vector.shape_cast %get3A_1209 : vector<1x16xi32> to vector<16xi32>
        %shift_left3A_1211 = arith.constant 16 : i32
        %shift_left3A_1212 = vector.broadcast %shift_left3A_1211 : i32 to vector<16xi32>
        %shift_left3A_1213 = arith.shli %get3A_1210, %shift_left3A_1212 : vector<16xi32>
        %bitcast_convert_type3A_1214 = tpu.bitcast %shift_left3A_1213 : vector<16xi32> -> vector<16xf32>
        %and3A_1215 = arith.andi %get3A_1210, %broadcast_in_dim3A_170 : vector<16xi32>
        %bitcast_convert_type3A_1216 = tpu.bitcast %and3A_1215 : vector<16xi32> -> vector<16xf32>
        %mul3A_1217 = arith.mulf %gather3A_136, %bitcast_convert_type3A_1214 : vector<16xf32>
        %add3A_1218 = arith.addf %add3A_1200, %mul3A_1217 : vector<16xf32>
        %mul3A_1219 = arith.mulf %gather3A_136, %bitcast_convert_type3A_1216 : vector<16xf32>
        %add3A_1220 = arith.addf %add3A_1202, %mul3A_1219 : vector<16xf32>
        %mul3A_1221 = arith.constant 16 : i32
        %mul3A_1222 = arith.muli %scan3A_99, %mul3A_1221 : i32
        %add3A_1223 = arith.constant 8 : i32
        %add3A_1224 = arith.addi %mul3A_1222, %add3A_1223 : i32
        %get3A_1225 = arith.index_cast %add3A_1224 : i32 to index
        %get3A_1226 = arith.constant 48 : index
        %get3A_1227 = tpu.vector_load %arg9[%get3A_1225, %get3A_1226] {strides = array<i32>} : memref<128x128xi32, #tpu.memory_space<vmem>>, vector<1x16xi32>,
        %get3A_1228 = vector.shape_cast %get3A_1227 : vector<1x16xi32> to vector<16xi32>
        %shift_left3A_1229 = arith.constant 16 : i32
        %shift_left3A_1230 = vector.broadcast %shift_left3A_1229 : i32 to vector<16xi32>
        %shift_left3A_1231 = arith.shli %get3A_1228, %shift_left3A_1230 : vector<16xi32>
        %bitcast_convert_type3A_1232 = tpu.bitcast %shift_left3A_1231 : vector<16xi32> -> vector<16xf32>
        %and3A_1233 = arith.andi %get3A_1228, %broadcast_in_dim3A_170 : vector<16xi32>
        %bitcast_convert_type3A_1234 = tpu.bitcast %and3A_1233 : vector<16xi32> -> vector<16xf32>
        %mul3A_1235 = arith.mulf %gather3A_140, %bitcast_convert_type3A_1232 : vector<16xf32>
        %add3A_1236 = arith.addf %add3A_1218, %mul3A_1235 : vector<16xf32>
        %mul3A_1237 = arith.mulf %gather3A_140, %bitcast_convert_type3A_1234 : vector<16xf32>
        %add3A_1238 = arith.addf %add3A_1220, %mul3A_1237 : vector<16xf32>
        %mul3A_1239 = arith.constant 16 : i32
        %mul3A_1240 = arith.muli %scan3A_99, %mul3A_1239 : i32
        %add3A_1241 = arith.constant 9 : i32
        %add3A_1242 = arith.addi %mul3A_1240, %add3A_1241 : i32
        %get3A_1243 = arith.index_cast %add3A_1242 : i32 to index
        %get3A_1244 = arith.constant 48 : index
        %get3A_1245 = tpu.vector_load %arg9[%get3A_1243, %get3A_1244] {strides = array<i32>} : memref<128x128xi32, #tpu.memory_space<vmem>>, vector<1x16xi32>,
        %get3A_1246 = vector.shape_cast %get3A_1245 : vector<1x16xi32> to vector<16xi32>
        %shift_left3A_1247 = arith.constant 16 : i32
        %shift_left3A_1248 = vector.broadcast %shift_left3A_1247 : i32 to vector<16xi32>
        %shift_left3A_1249 = arith.shli %get3A_1246, %shift_left3A_1248 : vector<16xi32>
        %bitcast_convert_type3A_1250 = tpu.bitcast %shift_left3A_1249 : vector<16xi32> -> vector<16xf32>
        %and3A_1251 = arith.andi %get3A_1246, %broadcast_in_dim3A_170 : vector<16xi32>
        %bitcast_convert_type3A_1252 = tpu.bitcast %and3A_1251 : vector<16xi32> -> vector<16xf32>
        %mul3A_1253 = arith.mulf %gather3A_144, %bitcast_convert_type3A_1250 : vector<16xf32>
        %add3A_1254 = arith.addf %add3A_1236, %mul3A_1253 : vector<16xf32>
        %mul3A_1255 = arith.mulf %gather3A_144, %bitcast_convert_type3A_1252 : vector<16xf32>
        %add3A_1256 = arith.addf %add3A_1238, %mul3A_1255 : vector<16xf32>
        %mul3A_1257 = arith.constant 16 : i32
        %mul3A_1258 = arith.muli %scan3A_99, %mul3A_1257 : i32
        %add3A_1259 = arith.constant 10 : i32
        %add3A_1260 = arith.addi %mul3A_1258, %add3A_1259 : i32
        %get3A_1261 = arith.index_cast %add3A_1260 : i32 to index
        %get3A_1262 = arith.constant 48 : index
        %get3A_1263 = tpu.vector_load %arg9[%get3A_1261, %get3A_1262] {strides = array<i32>} : memref<128x128xi32, #tpu.memory_space<vmem>>, vector<1x16xi32>,
        %get3A_1264 = vector.shape_cast %get3A_1263 : vector<1x16xi32> to vector<16xi32>
        %shift_left3A_1265 = arith.constant 16 : i32
        %shift_left3A_1266 = vector.broadcast %shift_left3A_1265 : i32 to vector<16xi32>
        %shift_left3A_1267 = arith.shli %get3A_1264, %shift_left3A_1266 : vector<16xi32>
        %bitcast_convert_type3A_1268 = tpu.bitcast %shift_left3A_1267 : vector<16xi32> -> vector<16xf32>
        %and3A_1269 = arith.andi %get3A_1264, %broadcast_in_dim3A_170 : vector<16xi32>
        %bitcast_convert_type3A_1270 = tpu.bitcast %and3A_1269 : vector<16xi32> -> vector<16xf32>
        %mul3A_1271 = arith.mulf %gather3A_148, %bitcast_convert_type3A_1268 : vector<16xf32>
        %add3A_1272 = arith.addf %add3A_1254, %mul3A_1271 : vector<16xf32>
        %mul3A_1273 = arith.mulf %gather3A_148, %bitcast_convert_type3A_1270 : vector<16xf32>
        %add3A_1274 = arith.addf %add3A_1256, %mul3A_1273 : vector<16xf32>
        %mul3A_1275 = arith.constant 16 : i32
        %mul3A_1276 = arith.muli %scan3A_99, %mul3A_1275 : i32
        %add3A_1277 = arith.constant 11 : i32
        %add3A_1278 = arith.addi %mul3A_1276, %add3A_1277 : i32
        %get3A_1279 = arith.index_cast %add3A_1278 : i32 to index
        %get3A_1280 = arith.constant 48 : index
        %get3A_1281 = tpu.vector_load %arg9[%get3A_1279, %get3A_1280] {strides = array<i32>} : memref<128x128xi32, #tpu.memory_space<vmem>>, vector<1x16xi32>,
        %get3A_1282 = vector.shape_cast %get3A_1281 : vector<1x16xi32> to vector<16xi32>
        %shift_left3A_1283 = arith.constant 16 : i32
        %shift_left3A_1284 = vector.broadcast %shift_left3A_1283 : i32 to vector<16xi32>
        %shift_left3A_1285 = arith.shli %get3A_1282, %shift_left3A_1284 : vector<16xi32>
        %bitcast_convert_type3A_1286 = tpu.bitcast %shift_left3A_1285 : vector<16xi32> -> vector<16xf32>
        %and3A_1287 = arith.andi %get3A_1282, %broadcast_in_dim3A_170 : vector<16xi32>
        %bitcast_convert_type3A_1288 = tpu.bitcast %and3A_1287 : vector<16xi32> -> vector<16xf32>
        %mul3A_1289 = arith.mulf %gather3A_152, %bitcast_convert_type3A_1286 : vector<16xf32>
        %add3A_1290 = arith.addf %add3A_1272, %mul3A_1289 : vector<16xf32>
        %mul3A_1291 = arith.mulf %gather3A_152, %bitcast_convert_type3A_1288 : vector<16xf32>
        %add3A_1292 = arith.addf %add3A_1274, %mul3A_1291 : vector<16xf32>
        %mul3A_1293 = arith.constant 16 : i32
        %mul3A_1294 = arith.muli %scan3A_99, %mul3A_1293 : i32
        %add3A_1295 = arith.constant 12 : i32
        %add3A_1296 = arith.addi %mul3A_1294, %add3A_1295 : i32
        %get3A_1297 = arith.index_cast %add3A_1296 : i32 to index
        %get3A_1298 = arith.constant 48 : index
        %get3A_1299 = tpu.vector_load %arg9[%get3A_1297, %get3A_1298] {strides = array<i32>} : memref<128x128xi32, #tpu.memory_space<vmem>>, vector<1x16xi32>,
        %get3A_1300 = vector.shape_cast %get3A_1299 : vector<1x16xi32> to vector<16xi32>
        %shift_left3A_1301 = arith.constant 16 : i32
        %shift_left3A_1302 = vector.broadcast %shift_left3A_1301 : i32 to vector<16xi32>
        %shift_left3A_1303 = arith.shli %get3A_1300, %shift_left3A_1302 : vector<16xi32>
        %bitcast_convert_type3A_1304 = tpu.bitcast %shift_left3A_1303 : vector<16xi32> -> vector<16xf32>
        %and3A_1305 = arith.andi %get3A_1300, %broadcast_in_dim3A_170 : vector<16xi32>
        %bitcast_convert_type3A_1306 = tpu.bitcast %and3A_1305 : vector<16xi32> -> vector<16xf32>
        %mul3A_1307 = arith.mulf %gather3A_156, %bitcast_convert_type3A_1304 : vector<16xf32>
        %add3A_1308 = arith.addf %add3A_1290, %mul3A_1307 : vector<16xf32>
        %mul3A_1309 = arith.mulf %gather3A_156, %bitcast_convert_type3A_1306 : vector<16xf32>
        %add3A_1310 = arith.addf %add3A_1292, %mul3A_1309 : vector<16xf32>
        %mul3A_1311 = arith.constant 16 : i32
        %mul3A_1312 = arith.muli %scan3A_99, %mul3A_1311 : i32
        %add3A_1313 = arith.constant 13 : i32
        %add3A_1314 = arith.addi %mul3A_1312, %add3A_1313 : i32
        %get3A_1315 = arith.index_cast %add3A_1314 : i32 to index
        %get3A_1316 = arith.constant 48 : index
        %get3A_1317 = tpu.vector_load %arg9[%get3A_1315, %get3A_1316] {strides = array<i32>} : memref<128x128xi32, #tpu.memory_space<vmem>>, vector<1x16xi32>,
        %get3A_1318 = vector.shape_cast %get3A_1317 : vector<1x16xi32> to vector<16xi32>
        %shift_left3A_1319 = arith.constant 16 : i32
        %shift_left3A_1320 = vector.broadcast %shift_left3A_1319 : i32 to vector<16xi32>
        %shift_left3A_1321 = arith.shli %get3A_1318, %shift_left3A_1320 : vector<16xi32>
        %bitcast_convert_type3A_1322 = tpu.bitcast %shift_left3A_1321 : vector<16xi32> -> vector<16xf32>
        %and3A_1323 = arith.andi %get3A_1318, %broadcast_in_dim3A_170 : vector<16xi32>
        %bitcast_convert_type3A_1324 = tpu.bitcast %and3A_1323 : vector<16xi32> -> vector<16xf32>
        %mul3A_1325 = arith.mulf %gather3A_160, %bitcast_convert_type3A_1322 : vector<16xf32>
        %add3A_1326 = arith.addf %add3A_1308, %mul3A_1325 : vector<16xf32>
        %mul3A_1327 = arith.mulf %gather3A_160, %bitcast_convert_type3A_1324 : vector<16xf32>
        %add3A_1328 = arith.addf %add3A_1310, %mul3A_1327 : vector<16xf32>
        %mul3A_1329 = arith.constant 16 : i32
        %mul3A_1330 = arith.muli %scan3A_99, %mul3A_1329 : i32
        %add3A_1331 = arith.constant 14 : i32
        %add3A_1332 = arith.addi %mul3A_1330, %add3A_1331 : i32
        %get3A_1333 = arith.index_cast %add3A_1332 : i32 to index
        %get3A_1334 = arith.constant 48 : index
        %get3A_1335 = tpu.vector_load %arg9[%get3A_1333, %get3A_1334] {strides = array<i32>} : memref<128x128xi32, #tpu.memory_space<vmem>>, vector<1x16xi32>,
        %get3A_1336 = vector.shape_cast %get3A_1335 : vector<1x16xi32> to vector<16xi32>
        %shift_left3A_1337 = arith.constant 16 : i32
        %shift_left3A_1338 = vector.broadcast %shift_left3A_1337 : i32 to vector<16xi32>
        %shift_left3A_1339 = arith.shli %get3A_1336, %shift_left3A_1338 : vector<16xi32>
        %bitcast_convert_type3A_1340 = tpu.bitcast %shift_left3A_1339 : vector<16xi32> -> vector<16xf32>
        %and3A_1341 = arith.andi %get3A_1336, %broadcast_in_dim3A_170 : vector<16xi32>
        %bitcast_convert_type3A_1342 = tpu.bitcast %and3A_1341 : vector<16xi32> -> vector<16xf32>
        %mul3A_1343 = arith.mulf %gather3A_164, %bitcast_convert_type3A_1340 : vector<16xf32>
        %add3A_1344 = arith.addf %add3A_1326, %mul3A_1343 : vector<16xf32>
        %mul3A_1345 = arith.mulf %gather3A_164, %bitcast_convert_type3A_1342 : vector<16xf32>
        %add3A_1346 = arith.addf %add3A_1328, %mul3A_1345 : vector<16xf32>
        %mul3A_1347 = arith.constant 16 : i32
        %mul3A_1348 = arith.muli %scan3A_99, %mul3A_1347 : i32
        %add3A_1349 = arith.constant 15 : i32
        %add3A_1350 = arith.addi %mul3A_1348, %add3A_1349 : i32
        %get3A_1351 = arith.index_cast %add3A_1350 : i32 to index
        %get3A_1352 = arith.constant 48 : index
        %get3A_1353 = tpu.vector_load %arg9[%get3A_1351, %get3A_1352] {strides = array<i32>} : memref<128x128xi32, #tpu.memory_space<vmem>>, vector<1x16xi32>,
        %get3A_1354 = vector.shape_cast %get3A_1353 : vector<1x16xi32> to vector<16xi32>
        %shift_left3A_1355 = arith.constant 16 : i32
        %shift_left3A_1356 = vector.broadcast %shift_left3A_1355 : i32 to vector<16xi32>
        %shift_left3A_1357 = arith.shli %get3A_1354, %shift_left3A_1356 : vector<16xi32>
        %bitcast_convert_type3A_1358 = tpu.bitcast %shift_left3A_1357 : vector<16xi32> -> vector<16xf32>
        %and3A_1359 = arith.andi %get3A_1354, %broadcast_in_dim3A_170 : vector<16xi32>
        %bitcast_convert_type3A_1360 = tpu.bitcast %and3A_1359 : vector<16xi32> -> vector<16xf32>
        %mul3A_1361 = arith.mulf %gather3A_168, %bitcast_convert_type3A_1358 : vector<16xf32>
        %add3A_1362 = arith.addf %add3A_1344, %mul3A_1361 : vector<16xf32>
        %mul3A_1363 = arith.mulf %gather3A_168, %bitcast_convert_type3A_1360 : vector<16xf32>
        %add3A_1364 = arith.addf %add3A_1346, %mul3A_1363 : vector<16xf32>
        %swap3A_1365 = arith.index_cast %scan3A_99 : i32 to index
        %swap3A_1366 = arith.constant 48 : index
        %swap3A_1367 = tpu.vector_load %arg11[%swap3A_1365, %swap3A_1366] {strides = array<i32>} : memref<8x256xf32, #tpu.memory_space<vmem>>, vector<1x16xf32>,
        %swap3A_1368 = vector.shape_cast %swap3A_1367 : vector<1x16xf32> to vector<16xf32>
        %swap3A_1369 = vector.shape_cast %add3A_1362 : vector<16xf32> to vector<1x16xf32>
        tpu.vector_store %arg11[%swap3A_1365, %swap3A_1366], %swap3A_1369 {strides = array<i32>} : memref<8x256xf32, #tpu.memory_space<vmem>>, vector<1x16xf32>,
        %swap3A_1370 = arith.index_cast %scan3A_99 : i32 to index
        %swap3A_1371 = arith.constant 176 : index
        %swap3A_1372 = tpu.vector_load %arg11[%swap3A_1370, %swap3A_1371] {strides = array<i32>} : memref<8x256xf32, #tpu.memory_space<vmem>>, vector<1x16xf32>,
        %swap3A_1373 = vector.shape_cast %swap3A_1372 : vector<1x16xf32> to vector<16xf32>
        %swap3A_1374 = vector.shape_cast %add3A_1364 : vector<16xf32> to vector<1x16xf32>
        tpu.vector_store %arg11[%swap3A_1370, %swap3A_1371], %swap3A_1374 {strides = array<i32>} : memref<8x256xf32, #tpu.memory_space<vmem>>, vector<1x16xf32>,
        %broadcast_in_dim3A_1375 = arith.constant 0.000000e+00 : f32
        %broadcast_in_dim3A_1376 = vector.broadcast %broadcast_in_dim3A_1375 : f32 to vector<16xf32>
        %broadcast_in_dim3A_1377 = arith.constant 0.000000e+00 : f32
        %broadcast_in_dim3A_1378 = vector.broadcast %broadcast_in_dim3A_1377 : f32 to vector<16xf32>
        %mul3A_1379 = arith.constant 16 : i32
        %mul3A_1380 = arith.muli %scan3A_99, %mul3A_1379 : i32
        %add3A_1381 = arith.constant 0 : i32
        %add3A_1382 = arith.addi %mul3A_1380, %add3A_1381 : i32
        %get3A_1383 = arith.index_cast %add3A_1382 : i32 to index
        %get3A_1384 = arith.constant 64 : index
        %get3A_1385 = tpu.vector_load %arg9[%get3A_1383, %get3A_1384] {strides = array<i32>} : memref<128x128xi32, #tpu.memory_space<vmem>>, vector<1x16xi32>,
        %get3A_1386 = vector.shape_cast %get3A_1385 : vector<1x16xi32> to vector<16xi32>
        %shift_left3A_1387 = arith.constant 16 : i32
        %shift_left3A_1388 = vector.broadcast %shift_left3A_1387 : i32 to vector<16xi32>
        %shift_left3A_1389 = arith.shli %get3A_1386, %shift_left3A_1388 : vector<16xi32>
        %bitcast_convert_type3A_1390 = tpu.bitcast %shift_left3A_1389 : vector<16xi32> -> vector<16xf32>
        %and3A_1391 = arith.andi %get3A_1386, %broadcast_in_dim3A_170 : vector<16xi32>
        %bitcast_convert_type3A_1392 = tpu.bitcast %and3A_1391 : vector<16xi32> -> vector<16xf32>
        %mul3A_1393 = arith.mulf %gather3A_108, %bitcast_convert_type3A_1390 : vector<16xf32>
        %add3A_1394 = arith.addf %broadcast_in_dim3A_1376, %mul3A_1393 : vector<16xf32>
        %mul3A_1395 = arith.mulf %gather3A_108, %bitcast_convert_type3A_1392 : vector<16xf32>
        %add3A_1396 = arith.addf %broadcast_in_dim3A_1378, %mul3A_1395 : vector<16xf32>
        %mul3A_1397 = arith.constant 16 : i32
        %mul3A_1398 = arith.muli %scan3A_99, %mul3A_1397 : i32
        %add3A_1399 = arith.constant 1 : i32
        %add3A_1400 = arith.addi %mul3A_1398, %add3A_1399 : i32
        %get3A_1401 = arith.index_cast %add3A_1400 : i32 to index
        %get3A_1402 = arith.constant 64 : index
        %get3A_1403 = tpu.vector_load %arg9[%get3A_1401, %get3A_1402] {strides = array<i32>} : memref<128x128xi32, #tpu.memory_space<vmem>>, vector<1x16xi32>,
        %get3A_1404 = vector.shape_cast %get3A_1403 : vector<1x16xi32> to vector<16xi32>
        %shift_left3A_1405 = arith.constant 16 : i32
        %shift_left3A_1406 = vector.broadcast %shift_left3A_1405 : i32 to vector<16xi32>
        %shift_left3A_1407 = arith.shli %get3A_1404, %shift_left3A_1406 : vector<16xi32>
        %bitcast_convert_type3A_1408 = tpu.bitcast %shift_left3A_1407 : vector<16xi32> -> vector<16xf32>
        %and3A_1409 = arith.andi %get3A_1404, %broadcast_in_dim3A_170 : vector<16xi32>
        %bitcast_convert_type3A_1410 = tpu.bitcast %and3A_1409 : vector<16xi32> -> vector<16xf32>
        %mul3A_1411 = arith.mulf %gather3A_112, %bitcast_convert_type3A_1408 : vector<16xf32>
        %add3A_1412 = arith.addf %add3A_1394, %mul3A_1411 : vector<16xf32>
        %mul3A_1413 = arith.mulf %gather3A_112, %bitcast_convert_type3A_1410 : vector<16xf32>
        %add3A_1414 = arith.addf %add3A_1396, %mul3A_1413 : vector<16xf32>
        %mul3A_1415 = arith.constant 16 : i32
        %mul3A_1416 = arith.muli %scan3A_99, %mul3A_1415 : i32
        %add3A_1417 = arith.constant 2 : i32
        %add3A_1418 = arith.addi %mul3A_1416, %add3A_1417 : i32
        %get3A_1419 = arith.index_cast %add3A_1418 : i32 to index
        %get3A_1420 = arith.constant 64 : index
        %get3A_1421 = tpu.vector_load %arg9[%get3A_1419, %get3A_1420] {strides = array<i32>} : memref<128x128xi32, #tpu.memory_space<vmem>>, vector<1x16xi32>,
        %get3A_1422 = vector.shape_cast %get3A_1421 : vector<1x16xi32> to vector<16xi32>
        %shift_left3A_1423 = arith.constant 16 : i32
        %shift_left3A_1424 = vector.broadcast %shift_left3A_1423 : i32 to vector<16xi32>
        %shift_left3A_1425 = arith.shli %get3A_1422, %shift_left3A_1424 : vector<16xi32>
        %bitcast_convert_type3A_1426 = tpu.bitcast %shift_left3A_1425 : vector<16xi32> -> vector<16xf32>
        %and3A_1427 = arith.andi %get3A_1422, %broadcast_in_dim3A_170 : vector<16xi32>
        %bitcast_convert_type3A_1428 = tpu.bitcast %and3A_1427 : vector<16xi32> -> vector<16xf32>
        %mul3A_1429 = arith.mulf %gather3A_116, %bitcast_convert_type3A_1426 : vector<16xf32>
        %add3A_1430 = arith.addf %add3A_1412, %mul3A_1429 : vector<16xf32>
        %mul3A_1431 = arith.mulf %gather3A_116, %bitcast_convert_type3A_1428 : vector<16xf32>
        %add3A_1432 = arith.addf %add3A_1414, %mul3A_1431 : vector<16xf32>
        %mul3A_1433 = arith.constant 16 : i32
        %mul3A_1434 = arith.muli %scan3A_99, %mul3A_1433 : i32
        %add3A_1435 = arith.constant 3 : i32
        %add3A_1436 = arith.addi %mul3A_1434, %add3A_1435 : i32
        %get3A_1437 = arith.index_cast %add3A_1436 : i32 to index
        %get3A_1438 = arith.constant 64 : index
        %get3A_1439 = tpu.vector_load %arg9[%get3A_1437, %get3A_1438] {strides = array<i32>} : memref<128x128xi32, #tpu.memory_space<vmem>>, vector<1x16xi32>,
        %get3A_1440 = vector.shape_cast %get3A_1439 : vector<1x16xi32> to vector<16xi32>
        %shift_left3A_1441 = arith.constant 16 : i32
        %shift_left3A_1442 = vector.broadcast %shift_left3A_1441 : i32 to vector<16xi32>
        %shift_left3A_1443 = arith.shli %get3A_1440, %shift_left3A_1442 : vector<16xi32>
        %bitcast_convert_type3A_1444 = tpu.bitcast %shift_left3A_1443 : vector<16xi32> -> vector<16xf32>
        %and3A_1445 = arith.andi %get3A_1440, %broadcast_in_dim3A_170 : vector<16xi32>
        %bitcast_convert_type3A_1446 = tpu.bitcast %and3A_1445 : vector<16xi32> -> vector<16xf32>
        %mul3A_1447 = arith.mulf %gather3A_120, %bitcast_convert_type3A_1444 : vector<16xf32>
        %add3A_1448 = arith.addf %add3A_1430, %mul3A_1447 : vector<16xf32>
        %mul3A_1449 = arith.mulf %gather3A_120, %bitcast_convert_type3A_1446 : vector<16xf32>
        %add3A_1450 = arith.addf %add3A_1432, %mul3A_1449 : vector<16xf32>
        %mul3A_1451 = arith.constant 16 : i32
        %mul3A_1452 = arith.muli %scan3A_99, %mul3A_1451 : i32
        %add3A_1453 = arith.constant 4 : i32
        %add3A_1454 = arith.addi %mul3A_1452, %add3A_1453 : i32
        %get3A_1455 = arith.index_cast %add3A_1454 : i32 to index
        %get3A_1456 = arith.constant 64 : index
        %get3A_1457 = tpu.vector_load %arg9[%get3A_1455, %get3A_1456] {strides = array<i32>} : memref<128x128xi32, #tpu.memory_space<vmem>>, vector<1x16xi32>,
        %get3A_1458 = vector.shape_cast %get3A_1457 : vector<1x16xi32> to vector<16xi32>
        %shift_left3A_1459 = arith.constant 16 : i32
        %shift_left3A_1460 = vector.broadcast %shift_left3A_1459 : i32 to vector<16xi32>
        %shift_left3A_1461 = arith.shli %get3A_1458, %shift_left3A_1460 : vector<16xi32>
        %bitcast_convert_type3A_1462 = tpu.bitcast %shift_left3A_1461 : vector<16xi32> -> vector<16xf32>
        %and3A_1463 = arith.andi %get3A_1458, %broadcast_in_dim3A_170 : vector<16xi32>
        %bitcast_convert_type3A_1464 = tpu.bitcast %and3A_1463 : vector<16xi32> -> vector<16xf32>
        %mul3A_1465 = arith.mulf %gather3A_124, %bitcast_convert_type3A_1462 : vector<16xf32>
        %add3A_1466 = arith.addf %add3A_1448, %mul3A_1465 : vector<16xf32>
        %mul3A_1467 = arith.mulf %gather3A_124, %bitcast_convert_type3A_1464 : vector<16xf32>
        %add3A_1468 = arith.addf %add3A_1450, %mul3A_1467 : vector<16xf32>
        %mul3A_1469 = arith.constant 16 : i32
        %mul3A_1470 = arith.muli %scan3A_99, %mul3A_1469 : i32
        %add3A_1471 = arith.constant 5 : i32
        %add3A_1472 = arith.addi %mul3A_1470, %add3A_1471 : i32
        %get3A_1473 = arith.index_cast %add3A_1472 : i32 to index
        %get3A_1474 = arith.constant 64 : index
        %get3A_1475 = tpu.vector_load %arg9[%get3A_1473, %get3A_1474] {strides = array<i32>} : memref<128x128xi32, #tpu.memory_space<vmem>>, vector<1x16xi32>,
        %get3A_1476 = vector.shape_cast %get3A_1475 : vector<1x16xi32> to vector<16xi32>
        %shift_left3A_1477 = arith.constant 16 : i32
        %shift_left3A_1478 = vector.broadcast %shift_left3A_1477 : i32 to vector<16xi32>
        %shift_left3A_1479 = arith.shli %get3A_1476, %shift_left3A_1478 : vector<16xi32>
        %bitcast_convert_type3A_1480 = tpu.bitcast %shift_left3A_1479 : vector<16xi32> -> vector<16xf32>
        %and3A_1481 = arith.andi %get3A_1476, %broadcast_in_dim3A_170 : vector<16xi32>
        %bitcast_convert_type3A_1482 = tpu.bitcast %and3A_1481 : vector<16xi32> -> vector<16xf32>
        %mul3A_1483 = arith.mulf %gather3A_128, %bitcast_convert_type3A_1480 : vector<16xf32>
        %add3A_1484 = arith.addf %add3A_1466, %mul3A_1483 : vector<16xf32>
        %mul3A_1485 = arith.mulf %gather3A_128, %bitcast_convert_type3A_1482 : vector<16xf32>
        %add3A_1486 = arith.addf %add3A_1468, %mul3A_1485 : vector<16xf32>
        %mul3A_1487 = arith.constant 16 : i32
        %mul3A_1488 = arith.muli %scan3A_99, %mul3A_1487 : i32
        %add3A_1489 = arith.constant 6 : i32
        %add3A_1490 = arith.addi %mul3A_1488, %add3A_1489 : i32
        %get3A_1491 = arith.index_cast %add3A_1490 : i32 to index
        %get3A_1492 = arith.constant 64 : index
        %get3A_1493 = tpu.vector_load %arg9[%get3A_1491, %get3A_1492] {strides = array<i32>} : memref<128x128xi32, #tpu.memory_space<vmem>>, vector<1x16xi32>,
        %get3A_1494 = vector.shape_cast %get3A_1493 : vector<1x16xi32> to vector<16xi32>
        %shift_left3A_1495 = arith.constant 16 : i32
        %shift_left3A_1496 = vector.broadcast %shift_left3A_1495 : i32 to vector<16xi32>
        %shift_left3A_1497 = arith.shli %get3A_1494, %shift_left3A_1496 : vector<16xi32>
        %bitcast_convert_type3A_1498 = tpu.bitcast %shift_left3A_1497 : vector<16xi32> -> vector<16xf32>
        %and3A_1499 = arith.andi %get3A_1494, %broadcast_in_dim3A_170 : vector<16xi32>
        %bitcast_convert_type3A_1500 = tpu.bitcast %and3A_1499 : vector<16xi32> -> vector<16xf32>
        %mul3A_1501 = arith.mulf %gather3A_132, %bitcast_convert_type3A_1498 : vector<16xf32>
        %add3A_1502 = arith.addf %add3A_1484, %mul3A_1501 : vector<16xf32>
        %mul3A_1503 = arith.mulf %gather3A_132, %bitcast_convert_type3A_1500 : vector<16xf32>
        %add3A_1504 = arith.addf %add3A_1486, %mul3A_1503 : vector<16xf32>
        %mul3A_1505 = arith.constant 16 : i32
        %mul3A_1506 = arith.muli %scan3A_99, %mul3A_1505 : i32
        %add3A_1507 = arith.constant 7 : i32
        %add3A_1508 = arith.addi %mul3A_1506, %add3A_1507 : i32
        %get3A_1509 = arith.index_cast %add3A_1508 : i32 to index
        %get3A_1510 = arith.constant 64 : index
        %get3A_1511 = tpu.vector_load %arg9[%get3A_1509, %get3A_1510] {strides = array<i32>} : memref<128x128xi32, #tpu.memory_space<vmem>>, vector<1x16xi32>,
        %get3A_1512 = vector.shape_cast %get3A_1511 : vector<1x16xi32> to vector<16xi32>
        %shift_left3A_1513 = arith.constant 16 : i32
        %shift_left3A_1514 = vector.broadcast %shift_left3A_1513 : i32 to vector<16xi32>
        %shift_left3A_1515 = arith.shli %get3A_1512, %shift_left3A_1514 : vector<16xi32>
        %bitcast_convert_type3A_1516 = tpu.bitcast %shift_left3A_1515 : vector<16xi32> -> vector<16xf32>
        %and3A_1517 = arith.andi %get3A_1512, %broadcast_in_dim3A_170 : vector<16xi32>
        %bitcast_convert_type3A_1518 = tpu.bitcast %and3A_1517 : vector<16xi32> -> vector<16xf32>
        %mul3A_1519 = arith.mulf %gather3A_136, %bitcast_convert_type3A_1516 : vector<16xf32>
        %add3A_1520 = arith.addf %add3A_1502, %mul3A_1519 : vector<16xf32>
        %mul3A_1521 = arith.mulf %gather3A_136, %bitcast_convert_type3A_1518 : vector<16xf32>
        %add3A_1522 = arith.addf %add3A_1504, %mul3A_1521 : vector<16xf32>
        %mul3A_1523 = arith.constant 16 : i32
        %mul3A_1524 = arith.muli %scan3A_99, %mul3A_1523 : i32
        %add3A_1525 = arith.constant 8 : i32
        %add3A_1526 = arith.addi %mul3A_1524, %add3A_1525 : i32
        %get3A_1527 = arith.index_cast %add3A_1526 : i32 to index
        %get3A_1528 = arith.constant 64 : index
        %get3A_1529 = tpu.vector_load %arg9[%get3A_1527, %get3A_1528] {strides = array<i32>} : memref<128x128xi32, #tpu.memory_space<vmem>>, vector<1x16xi32>,
        %get3A_1530 = vector.shape_cast %get3A_1529 : vector<1x16xi32> to vector<16xi32>
        %shift_left3A_1531 = arith.constant 16 : i32
        %shift_left3A_1532 = vector.broadcast %shift_left3A_1531 : i32 to vector<16xi32>
        %shift_left3A_1533 = arith.shli %get3A_1530, %shift_left3A_1532 : vector<16xi32>
        %bitcast_convert_type3A_1534 = tpu.bitcast %shift_left3A_1533 : vector<16xi32> -> vector<16xf32>
        %and3A_1535 = arith.andi %get3A_1530, %broadcast_in_dim3A_170 : vector<16xi32>
        %bitcast_convert_type3A_1536 = tpu.bitcast %and3A_1535 : vector<16xi32> -> vector<16xf32>
        %mul3A_1537 = arith.mulf %gather3A_140, %bitcast_convert_type3A_1534 : vector<16xf32>
        %add3A_1538 = arith.addf %add3A_1520, %mul3A_1537 : vector<16xf32>
        %mul3A_1539 = arith.mulf %gather3A_140, %bitcast_convert_type3A_1536 : vector<16xf32>
        %add3A_1540 = arith.addf %add3A_1522, %mul3A_1539 : vector<16xf32>
        %mul3A_1541 = arith.constant 16 : i32
        %mul3A_1542 = arith.muli %scan3A_99, %mul3A_1541 : i32
        %add3A_1543 = arith.constant 9 : i32
        %add3A_1544 = arith.addi %mul3A_1542, %add3A_1543 : i32
        %get3A_1545 = arith.index_cast %add3A_1544 : i32 to index
        %get3A_1546 = arith.constant 64 : index
        %get3A_1547 = tpu.vector_load %arg9[%get3A_1545, %get3A_1546] {strides = array<i32>} : memref<128x128xi32, #tpu.memory_space<vmem>>, vector<1x16xi32>,
        %get3A_1548 = vector.shape_cast %get3A_1547 : vector<1x16xi32> to vector<16xi32>
        %shift_left3A_1549 = arith.constant 16 : i32
        %shift_left3A_1550 = vector.broadcast %shift_left3A_1549 : i32 to vector<16xi32>
        %shift_left3A_1551 = arith.shli %get3A_1548, %shift_left3A_1550 : vector<16xi32>
        %bitcast_convert_type3A_1552 = tpu.bitcast %shift_left3A_1551 : vector<16xi32> -> vector<16xf32>
        %and3A_1553 = arith.andi %get3A_1548, %broadcast_in_dim3A_170 : vector<16xi32>
        %bitcast_convert_type3A_1554 = tpu.bitcast %and3A_1553 : vector<16xi32> -> vector<16xf32>
        %mul3A_1555 = arith.mulf %gather3A_144, %bitcast_convert_type3A_1552 : vector<16xf32>
        %add3A_1556 = arith.addf %add3A_1538, %mul3A_1555 : vector<16xf32>
        %mul3A_1557 = arith.mulf %gather3A_144, %bitcast_convert_type3A_1554 : vector<16xf32>
        %add3A_1558 = arith.addf %add3A_1540, %mul3A_1557 : vector<16xf32>
        %mul3A_1559 = arith.constant 16 : i32
        %mul3A_1560 = arith.muli %scan3A_99, %mul3A_1559 : i32
        %add3A_1561 = arith.constant 10 : i32
        %add3A_1562 = arith.addi %mul3A_1560, %add3A_1561 : i32
        %get3A_1563 = arith.index_cast %add3A_1562 : i32 to index
        %get3A_1564 = arith.constant 64 : index
        %get3A_1565 = tpu.vector_load %arg9[%get3A_1563, %get3A_1564] {strides = array<i32>} : memref<128x128xi32, #tpu.memory_space<vmem>>, vector<1x16xi32>,
        %get3A_1566 = vector.shape_cast %get3A_1565 : vector<1x16xi32> to vector<16xi32>
        %shift_left3A_1567 = arith.constant 16 : i32
        %shift_left3A_1568 = vector.broadcast %shift_left3A_1567 : i32 to vector<16xi32>
        %shift_left3A_1569 = arith.shli %get3A_1566, %shift_left3A_1568 : vector<16xi32>
        %bitcast_convert_type3A_1570 = tpu.bitcast %shift_left3A_1569 : vector<16xi32> -> vector<16xf32>
        %and3A_1571 = arith.andi %get3A_1566, %broadcast_in_dim3A_170 : vector<16xi32>
        %bitcast_convert_type3A_1572 = tpu.bitcast %and3A_1571 : vector<16xi32> -> vector<16xf32>
        %mul3A_1573 = arith.mulf %gather3A_148, %bitcast_convert_type3A_1570 : vector<16xf32>
        %add3A_1574 = arith.addf %add3A_1556, %mul3A_1573 : vector<16xf32>
        %mul3A_1575 = arith.mulf %gather3A_148, %bitcast_convert_type3A_1572 : vector<16xf32>
        %add3A_1576 = arith.addf %add3A_1558, %mul3A_1575 : vector<16xf32>
        %mul3A_1577 = arith.constant 16 : i32
        %mul3A_1578 = arith.muli %scan3A_99, %mul3A_1577 : i32
        %add3A_1579 = arith.constant 11 : i32
        %add3A_1580 = arith.addi %mul3A_1578, %add3A_1579 : i32
        %get3A_1581 = arith.index_cast %add3A_1580 : i32 to index
        %get3A_1582 = arith.constant 64 : index
        %get3A_1583 = tpu.vector_load %arg9[%get3A_1581, %get3A_1582] {strides = array<i32>} : memref<128x128xi32, #tpu.memory_space<vmem>>, vector<1x16xi32>,
        %get3A_1584 = vector.shape_cast %get3A_1583 : vector<1x16xi32> to vector<16xi32>
        %shift_left3A_1585 = arith.constant 16 : i32
        %shift_left3A_1586 = vector.broadcast %shift_left3A_1585 : i32 to vector<16xi32>
        %shift_left3A_1587 = arith.shli %get3A_1584, %shift_left3A_1586 : vector<16xi32>
        %bitcast_convert_type3A_1588 = tpu.bitcast %shift_left3A_1587 : vector<16xi32> -> vector<16xf32>
        %and3A_1589 = arith.andi %get3A_1584, %broadcast_in_dim3A_170 : vector<16xi32>
        %bitcast_convert_type3A_1590 = tpu.bitcast %and3A_1589 : vector<16xi32> -> vector<16xf32>
        %mul3A_1591 = arith.mulf %gather3A_152, %bitcast_convert_type3A_1588 : vector<16xf32>
        %add3A_1592 = arith.addf %add3A_1574, %mul3A_1591 : vector<16xf32>
        %mul3A_1593 = arith.mulf %gather3A_152, %bitcast_convert_type3A_1590 : vector<16xf32>
        %add3A_1594 = arith.addf %add3A_1576, %mul3A_1593 : vector<16xf32>
        %mul3A_1595 = arith.constant 16 : i32
        %mul3A_1596 = arith.muli %scan3A_99, %mul3A_1595 : i32
        %add3A_1597 = arith.constant 12 : i32
        %add3A_1598 = arith.addi %mul3A_1596, %add3A_1597 : i32
        %get3A_1599 = arith.index_cast %add3A_1598 : i32 to index
        %get3A_1600 = arith.constant 64 : index
        %get3A_1601 = tpu.vector_load %arg9[%get3A_1599, %get3A_1600] {strides = array<i32>} : memref<128x128xi32, #tpu.memory_space<vmem>>, vector<1x16xi32>,
        %get3A_1602 = vector.shape_cast %get3A_1601 : vector<1x16xi32> to vector<16xi32>
        %shift_left3A_1603 = arith.constant 16 : i32
        %shift_left3A_1604 = vector.broadcast %shift_left3A_1603 : i32 to vector<16xi32>
        %shift_left3A_1605 = arith.shli %get3A_1602, %shift_left3A_1604 : vector<16xi32>
        %bitcast_convert_type3A_1606 = tpu.bitcast %shift_left3A_1605 : vector<16xi32> -> vector<16xf32>
        %and3A_1607 = arith.andi %get3A_1602, %broadcast_in_dim3A_170 : vector<16xi32>
        %bitcast_convert_type3A_1608 = tpu.bitcast %and3A_1607 : vector<16xi32> -> vector<16xf32>
        %mul3A_1609 = arith.mulf %gather3A_156, %bitcast_convert_type3A_1606 : vector<16xf32>
        %add3A_1610 = arith.addf %add3A_1592, %mul3A_1609 : vector<16xf32>
        %mul3A_1611 = arith.mulf %gather3A_156, %bitcast_convert_type3A_1608 : vector<16xf32>
        %add3A_1612 = arith.addf %add3A_1594, %mul3A_1611 : vector<16xf32>
        %mul3A_1613 = arith.constant 16 : i32
        %mul3A_1614 = arith.muli %scan3A_99, %mul3A_1613 : i32
        %add3A_1615 = arith.constant 13 : i32
        %add3A_1616 = arith.addi %mul3A_1614, %add3A_1615 : i32
        %get3A_1617 = arith.index_cast %add3A_1616 : i32 to index
        %get3A_1618 = arith.constant 64 : index
        %get3A_1619 = tpu.vector_load %arg9[%get3A_1617, %get3A_1618] {strides = array<i32>} : memref<128x128xi32, #tpu.memory_space<vmem>>, vector<1x16xi32>,
        %get3A_1620 = vector.shape_cast %get3A_1619 : vector<1x16xi32> to vector<16xi32>
        %shift_left3A_1621 = arith.constant 16 : i32
        %shift_left3A_1622 = vector.broadcast %shift_left3A_1621 : i32 to vector<16xi32>
        %shift_left3A_1623 = arith.shli %get3A_1620, %shift_left3A_1622 : vector<16xi32>
        %bitcast_convert_type3A_1624 = tpu.bitcast %shift_left3A_1623 : vector<16xi32> -> vector<16xf32>
        %and3A_1625 = arith.andi %get3A_1620, %broadcast_in_dim3A_170 : vector<16xi32>
        %bitcast_convert_type3A_1626 = tpu.bitcast %and3A_1625 : vector<16xi32> -> vector<16xf32>
        %mul3A_1627 = arith.mulf %gather3A_160, %bitcast_convert_type3A_1624 : vector<16xf32>
        %add3A_1628 = arith.addf %add3A_1610, %mul3A_1627 : vector<16xf32>
        %mul3A_1629 = arith.mulf %gather3A_160, %bitcast_convert_type3A_1626 : vector<16xf32>
        %add3A_1630 = arith.addf %add3A_1612, %mul3A_1629 : vector<16xf32>
        %mul3A_1631 = arith.constant 16 : i32
        %mul3A_1632 = arith.muli %scan3A_99, %mul3A_1631 : i32
        %add3A_1633 = arith.constant 14 : i32
        %add3A_1634 = arith.addi %mul3A_1632, %add3A_1633 : i32
        %get3A_1635 = arith.index_cast %add3A_1634 : i32 to index
        %get3A_1636 = arith.constant 64 : index
        %get3A_1637 = tpu.vector_load %arg9[%get3A_1635, %get3A_1636] {strides = array<i32>} : memref<128x128xi32, #tpu.memory_space<vmem>>, vector<1x16xi32>,
        %get3A_1638 = vector.shape_cast %get3A_1637 : vector<1x16xi32> to vector<16xi32>
        %shift_left3A_1639 = arith.constant 16 : i32
        %shift_left3A_1640 = vector.broadcast %shift_left3A_1639 : i32 to vector<16xi32>
        %shift_left3A_1641 = arith.shli %get3A_1638, %shift_left3A_1640 : vector<16xi32>
        %bitcast_convert_type3A_1642 = tpu.bitcast %shift_left3A_1641 : vector<16xi32> -> vector<16xf32>
        %and3A_1643 = arith.andi %get3A_1638, %broadcast_in_dim3A_170 : vector<16xi32>
        %bitcast_convert_type3A_1644 = tpu.bitcast %and3A_1643 : vector<16xi32> -> vector<16xf32>
        %mul3A_1645 = arith.mulf %gather3A_164, %bitcast_convert_type3A_1642 : vector<16xf32>
        %add3A_1646 = arith.addf %add3A_1628, %mul3A_1645 : vector<16xf32>
        %mul3A_1647 = arith.mulf %gather3A_164, %bitcast_convert_type3A_1644 : vector<16xf32>
        %add3A_1648 = arith.addf %add3A_1630, %mul3A_1647 : vector<16xf32>
        %mul3A_1649 = arith.constant 16 : i32
        %mul3A_1650 = arith.muli %scan3A_99, %mul3A_1649 : i32
        %add3A_1651 = arith.constant 15 : i32
        %add3A_1652 = arith.addi %mul3A_1650, %add3A_1651 : i32
        %get3A_1653 = arith.index_cast %add3A_1652 : i32 to index
        %get3A_1654 = arith.constant 64 : index
        %get3A_1655 = tpu.vector_load %arg9[%get3A_1653, %get3A_1654] {strides = array<i32>} : memref<128x128xi32, #tpu.memory_space<vmem>>, vector<1x16xi32>,
        %get3A_1656 = vector.shape_cast %get3A_1655 : vector<1x16xi32> to vector<16xi32>
        %shift_left3A_1657 = arith.constant 16 : i32
        %shift_left3A_1658 = vector.broadcast %shift_left3A_1657 : i32 to vector<16xi32>
        %shift_left3A_1659 = arith.shli %get3A_1656, %shift_left3A_1658 : vector<16xi32>
        %bitcast_convert_type3A_1660 = tpu.bitcast %shift_left3A_1659 : vector<16xi32> -> vector<16xf32>
        %and3A_1661 = arith.andi %get3A_1656, %broadcast_in_dim3A_170 : vector<16xi32>
        %bitcast_convert_type3A_1662 = tpu.bitcast %and3A_1661 : vector<16xi32> -> vector<16xf32>
        %mul3A_1663 = arith.mulf %gather3A_168, %bitcast_convert_type3A_1660 : vector<16xf32>
        %add3A_1664 = arith.addf %add3A_1646, %mul3A_1663 : vector<16xf32>
        %mul3A_1665 = arith.mulf %gather3A_168, %bitcast_convert_type3A_1662 : vector<16xf32>
        %add3A_1666 = arith.addf %add3A_1648, %mul3A_1665 : vector<16xf32>
        %swap3A_1667 = arith.index_cast %scan3A_99 : i32 to index
        %swap3A_1668 = arith.constant 64 : index
        %swap3A_1669 = tpu.vector_load %arg11[%swap3A_1667, %swap3A_1668] {strides = array<i32>} : memref<8x256xf32, #tpu.memory_space<vmem>>, vector<1x16xf32>,
        %swap3A_1670 = vector.shape_cast %swap3A_1669 : vector<1x16xf32> to vector<16xf32>
        %swap3A_1671 = vector.shape_cast %add3A_1664 : vector<16xf32> to vector<1x16xf32>
        tpu.vector_store %arg11[%swap3A_1667, %swap3A_1668], %swap3A_1671 {strides = array<i32>} : memref<8x256xf32, #tpu.memory_space<vmem>>, vector<1x16xf32>,
        %swap3A_1672 = arith.index_cast %scan3A_99 : i32 to index
        %swap3A_1673 = arith.constant 192 : index
        %swap3A_1674 = tpu.vector_load %arg11[%swap3A_1672, %swap3A_1673] {strides = array<i32>} : memref<8x256xf32, #tpu.memory_space<vmem>>, vector<1x16xf32>,
        %swap3A_1675 = vector.shape_cast %swap3A_1674 : vector<1x16xf32> to vector<16xf32>
        %swap3A_1676 = vector.shape_cast %add3A_1666 : vector<16xf32> to vector<1x16xf32>
        tpu.vector_store %arg11[%swap3A_1672, %swap3A_1673], %swap3A_1676 {strides = array<i32>} : memref<8x256xf32, #tpu.memory_space<vmem>>, vector<1x16xf32>,
        %broadcast_in_dim3A_1677 = arith.constant 0.000000e+00 : f32
        %broadcast_in_dim3A_1678 = vector.broadcast %broadcast_in_dim3A_1677 : f32 to vector<16xf32>
        %broadcast_in_dim3A_1679 = arith.constant 0.000000e+00 : f32
        %broadcast_in_dim3A_1680 = vector.broadcast %broadcast_in_dim3A_1679 : f32 to vector<16xf32>
        %mul3A_1681 = arith.constant 16 : i32
        %mul3A_1682 = arith.muli %scan3A_99, %mul3A_1681 : i32
        %add3A_1683 = arith.constant 0 : i32
        %add3A_1684 = arith.addi %mul3A_1682, %add3A_1683 : i32
        %get3A_1685 = arith.index_cast %add3A_1684 : i32 to index
        %get3A_1686 = arith.constant 80 : index
        %get3A_1687 = tpu.vector_load %arg9[%get3A_1685, %get3A_1686] {strides = array<i32>} : memref<128x128xi32, #tpu.memory_space<vmem>>, vector<1x16xi32>,
        %get3A_1688 = vector.shape_cast %get3A_1687 : vector<1x16xi32> to vector<16xi32>
        %shift_left3A_1689 = arith.constant 16 : i32
        %shift_left3A_1690 = vector.broadcast %shift_left3A_1689 : i32 to vector<16xi32>
        %shift_left3A_1691 = arith.shli %get3A_1688, %shift_left3A_1690 : vector<16xi32>
        %bitcast_convert_type3A_1692 = tpu.bitcast %shift_left3A_1691 : vector<16xi32> -> vector<16xf32>
        %and3A_1693 = arith.andi %get3A_1688, %broadcast_in_dim3A_170 : vector<16xi32>
        %bitcast_convert_type3A_1694 = tpu.bitcast %and3A_1693 : vector<16xi32> -> vector<16xf32>
        %mul3A_1695 = arith.mulf %gather3A_108, %bitcast_convert_type3A_1692 : vector<16xf32>
        %add3A_1696 = arith.addf %broadcast_in_dim3A_1678, %mul3A_1695 : vector<16xf32>
        %mul3A_1697 = arith.mulf %gather3A_108, %bitcast_convert_type3A_1694 : vector<16xf32>
        %add3A_1698 = arith.addf %broadcast_in_dim3A_1680, %mul3A_1697 : vector<16xf32>
        %mul3A_1699 = arith.constant 16 : i32
        %mul3A_1700 = arith.muli %scan3A_99, %mul3A_1699 : i32
        %add3A_1701 = arith.constant 1 : i32
        %add3A_1702 = arith.addi %mul3A_1700, %add3A_1701 : i32
        %get3A_1703 = arith.index_cast %add3A_1702 : i32 to index
        %get3A_1704 = arith.constant 80 : index
        %get3A_1705 = tpu.vector_load %arg9[%get3A_1703, %get3A_1704] {strides = array<i32>} : memref<128x128xi32, #tpu.memory_space<vmem>>, vector<1x16xi32>,
        %get3A_1706 = vector.shape_cast %get3A_1705 : vector<1x16xi32> to vector<16xi32>
        %shift_left3A_1707 = arith.constant 16 : i32
        %shift_left3A_1708 = vector.broadcast %shift_left3A_1707 : i32 to vector<16xi32>
        %shift_left3A_1709 = arith.shli %get3A_1706, %shift_left3A_1708 : vector<16xi32>
        %bitcast_convert_type3A_1710 = tpu.bitcast %shift_left3A_1709 : vector<16xi32> -> vector<16xf32>
        %and3A_1711 = arith.andi %get3A_1706, %broadcast_in_dim3A_170 : vector<16xi32>
        %bitcast_convert_type3A_1712 = tpu.bitcast %and3A_1711 : vector<16xi32> -> vector<16xf32>
        %mul3A_1713 = arith.mulf %gather3A_112, %bitcast_convert_type3A_1710 : vector<16xf32>
        %add3A_1714 = arith.addf %add3A_1696, %mul3A_1713 : vector<16xf32>
        %mul3A_1715 = arith.mulf %gather3A_112, %bitcast_convert_type3A_1712 : vector<16xf32>
        %add3A_1716 = arith.addf %add3A_1698, %mul3A_1715 : vector<16xf32>
        %mul3A_1717 = arith.constant 16 : i32
        %mul3A_1718 = arith.muli %scan3A_99, %mul3A_1717 : i32
        %add3A_1719 = arith.constant 2 : i32
        %add3A_1720 = arith.addi %mul3A_1718, %add3A_1719 : i32
        %get3A_1721 = arith.index_cast %add3A_1720 : i32 to index
        %get3A_1722 = arith.constant 80 : index
        %get3A_1723 = tpu.vector_load %arg9[%get3A_1721, %get3A_1722] {strides = array<i32>} : memref<128x128xi32, #tpu.memory_space<vmem>>, vector<1x16xi32>,
        %get3A_1724 = vector.shape_cast %get3A_1723 : vector<1x16xi32> to vector<16xi32>
        %shift_left3A_1725 = arith.constant 16 : i32
        %shift_left3A_1726 = vector.broadcast %shift_left3A_1725 : i32 to vector<16xi32>
        %shift_left3A_1727 = arith.shli %get3A_1724, %shift_left3A_1726 : vector<16xi32>
        %bitcast_convert_type3A_1728 = tpu.bitcast %shift_left3A_1727 : vector<16xi32> -> vector<16xf32>
        %and3A_1729 = arith.andi %get3A_1724, %broadcast_in_dim3A_170 : vector<16xi32>
        %bitcast_convert_type3A_1730 = tpu.bitcast %and3A_1729 : vector<16xi32> -> vector<16xf32>
        %mul3A_1731 = arith.mulf %gather3A_116, %bitcast_convert_type3A_1728 : vector<16xf32>
        %add3A_1732 = arith.addf %add3A_1714, %mul3A_1731 : vector<16xf32>
        %mul3A_1733 = arith.mulf %gather3A_116, %bitcast_convert_type3A_1730 : vector<16xf32>
        %add3A_1734 = arith.addf %add3A_1716, %mul3A_1733 : vector<16xf32>
        %mul3A_1735 = arith.constant 16 : i32
        %mul3A_1736 = arith.muli %scan3A_99, %mul3A_1735 : i32
        %add3A_1737 = arith.constant 3 : i32
        %add3A_1738 = arith.addi %mul3A_1736, %add3A_1737 : i32
        %get3A_1739 = arith.index_cast %add3A_1738 : i32 to index
        %get3A_1740 = arith.constant 80 : index
        %get3A_1741 = tpu.vector_load %arg9[%get3A_1739, %get3A_1740] {strides = array<i32>} : memref<128x128xi32, #tpu.memory_space<vmem>>, vector<1x16xi32>,
        %get3A_1742 = vector.shape_cast %get3A_1741 : vector<1x16xi32> to vector<16xi32>
        %shift_left3A_1743 = arith.constant 16 : i32
        %shift_left3A_1744 = vector.broadcast %shift_left3A_1743 : i32 to vector<16xi32>
        %shift_left3A_1745 = arith.shli %get3A_1742, %shift_left3A_1744 : vector<16xi32>
        %bitcast_convert_type3A_1746 = tpu.bitcast %shift_left3A_1745 : vector<16xi32> -> vector<16xf32>
        %and3A_1747 = arith.andi %get3A_1742, %broadcast_in_dim3A_170 : vector<16xi32>
        %bitcast_convert_type3A_1748 = tpu.bitcast %and3A_1747 : vector<16xi32> -> vector<16xf32>
        %mul3A_1749 = arith.mulf %gather3A_120, %bitcast_convert_type3A_1746 : vector<16xf32>
        %add3A_1750 = arith.addf %add3A_1732, %mul3A_1749 : vector<16xf32>
        %mul3A_1751 = arith.mulf %gather3A_120, %bitcast_convert_type3A_1748 : vector<16xf32>
        %add3A_1752 = arith.addf %add3A_1734, %mul3A_1751 : vector<16xf32>
        %mul3A_1753 = arith.constant 16 : i32
        %mul3A_1754 = arith.muli %scan3A_99, %mul3A_1753 : i32
        %add3A_1755 = arith.constant 4 : i32
        %add3A_1756 = arith.addi %mul3A_1754, %add3A_1755 : i32
        %get3A_1757 = arith.index_cast %add3A_1756 : i32 to index
        %get3A_1758 = arith.constant 80 : index
        %get3A_1759 = tpu.vector_load %arg9[%get3A_1757, %get3A_1758] {strides = array<i32>} : memref<128x128xi32, #tpu.memory_space<vmem>>, vector<1x16xi32>,
        %get3A_1760 = vector.shape_cast %get3A_1759 : vector<1x16xi32> to vector<16xi32>
        %shift_left3A_1761 = arith.constant 16 : i32
        %shift_left3A_1762 = vector.broadcast %shift_left3A_1761 : i32 to vector<16xi32>
        %shift_left3A_1763 = arith.shli %get3A_1760, %shift_left3A_1762 : vector<16xi32>
        %bitcast_convert_type3A_1764 = tpu.bitcast %shift_left3A_1763 : vector<16xi32> -> vector<16xf32>
        %and3A_1765 = arith.andi %get3A_1760, %broadcast_in_dim3A_170 : vector<16xi32>
        %bitcast_convert_type3A_1766 = tpu.bitcast %and3A_1765 : vector<16xi32> -> vector<16xf32>
        %mul3A_1767 = arith.mulf %gather3A_124, %bitcast_convert_type3A_1764 : vector<16xf32>
        %add3A_1768 = arith.addf %add3A_1750, %mul3A_1767 : vector<16xf32>
        %mul3A_1769 = arith.mulf %gather3A_124, %bitcast_convert_type3A_1766 : vector<16xf32>
        %add3A_1770 = arith.addf %add3A_1752, %mul3A_1769 : vector<16xf32>
        %mul3A_1771 = arith.constant 16 : i32
        %mul3A_1772 = arith.muli %scan3A_99, %mul3A_1771 : i32
        %add3A_1773 = arith.constant 5 : i32
        %add3A_1774 = arith.addi %mul3A_1772, %add3A_1773 : i32
        %get3A_1775 = arith.index_cast %add3A_1774 : i32 to index
        %get3A_1776 = arith.constant 80 : index
        %get3A_1777 = tpu.vector_load %arg9[%get3A_1775, %get3A_1776] {strides = array<i32>} : memref<128x128xi32, #tpu.memory_space<vmem>>, vector<1x16xi32>,
        %get3A_1778 = vector.shape_cast %get3A_1777 : vector<1x16xi32> to vector<16xi32>
        %shift_left3A_1779 = arith.constant 16 : i32
        %shift_left3A_1780 = vector.broadcast %shift_left3A_1779 : i32 to vector<16xi32>
        %shift_left3A_1781 = arith.shli %get3A_1778, %shift_left3A_1780 : vector<16xi32>
        %bitcast_convert_type3A_1782 = tpu.bitcast %shift_left3A_1781 : vector<16xi32> -> vector<16xf32>
        %and3A_1783 = arith.andi %get3A_1778, %broadcast_in_dim3A_170 : vector<16xi32>
        %bitcast_convert_type3A_1784 = tpu.bitcast %and3A_1783 : vector<16xi32> -> vector<16xf32>
        %mul3A_1785 = arith.mulf %gather3A_128, %bitcast_convert_type3A_1782 : vector<16xf32>
        %add3A_1786 = arith.addf %add3A_1768, %mul3A_1785 : vector<16xf32>
        %mul3A_1787 = arith.mulf %gather3A_128, %bitcast_convert_type3A_1784 : vector<16xf32>
        %add3A_1788 = arith.addf %add3A_1770, %mul3A_1787 : vector<16xf32>
        %mul3A_1789 = arith.constant 16 : i32
        %mul3A_1790 = arith.muli %scan3A_99, %mul3A_1789 : i32
        %add3A_1791 = arith.constant 6 : i32
        %add3A_1792 = arith.addi %mul3A_1790, %add3A_1791 : i32
        %get3A_1793 = arith.index_cast %add3A_1792 : i32 to index
        %get3A_1794 = arith.constant 80 : index
        %get3A_1795 = tpu.vector_load %arg9[%get3A_1793, %get3A_1794] {strides = array<i32>} : memref<128x128xi32, #tpu.memory_space<vmem>>, vector<1x16xi32>,
        %get3A_1796 = vector.shape_cast %get3A_1795 : vector<1x16xi32> to vector<16xi32>
        %shift_left3A_1797 = arith.constant 16 : i32
        %shift_left3A_1798 = vector.broadcast %shift_left3A_1797 : i32 to vector<16xi32>
        %shift_left3A_1799 = arith.shli %get3A_1796, %shift_left3A_1798 : vector<16xi32>
        %bitcast_convert_type3A_1800 = tpu.bitcast %shift_left3A_1799 : vector<16xi32> -> vector<16xf32>
        %and3A_1801 = arith.andi %get3A_1796, %broadcast_in_dim3A_170 : vector<16xi32>
        %bitcast_convert_type3A_1802 = tpu.bitcast %and3A_1801 : vector<16xi32> -> vector<16xf32>
        %mul3A_1803 = arith.mulf %gather3A_132, %bitcast_convert_type3A_1800 : vector<16xf32>
        %add3A_1804 = arith.addf %add3A_1786, %mul3A_1803 : vector<16xf32>
        %mul3A_1805 = arith.mulf %gather3A_132, %bitcast_convert_type3A_1802 : vector<16xf32>
        %add3A_1806 = arith.addf %add3A_1788, %mul3A_1805 : vector<16xf32>
        %mul3A_1807 = arith.constant 16 : i32
        %mul3A_1808 = arith.muli %scan3A_99, %mul3A_1807 : i32
        %add3A_1809 = arith.constant 7 : i32
        %add3A_1810 = arith.addi %mul3A_1808, %add3A_1809 : i32
        %get3A_1811 = arith.index_cast %add3A_1810 : i32 to index
        %get3A_1812 = arith.constant 80 : index
        %get3A_1813 = tpu.vector_load %arg9[%get3A_1811, %get3A_1812] {strides = array<i32>} : memref<128x128xi32, #tpu.memory_space<vmem>>, vector<1x16xi32>,
        %get3A_1814 = vector.shape_cast %get3A_1813 : vector<1x16xi32> to vector<16xi32>
        %shift_left3A_1815 = arith.constant 16 : i32
        %shift_left3A_1816 = vector.broadcast %shift_left3A_1815 : i32 to vector<16xi32>
        %shift_left3A_1817 = arith.shli %get3A_1814, %shift_left3A_1816 : vector<16xi32>
        %bitcast_convert_type3A_1818 = tpu.bitcast %shift_left3A_1817 : vector<16xi32> -> vector<16xf32>
        %and3A_1819 = arith.andi %get3A_1814, %broadcast_in_dim3A_170 : vector<16xi32>
        %bitcast_convert_type3A_1820 = tpu.bitcast %and3A_1819 : vector<16xi32> -> vector<16xf32>
        %mul3A_1821 = arith.mulf %gather3A_136, %bitcast_convert_type3A_1818 : vector<16xf32>
        %add3A_1822 = arith.addf %add3A_1804, %mul3A_1821 : vector<16xf32>
        %mul3A_1823 = arith.mulf %gather3A_136, %bitcast_convert_type3A_1820 : vector<16xf32>
        %add3A_1824 = arith.addf %add3A_1806, %mul3A_1823 : vector<16xf32>
        %mul3A_1825 = arith.constant 16 : i32
        %mul3A_1826 = arith.muli %scan3A_99, %mul3A_1825 : i32
        %add3A_1827 = arith.constant 8 : i32
        %add3A_1828 = arith.addi %mul3A_1826, %add3A_1827 : i32
        %get3A_1829 = arith.index_cast %add3A_1828 : i32 to index
        %get3A_1830 = arith.constant 80 : index
        %get3A_1831 = tpu.vector_load %arg9[%get3A_1829, %get3A_1830] {strides = array<i32>} : memref<128x128xi32, #tpu.memory_space<vmem>>, vector<1x16xi32>,
        %get3A_1832 = vector.shape_cast %get3A_1831 : vector<1x16xi32> to vector<16xi32>
        %shift_left3A_1833 = arith.constant 16 : i32
        %shift_left3A_1834 = vector.broadcast %shift_left3A_1833 : i32 to vector<16xi32>
        %shift_left3A_1835 = arith.shli %get3A_1832, %shift_left3A_1834 : vector<16xi32>
        %bitcast_convert_type3A_1836 = tpu.bitcast %shift_left3A_1835 : vector<16xi32> -> vector<16xf32>
        %and3A_1837 = arith.andi %get3A_1832, %broadcast_in_dim3A_170 : vector<16xi32>
        %bitcast_convert_type3A_1838 = tpu.bitcast %and3A_1837 : vector<16xi32> -> vector<16xf32>
        %mul3A_1839 = arith.mulf %gather3A_140, %bitcast_convert_type3A_1836 : vector<16xf32>
        %add3A_1840 = arith.addf %add3A_1822, %mul3A_1839 : vector<16xf32>
        %mul3A_1841 = arith.mulf %gather3A_140, %bitcast_convert_type3A_1838 : vector<16xf32>
        %add3A_1842 = arith.addf %add3A_1824, %mul3A_1841 : vector<16xf32>
        %mul3A_1843 = arith.constant 16 : i32
        %mul3A_1844 = arith.muli %scan3A_99, %mul3A_1843 : i32
        %add3A_1845 = arith.constant 9 : i32
        %add3A_1846 = arith.addi %mul3A_1844, %add3A_1845 : i32
        %get3A_1847 = arith.index_cast %add3A_1846 : i32 to index
        %get3A_1848 = arith.constant 80 : index
        %get3A_1849 = tpu.vector_load %arg9[%get3A_1847, %get3A_1848] {strides = array<i32>} : memref<128x128xi32, #tpu.memory_space<vmem>>, vector<1x16xi32>,
        %get3A_1850 = vector.shape_cast %get3A_1849 : vector<1x16xi32> to vector<16xi32>
        %shift_left3A_1851 = arith.constant 16 : i32
        %shift_left3A_1852 = vector.broadcast %shift_left3A_1851 : i32 to vector<16xi32>
        %shift_left3A_1853 = arith.shli %get3A_1850, %shift_left3A_1852 : vector<16xi32>
        %bitcast_convert_type3A_1854 = tpu.bitcast %shift_left3A_1853 : vector<16xi32> -> vector<16xf32>
        %and3A_1855 = arith.andi %get3A_1850, %broadcast_in_dim3A_170 : vector<16xi32>
        %bitcast_convert_type3A_1856 = tpu.bitcast %and3A_1855 : vector<16xi32> -> vector<16xf32>
        %mul3A_1857 = arith.mulf %gather3A_144, %bitcast_convert_type3A_1854 : vector<16xf32>
        %add3A_1858 = arith.addf %add3A_1840, %mul3A_1857 : vector<16xf32>
        %mul3A_1859 = arith.mulf %gather3A_144, %bitcast_convert_type3A_1856 : vector<16xf32>
        %add3A_1860 = arith.addf %add3A_1842, %mul3A_1859 : vector<16xf32>
        %mul3A_1861 = arith.constant 16 : i32
        %mul3A_1862 = arith.muli %scan3A_99, %mul3A_1861 : i32
        %add3A_1863 = arith.constant 10 : i32
        %add3A_1864 = arith.addi %mul3A_1862, %add3A_1863 : i32
        %get3A_1865 = arith.index_cast %add3A_1864 : i32 to index
        %get3A_1866 = arith.constant 80 : index
        %get3A_1867 = tpu.vector_load %arg9[%get3A_1865, %get3A_1866] {strides = array<i32>} : memref<128x128xi32, #tpu.memory_space<vmem>>, vector<1x16xi32>,
        %get3A_1868 = vector.shape_cast %get3A_1867 : vector<1x16xi32> to vector<16xi32>
        %shift_left3A_1869 = arith.constant 16 : i32
        %shift_left3A_1870 = vector.broadcast %shift_left3A_1869 : i32 to vector<16xi32>
        %shift_left3A_1871 = arith.shli %get3A_1868, %shift_left3A_1870 : vector<16xi32>
        %bitcast_convert_type3A_1872 = tpu.bitcast %shift_left3A_1871 : vector<16xi32> -> vector<16xf32>
        %and3A_1873 = arith.andi %get3A_1868, %broadcast_in_dim3A_170 : vector<16xi32>
        %bitcast_convert_type3A_1874 = tpu.bitcast %and3A_1873 : vector<16xi32> -> vector<16xf32>
        %mul3A_1875 = arith.mulf %gather3A_148, %bitcast_convert_type3A_1872 : vector<16xf32>
        %add3A_1876 = arith.addf %add3A_1858, %mul3A_1875 : vector<16xf32>
        %mul3A_1877 = arith.mulf %gather3A_148, %bitcast_convert_type3A_1874 : vector<16xf32>
        %add3A_1878 = arith.addf %add3A_1860, %mul3A_1877 : vector<16xf32>
        %mul3A_1879 = arith.constant 16 : i32
        %mul3A_1880 = arith.muli %scan3A_99, %mul3A_1879 : i32
        %add3A_1881 = arith.constant 11 : i32
        %add3A_1882 = arith.addi %mul3A_1880, %add3A_1881 : i32
        %get3A_1883 = arith.index_cast %add3A_1882 : i32 to index
        %get3A_1884 = arith.constant 80 : index
        %get3A_1885 = tpu.vector_load %arg9[%get3A_1883, %get3A_1884] {strides = array<i32>} : memref<128x128xi32, #tpu.memory_space<vmem>>, vector<1x16xi32>,
        %get3A_1886 = vector.shape_cast %get3A_1885 : vector<1x16xi32> to vector<16xi32>
        %shift_left3A_1887 = arith.constant 16 : i32
        %shift_left3A_1888 = vector.broadcast %shift_left3A_1887 : i32 to vector<16xi32>
        %shift_left3A_1889 = arith.shli %get3A_1886, %shift_left3A_1888 : vector<16xi32>
        %bitcast_convert_type3A_1890 = tpu.bitcast %shift_left3A_1889 : vector<16xi32> -> vector<16xf32>
        %and3A_1891 = arith.andi %get3A_1886, %broadcast_in_dim3A_170 : vector<16xi32>
        %bitcast_convert_type3A_1892 = tpu.bitcast %and3A_1891 : vector<16xi32> -> vector<16xf32>
        %mul3A_1893 = arith.mulf %gather3A_152, %bitcast_convert_type3A_1890 : vector<16xf32>
        %add3A_1894 = arith.addf %add3A_1876, %mul3A_1893 : vector<16xf32>
        %mul3A_1895 = arith.mulf %gather3A_152, %bitcast_convert_type3A_1892 : vector<16xf32>
        %add3A_1896 = arith.addf %add3A_1878, %mul3A_1895 : vector<16xf32>
        %mul3A_1897 = arith.constant 16 : i32
        %mul3A_1898 = arith.muli %scan3A_99, %mul3A_1897 : i32
        %add3A_1899 = arith.constant 12 : i32
        %add3A_1900 = arith.addi %mul3A_1898, %add3A_1899 : i32
        %get3A_1901 = arith.index_cast %add3A_1900 : i32 to index
        %get3A_1902 = arith.constant 80 : index
        %get3A_1903 = tpu.vector_load %arg9[%get3A_1901, %get3A_1902] {strides = array<i32>} : memref<128x128xi32, #tpu.memory_space<vmem>>, vector<1x16xi32>,
        %get3A_1904 = vector.shape_cast %get3A_1903 : vector<1x16xi32> to vector<16xi32>
        %shift_left3A_1905 = arith.constant 16 : i32
        %shift_left3A_1906 = vector.broadcast %shift_left3A_1905 : i32 to vector<16xi32>
        %shift_left3A_1907 = arith.shli %get3A_1904, %shift_left3A_1906 : vector<16xi32>
        %bitcast_convert_type3A_1908 = tpu.bitcast %shift_left3A_1907 : vector<16xi32> -> vector<16xf32>
        %and3A_1909 = arith.andi %get3A_1904, %broadcast_in_dim3A_170 : vector<16xi32>
        %bitcast_convert_type3A_1910 = tpu.bitcast %and3A_1909 : vector<16xi32> -> vector<16xf32>
        %mul3A_1911 = arith.mulf %gather3A_156, %bitcast_convert_type3A_1908 : vector<16xf32>
        %add3A_1912 = arith.addf %add3A_1894, %mul3A_1911 : vector<16xf32>
        %mul3A_1913 = arith.mulf %gather3A_156, %bitcast_convert_type3A_1910 : vector<16xf32>
        %add3A_1914 = arith.addf %add3A_1896, %mul3A_1913 : vector<16xf32>
        %mul3A_1915 = arith.constant 16 : i32
        %mul3A_1916 = arith.muli %scan3A_99, %mul3A_1915 : i32
        %add3A_1917 = arith.constant 13 : i32
        %add3A_1918 = arith.addi %mul3A_1916, %add3A_1917 : i32
        %get3A_1919 = arith.index_cast %add3A_1918 : i32 to index
        %get3A_1920 = arith.constant 80 : index
        %get3A_1921 = tpu.vector_load %arg9[%get3A_1919, %get3A_1920] {strides = array<i32>} : memref<128x128xi32, #tpu.memory_space<vmem>>, vector<1x16xi32>,
        %get3A_1922 = vector.shape_cast %get3A_1921 : vector<1x16xi32> to vector<16xi32>
        %shift_left3A_1923 = arith.constant 16 : i32
        %shift_left3A_1924 = vector.broadcast %shift_left3A_1923 : i32 to vector<16xi32>
        %shift_left3A_1925 = arith.shli %get3A_1922, %shift_left3A_1924 : vector<16xi32>
        %bitcast_convert_type3A_1926 = tpu.bitcast %shift_left3A_1925 : vector<16xi32> -> vector<16xf32>
        %and3A_1927 = arith.andi %get3A_1922, %broadcast_in_dim3A_170 : vector<16xi32>
        %bitcast_convert_type3A_1928 = tpu.bitcast %and3A_1927 : vector<16xi32> -> vector<16xf32>
        %mul3A_1929 = arith.mulf %gather3A_160, %bitcast_convert_type3A_1926 : vector<16xf32>
        %add3A_1930 = arith.addf %add3A_1912, %mul3A_1929 : vector<16xf32>
        %mul3A_1931 = arith.mulf %gather3A_160, %bitcast_convert_type3A_1928 : vector<16xf32>
        %add3A_1932 = arith.addf %add3A_1914, %mul3A_1931 : vector<16xf32>
        %mul3A_1933 = arith.constant 16 : i32
        %mul3A_1934 = arith.muli %scan3A_99, %mul3A_1933 : i32
        %add3A_1935 = arith.constant 14 : i32
        %add3A_1936 = arith.addi %mul3A_1934, %add3A_1935 : i32
        %get3A_1937 = arith.index_cast %add3A_1936 : i32 to index
        %get3A_1938 = arith.constant 80 : index
        %get3A_1939 = tpu.vector_load %arg9[%get3A_1937, %get3A_1938] {strides = array<i32>} : memref<128x128xi32, #tpu.memory_space<vmem>>, vector<1x16xi32>,
        %get3A_1940 = vector.shape_cast %get3A_1939 : vector<1x16xi32> to vector<16xi32>
        %shift_left3A_1941 = arith.constant 16 : i32
        %shift_left3A_1942 = vector.broadcast %shift_left3A_1941 : i32 to vector<16xi32>
        %shift_left3A_1943 = arith.shli %get3A_1940, %shift_left3A_1942 : vector<16xi32>
        %bitcast_convert_type3A_1944 = tpu.bitcast %shift_left3A_1943 : vector<16xi32> -> vector<16xf32>
        %and3A_1945 = arith.andi %get3A_1940, %broadcast_in_dim3A_170 : vector<16xi32>
        %bitcast_convert_type3A_1946 = tpu.bitcast %and3A_1945 : vector<16xi32> -> vector<16xf32>
        %mul3A_1947 = arith.mulf %gather3A_164, %bitcast_convert_type3A_1944 : vector<16xf32>
        %add3A_1948 = arith.addf %add3A_1930, %mul3A_1947 : vector<16xf32>
        %mul3A_1949 = arith.mulf %gather3A_164, %bitcast_convert_type3A_1946 : vector<16xf32>
        %add3A_1950 = arith.addf %add3A_1932, %mul3A_1949 : vector<16xf32>
        %mul3A_1951 = arith.constant 16 : i32
        %mul3A_1952 = arith.muli %scan3A_99, %mul3A_1951 : i32
        %add3A_1953 = arith.constant 15 : i32
        %add3A_1954 = arith.addi %mul3A_1952, %add3A_1953 : i32
        %get3A_1955 = arith.index_cast %add3A_1954 : i32 to index
        %get3A_1956 = arith.constant 80 : index
        %get3A_1957 = tpu.vector_load %arg9[%get3A_1955, %get3A_1956] {strides = array<i32>} : memref<128x128xi32, #tpu.memory_space<vmem>>, vector<1x16xi32>,
        %get3A_1958 = vector.shape_cast %get3A_1957 : vector<1x16xi32> to vector<16xi32>
        %shift_left3A_1959 = arith.constant 16 : i32
        %shift_left3A_1960 = vector.broadcast %shift_left3A_1959 : i32 to vector<16xi32>
        %shift_left3A_1961 = arith.shli %get3A_1958, %shift_left3A_1960 : vector<16xi32>
        %bitcast_convert_type3A_1962 = tpu.bitcast %shift_left3A_1961 : vector<16xi32> -> vector<16xf32>
        %and3A_1963 = arith.andi %get3A_1958, %broadcast_in_dim3A_170 : vector<16xi32>
        %bitcast_convert_type3A_1964 = tpu.bitcast %and3A_1963 : vector<16xi32> -> vector<16xf32>
        %mul3A_1965 = arith.mulf %gather3A_168, %bitcast_convert_type3A_1962 : vector<16xf32>
        %add3A_1966 = arith.addf %add3A_1948, %mul3A_1965 : vector<16xf32>
        %mul3A_1967 = arith.mulf %gather3A_168, %bitcast_convert_type3A_1964 : vector<16xf32>
        %add3A_1968 = arith.addf %add3A_1950, %mul3A_1967 : vector<16xf32>
        %swap3A_1969 = arith.index_cast %scan3A_99 : i32 to index
        %swap3A_1970 = arith.constant 80 : index
        %swap3A_1971 = tpu.vector_load %arg11[%swap3A_1969, %swap3A_1970] {strides = array<i32>} : memref<8x256xf32, #tpu.memory_space<vmem>>, vector<1x16xf32>,
        %swap3A_1972 = vector.shape_cast %swap3A_1971 : vector<1x16xf32> to vector<16xf32>
        %swap3A_1973 = vector.shape_cast %add3A_1966 : vector<16xf32> to vector<1x16xf32>
        tpu.vector_store %arg11[%swap3A_1969, %swap3A_1970], %swap3A_1973 {strides = array<i32>} : memref<8x256xf32, #tpu.memory_space<vmem>>, vector<1x16xf32>,
        %swap3A_1974 = arith.index_cast %scan3A_99 : i32 to index
        %swap3A_1975 = arith.constant 208 : index
        %swap3A_1976 = tpu.vector_load %arg11[%swap3A_1974, %swap3A_1975] {strides = array<i32>} : memref<8x256xf32, #tpu.memory_space<vmem>>, vector<1x16xf32>,
        %swap3A_1977 = vector.shape_cast %swap3A_1976 : vector<1x16xf32> to vector<16xf32>
        %swap3A_1978 = vector.shape_cast %add3A_1968 : vector<16xf32> to vector<1x16xf32>
        tpu.vector_store %arg11[%swap3A_1974, %swap3A_1975], %swap3A_1978 {strides = array<i32>} : memref<8x256xf32, #tpu.memory_space<vmem>>, vector<1x16xf32>,
        %broadcast_in_dim3A_1979 = arith.constant 0.000000e+00 : f32
        %broadcast_in_dim3A_1980 = vector.broadcast %broadcast_in_dim3A_1979 : f32 to vector<16xf32>
        %broadcast_in_dim3A_1981 = arith.constant 0.000000e+00 : f32
        %broadcast_in_dim3A_1982 = vector.broadcast %broadcast_in_dim3A_1981 : f32 to vector<16xf32>
        %mul3A_1983 = arith.constant 16 : i32
        %mul3A_1984 = arith.muli %scan3A_99, %mul3A_1983 : i32
        %add3A_1985 = arith.constant 0 : i32
        %add3A_1986 = arith.addi %mul3A_1984, %add3A_1985 : i32
        %get3A_1987 = arith.index_cast %add3A_1986 : i32 to index
        %get3A_1988 = arith.constant 96 : index
        %get3A_1989 = tpu.vector_load %arg9[%get3A_1987, %get3A_1988] {strides = array<i32>} : memref<128x128xi32, #tpu.memory_space<vmem>>, vector<1x16xi32>,
        %get3A_1990 = vector.shape_cast %get3A_1989 : vector<1x16xi32> to vector<16xi32>
        %shift_left3A_1991 = arith.constant 16 : i32
        %shift_left3A_1992 = vector.broadcast %shift_left3A_1991 : i32 to vector<16xi32>
        %shift_left3A_1993 = arith.shli %get3A_1990, %shift_left3A_1992 : vector<16xi32>
        %bitcast_convert_type3A_1994 = tpu.bitcast %shift_left3A_1993 : vector<16xi32> -> vector<16xf32>
        %and3A_1995 = arith.andi %get3A_1990, %broadcast_in_dim3A_170 : vector<16xi32>
        %bitcast_convert_type3A_1996 = tpu.bitcast %and3A_1995 : vector<16xi32> -> vector<16xf32>
        %mul3A_1997 = arith.mulf %gather3A_108, %bitcast_convert_type3A_1994 : vector<16xf32>
        %add3A_1998 = arith.addf %broadcast_in_dim3A_1980, %mul3A_1997 : vector<16xf32>
        %mul3A_1999 = arith.mulf %gather3A_108, %bitcast_convert_type3A_1996 : vector<16xf32>
        %add3A_2000 = arith.addf %broadcast_in_dim3A_1982, %mul3A_1999 : vector<16xf32>
        %mul3A_2001 = arith.constant 16 : i32
        %mul3A_2002 = arith.muli %scan3A_99, %mul3A_2001 : i32
        %add3A_2003 = arith.constant 1 : i32
        %add3A_2004 = arith.addi %mul3A_2002, %add3A_2003 : i32
        %get3A_2005 = arith.index_cast %add3A_2004 : i32 to index
        %get3A_2006 = arith.constant 96 : index
        %get3A_2007 = tpu.vector_load %arg9[%get3A_2005, %get3A_2006] {strides = array<i32>} : memref<128x128xi32, #tpu.memory_space<vmem>>, vector<1x16xi32>,
        %get3A_2008 = vector.shape_cast %get3A_2007 : vector<1x16xi32> to vector<16xi32>
        %shift_left3A_2009 = arith.constant 16 : i32
        %shift_left3A_2010 = vector.broadcast %shift_left3A_2009 : i32 to vector<16xi32>
        %shift_left3A_2011 = arith.shli %get3A_2008, %shift_left3A_2010 : vector<16xi32>
        %bitcast_convert_type3A_2012 = tpu.bitcast %shift_left3A_2011 : vector<16xi32> -> vector<16xf32>
        %and3A_2013 = arith.andi %get3A_2008, %broadcast_in_dim3A_170 : vector<16xi32>
        %bitcast_convert_type3A_2014 = tpu.bitcast %and3A_2013 : vector<16xi32> -> vector<16xf32>
        %mul3A_2015 = arith.mulf %gather3A_112, %bitcast_convert_type3A_2012 : vector<16xf32>
        %add3A_2016 = arith.addf %add3A_1998, %mul3A_2015 : vector<16xf32>
        %mul3A_2017 = arith.mulf %gather3A_112, %bitcast_convert_type3A_2014 : vector<16xf32>
        %add3A_2018 = arith.addf %add3A_2000, %mul3A_2017 : vector<16xf32>
        %mul3A_2019 = arith.constant 16 : i32
        %mul3A_2020 = arith.muli %scan3A_99, %mul3A_2019 : i32
        %add3A_2021 = arith.constant 2 : i32
        %add3A_2022 = arith.addi %mul3A_2020, %add3A_2021 : i32
        %get3A_2023 = arith.index_cast %add3A_2022 : i32 to index
        %get3A_2024 = arith.constant 96 : index
        %get3A_2025 = tpu.vector_load %arg9[%get3A_2023, %get3A_2024] {strides = array<i32>} : memref<128x128xi32, #tpu.memory_space<vmem>>, vector<1x16xi32>,
        %get3A_2026 = vector.shape_cast %get3A_2025 : vector<1x16xi32> to vector<16xi32>
        %shift_left3A_2027 = arith.constant 16 : i32
        %shift_left3A_2028 = vector.broadcast %shift_left3A_2027 : i32 to vector<16xi32>
        %shift_left3A_2029 = arith.shli %get3A_2026, %shift_left3A_2028 : vector<16xi32>
        %bitcast_convert_type3A_2030 = tpu.bitcast %shift_left3A_2029 : vector<16xi32> -> vector<16xf32>
        %and3A_2031 = arith.andi %get3A_2026, %broadcast_in_dim3A_170 : vector<16xi32>
        %bitcast_convert_type3A_2032 = tpu.bitcast %and3A_2031 : vector<16xi32> -> vector<16xf32>
        %mul3A_2033 = arith.mulf %gather3A_116, %bitcast_convert_type3A_2030 : vector<16xf32>
        %add3A_2034 = arith.addf %add3A_2016, %mul3A_2033 : vector<16xf32>
        %mul3A_2035 = arith.mulf %gather3A_116, %bitcast_convert_type3A_2032 : vector<16xf32>
        %add3A_2036 = arith.addf %add3A_2018, %mul3A_2035 : vector<16xf32>
        %mul3A_2037 = arith.constant 16 : i32
        %mul3A_2038 = arith.muli %scan3A_99, %mul3A_2037 : i32
        %add3A_2039 = arith.constant 3 : i32
        %add3A_2040 = arith.addi %mul3A_2038, %add3A_2039 : i32
        %get3A_2041 = arith.index_cast %add3A_2040 : i32 to index
        %get3A_2042 = arith.constant 96 : index
        %get3A_2043 = tpu.vector_load %arg9[%get3A_2041, %get3A_2042] {strides = array<i32>} : memref<128x128xi32, #tpu.memory_space<vmem>>, vector<1x16xi32>,
        %get3A_2044 = vector.shape_cast %get3A_2043 : vector<1x16xi32> to vector<16xi32>
        %shift_left3A_2045 = arith.constant 16 : i32
        %shift_left3A_2046 = vector.broadcast %shift_left3A_2045 : i32 to vector<16xi32>
        %shift_left3A_2047 = arith.shli %get3A_2044, %shift_left3A_2046 : vector<16xi32>
        %bitcast_convert_type3A_2048 = tpu.bitcast %shift_left3A_2047 : vector<16xi32> -> vector<16xf32>
        %and3A_2049 = arith.andi %get3A_2044, %broadcast_in_dim3A_170 : vector<16xi32>
        %bitcast_convert_type3A_2050 = tpu.bitcast %and3A_2049 : vector<16xi32> -> vector<16xf32>
        %mul3A_2051 = arith.mulf %gather3A_120, %bitcast_convert_type3A_2048 : vector<16xf32>
        %add3A_2052 = arith.addf %add3A_2034, %mul3A_2051 : vector<16xf32>
        %mul3A_2053 = arith.mulf %gather3A_120, %bitcast_convert_type3A_2050 : vector<16xf32>
        %add3A_2054 = arith.addf %add3A_2036, %mul3A_2053 : vector<16xf32>
        %mul3A_2055 = arith.constant 16 : i32
        %mul3A_2056 = arith.muli %scan3A_99, %mul3A_2055 : i32
        %add3A_2057 = arith.constant 4 : i32
        %add3A_2058 = arith.addi %mul3A_2056, %add3A_2057 : i32
        %get3A_2059 = arith.index_cast %add3A_2058 : i32 to index
        %get3A_2060 = arith.constant 96 : index
        %get3A_2061 = tpu.vector_load %arg9[%get3A_2059, %get3A_2060] {strides = array<i32>} : memref<128x128xi32, #tpu.memory_space<vmem>>, vector<1x16xi32>,
        %get3A_2062 = vector.shape_cast %get3A_2061 : vector<1x16xi32> to vector<16xi32>
        %shift_left3A_2063 = arith.constant 16 : i32
        %shift_left3A_2064 = vector.broadcast %shift_left3A_2063 : i32 to vector<16xi32>
        %shift_left3A_2065 = arith.shli %get3A_2062, %shift_left3A_2064 : vector<16xi32>
        %bitcast_convert_type3A_2066 = tpu.bitcast %shift_left3A_2065 : vector<16xi32> -> vector<16xf32>
        %and3A_2067 = arith.andi %get3A_2062, %broadcast_in_dim3A_170 : vector<16xi32>
        %bitcast_convert_type3A_2068 = tpu.bitcast %and3A_2067 : vector<16xi32> -> vector<16xf32>
        %mul3A_2069 = arith.mulf %gather3A_124, %bitcast_convert_type3A_2066 : vector<16xf32>
        %add3A_2070 = arith.addf %add3A_2052, %mul3A_2069 : vector<16xf32>
        %mul3A_2071 = arith.mulf %gather3A_124, %bitcast_convert_type3A_2068 : vector<16xf32>
        %add3A_2072 = arith.addf %add3A_2054, %mul3A_2071 : vector<16xf32>
        %mul3A_2073 = arith.constant 16 : i32
        %mul3A_2074 = arith.muli %scan3A_99, %mul3A_2073 : i32
        %add3A_2075 = arith.constant 5 : i32
        %add3A_2076 = arith.addi %mul3A_2074, %add3A_2075 : i32
        %get3A_2077 = arith.index_cast %add3A_2076 : i32 to index
        %get3A_2078 = arith.constant 96 : index
        %get3A_2079 = tpu.vector_load %arg9[%get3A_2077, %get3A_2078] {strides = array<i32>} : memref<128x128xi32, #tpu.memory_space<vmem>>, vector<1x16xi32>,
        %get3A_2080 = vector.shape_cast %get3A_2079 : vector<1x16xi32> to vector<16xi32>
        %shift_left3A_2081 = arith.constant 16 : i32
        %shift_left3A_2082 = vector.broadcast %shift_left3A_2081 : i32 to vector<16xi32>
        %shift_left3A_2083 = arith.shli %get3A_2080, %shift_left3A_2082 : vector<16xi32>
        %bitcast_convert_type3A_2084 = tpu.bitcast %shift_left3A_2083 : vector<16xi32> -> vector<16xf32>
        %and3A_2085 = arith.andi %get3A_2080, %broadcast_in_dim3A_170 : vector<16xi32>
        %bitcast_convert_type3A_2086 = tpu.bitcast %and3A_2085 : vector<16xi32> -> vector<16xf32>
        %mul3A_2087 = arith.mulf %gather3A_128, %bitcast_convert_type3A_2084 : vector<16xf32>
        %add3A_2088 = arith.addf %add3A_2070, %mul3A_2087 : vector<16xf32>
        %mul3A_2089 = arith.mulf %gather3A_128, %bitcast_convert_type3A_2086 : vector<16xf32>
        %add3A_2090 = arith.addf %add3A_2072, %mul3A_2089 : vector<16xf32>
        %mul3A_2091 = arith.constant 16 : i32
        %mul3A_2092 = arith.muli %scan3A_99, %mul3A_2091 : i32
        %add3A_2093 = arith.constant 6 : i32
        %add3A_2094 = arith.addi %mul3A_2092, %add3A_2093 : i32
        %get3A_2095 = arith.index_cast %add3A_2094 : i32 to index
        %get3A_2096 = arith.constant 96 : index
        %get3A_2097 = tpu.vector_load %arg9[%get3A_2095, %get3A_2096] {strides = array<i32>} : memref<128x128xi32, #tpu.memory_space<vmem>>, vector<1x16xi32>,
        %get3A_2098 = vector.shape_cast %get3A_2097 : vector<1x16xi32> to vector<16xi32>
        %shift_left3A_2099 = arith.constant 16 : i32
        %shift_left3A_2100 = vector.broadcast %shift_left3A_2099 : i32 to vector<16xi32>
        %shift_left3A_2101 = arith.shli %get3A_2098, %shift_left3A_2100 : vector<16xi32>
        %bitcast_convert_type3A_2102 = tpu.bitcast %shift_left3A_2101 : vector<16xi32> -> vector<16xf32>
        %and3A_2103 = arith.andi %get3A_2098, %broadcast_in_dim3A_170 : vector<16xi32>
        %bitcast_convert_type3A_2104 = tpu.bitcast %and3A_2103 : vector<16xi32> -> vector<16xf32>
        %mul3A_2105 = arith.mulf %gather3A_132, %bitcast_convert_type3A_2102 : vector<16xf32>
        %add3A_2106 = arith.addf %add3A_2088, %mul3A_2105 : vector<16xf32>
        %mul3A_2107 = arith.mulf %gather3A_132, %bitcast_convert_type3A_2104 : vector<16xf32>
        %add3A_2108 = arith.addf %add3A_2090, %mul3A_2107 : vector<16xf32>
        %mul3A_2109 = arith.constant 16 : i32
        %mul3A_2110 = arith.muli %scan3A_99, %mul3A_2109 : i32
        %add3A_2111 = arith.constant 7 : i32
        %add3A_2112 = arith.addi %mul3A_2110, %add3A_2111 : i32
        %get3A_2113 = arith.index_cast %add3A_2112 : i32 to index
        %get3A_2114 = arith.constant 96 : index
        %get3A_2115 = tpu.vector_load %arg9[%get3A_2113, %get3A_2114] {strides = array<i32>} : memref<128x128xi32, #tpu.memory_space<vmem>>, vector<1x16xi32>,
        %get3A_2116 = vector.shape_cast %get3A_2115 : vector<1x16xi32> to vector<16xi32>
        %shift_left3A_2117 = arith.constant 16 : i32
        %shift_left3A_2118 = vector.broadcast %shift_left3A_2117 : i32 to vector<16xi32>
        %shift_left3A_2119 = arith.shli %get3A_2116, %shift_left3A_2118 : vector<16xi32>
        %bitcast_convert_type3A_2120 = tpu.bitcast %shift_left3A_2119 : vector<16xi32> -> vector<16xf32>
        %and3A_2121 = arith.andi %get3A_2116, %broadcast_in_dim3A_170 : vector<16xi32>
        %bitcast_convert_type3A_2122 = tpu.bitcast %and3A_2121 : vector<16xi32> -> vector<16xf32>
        %mul3A_2123 = arith.mulf %gather3A_136, %bitcast_convert_type3A_2120 : vector<16xf32>
        %add3A_2124 = arith.addf %add3A_2106, %mul3A_2123 : vector<16xf32>
        %mul3A_2125 = arith.mulf %gather3A_136, %bitcast_convert_type3A_2122 : vector<16xf32>
        %add3A_2126 = arith.addf %add3A_2108, %mul3A_2125 : vector<16xf32>
        %mul3A_2127 = arith.constant 16 : i32
        %mul3A_2128 = arith.muli %scan3A_99, %mul3A_2127 : i32
        %add3A_2129 = arith.constant 8 : i32
        %add3A_2130 = arith.addi %mul3A_2128, %add3A_2129 : i32
        %get3A_2131 = arith.index_cast %add3A_2130 : i32 to index
        %get3A_2132 = arith.constant 96 : index
        %get3A_2133 = tpu.vector_load %arg9[%get3A_2131, %get3A_2132] {strides = array<i32>} : memref<128x128xi32, #tpu.memory_space<vmem>>, vector<1x16xi32>,
        %get3A_2134 = vector.shape_cast %get3A_2133 : vector<1x16xi32> to vector<16xi32>
        %shift_left3A_2135 = arith.constant 16 : i32
        %shift_left3A_2136 = vector.broadcast %shift_left3A_2135 : i32 to vector<16xi32>
        %shift_left3A_2137 = arith.shli %get3A_2134, %shift_left3A_2136 : vector<16xi32>
        %bitcast_convert_type3A_2138 = tpu.bitcast %shift_left3A_2137 : vector<16xi32> -> vector<16xf32>
        %and3A_2139 = arith.andi %get3A_2134, %broadcast_in_dim3A_170 : vector<16xi32>
        %bitcast_convert_type3A_2140 = tpu.bitcast %and3A_2139 : vector<16xi32> -> vector<16xf32>
        %mul3A_2141 = arith.mulf %gather3A_140, %bitcast_convert_type3A_2138 : vector<16xf32>
        %add3A_2142 = arith.addf %add3A_2124, %mul3A_2141 : vector<16xf32>
        %mul3A_2143 = arith.mulf %gather3A_140, %bitcast_convert_type3A_2140 : vector<16xf32>
        %add3A_2144 = arith.addf %add3A_2126, %mul3A_2143 : vector<16xf32>
        %mul3A_2145 = arith.constant 16 : i32
        %mul3A_2146 = arith.muli %scan3A_99, %mul3A_2145 : i32
        %add3A_2147 = arith.constant 9 : i32
        %add3A_2148 = arith.addi %mul3A_2146, %add3A_2147 : i32
        %get3A_2149 = arith.index_cast %add3A_2148 : i32 to index
        %get3A_2150 = arith.constant 96 : index
        %get3A_2151 = tpu.vector_load %arg9[%get3A_2149, %get3A_2150] {strides = array<i32>} : memref<128x128xi32, #tpu.memory_space<vmem>>, vector<1x16xi32>,
        %get3A_2152 = vector.shape_cast %get3A_2151 : vector<1x16xi32> to vector<16xi32>
        %shift_left3A_2153 = arith.constant 16 : i32
        %shift_left3A_2154 = vector.broadcast %shift_left3A_2153 : i32 to vector<16xi32>
        %shift_left3A_2155 = arith.shli %get3A_2152, %shift_left3A_2154 : vector<16xi32>
        %bitcast_convert_type3A_2156 = tpu.bitcast %shift_left3A_2155 : vector<16xi32> -> vector<16xf32>
        %and3A_2157 = arith.andi %get3A_2152, %broadcast_in_dim3A_170 : vector<16xi32>
        %bitcast_convert_type3A_2158 = tpu.bitcast %and3A_2157 : vector<16xi32> -> vector<16xf32>
        %mul3A_2159 = arith.mulf %gather3A_144, %bitcast_convert_type3A_2156 : vector<16xf32>
        %add3A_2160 = arith.addf %add3A_2142, %mul3A_2159 : vector<16xf32>
        %mul3A_2161 = arith.mulf %gather3A_144, %bitcast_convert_type3A_2158 : vector<16xf32>
        %add3A_2162 = arith.addf %add3A_2144, %mul3A_2161 : vector<16xf32>
        %mul3A_2163 = arith.constant 16 : i32
        %mul3A_2164 = arith.muli %scan3A_99, %mul3A_2163 : i32
        %add3A_2165 = arith.constant 10 : i32
        %add3A_2166 = arith.addi %mul3A_2164, %add3A_2165 : i32
        %get3A_2167 = arith.index_cast %add3A_2166 : i32 to index
        %get3A_2168 = arith.constant 96 : index
        %get3A_2169 = tpu.vector_load %arg9[%get3A_2167, %get3A_2168] {strides = array<i32>} : memref<128x128xi32, #tpu.memory_space<vmem>>, vector<1x16xi32>,
        %get3A_2170 = vector.shape_cast %get3A_2169 : vector<1x16xi32> to vector<16xi32>
        %shift_left3A_2171 = arith.constant 16 : i32
        %shift_left3A_2172 = vector.broadcast %shift_left3A_2171 : i32 to vector<16xi32>
        %shift_left3A_2173 = arith.shli %get3A_2170, %shift_left3A_2172 : vector<16xi32>
        %bitcast_convert_type3A_2174 = tpu.bitcast %shift_left3A_2173 : vector<16xi32> -> vector<16xf32>
        %and3A_2175 = arith.andi %get3A_2170, %broadcast_in_dim3A_170 : vector<16xi32>
        %bitcast_convert_type3A_2176 = tpu.bitcast %and3A_2175 : vector<16xi32> -> vector<16xf32>
        %mul3A_2177 = arith.mulf %gather3A_148, %bitcast_convert_type3A_2174 : vector<16xf32>
        %add3A_2178 = arith.addf %add3A_2160, %mul3A_2177 : vector<16xf32>
        %mul3A_2179 = arith.mulf %gather3A_148, %bitcast_convert_type3A_2176 : vector<16xf32>
        %add3A_2180 = arith.addf %add3A_2162, %mul3A_2179 : vector<16xf32>
        %mul3A_2181 = arith.constant 16 : i32
        %mul3A_2182 = arith.muli %scan3A_99, %mul3A_2181 : i32
        %add3A_2183 = arith.constant 11 : i32
        %add3A_2184 = arith.addi %mul3A_2182, %add3A_2183 : i32
        %get3A_2185 = arith.index_cast %add3A_2184 : i32 to index
        %get3A_2186 = arith.constant 96 : index
        %get3A_2187 = tpu.vector_load %arg9[%get3A_2185, %get3A_2186] {strides = array<i32>} : memref<128x128xi32, #tpu.memory_space<vmem>>, vector<1x16xi32>,
        %get3A_2188 = vector.shape_cast %get3A_2187 : vector<1x16xi32> to vector<16xi32>
        %shift_left3A_2189 = arith.constant 16 : i32
        %shift_left3A_2190 = vector.broadcast %shift_left3A_2189 : i32 to vector<16xi32>
        %shift_left3A_2191 = arith.shli %get3A_2188, %shift_left3A_2190 : vector<16xi32>
        %bitcast_convert_type3A_2192 = tpu.bitcast %shift_left3A_2191 : vector<16xi32> -> vector<16xf32>
        %and3A_2193 = arith.andi %get3A_2188, %broadcast_in_dim3A_170 : vector<16xi32>
        %bitcast_convert_type3A_2194 = tpu.bitcast %and3A_2193 : vector<16xi32> -> vector<16xf32>
        %mul3A_2195 = arith.mulf %gather3A_152, %bitcast_convert_type3A_2192 : vector<16xf32>
        %add3A_2196 = arith.addf %add3A_2178, %mul3A_2195 : vector<16xf32>
        %mul3A_2197 = arith.mulf %gather3A_152, %bitcast_convert_type3A_2194 : vector<16xf32>
        %add3A_2198 = arith.addf %add3A_2180, %mul3A_2197 : vector<16xf32>
        %mul3A_2199 = arith.constant 16 : i32
        %mul3A_2200 = arith.muli %scan3A_99, %mul3A_2199 : i32
        %add3A_2201 = arith.constant 12 : i32
        %add3A_2202 = arith.addi %mul3A_2200, %add3A_2201 : i32
        %get3A_2203 = arith.index_cast %add3A_2202 : i32 to index
        %get3A_2204 = arith.constant 96 : index
        %get3A_2205 = tpu.vector_load %arg9[%get3A_2203, %get3A_2204] {strides = array<i32>} : memref<128x128xi32, #tpu.memory_space<vmem>>, vector<1x16xi32>,
        %get3A_2206 = vector.shape_cast %get3A_2205 : vector<1x16xi32> to vector<16xi32>
        %shift_left3A_2207 = arith.constant 16 : i32
        %shift_left3A_2208 = vector.broadcast %shift_left3A_2207 : i32 to vector<16xi32>
        %shift_left3A_2209 = arith.shli %get3A_2206, %shift_left3A_2208 : vector<16xi32>
        %bitcast_convert_type3A_2210 = tpu.bitcast %shift_left3A_2209 : vector<16xi32> -> vector<16xf32>
        %and3A_2211 = arith.andi %get3A_2206, %broadcast_in_dim3A_170 : vector<16xi32>
        %bitcast_convert_type3A_2212 = tpu.bitcast %and3A_2211 : vector<16xi32> -> vector<16xf32>
        %mul3A_2213 = arith.mulf %gather3A_156, %bitcast_convert_type3A_2210 : vector<16xf32>
        %add3A_2214 = arith.addf %add3A_2196, %mul3A_2213 : vector<16xf32>
        %mul3A_2215 = arith.mulf %gather3A_156, %bitcast_convert_type3A_2212 : vector<16xf32>
        %add3A_2216 = arith.addf %add3A_2198, %mul3A_2215 : vector<16xf32>
        %mul3A_2217 = arith.constant 16 : i32
        %mul3A_2218 = arith.muli %scan3A_99, %mul3A_2217 : i32
        %add3A_2219 = arith.constant 13 : i32
        %add3A_2220 = arith.addi %mul3A_2218, %add3A_2219 : i32
        %get3A_2221 = arith.index_cast %add3A_2220 : i32 to index
        %get3A_2222 = arith.constant 96 : index
        %get3A_2223 = tpu.vector_load %arg9[%get3A_2221, %get3A_2222] {strides = array<i32>} : memref<128x128xi32, #tpu.memory_space<vmem>>, vector<1x16xi32>,
        %get3A_2224 = vector.shape_cast %get3A_2223 : vector<1x16xi32> to vector<16xi32>
        %shift_left3A_2225 = arith.constant 16 : i32
        %shift_left3A_2226 = vector.broadcast %shift_left3A_2225 : i32 to vector<16xi32>
        %shift_left3A_2227 = arith.shli %get3A_2224, %shift_left3A_2226 : vector<16xi32>
        %bitcast_convert_type3A_2228 = tpu.bitcast %shift_left3A_2227 : vector<16xi32> -> vector<16xf32>
        %and3A_2229 = arith.andi %get3A_2224, %broadcast_in_dim3A_170 : vector<16xi32>
        %bitcast_convert_type3A_2230 = tpu.bitcast %and3A_2229 : vector<16xi32> -> vector<16xf32>
        %mul3A_2231 = arith.mulf %gather3A_160, %bitcast_convert_type3A_2228 : vector<16xf32>
        %add3A_2232 = arith.addf %add3A_2214, %mul3A_2231 : vector<16xf32>
        %mul3A_2233 = arith.mulf %gather3A_160, %bitcast_convert_type3A_2230 : vector<16xf32>
        %add3A_2234 = arith.addf %add3A_2216, %mul3A_2233 : vector<16xf32>
        %mul3A_2235 = arith.constant 16 : i32
        %mul3A_2236 = arith.muli %scan3A_99, %mul3A_2235 : i32
        %add3A_2237 = arith.constant 14 : i32
        %add3A_2238 = arith.addi %mul3A_2236, %add3A_2237 : i32
        %get3A_2239 = arith.index_cast %add3A_2238 : i32 to index
        %get3A_2240 = arith.constant 96 : index
        %get3A_2241 = tpu.vector_load %arg9[%get3A_2239, %get3A_2240] {strides = array<i32>} : memref<128x128xi32, #tpu.memory_space<vmem>>, vector<1x16xi32>,
        %get3A_2242 = vector.shape_cast %get3A_2241 : vector<1x16xi32> to vector<16xi32>
        %shift_left3A_2243 = arith.constant 16 : i32
        %shift_left3A_2244 = vector.broadcast %shift_left3A_2243 : i32 to vector<16xi32>
        %shift_left3A_2245 = arith.shli %get3A_2242, %shift_left3A_2244 : vector<16xi32>
        %bitcast_convert_type3A_2246 = tpu.bitcast %shift_left3A_2245 : vector<16xi32> -> vector<16xf32>
        %and3A_2247 = arith.andi %get3A_2242, %broadcast_in_dim3A_170 : vector<16xi32>
        %bitcast_convert_type3A_2248 = tpu.bitcast %and3A_2247 : vector<16xi32> -> vector<16xf32>
        %mul3A_2249 = arith.mulf %gather3A_164, %bitcast_convert_type3A_2246 : vector<16xf32>
        %add3A_2250 = arith.addf %add3A_2232, %mul3A_2249 : vector<16xf32>
        %mul3A_2251 = arith.mulf %gather3A_164, %bitcast_convert_type3A_2248 : vector<16xf32>
        %add3A_2252 = arith.addf %add3A_2234, %mul3A_2251 : vector<16xf32>
        %mul3A_2253 = arith.constant 16 : i32
        %mul3A_2254 = arith.muli %scan3A_99, %mul3A_2253 : i32
        %add3A_2255 = arith.constant 15 : i32
        %add3A_2256 = arith.addi %mul3A_2254, %add3A_2255 : i32
        %get3A_2257 = arith.index_cast %add3A_2256 : i32 to index
        %get3A_2258 = arith.constant 96 : index
        %get3A_2259 = tpu.vector_load %arg9[%get3A_2257, %get3A_2258] {strides = array<i32>} : memref<128x128xi32, #tpu.memory_space<vmem>>, vector<1x16xi32>,
        %get3A_2260 = vector.shape_cast %get3A_2259 : vector<1x16xi32> to vector<16xi32>
        %shift_left3A_2261 = arith.constant 16 : i32
        %shift_left3A_2262 = vector.broadcast %shift_left3A_2261 : i32 to vector<16xi32>
        %shift_left3A_2263 = arith.shli %get3A_2260, %shift_left3A_2262 : vector<16xi32>
        %bitcast_convert_type3A_2264 = tpu.bitcast %shift_left3A_2263 : vector<16xi32> -> vector<16xf32>
        %and3A_2265 = arith.andi %get3A_2260, %broadcast_in_dim3A_170 : vector<16xi32>
        %bitcast_convert_type3A_2266 = tpu.bitcast %and3A_2265 : vector<16xi32> -> vector<16xf32>
        %mul3A_2267 = arith.mulf %gather3A_168, %bitcast_convert_type3A_2264 : vector<16xf32>
        %add3A_2268 = arith.addf %add3A_2250, %mul3A_2267 : vector<16xf32>
        %mul3A_2269 = arith.mulf %gather3A_168, %bitcast_convert_type3A_2266 : vector<16xf32>
        %add3A_2270 = arith.addf %add3A_2252, %mul3A_2269 : vector<16xf32>
        %swap3A_2271 = arith.index_cast %scan3A_99 : i32 to index
        %swap3A_2272 = arith.constant 96 : index
        %swap3A_2273 = tpu.vector_load %arg11[%swap3A_2271, %swap3A_2272] {strides = array<i32>} : memref<8x256xf32, #tpu.memory_space<vmem>>, vector<1x16xf32>,
        %swap3A_2274 = vector.shape_cast %swap3A_2273 : vector<1x16xf32> to vector<16xf32>
        %swap3A_2275 = vector.shape_cast %add3A_2268 : vector<16xf32> to vector<1x16xf32>
        tpu.vector_store %arg11[%swap3A_2271, %swap3A_2272], %swap3A_2275 {strides = array<i32>} : memref<8x256xf32, #tpu.memory_space<vmem>>, vector<1x16xf32>,
        %swap3A_2276 = arith.index_cast %scan3A_99 : i32 to index
        %swap3A_2277 = arith.constant 224 : index
        %swap3A_2278 = tpu.vector_load %arg11[%swap3A_2276, %swap3A_2277] {strides = array<i32>} : memref<8x256xf32, #tpu.memory_space<vmem>>, vector<1x16xf32>,
        %swap3A_2279 = vector.shape_cast %swap3A_2278 : vector<1x16xf32> to vector<16xf32>
        %swap3A_2280 = vector.shape_cast %add3A_2270 : vector<16xf32> to vector<1x16xf32>
        tpu.vector_store %arg11[%swap3A_2276, %swap3A_2277], %swap3A_2280 {strides = array<i32>} : memref<8x256xf32, #tpu.memory_space<vmem>>, vector<1x16xf32>,
        %broadcast_in_dim3A_2281 = arith.constant 0.000000e+00 : f32
        %broadcast_in_dim3A_2282 = vector.broadcast %broadcast_in_dim3A_2281 : f32 to vector<16xf32>
        %broadcast_in_dim3A_2283 = arith.constant 0.000000e+00 : f32
        %broadcast_in_dim3A_2284 = vector.broadcast %broadcast_in_dim3A_2283 : f32 to vector<16xf32>
        %mul3A_2285 = arith.constant 16 : i32
        %mul3A_2286 = arith.muli %scan3A_99, %mul3A_2285 : i32
        %add3A_2287 = arith.constant 0 : i32
        %add3A_2288 = arith.addi %mul3A_2286, %add3A_2287 : i32
        %get3A_2289 = arith.index_cast %add3A_2288 : i32 to index
        %get3A_2290 = arith.constant 112 : index
        %get3A_2291 = tpu.vector_load %arg9[%get3A_2289, %get3A_2290] {strides = array<i32>} : memref<128x128xi32, #tpu.memory_space<vmem>>, vector<1x16xi32>,
        %get3A_2292 = vector.shape_cast %get3A_2291 : vector<1x16xi32> to vector<16xi32>
        %shift_left3A_2293 = arith.constant 16 : i32
        %shift_left3A_2294 = vector.broadcast %shift_left3A_2293 : i32 to vector<16xi32>
        %shift_left3A_2295 = arith.shli %get3A_2292, %shift_left3A_2294 : vector<16xi32>
        %bitcast_convert_type3A_2296 = tpu.bitcast %shift_left3A_2295 : vector<16xi32> -> vector<16xf32>
        %and3A_2297 = arith.andi %get3A_2292, %broadcast_in_dim3A_170 : vector<16xi32>
        %bitcast_convert_type3A_2298 = tpu.bitcast %and3A_2297 : vector<16xi32> -> vector<16xf32>
        %mul3A_2299 = arith.mulf %gather3A_108, %bitcast_convert_type3A_2296 : vector<16xf32>
        %add3A_2300 = arith.addf %broadcast_in_dim3A_2282, %mul3A_2299 : vector<16xf32>
        %mul3A_2301 = arith.mulf %gather3A_108, %bitcast_convert_type3A_2298 : vector<16xf32>
        %add3A_2302 = arith.addf %broadcast_in_dim3A_2284, %mul3A_2301 : vector<16xf32>
        %mul3A_2303 = arith.constant 16 : i32
        %mul3A_2304 = arith.muli %scan3A_99, %mul3A_2303 : i32
        %add3A_2305 = arith.constant 1 : i32
        %add3A_2306 = arith.addi %mul3A_2304, %add3A_2305 : i32
        %get3A_2307 = arith.index_cast %add3A_2306 : i32 to index
        %get3A_2308 = arith.constant 112 : index
        %get3A_2309 = tpu.vector_load %arg9[%get3A_2307, %get3A_2308] {strides = array<i32>} : memref<128x128xi32, #tpu.memory_space<vmem>>, vector<1x16xi32>,
        %get3A_2310 = vector.shape_cast %get3A_2309 : vector<1x16xi32> to vector<16xi32>
        %shift_left3A_2311 = arith.constant 16 : i32
        %shift_left3A_2312 = vector.broadcast %shift_left3A_2311 : i32 to vector<16xi32>
        %shift_left3A_2313 = arith.shli %get3A_2310, %shift_left3A_2312 : vector<16xi32>
        %bitcast_convert_type3A_2314 = tpu.bitcast %shift_left3A_2313 : vector<16xi32> -> vector<16xf32>
        %and3A_2315 = arith.andi %get3A_2310, %broadcast_in_dim3A_170 : vector<16xi32>
        %bitcast_convert_type3A_2316 = tpu.bitcast %and3A_2315 : vector<16xi32> -> vector<16xf32>
        %mul3A_2317 = arith.mulf %gather3A_112, %bitcast_convert_type3A_2314 : vector<16xf32>
        %add3A_2318 = arith.addf %add3A_2300, %mul3A_2317 : vector<16xf32>
        %mul3A_2319 = arith.mulf %gather3A_112, %bitcast_convert_type3A_2316 : vector<16xf32>
        %add3A_2320 = arith.addf %add3A_2302, %mul3A_2319 : vector<16xf32>
        %mul3A_2321 = arith.constant 16 : i32
        %mul3A_2322 = arith.muli %scan3A_99, %mul3A_2321 : i32
        %add3A_2323 = arith.constant 2 : i32
        %add3A_2324 = arith.addi %mul3A_2322, %add3A_2323 : i32
        %get3A_2325 = arith.index_cast %add3A_2324 : i32 to index
        %get3A_2326 = arith.constant 112 : index
        %get3A_2327 = tpu.vector_load %arg9[%get3A_2325, %get3A_2326] {strides = array<i32>} : memref<128x128xi32, #tpu.memory_space<vmem>>, vector<1x16xi32>,
        %get3A_2328 = vector.shape_cast %get3A_2327 : vector<1x16xi32> to vector<16xi32>
        %shift_left3A_2329 = arith.constant 16 : i32
        %shift_left3A_2330 = vector.broadcast %shift_left3A_2329 : i32 to vector<16xi32>
        %shift_left3A_2331 = arith.shli %get3A_2328, %shift_left3A_2330 : vector<16xi32>
        %bitcast_convert_type3A_2332 = tpu.bitcast %shift_left3A_2331 : vector<16xi32> -> vector<16xf32>
        %and3A_2333 = arith.andi %get3A_2328, %broadcast_in_dim3A_170 : vector<16xi32>
        %bitcast_convert_type3A_2334 = tpu.bitcast %and3A_2333 : vector<16xi32> -> vector<16xf32>
        %mul3A_2335 = arith.mulf %gather3A_116, %bitcast_convert_type3A_2332 : vector<16xf32>
        %add3A_2336 = arith.addf %add3A_2318, %mul3A_2335 : vector<16xf32>
        %mul3A_2337 = arith.mulf %gather3A_116, %bitcast_convert_type3A_2334 : vector<16xf32>
        %add3A_2338 = arith.addf %add3A_2320, %mul3A_2337 : vector<16xf32>
        %mul3A_2339 = arith.constant 16 : i32
        %mul3A_2340 = arith.muli %scan3A_99, %mul3A_2339 : i32
        %add3A_2341 = arith.constant 3 : i32
        %add3A_2342 = arith.addi %mul3A_2340, %add3A_2341 : i32
        %get3A_2343 = arith.index_cast %add3A_2342 : i32 to index
        %get3A_2344 = arith.constant 112 : index
        %get3A_2345 = tpu.vector_load %arg9[%get3A_2343, %get3A_2344] {strides = array<i32>} : memref<128x128xi32, #tpu.memory_space<vmem>>, vector<1x16xi32>,
        %get3A_2346 = vector.shape_cast %get3A_2345 : vector<1x16xi32> to vector<16xi32>
        %shift_left3A_2347 = arith.constant 16 : i32
        %shift_left3A_2348 = vector.broadcast %shift_left3A_2347 : i32 to vector<16xi32>
        %shift_left3A_2349 = arith.shli %get3A_2346, %shift_left3A_2348 : vector<16xi32>
        %bitcast_convert_type3A_2350 = tpu.bitcast %shift_left3A_2349 : vector<16xi32> -> vector<16xf32>
        %and3A_2351 = arith.andi %get3A_2346, %broadcast_in_dim3A_170 : vector<16xi32>
        %bitcast_convert_type3A_2352 = tpu.bitcast %and3A_2351 : vector<16xi32> -> vector<16xf32>
        %mul3A_2353 = arith.mulf %gather3A_120, %bitcast_convert_type3A_2350 : vector<16xf32>
        %add3A_2354 = arith.addf %add3A_2336, %mul3A_2353 : vector<16xf32>
        %mul3A_2355 = arith.mulf %gather3A_120, %bitcast_convert_type3A_2352 : vector<16xf32>
        %add3A_2356 = arith.addf %add3A_2338, %mul3A_2355 : vector<16xf32>
        %mul3A_2357 = arith.constant 16 : i32
        %mul3A_2358 = arith.muli %scan3A_99, %mul3A_2357 : i32
        %add3A_2359 = arith.constant 4 : i32
        %add3A_2360 = arith.addi %mul3A_2358, %add3A_2359 : i32
        %get3A_2361 = arith.index_cast %add3A_2360 : i32 to index
        %get3A_2362 = arith.constant 112 : index
        %get3A_2363 = tpu.vector_load %arg9[%get3A_2361, %get3A_2362] {strides = array<i32>} : memref<128x128xi32, #tpu.memory_space<vmem>>, vector<1x16xi32>,
        %get3A_2364 = vector.shape_cast %get3A_2363 : vector<1x16xi32> to vector<16xi32>
        %shift_left3A_2365 = arith.constant 16 : i32
        %shift_left3A_2366 = vector.broadcast %shift_left3A_2365 : i32 to vector<16xi32>
        %shift_left3A_2367 = arith.shli %get3A_2364, %shift_left3A_2366 : vector<16xi32>
        %bitcast_convert_type3A_2368 = tpu.bitcast %shift_left3A_2367 : vector<16xi32> -> vector<16xf32>
        %and3A_2369 = arith.andi %get3A_2364, %broadcast_in_dim3A_170 : vector<16xi32>
        %bitcast_convert_type3A_2370 = tpu.bitcast %and3A_2369 : vector<16xi32> -> vector<16xf32>
        %mul3A_2371 = arith.mulf %gather3A_124, %bitcast_convert_type3A_2368 : vector<16xf32>
        %add3A_2372 = arith.addf %add3A_2354, %mul3A_2371 : vector<16xf32>
        %mul3A_2373 = arith.mulf %gather3A_124, %bitcast_convert_type3A_2370 : vector<16xf32>
        %add3A_2374 = arith.addf %add3A_2356, %mul3A_2373 : vector<16xf32>
        %mul3A_2375 = arith.constant 16 : i32
        %mul3A_2376 = arith.muli %scan3A_99, %mul3A_2375 : i32
        %add3A_2377 = arith.constant 5 : i32
        %add3A_2378 = arith.addi %mul3A_2376, %add3A_2377 : i32
        %get3A_2379 = arith.index_cast %add3A_2378 : i32 to index
        %get3A_2380 = arith.constant 112 : index
        %get3A_2381 = tpu.vector_load %arg9[%get3A_2379, %get3A_2380] {strides = array<i32>} : memref<128x128xi32, #tpu.memory_space<vmem>>, vector<1x16xi32>,
        %get3A_2382 = vector.shape_cast %get3A_2381 : vector<1x16xi32> to vector<16xi32>
        %shift_left3A_2383 = arith.constant 16 : i32
        %shift_left3A_2384 = vector.broadcast %shift_left3A_2383 : i32 to vector<16xi32>
        %shift_left3A_2385 = arith.shli %get3A_2382, %shift_left3A_2384 : vector<16xi32>
        %bitcast_convert_type3A_2386 = tpu.bitcast %shift_left3A_2385 : vector<16xi32> -> vector<16xf32>
        %and3A_2387 = arith.andi %get3A_2382, %broadcast_in_dim3A_170 : vector<16xi32>
        %bitcast_convert_type3A_2388 = tpu.bitcast %and3A_2387 : vector<16xi32> -> vector<16xf32>
        %mul3A_2389 = arith.mulf %gather3A_128, %bitcast_convert_type3A_2386 : vector<16xf32>
        %add3A_2390 = arith.addf %add3A_2372, %mul3A_2389 : vector<16xf32>
        %mul3A_2391 = arith.mulf %gather3A_128, %bitcast_convert_type3A_2388 : vector<16xf32>
        %add3A_2392 = arith.addf %add3A_2374, %mul3A_2391 : vector<16xf32>
        %mul3A_2393 = arith.constant 16 : i32
        %mul3A_2394 = arith.muli %scan3A_99, %mul3A_2393 : i32
        %add3A_2395 = arith.constant 6 : i32
        %add3A_2396 = arith.addi %mul3A_2394, %add3A_2395 : i32
        %get3A_2397 = arith.index_cast %add3A_2396 : i32 to index
        %get3A_2398 = arith.constant 112 : index
        %get3A_2399 = tpu.vector_load %arg9[%get3A_2397, %get3A_2398] {strides = array<i32>} : memref<128x128xi32, #tpu.memory_space<vmem>>, vector<1x16xi32>,
        %get3A_2400 = vector.shape_cast %get3A_2399 : vector<1x16xi32> to vector<16xi32>
        %shift_left3A_2401 = arith.constant 16 : i32
        %shift_left3A_2402 = vector.broadcast %shift_left3A_2401 : i32 to vector<16xi32>
        %shift_left3A_2403 = arith.shli %get3A_2400, %shift_left3A_2402 : vector<16xi32>
        %bitcast_convert_type3A_2404 = tpu.bitcast %shift_left3A_2403 : vector<16xi32> -> vector<16xf32>
        %and3A_2405 = arith.andi %get3A_2400, %broadcast_in_dim3A_170 : vector<16xi32>
        %bitcast_convert_type3A_2406 = tpu.bitcast %and3A_2405 : vector<16xi32> -> vector<16xf32>
        %mul3A_2407 = arith.mulf %gather3A_132, %bitcast_convert_type3A_2404 : vector<16xf32>
        %add3A_2408 = arith.addf %add3A_2390, %mul3A_2407 : vector<16xf32>
        %mul3A_2409 = arith.mulf %gather3A_132, %bitcast_convert_type3A_2406 : vector<16xf32>
        %add3A_2410 = arith.addf %add3A_2392, %mul3A_2409 : vector<16xf32>
        %mul3A_2411 = arith.constant 16 : i32
        %mul3A_2412 = arith.muli %scan3A_99, %mul3A_2411 : i32
        %add3A_2413 = arith.constant 7 : i32
        %add3A_2414 = arith.addi %mul3A_2412, %add3A_2413 : i32
        %get3A_2415 = arith.index_cast %add3A_2414 : i32 to index
        %get3A_2416 = arith.constant 112 : index
        %get3A_2417 = tpu.vector_load %arg9[%get3A_2415, %get3A_2416] {strides = array<i32>} : memref<128x128xi32, #tpu.memory_space<vmem>>, vector<1x16xi32>,
        %get3A_2418 = vector.shape_cast %get3A_2417 : vector<1x16xi32> to vector<16xi32>
        %shift_left3A_2419 = arith.constant 16 : i32
        %shift_left3A_2420 = vector.broadcast %shift_left3A_2419 : i32 to vector<16xi32>
        %shift_left3A_2421 = arith.shli %get3A_2418, %shift_left3A_2420 : vector<16xi32>
        %bitcast_convert_type3A_2422 = tpu.bitcast %shift_left3A_2421 : vector<16xi32> -> vector<16xf32>
        %and3A_2423 = arith.andi %get3A_2418, %broadcast_in_dim3A_170 : vector<16xi32>
        %bitcast_convert_type3A_2424 = tpu.bitcast %and3A_2423 : vector<16xi32> -> vector<16xf32>
        %mul3A_2425 = arith.mulf %gather3A_136, %bitcast_convert_type3A_2422 : vector<16xf32>
        %add3A_2426 = arith.addf %add3A_2408, %mul3A_2425 : vector<16xf32>
        %mul3A_2427 = arith.mulf %gather3A_136, %bitcast_convert_type3A_2424 : vector<16xf32>
        %add3A_2428 = arith.addf %add3A_2410, %mul3A_2427 : vector<16xf32>
        %mul3A_2429 = arith.constant 16 : i32
        %mul3A_2430 = arith.muli %scan3A_99, %mul3A_2429 : i32
        %add3A_2431 = arith.constant 8 : i32
        %add3A_2432 = arith.addi %mul3A_2430, %add3A_2431 : i32
        %get3A_2433 = arith.index_cast %add3A_2432 : i32 to index
        %get3A_2434 = arith.constant 112 : index
        %get3A_2435 = tpu.vector_load %arg9[%get3A_2433, %get3A_2434] {strides = array<i32>} : memref<128x128xi32, #tpu.memory_space<vmem>>, vector<1x16xi32>,
        %get3A_2436 = vector.shape_cast %get3A_2435 : vector<1x16xi32> to vector<16xi32>
        %shift_left3A_2437 = arith.constant 16 : i32
        %shift_left3A_2438 = vector.broadcast %shift_left3A_2437 : i32 to vector<16xi32>
        %shift_left3A_2439 = arith.shli %get3A_2436, %shift_left3A_2438 : vector<16xi32>
        %bitcast_convert_type3A_2440 = tpu.bitcast %shift_left3A_2439 : vector<16xi32> -> vector<16xf32>
        %and3A_2441 = arith.andi %get3A_2436, %broadcast_in_dim3A_170 : vector<16xi32>
        %bitcast_convert_type3A_2442 = tpu.bitcast %and3A_2441 : vector<16xi32> -> vector<16xf32>
        %mul3A_2443 = arith.mulf %gather3A_140, %bitcast_convert_type3A_2440 : vector<16xf32>
        %add3A_2444 = arith.addf %add3A_2426, %mul3A_2443 : vector<16xf32>
        %mul3A_2445 = arith.mulf %gather3A_140, %bitcast_convert_type3A_2442 : vector<16xf32>
        %add3A_2446 = arith.addf %add3A_2428, %mul3A_2445 : vector<16xf32>
        %mul3A_2447 = arith.constant 16 : i32
        %mul3A_2448 = arith.muli %scan3A_99, %mul3A_2447 : i32
        %add3A_2449 = arith.constant 9 : i32
        %add3A_2450 = arith.addi %mul3A_2448, %add3A_2449 : i32
        %get3A_2451 = arith.index_cast %add3A_2450 : i32 to index
        %get3A_2452 = arith.constant 112 : index
        %get3A_2453 = tpu.vector_load %arg9[%get3A_2451, %get3A_2452] {strides = array<i32>} : memref<128x128xi32, #tpu.memory_space<vmem>>, vector<1x16xi32>,
        %get3A_2454 = vector.shape_cast %get3A_2453 : vector<1x16xi32> to vector<16xi32>
        %shift_left3A_2455 = arith.constant 16 : i32
        %shift_left3A_2456 = vector.broadcast %shift_left3A_2455 : i32 to vector<16xi32>
        %shift_left3A_2457 = arith.shli %get3A_2454, %shift_left3A_2456 : vector<16xi32>
        %bitcast_convert_type3A_2458 = tpu.bitcast %shift_left3A_2457 : vector<16xi32> -> vector<16xf32>
        %and3A_2459 = arith.andi %get3A_2454, %broadcast_in_dim3A_170 : vector<16xi32>
        %bitcast_convert_type3A_2460 = tpu.bitcast %and3A_2459 : vector<16xi32> -> vector<16xf32>
        %mul3A_2461 = arith.mulf %gather3A_144, %bitcast_convert_type3A_2458 : vector<16xf32>
        %add3A_2462 = arith.addf %add3A_2444, %mul3A_2461 : vector<16xf32>
        %mul3A_2463 = arith.mulf %gather3A_144, %bitcast_convert_type3A_2460 : vector<16xf32>
        %add3A_2464 = arith.addf %add3A_2446, %mul3A_2463 : vector<16xf32>
        %mul3A_2465 = arith.constant 16 : i32
        %mul3A_2466 = arith.muli %scan3A_99, %mul3A_2465 : i32
        %add3A_2467 = arith.constant 10 : i32
        %add3A_2468 = arith.addi %mul3A_2466, %add3A_2467 : i32
        %get3A_2469 = arith.index_cast %add3A_2468 : i32 to index
        %get3A_2470 = arith.constant 112 : index
        %get3A_2471 = tpu.vector_load %arg9[%get3A_2469, %get3A_2470] {strides = array<i32>} : memref<128x128xi32, #tpu.memory_space<vmem>>, vector<1x16xi32>,
        %get3A_2472 = vector.shape_cast %get3A_2471 : vector<1x16xi32> to vector<16xi32>
        %shift_left3A_2473 = arith.constant 16 : i32
        %shift_left3A_2474 = vector.broadcast %shift_left3A_2473 : i32 to vector<16xi32>
        %shift_left3A_2475 = arith.shli %get3A_2472, %shift_left3A_2474 : vector<16xi32>
        %bitcast_convert_type3A_2476 = tpu.bitcast %shift_left3A_2475 : vector<16xi32> -> vector<16xf32>
        %and3A_2477 = arith.andi %get3A_2472, %broadcast_in_dim3A_170 : vector<16xi32>
        %bitcast_convert_type3A_2478 = tpu.bitcast %and3A_2477 : vector<16xi32> -> vector<16xf32>
        %mul3A_2479 = arith.mulf %gather3A_148, %bitcast_convert_type3A_2476 : vector<16xf32>
        %add3A_2480 = arith.addf %add3A_2462, %mul3A_2479 : vector<16xf32>
        %mul3A_2481 = arith.mulf %gather3A_148, %bitcast_convert_type3A_2478 : vector<16xf32>
        %add3A_2482 = arith.addf %add3A_2464, %mul3A_2481 : vector<16xf32>
        %mul3A_2483 = arith.constant 16 : i32
        %mul3A_2484 = arith.muli %scan3A_99, %mul3A_2483 : i32
        %add3A_2485 = arith.constant 11 : i32
        %add3A_2486 = arith.addi %mul3A_2484, %add3A_2485 : i32
        %get3A_2487 = arith.index_cast %add3A_2486 : i32 to index
        %get3A_2488 = arith.constant 112 : index
        %get3A_2489 = tpu.vector_load %arg9[%get3A_2487, %get3A_2488] {strides = array<i32>} : memref<128x128xi32, #tpu.memory_space<vmem>>, vector<1x16xi32>,
        %get3A_2490 = vector.shape_cast %get3A_2489 : vector<1x16xi32> to vector<16xi32>
        %shift_left3A_2491 = arith.constant 16 : i32
        %shift_left3A_2492 = vector.broadcast %shift_left3A_2491 : i32 to vector<16xi32>
        %shift_left3A_2493 = arith.shli %get3A_2490, %shift_left3A_2492 : vector<16xi32>
        %bitcast_convert_type3A_2494 = tpu.bitcast %shift_left3A_2493 : vector<16xi32> -> vector<16xf32>
        %and3A_2495 = arith.andi %get3A_2490, %broadcast_in_dim3A_170 : vector<16xi32>
        %bitcast_convert_type3A_2496 = tpu.bitcast %and3A_2495 : vector<16xi32> -> vector<16xf32>
        %mul3A_2497 = arith.mulf %gather3A_152, %bitcast_convert_type3A_2494 : vector<16xf32>
        %add3A_2498 = arith.addf %add3A_2480, %mul3A_2497 : vector<16xf32>
        %mul3A_2499 = arith.mulf %gather3A_152, %bitcast_convert_type3A_2496 : vector<16xf32>
        %add3A_2500 = arith.addf %add3A_2482, %mul3A_2499 : vector<16xf32>
        %mul3A_2501 = arith.constant 16 : i32
        %mul3A_2502 = arith.muli %scan3A_99, %mul3A_2501 : i32
        %add3A_2503 = arith.constant 12 : i32
        %add3A_2504 = arith.addi %mul3A_2502, %add3A_2503 : i32
        %get3A_2505 = arith.index_cast %add3A_2504 : i32 to index
        %get3A_2506 = arith.constant 112 : index
        %get3A_2507 = tpu.vector_load %arg9[%get3A_2505, %get3A_2506] {strides = array<i32>} : memref<128x128xi32, #tpu.memory_space<vmem>>, vector<1x16xi32>,
        %get3A_2508 = vector.shape_cast %get3A_2507 : vector<1x16xi32> to vector<16xi32>
        %shift_left3A_2509 = arith.constant 16 : i32
        %shift_left3A_2510 = vector.broadcast %shift_left3A_2509 : i32 to vector<16xi32>
        %shift_left3A_2511 = arith.shli %get3A_2508, %shift_left3A_2510 : vector<16xi32>
        %bitcast_convert_type3A_2512 = tpu.bitcast %shift_left3A_2511 : vector<16xi32> -> vector<16xf32>
        %and3A_2513 = arith.andi %get3A_2508, %broadcast_in_dim3A_170 : vector<16xi32>
        %bitcast_convert_type3A_2514 = tpu.bitcast %and3A_2513 : vector<16xi32> -> vector<16xf32>
        %mul3A_2515 = arith.mulf %gather3A_156, %bitcast_convert_type3A_2512 : vector<16xf32>
        %add3A_2516 = arith.addf %add3A_2498, %mul3A_2515 : vector<16xf32>
        %mul3A_2517 = arith.mulf %gather3A_156, %bitcast_convert_type3A_2514 : vector<16xf32>
        %add3A_2518 = arith.addf %add3A_2500, %mul3A_2517 : vector<16xf32>
        %mul3A_2519 = arith.constant 16 : i32
        %mul3A_2520 = arith.muli %scan3A_99, %mul3A_2519 : i32
        %add3A_2521 = arith.constant 13 : i32
        %add3A_2522 = arith.addi %mul3A_2520, %add3A_2521 : i32
        %get3A_2523 = arith.index_cast %add3A_2522 : i32 to index
        %get3A_2524 = arith.constant 112 : index
        %get3A_2525 = tpu.vector_load %arg9[%get3A_2523, %get3A_2524] {strides = array<i32>} : memref<128x128xi32, #tpu.memory_space<vmem>>, vector<1x16xi32>,
        %get3A_2526 = vector.shape_cast %get3A_2525 : vector<1x16xi32> to vector<16xi32>
        %shift_left3A_2527 = arith.constant 16 : i32
        %shift_left3A_2528 = vector.broadcast %shift_left3A_2527 : i32 to vector<16xi32>
        %shift_left3A_2529 = arith.shli %get3A_2526, %shift_left3A_2528 : vector<16xi32>
        %bitcast_convert_type3A_2530 = tpu.bitcast %shift_left3A_2529 : vector<16xi32> -> vector<16xf32>
        %and3A_2531 = arith.andi %get3A_2526, %broadcast_in_dim3A_170 : vector<16xi32>
        %bitcast_convert_type3A_2532 = tpu.bitcast %and3A_2531 : vector<16xi32> -> vector<16xf32>
        %mul3A_2533 = arith.mulf %gather3A_160, %bitcast_convert_type3A_2530 : vector<16xf32>
        %add3A_2534 = arith.addf %add3A_2516, %mul3A_2533 : vector<16xf32>
        %mul3A_2535 = arith.mulf %gather3A_160, %bitcast_convert_type3A_2532 : vector<16xf32>
        %add3A_2536 = arith.addf %add3A_2518, %mul3A_2535 : vector<16xf32>
        %mul3A_2537 = arith.constant 16 : i32
        %mul3A_2538 = arith.muli %scan3A_99, %mul3A_2537 : i32
        %add3A_2539 = arith.constant 14 : i32
        %add3A_2540 = arith.addi %mul3A_2538, %add3A_2539 : i32
        %get3A_2541 = arith.index_cast %add3A_2540 : i32 to index
        %get3A_2542 = arith.constant 112 : index
        %get3A_2543 = tpu.vector_load %arg9[%get3A_2541, %get3A_2542] {strides = array<i32>} : memref<128x128xi32, #tpu.memory_space<vmem>>, vector<1x16xi32>,
        %get3A_2544 = vector.shape_cast %get3A_2543 : vector<1x16xi32> to vector<16xi32>
        %shift_left3A_2545 = arith.constant 16 : i32
        %shift_left3A_2546 = vector.broadcast %shift_left3A_2545 : i32 to vector<16xi32>
        %shift_left3A_2547 = arith.shli %get3A_2544, %shift_left3A_2546 : vector<16xi32>
        %bitcast_convert_type3A_2548 = tpu.bitcast %shift_left3A_2547 : vector<16xi32> -> vector<16xf32>
        %and3A_2549 = arith.andi %get3A_2544, %broadcast_in_dim3A_170 : vector<16xi32>
        %bitcast_convert_type3A_2550 = tpu.bitcast %and3A_2549 : vector<16xi32> -> vector<16xf32>
        %mul3A_2551 = arith.mulf %gather3A_164, %bitcast_convert_type3A_2548 : vector<16xf32>
        %add3A_2552 = arith.addf %add3A_2534, %mul3A_2551 : vector<16xf32>
        %mul3A_2553 = arith.mulf %gather3A_164, %bitcast_convert_type3A_2550 : vector<16xf32>
        %add3A_2554 = arith.addf %add3A_2536, %mul3A_2553 : vector<16xf32>
        %mul3A_2555 = arith.constant 16 : i32
        %mul3A_2556 = arith.muli %scan3A_99, %mul3A_2555 : i32
        %add3A_2557 = arith.constant 15 : i32
        %add3A_2558 = arith.addi %mul3A_2556, %add3A_2557 : i32
        %get3A_2559 = arith.index_cast %add3A_2558 : i32 to index
        %get3A_2560 = arith.constant 112 : index
        %get3A_2561 = tpu.vector_load %arg9[%get3A_2559, %get3A_2560] {strides = array<i32>} : memref<128x128xi32, #tpu.memory_space<vmem>>, vector<1x16xi32>,
        %get3A_2562 = vector.shape_cast %get3A_2561 : vector<1x16xi32> to vector<16xi32>
        %shift_left3A_2563 = arith.constant 16 : i32
        %shift_left3A_2564 = vector.broadcast %shift_left3A_2563 : i32 to vector<16xi32>
        %shift_left3A_2565 = arith.shli %get3A_2562, %shift_left3A_2564 : vector<16xi32>
        %bitcast_convert_type3A_2566 = tpu.bitcast %shift_left3A_2565 : vector<16xi32> -> vector<16xf32>
        %and3A_2567 = arith.andi %get3A_2562, %broadcast_in_dim3A_170 : vector<16xi32>
        %bitcast_convert_type3A_2568 = tpu.bitcast %and3A_2567 : vector<16xi32> -> vector<16xf32>
        %mul3A_2569 = arith.mulf %gather3A_168, %bitcast_convert_type3A_2566 : vector<16xf32>
        %add3A_2570 = arith.addf %add3A_2552, %mul3A_2569 : vector<16xf32>
        %mul3A_2571 = arith.mulf %gather3A_168, %bitcast_convert_type3A_2568 : vector<16xf32>
        %add3A_2572 = arith.addf %add3A_2554, %mul3A_2571 : vector<16xf32>
        %swap3A_2573 = arith.index_cast %scan3A_99 : i32 to index
        %swap3A_2574 = arith.constant 112 : index
        %swap3A_2575 = tpu.vector_load %arg11[%swap3A_2573, %swap3A_2574] {strides = array<i32>} : memref<8x256xf32, #tpu.memory_space<vmem>>, vector<1x16xf32>,
        %swap3A_2576 = vector.shape_cast %swap3A_2575 : vector<1x16xf32> to vector<16xf32>
        %swap3A_2577 = vector.shape_cast %add3A_2570 : vector<16xf32> to vector<1x16xf32>
        tpu.vector_store %arg11[%swap3A_2573, %swap3A_2574], %swap3A_2577 {strides = array<i32>} : memref<8x256xf32, #tpu.memory_space<vmem>>, vector<1x16xf32>,
        %swap3A_2578 = arith.index_cast %scan3A_99 : i32 to index
        %swap3A_2579 = arith.constant 240 : index
        %swap3A_2580 = tpu.vector_load %arg11[%swap3A_2578, %swap3A_2579] {strides = array<i32>} : memref<8x256xf32, #tpu.memory_space<vmem>>, vector<1x16xf32>,
        %swap3A_2581 = vector.shape_cast %swap3A_2580 : vector<1x16xf32> to vector<16xf32>
        %swap3A_2582 = vector.shape_cast %add3A_2572 : vector<16xf32> to vector<1x16xf32>
        tpu.vector_store %arg11[%swap3A_2578, %swap3A_2579], %swap3A_2582 {strides = array<i32>} : memref<8x256xf32, #tpu.memory_space<vmem>>, vector<1x16xf32>,
      }
      %scan3A_84 = arith.constant 8 : i32
      %mul3A_85 = arith.constant 8 : i32
      %mul3A_86 = arith.muli %add3A_67, %mul3A_85 : i32
      %add3A_87 = arith.addi %mul3A_2, %mul3A_86 : i32
      %dma_start3A_88 = arith.constant 0 : i32
      %dma_start3A_89 = tpu.memref_slice %arg5[%add3A_87, %dma_start3A_88] : memref<10240x256xf32, #tpu.memory_space<hbm>> -> memref<8x256xf32, #tpu.memory_space<hbm>>
      %dma_start3A_90 = arith.constant 0 : i32
      %dma_start3A_91 = tpu.memref_slice %arg5[%add3A_87, %dma_start3A_90] : memref<10240x256xf32, #tpu.memory_space<hbm>> -> memref<8x256xf32, #tpu.memory_space<hbm>>
      tpu.enqueue_dma source(%arg11 : memref<8x256xf32, #tpu.memory_space<vmem>>) target(%dma_start3A_91 : memref<8x256xf32, #tpu.memory_space<hbm>>) target_semaphore(%arg16 : memref<!tpu.dma_semaphore, #tpu.memory_space<semaphore_mem>>)
      %add3A_92 = arith.constant 2 : i32
      %add3A_93 = arith.addi %add3A_67, %add3A_92 : i32
      %lt3A_94 = arith.constant 40 : i32
      %lt3A_95 = arith.cmpi slt, %add3A_93, %lt3A_94 : i32
      %convert_element_type3A_96 = arith.extui %lt3A_95 : i1 to i32
      %cond3A_97 = arith.constant 0 : i32
      %cond3A_98 = arith.cmpi ne, %convert_element_type3A_96, %cond3A_97 : i32
      scf.if %cond3A_98 {
        %dma_start3A_99 = arith.constant 0 : i32
        %dma_start3A_100 = tpu.memref_slice %arg6[%add3A_93, %dma_start3A_99] : memref<40x128xi32, #tpu.memory_space<vmem>> -> memref<1x128xi32, #tpu.memory_space<vmem>>
        %dma_start3A_101 = tpu.memref_squeeze %dma_start3A_100 : memref<1x128xi32, #tpu.memory_space<vmem>> -> memref<128xi32, #tpu.memory_space<vmem>>
        %dma_start3A_102 = arith.constant 0 : i32
        %dma_start3A_103 = arith.constant 0 : i32
        %dma_start3A_104 = tpu.memref_slice %arg12[%dma_start3A_102, %dma_start3A_103] : memref<10112x128xi32, #tpu.memory_space<vmem_shared>> -> memref<10112x128xi32, #tpu.memory_space<vmem_shared>>
        tpu.enqueue_indirect_dma source(%dma_start3A_104 : memref<10112x128xi32, #tpu.memory_space<vmem_shared>>) target(%arg9 : memref<128x128xi32, #tpu.memory_space<vmem>>) offsets(%dma_start3A_101 : memref<128xi32, #tpu.memory_space<vmem>>) semaphore(%arg14 : memref<!tpu.dma_semaphore, #tpu.memory_space<semaphore_mem>>)
      } else {
      }
    }
    %scan3A_24 = arith.constant 20 : i32
    %dma_wait3A = arith.constant 0 : i32
    %dma_wait3A_25 = tpu.memref_slice %arg5[%mul3A_2, %dma_wait3A] : memref<10240x256xf32, #tpu.memory_space<hbm>> -> memref<8x256xf32, #tpu.memory_space<hbm>>
    %dma_wait3A_26 = arith.constant 0 : i32
    %dma_wait3A_27 = tpu.memref_slice %arg5[%mul3A_2, %dma_wait3A_26] : memref<10240x256xf32, #tpu.memory_space<hbm>> -> memref<8x256xf32, #tpu.memory_space<hbm>>
    tpu.wait_dma2 semaphore(%arg15 : memref<!tpu.dma_semaphore, #tpu.memory_space<semaphore_mem>>) src(%arg10 : memref<8x256xf32, #tpu.memory_space<vmem>>) dst(%dma_wait3A_27 : memref<8x256xf32, #tpu.memory_space<hbm>>)
    %dma_wait3A_28 = arith.constant 0 : i32
    %dma_wait3A_29 = tpu.memref_slice %arg5[%mul3A_2, %dma_wait3A_28] : memref<10240x256xf32, #tpu.memory_space<hbm>> -> memref<8x256xf32, #tpu.memory_space<hbm>>
    %dma_wait3A_30 = arith.constant 0 : i32
    %dma_wait3A_31 = tpu.memref_slice %arg5[%mul3A_2, %dma_wait3A_30] : memref<10240x256xf32, #tpu.memory_space<hbm>> -> memref<8x256xf32, #tpu.memory_space<hbm>>
    tpu.wait_dma2 semaphore(%arg16 : memref<!tpu.dma_semaphore, #tpu.memory_space<semaphore_mem>>) src(%arg11 : memref<8x256xf32, #tpu.memory_space<vmem>>) dst(%dma_wait3A_31 : memref<8x256xf32, #tpu.memory_space<hbm>>)
    return
  }
}

module attributes {stable_mosaic.version = 14 : i64} {
  func.func @_attn_body(%arg0: i32, %arg1: memref<2000x256xf32, #tpu.memory_space<vmem>>, %arg2: memref<2000x256xf32, #tpu.memory_space<vmem>>, %arg3: memref<2000x1xf32, #tpu.memory_space<vmem>>, %arg4: memref<256x16xf32, #tpu.memory_space<vmem>>, %arg5: memref<16x16xf32, #tpu.memory_space<vmem>>, %arg6: memref<2000x16xf32, #tpu.memory_space<vmem>>, %arg7: memref<2000x128xi32, #tpu.memory_space<vmem>>) attributes {dimension_semantics = [#tpu.dimension_semantics<arbitrary>], iteration_bounds = array<i64: 5>, scalar_prefetch = 0 : i64, scratch_operands = 0 : i64, tpu.core_type = #tpu.core_type<tc>, window_params = [{transform_indices = @transform_0, window_bounds = array<i64: 2000, 256>}, {transform_indices = @transform_1, window_bounds = array<i64: 2000, 256>}, {transform_indices = @transform_2, window_bounds = array<i64: 2000, 1>}, {pipeline_mode = #tpu.pipeline_mode<synchronous>, transform_indices = @transform_3, window_bounds = array<i64: 256, 16>}, {pipeline_mode = #tpu.pipeline_mode<synchronous>, transform_indices = @transform_4, window_bounds = array<i64: 16, 16>}, {transform_indices = @transform_5, window_bounds = array<i64: 2000, 16>}, {transform_indices = @transform_6, window_bounds = array<i64: 2000, 128>}]} {
    %get3A = arith.constant 0 : index
    %get3A_0 = arith.constant 0 : index
    %get3A_1 = vector.load %arg1[%get3A, %get3A_0] : memref<2000x256xf32, #tpu.memory_space<vmem>>, vector<2000x256xf32>
    %get3A_2 = arith.constant 0 : index
    %get3A_3 = arith.constant 0 : index
    %get3A_4 = vector.load %arg4[%get3A_2, %get3A_3] : memref<256x16xf32, #tpu.memory_space<vmem>>, vector<256x16xf32>
    %dot_general3A = arith.constant dense<0.000000e+00> : vector<2000x16xf32>
    %dot_general3A_5 = tpu.matmul %get3A_1, %get3A_4, %dot_general3A {dimension_numbers = #tpu.dot_dimension_numbers<[1], [0], [0], [1], [0, 0, 1, 1], [], []>, transpose_lhs_hint = false} : vector<2000x256xf32>, vector<256x16xf32>, vector<2000x16xf32> -> vector<2000x16xf32>
    %get3A_6 = arith.constant 0 : index
    %get3A_7 = arith.constant 0 : index
    %get3A_8 = vector.load %arg5[%get3A_6, %get3A_7] : memref<16x16xf32, #tpu.memory_space<vmem>>, vector<16x16xf32>
    %dot_general3A_9 = arith.constant dense<0.000000e+00> : vector<2000x16xf32>
    %dot_general3A_10 = tpu.matmul %dot_general3A_5, %get3A_8, %dot_general3A_9 {dimension_numbers = #tpu.dot_dimension_numbers<[1], [1], [0], [0], [0, 0, 1, 0], [], []>, transpose_lhs_hint = false} : vector<2000x16xf32>, vector<16x16xf32>, vector<2000x16xf32> -> vector<2000x16xf32>
    %get3A_11 = arith.constant 0 : index
    %get3A_12 = arith.constant 0 : index
    %get3A_13 = vector.load %arg3[%get3A_11, %get3A_12] : memref<2000x1xf32, #tpu.memory_space<vmem>>, vector<2000x1xf32>
    %mul3A = vector.broadcast %get3A_13 : vector<2000x1xf32> to vector<2000x16xf32>
    %mul3A_14 = arith.mulf %dot_general3A_10, %mul3A : vector<2000x16xf32>
    %iota3A = tpu.iota {dimensions = array<i32: 1>} : vector<16x256xi32>
    %jit3A = arith.constant 16 : i32
    %eq3A = arith.constant 0 : i32
    %eq3A_15 = arith.cmpi eq, %jit3A, %eq3A : i32
    %jit3A_16 = arith.constant 1 : i32
    %select_n3A = arith.select %eq3A_15, %jit3A_16, %jit3A : i32
    %rem3A = vector.broadcast %select_n3A : i32 to vector<16x256xi32>
    %rem3A_17 = arith.remsi %iota3A, %rem3A : vector<16x256xi32>
    %ne3A = arith.constant 0 : i32
    %ne3A_18 = vector.broadcast %ne3A : i32 to vector<16x256xi32>
    %ne3A_19 = arith.cmpi ne, %rem3A_17, %ne3A_18 : vector<16x256xi32>
    %lt3A = arith.constant 0 : i32
    %lt3A_20 = vector.broadcast %lt3A : i32 to vector<16x256xi32>
    %lt3A_21 = arith.cmpi slt, %rem3A_17, %lt3A_20 : vector<16x256xi32>
    %lt3A_22 = arith.constant 0 : i32
    %lt3A_23 = arith.cmpi slt, %select_n3A, %lt3A_22 : i32
    %ne3A_24 = vector.broadcast %lt3A_23 : i1 to vector<16x256xi1>
    %ne3A_25 = vector.broadcast %ne3A_24 : vector<16x256xi1> to vector<16x256xi1>
    %ne3A_26 = arith.xori %lt3A_21, %ne3A_25 : vector<16x256xi1>
    %and3A = arith.andi %ne3A_26, %ne3A_19 : vector<16x256xi1>
    %add3A = vector.broadcast %select_n3A : i32 to vector<16x256xi32>
    %add3A_27 = arith.addi %rem3A_17, %add3A : vector<16x256xi32>
    %select_n3A_28 = arith.select %and3A, %add3A_27, %rem3A_17 : vector<16x256xi1>, vector<16x256xi32>
    %iota3A_29 = tpu.iota {dimensions = array<i32: 0>} : vector<16x256xi32>
    %eq3A_30 = arith.cmpi eq, %select_n3A_28, %iota3A_29 : vector<16x256xi32>
    %convert_element_type3A = arith.extui %eq3A_30 : vector<16x256xi1> to vector<16x256xi32>
    %convert_element_type3A_31 = arith.sitofp %convert_element_type3A : vector<16x256xi32> to vector<16x256xf32>
    %dot_general3A_32 = arith.constant dense<0.000000e+00> : vector<2000x256xf32>
    %dot_general3A_33 = tpu.matmul %mul3A_14, %convert_element_type3A_31, %dot_general3A_32 {dimension_numbers = #tpu.dot_dimension_numbers<[1], [0], [0], [1], [0, 0, 1, 1], [], []>, transpose_lhs_hint = false} : vector<2000x16xf32>, vector<16x256xf32>, vector<2000x256xf32> -> vector<2000x256xf32>
    %get3A_34 = arith.constant 0 : index
    %get3A_35 = arith.constant 0 : index
    %get3A_36 = vector.load %arg2[%get3A_34, %get3A_35] : memref<2000x256xf32, #tpu.memory_space<vmem>>, vector<2000x256xf32>
    %mul3A_37 = arith.mulf %dot_general3A_33, %get3A_36 : vector<2000x256xf32>
    %iota3A_38 = tpu.iota {dimensions = array<i32: 0>} : vector<256x16xi32>
    %jit3A_39 = arith.constant 16 : i32
    %div3A = vector.broadcast %jit3A_39 : i32 to vector<256x16xi32>
    %div3A_40 = arith.divsi %iota3A_38, %div3A : vector<256x16xi32>
    %sign3A = arith.constant 0 : i32
    %sign3A_41 = vector.broadcast %sign3A : i32 to vector<256x16xi32>
    %sign3A_42 = arith.cmpi sgt, %iota3A_38, %sign3A_41 : vector<256x16xi32>
    %sign3A_43 = arith.extui %sign3A_42 : vector<256x16xi1> to vector<256x16xi32>
    %sign3A_44 = arith.constant 0 : i32
    %sign3A_45 = vector.broadcast %sign3A_44 : i32 to vector<256x16xi32>
    %sign3A_46 = arith.cmpi slt, %iota3A_38, %sign3A_45 : vector<256x16xi32>
    %sign3A_47 = arith.extui %sign3A_46 : vector<256x16xi1> to vector<256x16xi32>
    %sign3A_48 = arith.subi %sign3A_43, %sign3A_47 : vector<256x16xi32>
    %sign3A_49 = arith.constant 0 : i32
    %sign3A_50 = arith.cmpi sgt, %jit3A_39, %sign3A_49 : i32
    %sign3A_51 = arith.extui %sign3A_50 : i1 to i32
    %sign3A_52 = arith.constant 0 : i32
    %sign3A_53 = arith.cmpi slt, %jit3A_39, %sign3A_52 : i32
    %sign3A_54 = arith.extui %sign3A_53 : i1 to i32
    %sign3A_55 = arith.subi %sign3A_51, %sign3A_54 : i32
    %ne3A_56 = vector.broadcast %sign3A_55 : i32 to vector<256x16xi32>
    %ne3A_57 = arith.cmpi ne, %sign3A_48, %ne3A_56 : vector<256x16xi32>
    %rem3A_58 = vector.broadcast %jit3A_39 : i32 to vector<256x16xi32>
    %rem3A_59 = arith.remsi %iota3A_38, %rem3A_58 : vector<256x16xi32>
    %ne3A_60 = arith.constant 0 : i32
    %ne3A_61 = vector.broadcast %ne3A_60 : i32 to vector<256x16xi32>
    %ne3A_62 = arith.cmpi ne, %rem3A_59, %ne3A_61 : vector<256x16xi32>
    %and3A_63 = arith.andi %ne3A_57, %ne3A_62 : vector<256x16xi1>
    %sub3A = arith.constant 1 : i32
    %sub3A_64 = vector.broadcast %sub3A : i32 to vector<256x16xi32>
    %sub3A_65 = arith.subi %div3A_40, %sub3A_64 : vector<256x16xi32>
    %select_n3A_66 = arith.select %and3A_63, %sub3A_65, %div3A_40 : vector<256x16xi1>, vector<256x16xi32>
    %iota3A_67 = tpu.iota {dimensions = array<i32: 1>} : vector<256x16xi32>
    %eq3A_68 = arith.cmpi eq, %select_n3A_66, %iota3A_67 : vector<256x16xi32>
    %convert_element_type3A_69 = arith.extui %eq3A_68 : vector<256x16xi1> to vector<256x16xi32>
    %convert_element_type3A_70 = arith.sitofp %convert_element_type3A_69 : vector<256x16xi32> to vector<256x16xf32>
    %dot_general3A_71 = arith.constant dense<0.000000e+00> : vector<2000x16xf32>
    %dot_general3A_72 = tpu.matmul %mul3A_37, %convert_element_type3A_70, %dot_general3A_71 {dimension_numbers = #tpu.dot_dimension_numbers<[1], [0], [0], [1], [0, 0, 1, 1], [], []>, transpose_lhs_hint = false} : vector<2000x256xf32>, vector<256x16xf32>, vector<2000x16xf32> -> vector<2000x16xf32>
    %reduce_max3A = arith.constant dense<0xFF800000> : vector<2000xf32>
    %reduce_max3A_73 = vector.multi_reduction <maximumf>, %dot_general3A_72, %reduce_max3A [1] : vector<2000x16xf32> to vector<2000xf32>
    %broadcast_in_dim3A = vector.shape_cast %reduce_max3A_73 : vector<2000xf32> to vector<2000x1xf32>
    %sub3A_74 = vector.broadcast %broadcast_in_dim3A : vector<2000x1xf32> to vector<2000x16xf32>
    %sub3A_75 = arith.subf %dot_general3A_72, %sub3A_74 : vector<2000x16xf32>
    %exp3A = math.exp %sub3A_75 : vector<2000x16xf32>
    %reduce_sum3A = arith.constant dense<0.000000e+00> : vector<2000xf32>
    %reduce_sum3A_76 = vector.multi_reduction <add>, %exp3A, %reduce_sum3A [1] : vector<2000x16xf32> to vector<2000xf32>
    %broadcast_in_dim3A_77 = vector.shape_cast %reduce_sum3A_76 : vector<2000xf32> to vector<2000x1xf32>
    %div3A_78 = vector.broadcast %broadcast_in_dim3A_77 : vector<2000x1xf32> to vector<2000x16xf32>
    %div3A_79 = arith.divf %exp3A, %div3A_78 : vector<2000x16xf32>
    %swap3A = arith.constant 0 : index
    %swap3A_80 = arith.constant 0 : index
    %swap3A_81 = vector.load %arg6[%swap3A, %swap3A_80] : memref<2000x16xf32, #tpu.memory_space<vmem>>, vector<2000x16xf32>
    tpu.vector_store %arg6[%swap3A, %swap3A_80], %div3A_79 {strides = array<i32>} : memref<2000x16xf32, #tpu.memory_space<vmem>>, vector<2000x16xf32>,
    %get3A_82 = arith.constant 0 : index
    %get3A_83 = arith.constant 0 : index
    %get3A_84 = vector.load %arg1[%get3A_82, %get3A_83] : memref<2000x256xf32, #tpu.memory_space<vmem>>, vector<2000x256xf32>
    %slice3A = vector.extract_strided_slice %get3A_84 {offsets = [0, 0], sizes = [2000, 128], strides = [1, 1]} : vector<2000x256xf32> to vector<2000x128xf32>
    %bitcast_convert_type3A = tpu.bitcast %slice3A : vector<2000x128xf32> -> vector<2000x128xi32>
    %add3A_85 = arith.constant 32767 : i32
    %add3A_86 = vector.broadcast %add3A_85 : i32 to vector<2000x128xi32>
    %add3A_87 = arith.addi %bitcast_convert_type3A, %add3A_86 : vector<2000x128xi32>
    %shift_right_logical3A = arith.constant 16 : i32
    %shift_right_logical3A_88 = vector.broadcast %shift_right_logical3A : i32 to vector<2000x128xi32>
    %shift_right_logical3A_89 = arith.shrui %bitcast_convert_type3A, %shift_right_logical3A_88 : vector<2000x128xi32>
    %and3A_90 = arith.constant 1 : i32
    %and3A_91 = vector.broadcast %and3A_90 : i32 to vector<2000x128xi32>
    %and3A_92 = arith.andi %shift_right_logical3A_89, %and3A_91 : vector<2000x128xi32>
    %add3A_93 = arith.addi %add3A_87, %and3A_92 : vector<2000x128xi32>
    %shift_right_logical3A_94 = arith.constant 16 : i32
    %shift_right_logical3A_95 = vector.broadcast %shift_right_logical3A_94 : i32 to vector<2000x128xi32>
    %shift_right_logical3A_96 = arith.shrui %add3A_93, %shift_right_logical3A_95 : vector<2000x128xi32>
    %slice3A_97 = vector.extract_strided_slice %get3A_84 {offsets = [0, 128], sizes = [2000, 128], strides = [1, 1]} : vector<2000x256xf32> to vector<2000x128xf32>
    %bitcast_convert_type3A_98 = tpu.bitcast %slice3A_97 : vector<2000x128xf32> -> vector<2000x128xi32>
    %add3A_99 = arith.constant 32767 : i32
    %add3A_100 = vector.broadcast %add3A_99 : i32 to vector<2000x128xi32>
    %add3A_101 = arith.addi %bitcast_convert_type3A_98, %add3A_100 : vector<2000x128xi32>
    %shift_right_logical3A_102 = arith.constant 16 : i32
    %shift_right_logical3A_103 = vector.broadcast %shift_right_logical3A_102 : i32 to vector<2000x128xi32>
    %shift_right_logical3A_104 = arith.shrui %bitcast_convert_type3A_98, %shift_right_logical3A_103 : vector<2000x128xi32>
    %and3A_105 = arith.constant 1 : i32
    %and3A_106 = vector.broadcast %and3A_105 : i32 to vector<2000x128xi32>
    %and3A_107 = arith.andi %shift_right_logical3A_104, %and3A_106 : vector<2000x128xi32>
    %add3A_108 = arith.addi %add3A_101, %and3A_107 : vector<2000x128xi32>
    %shift_right_logical3A_109 = arith.constant 16 : i32
    %shift_right_logical3A_110 = vector.broadcast %shift_right_logical3A_109 : i32 to vector<2000x128xi32>
    %shift_right_logical3A_111 = arith.shrui %add3A_108, %shift_right_logical3A_110 : vector<2000x128xi32>
    %shift_left3A = arith.constant 16 : i32
    %shift_left3A_112 = vector.broadcast %shift_left3A : i32 to vector<2000x128xi32>
    %shift_left3A_113 = arith.shli %shift_right_logical3A_111, %shift_left3A_112 : vector<2000x128xi32>
    %or3A = arith.ori %shift_right_logical3A_96, %shift_left3A_113 : vector<2000x128xi32>
    %swap3A_114 = arith.constant 0 : index
    %swap3A_115 = arith.constant 0 : index
    %swap3A_116 = vector.load %arg7[%swap3A_114, %swap3A_115] : memref<2000x128xi32, #tpu.memory_space<vmem>>, vector<2000x128xi32>
    tpu.vector_store %arg7[%swap3A_114, %swap3A_115], %or3A {strides = array<i32>} : memref<2000x128xi32, #tpu.memory_space<vmem>>, vector<2000x128xi32>,
    return
  }
  func.func @transform_0(%arg0: i32) -> (i32, i32) {
    %c0_i32 = arith.constant 0 : i32
    %c0_i32_0 = arith.constant 0 : i32
    return %arg0, %c0_i32 : i32, i32
  }
  func.func @transform_1(%arg0: i32) -> (i32, i32) {
    %c0_i32 = arith.constant 0 : i32
    %c0_i32_0 = arith.constant 0 : i32
    return %arg0, %c0_i32 : i32, i32
  }
  func.func @transform_2(%arg0: i32) -> (i32, i32) {
    %c0_i32 = arith.constant 0 : i32
    %c0_i32_0 = arith.constant 0 : i32
    return %arg0, %c0_i32 : i32, i32
  }
  func.func @transform_3(%arg0: i32) -> (i32, i32) {
    %c0_i32 = arith.constant 0 : i32
    %c0_i32_0 = arith.constant 0 : i32
    %c0_i32_1 = arith.constant 0 : i32
    return %c0_i32, %c0_i32_0 : i32, i32
  }
  func.func @transform_4(%arg0: i32) -> (i32, i32) {
    %c0_i32 = arith.constant 0 : i32
    %c0_i32_0 = arith.constant 0 : i32
    %c0_i32_1 = arith.constant 0 : i32
    return %c0_i32, %c0_i32_0 : i32, i32
  }
  func.func @transform_5(%arg0: i32) -> (i32, i32) {
    %c0_i32 = arith.constant 0 : i32
    %c0_i32_0 = arith.constant 0 : i32
    return %arg0, %c0_i32 : i32, i32
  }
  func.func @transform_6(%arg0: i32) -> (i32, i32) {
    %c0_i32 = arith.constant 0 : i32
    %c0_i32_0 = arith.constant 0 : i32
    return %arg0, %c0_i32 : i32, i32
  }
}

module attributes {stable_mosaic.version = 14 : i64} {
  func.func @_out_body(%arg0: i32, %arg1: memref<2000x256xf32, #tpu.memory_space<vmem>>, %arg2: memref<256x256xf32, #tpu.memory_space<vmem>>, %arg3: memref<2000x256xf32, #tpu.memory_space<vmem>>) attributes {dimension_semantics = [#tpu.dimension_semantics<arbitrary>], iteration_bounds = array<i64: 5>, scalar_prefetch = 0 : i64, scratch_operands = 0 : i64, tpu.core_type = #tpu.core_type<tc>, window_params = [{transform_indices = @transform_0, window_bounds = array<i64: 2000, 256>}, {pipeline_mode = #tpu.pipeline_mode<synchronous>, transform_indices = @transform_1, window_bounds = array<i64: 256, 256>}, {transform_indices = @transform_2, window_bounds = array<i64: 2000, 256>}]} {
    %get3A = arith.constant 0 : index
    %get3A_0 = arith.constant 0 : index
    %get3A_1 = vector.load %arg1[%get3A, %get3A_0] : memref<2000x256xf32, #tpu.memory_space<vmem>>, vector<2000x256xf32>
    %get3A_2 = arith.constant 0 : index
    %get3A_3 = arith.constant 0 : index
    %get3A_4 = vector.load %arg2[%get3A_2, %get3A_3] : memref<256x256xf32, #tpu.memory_space<vmem>>, vector<256x256xf32>
    %dot_general3A = arith.constant dense<0.000000e+00> : vector<2000x256xf32>
    %dot_general3A_5 = tpu.matmul %get3A_1, %get3A_4, %dot_general3A {dimension_numbers = #tpu.dot_dimension_numbers<[1], [0], [0], [1], [0, 0, 1, 1], [], []>, transpose_lhs_hint = false} : vector<2000x256xf32>, vector<256x256xf32>, vector<2000x256xf32> -> vector<2000x256xf32>
    %max3A = arith.constant 0.000000e+00 : f32
    %max3A_6 = vector.broadcast %max3A : f32 to vector<2000x256xf32>
    %max3A_7 = arith.maximumf %dot_general3A_5, %max3A_6 : vector<2000x256xf32>
    %swap3A = arith.constant 0 : index
    %swap3A_8 = arith.constant 0 : index
    %swap3A_9 = vector.load %arg3[%swap3A, %swap3A_8] : memref<2000x256xf32, #tpu.memory_space<vmem>>, vector<2000x256xf32>
    tpu.vector_store %arg3[%swap3A, %swap3A_8], %max3A_7 {strides = array<i32>} : memref<2000x256xf32, #tpu.memory_space<vmem>>, vector<2000x256xf32>,
    return
  }
  func.func @transform_0(%arg0: i32) -> (i32, i32) {
    %c0_i32 = arith.constant 0 : i32
    %c0_i32_0 = arith.constant 0 : i32
    return %arg0, %c0_i32 : i32, i32
  }
  func.func @transform_1(%arg0: i32) -> (i32, i32) {
    %c0_i32 = arith.constant 0 : i32
    %c0_i32_0 = arith.constant 0 : i32
    %c0_i32_1 = arith.constant 0 : i32
    return %c0_i32, %c0_i32_0 : i32, i32
  }
  func.func @transform_2(%arg0: i32) -> (i32, i32) {
    %c0_i32 = arith.constant 0 : i32
    %c0_i32_0 = arith.constant 0 : i32
    return %arg0, %c0_i32 : i32, i32
  }
}

</mosaic_0001>

<sc_bundles>
// kernel: kernel.5.cloned.1.call-start
scs
__scs_entry_jumppad:
0x0: {  	(pc) =	sbr.rel $0x88, $3  }
0x1: {  	(tag) =	ssettag $0x0;
	lr =	simm.s32 $0x1  }
0x2: {  	[smem:$0x3F9A] =	sst lr;
	_ =	strace $0xD0000000  }
0x3: {  	_ = 	snop  }
0x4: {  	_ = 	snop  }
0x5: {  	_ = 	snop  }
0x6: {  	_ = 	snop  }
0x7: {  	_ = 	snop  }
__scs_overlays_trampoline_lowered:
0x8: {  	[smem:$0x3FA9] =	sst s0  }
0x9: {  	[smem:$0x3FAA] =	sst s1  }
0xa: {  	[smem:$0x3FAB] =	sst s2  }
0xb: {  	[smem:$0x3FAC] =	sst s3  }
0xc: {  	[smem:$0x3FAD] =	sst s4  }
0xd: {  	[smem:$0x3FAE] =	sst s5  }
0xe: {  	[smem:$0x3FAF] =	sst s6  }
0xf: {  	[smem:$0x3FB0] =	sst s7  }
0x10: {  	[smem:$0x3FB1] =	sst s8  }
0x11: {  	[smem:$0x3FB2] =	sst s9;
	s0 =	simm.s32 @!p0 $0x0  }
0x12: {  	s1 =	sld [smem:$0x3F98];
	s0 =	simm.s32 @p0 $0x1  }
0x13: {  	[smem:$0x3FB3] =	sst s0;
	s0 =	simm.s32 @!p1 $0x0  }
0x14: {  	s2 =	sld [smem:$0x3F97];
	s0 =	simm.s32 @p1 $0x1  }
0x15: {  	[smem:$0x3FB4] =	sst s0;
	s0 =	simm.s32 @!p2 $0x0  }
0x16: {  	s3 =	sld [smem:$0x3FDB];
	s0 =	simm.s32 @p2 $0x1  }
0x17: {  	s4 =	simm.s32 $0x1BF5;
	[smem:$0x3FB6] =	sst s0  }
0x18: {  	s0 =	sld [smem:$0x3F99];
	_ =	swait.ge [sflag:s4], $0x0  }
0x19: {  	s7 =	sld [smem:$0x3F9A]  }
0x1a: {  	s8 =	sadd.s32 $0xFFFFE003, lr  }
0x1b: {  	s9 =	sadd.s32 $0xFFFFFEF7, lr;
	s5 =	simm.s32 $0xFFFFFFFF;
	p2 =	slt.u32 s8, $0xFFFFF086  }
0x1c: {  	p1 =	slt.u32 s9, $0xF7A;
	s5 =	simm.s32 @!p2 $0x0  }
0x1d: {  	s5 =	simm.s32 @p1 $0x1;
	p0 =	seq.s32 s7, s2  }
0x1e: {  	s7 =	smul.u32 @!p0 $0xF7A, s2;
	p2 =	seq.s32 @!p0 s5, $0x0  }
0x1f: {  	s9 =	smul.u32 $0xF7A, s1;
	s8 =	simm.s32 @!p0 $0x1BF5;
	p2 =	por !p2, p0  }
0x20: {  	[sflag:s8] =	ssyncset.s32 @!p0 $0xFFFFF086;
	s6 =	sadd.s32 @!p0 s3, s7;
	s7 =	simm.s32 @!p0 $0x108  }
0x21: {  	s3 =	sadd.s32 s3, s9;
	s6 =	sadd.s32 @!p0 $0x88, s6;
	s7 =	simm.s32 @p2 $0x1082  }
0x22: {  	[simem:s7], [sflag:s8] =	dma.local @!p0 [hbm:s6], $0xF7A  }
0x23: {  	s9 =	sor.u32 $0xD0000000, s2;
	s6 =	simm.s32 $0x108;
	_ =	swait.ge @!p0 [sflag:s8], $0x0  }
0x24: {  	s3 =	sadd.s32 $0x88, s3;
	s6 =	simm.s32 @!p1 $0x1082;
	[sflag:s4] =	ssyncset.s32 $0xFFFFF086  }
0x25: {  	[simem:s6], [sflag:s4] =	dma.local [hbm:s3], $0xF7A  }
0x26: {  	[smem:$0x3F9A] =	sst s1;
	(tag) =	ssettag s2;
	_ =	strace s9  }
0x27: {  	s1 =	sld [smem:$0x3FAA]  }
0x28: {  	s2 =	sld [smem:$0x3FAB]  }
0x29: {  	s4 =	sld [smem:$0x3FAD]  }
0x2a: {  	p0 =	seq.s32 s5, $0x0;
	s5 =	sld [smem:$0x3FAE]  }
0x2b: {  	s6 =	sld [smem:$0x3FAF]  }
0x2c: {  	s7 =	sld [smem:$0x3FB0]  }
0x2d: {  	s3 =	simm.s32 $0x108;
	s8 =	sld [smem:$0x3FB1]  }
0x2e: {  	s3 =	simm.s32 @!p0 $0x1082;
	s9 =	sld [smem:$0x3FB2]  }
0x2f: {  	lr =	sadd.s32 s0, s3;
	s0 =	sld [smem:$0x3FA9]  }
0x30: {  	s3 =	sld [smem:$0x3FAC]  }
0x31: {  	[smem:$0x3FB5] =	sst s10  }
0x32: {  	s10 =	sld [smem:$0x3FB3];
	_ =	sdelay $0x3  }
0x33: {  	p0 =	seq.s32 s10, $0x1;
	s10 =	sld [smem:$0x3FB5];
	_ =	sdelay $0x3  }
0x34: {  	[smem:$0x3FB5] =	sst s10  }
0x35: {  	s10 =	sld [smem:$0x3FB4];
	_ =	sdelay $0x3  }
0x36: {  	p1 =	seq.s32 s10, $0x1;
	s10 =	sld [smem:$0x3FB5];
	_ =	sdelay $0x3  }
0x37: {  	[smem:$0x3FB5] =	sst s10  }
0x38: {  	s10 =	sld [smem:$0x3FB6]  }
0x39: {  	_ = 	snop;
	(pc) =	sbr.ind lr, $3  }
0x3a: {  	_ = 	snop  }
0x3b: {  	_ = 	snop  }
0x3c: {  	p2 =	seq.s32 s10, $0x1;
	s10 =	sld [smem:$0x3FB5]  }
0x3d: {  	_ =	shalt  }
0x3e: {  	_ =	shalt  }
0x3f: {  	_ =	shalt  }
0x40: {  	_ =	shalt  }
0x41: {  	_ =	shalt  }
0x42: {  	_ =	shalt  }
0x43: {  	_ =	shalt  }
0x44: {  	_ =	shalt  }
0x45: {  	_ =	shalt  }
0x46: {  	_ =	shalt  }
0x47: {  	_ =	shalt  }
0x48: {  	_ =	shalt  }
0x49: {  	_ =	shalt  }
0x4a: {  	_ =	shalt  }
0x4b: {  	_ =	shalt  }
0x4c: {  	_ =	shalt  }
0x4d: {  	_ =	shalt  }
0x4e: {  	_ =	shalt  }
0x4f: {  	_ =	shalt  }
0x50: {  	_ =	shalt  }
0x51: {  	_ =	shalt  }
0x52: {  	_ =	shalt  }
0x53: {  	_ =	shalt  }
0x54: {  	_ =	shalt  }
0x55: {  	_ =	shalt  }
0x56: {  	_ =	shalt  }
0x57: {  	_ =	shalt  }
0x58: {  	_ =	shalt  }
0x59: {  	_ =	shalt  }
0x5a: {  	_ =	shalt  }
0x5b: {  	_ =	shalt  }
0x5c: {  	_ =	shalt  }
0x5d: {  	_ =	shalt  }
0x5e: {  	_ =	shalt  }
0x5f: {  	_ =	shalt  }
0x60: {  	_ =	shalt  }
0x61: {  	_ =	shalt  }
0x62: {  	_ =	shalt  }
0x63: {  	_ =	shalt  }
0x64: {  	_ =	shalt  }
0x65: {  	_ =	shalt  }
0x66: {  	_ =	shalt  }
0x67: {  	_ =	shalt  }
0x68: {  	_ =	shalt  }
0x69: {  	_ =	shalt  }
0x6a: {  	_ =	shalt  }
0x6b: {  	_ =	shalt  }
0x6c: {  	_ =	shalt  }
0x6d: {  	_ =	shalt  }
0x6e: {  	_ =	shalt  }
0x6f: {  	_ =	shalt  }
0x70: {  	_ =	shalt  }
0x71: {  	_ =	shalt  }
0x72: {  	_ =	shalt  }
0x73: {  	_ =	shalt  }
0x74: {  	_ =	shalt  }
0x75: {  	_ =	shalt  }
0x76: {  	_ =	shalt  }
0x77: {  	_ =	shalt  }
0x78: {  	_ =	shalt  }
0x79: {  	_ =	shalt  }
0x7a: {  	_ =	shalt  }
0x7b: {  	_ =	shalt  }
0x7c: {  	_ =	shalt  }
0x7d: {  	_ =	shalt  }
0x7e: {  	_ =	shalt  }
0x7f: {  	_ =	shalt  }
0x80: {  	_ =	shalt  }
0x81: {  	_ =	shalt  }
0x82: {  	_ =	shalt  }
0x83: {  	_ =	shalt  }
0x84: {  	_ =	shalt  }
0x85: {  	_ =	shalt  }
0x86: {  	_ =	shalt  }
0x87: {  	_ =	shalt  }
.Lfunc_end0:
.L_simem_size_0:
called_computation_lowered:
.L_overlay_start_0:
0x88: {  	s2 =	sld [smem:$0x3FD9]  }
0x89: {  	s3 =	sld [smem:$0x3FFE];
	_ =	sdelay $0x1  }
0x8a: {  	s1 =	srdreg.scid  }
0x8b: {  	s0 =	sand.u32 $0x1, s1  }
0x8c: {  	s17 =	sshll.u32 s0, $0xA;
	s2 =	sadd.s32 s3, s2  }
0x8d: {  	s2 =	sadd.s32 s2, s17  }
0x8e: {  	[smem:$0x3FC1] =	sst s2  }
0x8f: {  	_ = 	snop  }
0x90: {  	s2 =	sld [smem:$0x3FD0];
	(tm) =	ssettm $0x1  }
0x91: {  	s18 =	sld [smem:$0x3FFB];
	_ =	sdelay $0x3  }
0x92: {  	_ =	strace s18  }
0x93: {  	s3 =	sld [smem:$0x3FFC];
	_ =	sdelay $0x3  }
0x94: {  	_ =	strace s3  }
0x95: {  	s3 =	sld [smem:$0x3FFD];
	_ =	sdelay $0x3  }
0x96: {  	_ =	strace s3  }
0x97: {  	_ =	strace $0x8FFFFFFF  }
0x98: {  	s19 =	sld [smem:$0x3FDB];
	_ =	sdelay $0x1  }
0x99: {  	s4 =	simm.s32 $_scs_section_size  }
0x9a: {  	s5 =	simm.s32 $_size__tile_overlayer_lowered;
	s6 =	simm.s32 $_tile_overlayer_lowered  }
0x9b: {  	s22 =	simm.s32 $0x1BFF;
	s21 =	sshll.u32 s6, $0x1;
	s3 =	sadd.s32 s4, s19  }
0x9c: {  	s7 =	simm.s32 $0x0;
	s20 =	sshll.u32 s5, $0x1;
	s5 =	sadd.s32 s21, s3  }
0x9d: {  	[timem:s7], [sflag:s22] =	dma.local [hbm:s5], s20  }
0x9e: {  	_ =	swait.ge [sflag:s22], s20  }
0x9f: {  	s4 =	ssub.s32 $0x0, s20;
	[sflag:s22] =	ssyncset.done $0x0  }
0xa0: {  	[sflag:s22] =	ssyncadd.s32 s4;
	_ =	sdelay $0x1  }
0xa1: {  	s23 =	simm.s32 $0x1B8B  }
0xa2: {  	_ =	swait.ge [sflag:s23], $0x1  }
0xa3: {  	[sflag:s23] =	ssyncset.done $0x0  }
0xa4: {  	s25 =	simm.s32 $0x1B8E;
	s24 =	sld [smem:$0x3FFE];
	[sflag:s23] =	ssyncadd.s32 $0xFFFFFFFF  }
0xa5: {  	s26 =	simm.s32 $execute0_lowered;
	[smem:$0x3FD2] =	sst s25  }
0xa6: {  	s5 =	sshll.u32 s26, $0x1;
	_ =	strace $0x80000046;
	[dreg:$0x1] =	wrdreg $0xFFFFFFFF  }
0xa7: {  	s28 =	simm.s32 $_size_execute0_lowered;
	s3 =	sadd.s32 s3, s5;
	[dreg:$0x0] =	wrdreg $0x0  }
0xa8: {  	s5 =	sshll.u32 s28, $0x1;
	[dreg:$0x2] =	wrdreg s3  }
0xa9: {  	[dreg:$0x3] =	wrdreg s5  }
0xaa: {  	[dreg:$0x4] =	wrdreg $0xC0  }
0xab: {  	_ =	task [dreg:s7], $0x5FFFF  }
0xac: {  	[dreg:$0x1] =	wrdreg $0xFFFFFFFF  }
0xad: {  	[dreg:$0x0] =	wrdreg $0x60  }
0xae: {  	[dreg:$0x2] =	wrdreg s2  }
0xaf: {  	[dreg:$0x3] =	wrdreg s24  }
0xb0: {  	[dreg:$0x4] =	wrdreg $0xB8000  }
0xb1: {  	[dreg:$0x5] =	wrdreg $0x9  }
0xb2: {  	_ =	task.clear_ibuf [dreg:s7], $0x6FFFF;
	_ =	strace $0x90000046  }
0xb3: {  	s29 =	simm.s32 $0x9;
	_ =	strace $0x80000048  }
0xb4: {  	_ =	swait.ge [sflag:s29], $0x1  }
0xb5: {  	[sflag:s29] =	ssyncadd.s32 $0xFFFFFFFF  }
0xb6: {  	_ =	strace $0x90000048  }
0xb7: {  	_ =	sfence  }
0xb8: {  	s30 =	sld [smem:$0x0];
	_ =	sdelay $0x2  }
0xb9: {  	s31 =	sshll.u32 s1, $0xD;
	s1 =	sshrl.u32 s1, $0x2  }
0xba: {  	s3 =	sand.u32 $0x4000, s31;
	s1 =	sadd.s32 s1, s30  }
0xbb: {  	s0 =	sor.u32 s3, s0;
	s1 =	sshll.u32 s1, $0x11  }
0xbc: {  	s0 =	sor.u32 s1, s0  }
0xbd: {  	s0 =	sadd.s32 $0x8F2B, s0  }
0xbe: {  	[sflag:s0] =	ssyncadd.remote.s32 $0x1  }
0xbf: {  	_ =	sfence.sel $0xFFFF  }
0xc0: {  	[dreg:$0x0] =	wrdreg $0xFFFFFFFF;
	(pc) =	sbr.abs _section_cstart, $3  }
0xc1: {  	[dreg:$0x1] =	wrdreg $0xFFFFFFFF  }
0xc2: {  	_ =	task.clear_ibuf [dreg:s7], $0x2FFFF;
	_ =	strace $0x9FFFFFFF  }
0xc3: {  	(tm) =	ssettm $0x7FFFFFFF  }
tec
execute0_lowered:
.L_overlay_start_1:
0x0: {  	(tag) =	ssettag $0x1  }
0x1: {  	s0 =	rddreg [dreg:$0x0];
	s1 =	srdreg.scid  }
0x2: {  	s11 =	stileid.u32;
	s4 =	rddreg [dreg:$0x1]  }
0x3: {  	s2 =	rddreg [dreg:$0x2];
	s13 =	simm.s32 $0x5;
	s14 =	simm.s32 $0x80  }
0x4: {  	s16 =	simm.s32 $0x2800;
	s17 =	simm.s32 $0x6800;
	s18 =	simm.s32 $0x1  }
0x5: {  	s19 =	simm.s32 $0xA800;
	s20 =	simm.s32 $0x2;
	s21 =	simm.s32 $0xB000  }
0x6: {  	s22 =	simm.s32 $0x3;
	s23 =	simm.s32 $0x4;
	s24 =	simm.s32 $0x0  }
0x7: {  	s1 =	sand.u32 $0x1, s1;
	s3 =	sshll.u32 s11, $0x1;
	s29 =	smul.u32 $0x4F000, s11  }
0x8: {  	s28 =	sshrl.u32 s11, $0x2;
	s9 =	smul.u32 $0x2780, s11;
	s31 =	sshll.u32 s11, $0x6  }
0x9: {  	s10 =	sor.u32 s1, s3;
	s5 =	smul.u32 $0xA000, s28;
	s3 =	simm.s32 $0x0  }
0xa: {  	s1 =	ssub.s32 $0x2, s1;
	s6 =	sshll.u32 s10, $0x7;
	s7 =	smul.u32 $0x280, s10  }
0xb: {  	[smem:$0x7FF] =	sst s3;
	s30 =	sshrl.u32 s1, $0x1;
	s6 =	sand.u32 $0x380, s6  }
0xc: {  	v0 =	vimm.s32 $0x0;
	_ =	strace $0x80000047;
	s1 =	ssub.s32 s1, s30;
	s5 =	sor.u32 s5, s6  }
.Ltmp0:
0xd: {  	v1 =	vimm.s32 $0x1;
	v2 =	vimm.s32 $0x2;
	v3 =	vimm.s32 $0x3;
	s7 =	sadd.s32 s7, s4;
	s6 =	sor.u32 $0x1C05, s31;
	(pc) =	sbr.rel .LBB2_1-.Ltmp0, $4  }
0xe: {  	v4 =	vimm.s32 $0x4;
	v5 =	vimm.s32 $0x5;
	v6 =	vimm.s32 $0x6;
	s11 =	smax.u32 s1, $0x1;
	s5 =	sshrl.u32 s5, $0x3;
	s7 =	sadd.s32 $0x6400, s7  }
0xf: {  	v7 =	vimm.s32 $0x7;
	v8 =	vimm.s32 $0x8;
	v9 =	vimm.s32 $0x9;
	s8 =	sadd.s32 s5, s4;
	s4 =	sadd.s32 $0xB400, s4;
	s5 =	sshrl.u32 s29, $0x2  }
0x10: {  	v10 =	vimm.s32 $0xA;
	v11 =	vimm.s32 $0xB;
	v12 =	vimm.s32 $0xC;
	s12 =	sadd.s32 s5, s2;
	s5 =	sadd.s32 s0, s9;
	s9 =	smul.u32 $0x14000, s10  }
0x11: {  	v13 =	vimm.s32 $0xD;
	v14 =	vimm.s32 $0xE;
	v15 =	vimm.s32 $0xF;
	s8 =	sadd.s32 $0x1400, s8;
	s10 =	smul.u32 $0x28, s10;
	s12 =	sshrl.u32 s12, $0x3  }
.LBB2_8:
0x12: {  	s24 =	sadd.s32 $0x1, s24  }
0x13: {  	_ =	swait.ge [sflag:s22], $0x800;
	p0 =	sne.s32 s24, s11  }
.Ltmp1:
0x14: {  	[sflag:s22] =	ssyncset.done $0x0;
	(pc) =	sbr.rel @!p0 .LBB2_9-.Ltmp1, $4  }
0x15: {  	[sflag:s22] =	ssyncadd.s32 $0xFFFFF800  }
0x16: {  	_ =	swait.ge [sflag:s23], $0x800  }
0x17: {  	[sflag:s23] =	ssyncset.done $0x0  }
0x18: {  	[sflag:s23] =	ssyncadd.s32 $0xFFFFF800  }
.LBB2_1:
0x19: {  	[spmem:s12], [sflag:s6] =	dma.local [hbm:s5], $0x2780  }
0x1a: {  	_ =	swait.ge [sflag:s13], $0x2780  }
0x1b: {  	[sflag:s13] =	ssyncset.done $0x0  }
0x1c: {  	[sflag:s13] =	ssyncadd.s32 $0xFFFFD880  }
0x1d: {  	[tilespmem:s3], [sflag:$0x5] =	stream.linear.gather [hbm4b:s7+s3], $0x1400, $0x38;
	[tilespmem:$0x1F400] =	vst v63  }
0x1e: {  	_ =	swait.ge [sflag:s13], $0x1400  }
0x1f: {  	[sflag:s13] =	ssyncset.done $0x0  }
0x20: {  	s25 =	simm.s32 $0x1400;
	s0 =	simm.s32 $0x400;
	[sflag:s13] =	ssyncadd.s32 $0xFFFFEC00  }
0x21: {  	[tilespmem:s25], [sflag:$0x5] =	stream.strided.gather [hbm4b:s8+s14], $0x1400, s0, s14, $0x38;
	[tilespmem:$0x1F400] =	vst v63  }
0x22: {  	_ =	swait.ge [sflag:s13], $0x1400  }
0x23: {  	[sflag:s13] =	ssyncset.done $0x0  }
0x24: {  	[sflag:s13] =	ssyncadd.s32 $0xFFFFEC00  }
0x25: {  	[bflag:$0x0] =	sbarrier.arrive $0xFFFF  }
0x26: {  	[tilespmem:s16], [sflag:$0x1] =	stream.indirect.gather [spmem:s2], $0x80, s3, s14, $0xb8;
	[tilespmem:$0x1F400] =	vst v63  }
0x27: {  	s26 =	simm.s32 $0x1480;
	s28 =	simm.s32 $0x0  }
0x28: {  	[tilespmem:s17], [sflag:$0x2] =	stream.indirect.gather [spmem:s2], $0x80, s14, s14, $0xb8;
	[tilespmem:$0x1F400] =	vst v63  }
.LBB2_2:
0x29: {  	_ =	swait.ge [sflag:s18], $0x4000  }
0x2a: {  	p0 =	seq.s32 s28, $0x0;
	[sflag:s18] =	ssyncset.done $0x0  }
0x2b: {  	s0 =	simm.s32 @!p0 $0x3;
	[sflag:s18] =	ssyncadd.s32 $0xFFFFC000  }
0x2c: {  	s30 =	sshll.u32 s28, $0x1;
	_ =	swait.ge @!p0 [sflag:s0], $0x800  }
0x2d: {  	s29 =	sshll.u32 s28, $0xA;
	s31 =	simm.s32 $0x0;
	[sflag:s0] =	ssyncset.done @!p0 $0x0  }
0x2e: {  	s1 =	simm.s32 $0xAC00;
	v16 =	vmov s25;
	[sflag:s0] =	ssyncadd.s32 @!p0 $0xFFFFF800;
	s0 =	simm.s32 $0x2C00  }
.LBB2_3:
0x2f: {  	v33 =	vld [tilespmem:s0+$0xFFFFFC00]  }
0x30: {  	v34 =	vld [tilespmem:s0+$0xFFFFFC80]  }
0x31: {  	v35 =	vld [tilespmem:s0+$0xFFFFFD00]  }
0x32: {  	v37 =	vld [tilespmem:s0+$0xFFFFFD80]  }
0x33: {  	v39 =	vld [tilespmem:s0+$0xFFFFFE00]  }
0x34: {  	s15 =	sshra.s32 s31, $0x2;
	v60 =	vld [tilespmem:s0+$0xFFFFFE80]  }
0x35: {  	v17 =	vld.idx.msk [tilespmem:v16+s15+$0x0 ss:$0x1], $0xffff  }
0x36: {  	v63 =	vld [tilespmem:s0+$0xFFFFFF00]  }
0x37: {  	v47 =	vld [tilespmem:s0+$0xFFFFFF80];
	v36 =	vshll.u32 v33, $0x10;
	v33 =	vand.u32 $0xFFFF0000, v33;
	v38 =	vshll.u32 v34, $0x10  }
0x38: {  	v34 =	vand.u32 $0xFFFF0000, v34;
	v40 =	vshll.u32 v35, $0x10;
	v35 =	vand.u32 $0xFFFF0000, v35  }
0x39: {  	v62 =	vshll.u32 v37, $0x10;
	v37 =	vand.u32 $0xFFFF0000, v37;
	v45 =	vshll.u32 v39, $0x10  }
0x3a: {  	v46 =	vand.u32 $0xFFFF0000, v39;
	v49 =	vshll.u32 v60, $0x10;
	v32 =	vperm.xlane v17, v0  }
0x3b: {  	v50 =	vand.u32 $0xFFFF0000, v60;
	v53 =	vshll.u32 v63, $0x10;
	v54 =	vand.u32 $0xFFFF0000, v63  }
0x3c: {  	v57 =	vshll.u32 v47, $0x10;
	v31 =	vperm.xlane v17, v1;
	v36 =	vmul.f32 v36, v32  }
0x3d: {  	v58 =	vand.u32 $0xFFFF0000, v47;
	v30 =	vperm.xlane v17, v2;
	v33 =	vmul.f32 v33, v32  }
0x3e: {  	v29 =	vperm.xlane v17, v3;
	v38 =	vmul.f32 v38, v31;
	v36 =	vadd.f32 $0.0e+00, v36  }
0x3f: {  	v28 =	vperm.xlane v17, v4;
	v34 =	vmul.f32 v34, v31;
	v33 =	vadd.f32 $0.0e+00, v33  }
0x40: {  	v27 =	vperm.xlane v17, v5;
	v59 =	vmul.f32 v40, v30;
	v36 =	vadd.f32 v38, v36  }
0x41: {  	v26 =	vperm.xlane v17, v6;
	v61 =	vmul.f32 v35, v30;
	v33 =	vadd.f32 v34, v33  }
0x42: {  	v25 =	vperm.xlane v17, v7;
	v35 =	vmul.f32 v62, v29;
	v36 =	vadd.f32 v59, v36  }
0x43: {  	v24 =	vperm.xlane v17, v8;
	v44 =	vmul.f32 v37, v29;
	v33 =	vadd.f32 v61, v33  }
0x44: {  	v23 =	vperm.xlane v17, v9;
	v37 =	vmul.f32 v45, v28;
	v35 =	vadd.f32 v35, v36  }
0x45: {  	v22 =	vperm.xlane v17, v10;
	v48 =	vmul.f32 v46, v28;
	v33 =	vadd.f32 v44, v33  }
0x46: {  	v51 =	vld [tilespmem:s0+$0x0];
	v21 =	vperm.xlane v17, v11;
	v36 =	vmul.f32 v49, v27;
	v35 =	vadd.f32 v37, v35  }
0x47: {  	v20 =	vperm.xlane v17, v12;
	v52 =	vmul.f32 v50, v27;
	v33 =	vadd.f32 v48, v33  }
0x48: {  	v55 =	vld [tilespmem:s0+$0x80];
	v19 =	vperm.xlane v17, v13;
	v37 =	vmul.f32 v53, v26;
	v35 =	vadd.f32 v36, v35  }
0x49: {  	v18 =	vperm.xlane v17, v14;
	v56 =	vmul.f32 v54, v26;
	v33 =	vadd.f32 v52, v33  }
0x4a: {  	v17 =	vperm.xlane v17, v15;
	v59 =	vld [tilespmem:s0+$0x100];
	v36 =	vmul.f32 v57, v25;
	v35 =	vadd.f32 v37, v35  }
0x4b: {  	v60 =	vmul.f32 v58, v25;
	v61 =	vshll.u32 v51, $0x10;
	v33 =	vadd.f32 v56, v33  }
0x4c: {  	v63 =	vld [tilespmem:s0+$0x180];
	v62 =	vand.u32 $0xFFFF0000, v51;
	v37 =	vmul.f32 v61, v24;
	v35 =	vadd.f32 v36, v35  }
0x4d: {  	v43 =	vmul.f32 v62, v24;
	v44 =	vshll.u32 v55, $0x10;
	v33 =	vadd.f32 v60, v33  }
0x4e: {  	v45 =	vand.u32 $0xFFFF0000, v55;
	v46 =	vld [tilespmem:s0+$0x200];
	v36 =	vmul.f32 v44, v23;
	v35 =	vadd.f32 v37, v35  }
0x4f: {  	v47 =	vmul.f32 v45, v23;
	v48 =	vshll.u32 v59, $0x10;
	v33 =	vadd.f32 v43, v33  }
0x50: {  	v50 =	vld [tilespmem:s0+$0x280];
	v49 =	vand.u32 $0xFFFF0000, v59;
	v37 =	vmul.f32 v48, v22;
	v35 =	vadd.f32 v36, v35  }
0x51: {  	v51 =	vmul.f32 v49, v22;
	v52 =	vshll.u32 v63, $0x10;
	v33 =	vadd.f32 v47, v33  }
0x52: {  	v54 =	vld [tilespmem:s0+$0x300];
	v53 =	vand.u32 $0xFFFF0000, v63;
	v36 =	vmul.f32 v52, v21;
	v35 =	vadd.f32 v37, v35  }
0x53: {  	v55 =	vmul.f32 v53, v21;
	v56 =	vshll.u32 v46, $0x10;
	v33 =	vadd.f32 v51, v33  }
0x54: {  	v58 =	vld [tilespmem:s0+$0x380];
	v57 =	vand.u32 $0xFFFF0000, v46;
	v37 =	vmul.f32 v56, v20;
	v35 =	vadd.f32 v36, v35  }
0x55: {  	v59 =	vmul.f32 v57, v20;
	v60 =	vshll.u32 v50, $0x10;
	v33 =	vadd.f32 v55, v33  }
0x56: {  	v61 =	vand.u32 $0xFFFF0000, v50;
	v36 =	vmul.f32 v60, v19;
	v35 =	vadd.f32 v37, v35  }
0x57: {  	v63 =	vshll.u32 v54, $0x10;
	v62 =	vmul.f32 v61, v19;
	v33 =	vadd.f32 v59, v33  }
0x58: {  	v40 =	vand.u32 $0xFFFF0000, v54;
	v37 =	vmul.f32 v63, v18;
	v35 =	vadd.f32 v36, v35  }
0x59: {  	v42 =	vshll.u32 v58, $0x10;
	v41 =	vmul.f32 v40, v18;
	v33 =	vadd.f32 v62, v33  }
0x5a: {  	v43 =	vand.u32 $0xFFFF0000, v58;
	v36 =	vmul.f32 v42, v17;
	v35 =	vadd.f32 v37, v35  }
0x5b: {  	v44 =	vmul.f32 v43, v17;
	v33 =	vadd.f32 v41, v33  }
0x5c: {  	v35 =	vadd.f32 v36, v35  }
0x5d: {  	v33 =	vadd.f32 v44, v33  }
0x5e: {  	[tilespmem:s1+$0xFFFFFC00] =	vst v35  }
0x5f: {  	[tilespmem:s1+$0x0] =	vst v33  }
0x60: {  	v33 =	vld [tilespmem:s0+$0xFFFFFC10];
	_ =	sdelay $0x1  }
0x61: {  	v45 =	vld [tilespmem:s0+$0xFFFFFC90];
	_ =	sdelay $0x1  }
0x62: {  	v35 =	vld [tilespmem:s0+$0xFFFFFD10]  }
0x63: {  	v46 =	vshll.u32 v33, $0x10  }
0x64: {  	v47 =	vld [tilespmem:s0+$0xFFFFFD90];
	v33 =	vand.u32 $0xFFFF0000, v33;
	v36 =	vmul.f32 v46, v32  }
0x65: {  	v48 =	vshll.u32 v45, $0x10;
	v33 =	vmul.f32 v33, v32  }
0x66: {  	v49 =	vld [tilespmem:s0+$0xFFFFFE10];
	v34 =	vand.u32 $0xFFFF0000, v45;
	v38 =	vmul.f32 v48, v31;
	v36 =	vadd.f32 $0.0e+00, v36  }
0x67: {  	v50 =	vshll.u32 v35, $0x10;
	v34 =	vmul.f32 v34, v31;
	v33 =	vadd.f32 $0.0e+00, v33  }
0x68: {  	v52 =	vld [tilespmem:s0+$0xFFFFFE90];
	v35 =	vand.u32 $0xFFFF0000, v35;
	v51 =	vmul.f32 v50, v30;
	v36 =	vadd.f32 v38, v36  }
0x69: {  	v54 =	vshll.u32 v47, $0x10;
	v53 =	vmul.f32 v35, v30;
	v33 =	vadd.f32 v34, v33  }
0x6a: {  	v55 =	vld [tilespmem:s0+$0xFFFFFF10];
	v37 =	vand.u32 $0xFFFF0000, v47;
	v35 =	vmul.f32 v54, v29;
	v36 =	vadd.f32 v51, v36  }
0x6b: {  	v57 =	vshll.u32 v49, $0x10;
	v56 =	vmul.f32 v37, v29;
	v33 =	vadd.f32 v53, v33  }
0x6c: {  	v59 =	vld [tilespmem:s0+$0xFFFFFF90];
	v58 =	vand.u32 $0xFFFF0000, v49;
	v37 =	vmul.f32 v57, v28;
	v35 =	vadd.f32 v35, v36  }
0x6d: {  	v61 =	vshll.u32 v52, $0x10;
	v60 =	vmul.f32 v58, v28;
	v33 =	vadd.f32 v56, v33  }
0x6e: {  	v63 =	vld [tilespmem:s0+$0x10];
	v62 =	vand.u32 $0xFFFF0000, v52;
	v36 =	vmul.f32 v61, v27;
	v35 =	vadd.f32 v37, v35  }
0x6f: {  	v44 =	vshll.u32 v55, $0x10;
	v43 =	vmul.f32 v62, v27;
	v33 =	vadd.f32 v60, v33  }
0x70: {  	v45 =	vand.u32 $0xFFFF0000, v55;
	v46 =	vld [tilespmem:s0+$0x90];
	v37 =	vmul.f32 v44, v26;
	v35 =	vadd.f32 v36, v35  }
0x71: {  	v47 =	vmul.f32 v45, v26;
	v48 =	vshll.u32 v59, $0x10;
	v33 =	vadd.f32 v43, v33  }
0x72: {  	v49 =	vand.u32 $0xFFFF0000, v59;
	v50 =	vld [tilespmem:s0+$0x110];
	v36 =	vmul.f32 v48, v25;
	v35 =	vadd.f32 v37, v35  }
0x73: {  	v52 =	vshll.u32 v63, $0x10;
	v51 =	vmul.f32 v49, v25;
	v33 =	vadd.f32 v47, v33  }
0x74: {  	v54 =	vld [tilespmem:s0+$0x190];
	v53 =	vand.u32 $0xFFFF0000, v63;
	v37 =	vmul.f32 v52, v24;
	v35 =	vadd.f32 v36, v35  }
0x75: {  	v55 =	vmul.f32 v53, v24;
	v56 =	vshll.u32 v46, $0x10;
	v33 =	vadd.f32 v51, v33  }
0x76: {  	v58 =	vld [tilespmem:s0+$0x210];
	v57 =	vand.u32 $0xFFFF0000, v46;
	v36 =	vmul.f32 v56, v23;
	v35 =	vadd.f32 v37, v35  }
0x77: {  	v59 =	vmul.f32 v57, v23;
	v60 =	vshll.u32 v50, $0x10;
	v33 =	vadd.f32 v55, v33  }
0x78: {  	v62 =	vld [tilespmem:s0+$0x290];
	v61 =	vand.u32 $0xFFFF0000, v50;
	v37 =	vmul.f32 v60, v22;
	v35 =	vadd.f32 v36, v35  }
0x79: {  	v63 =	vmul.f32 v61, v22;
	v44 =	vshll.u32 v54, $0x10;
	v33 =	vadd.f32 v59, v33  }
0x7a: {  	v45 =	vand.u32 $0xFFFF0000, v54;
	v46 =	vld [tilespmem:s0+$0x310];
	v36 =	vmul.f32 v44, v21;
	v35 =	vadd.f32 v37, v35  }
0x7b: {  	v48 =	vshll.u32 v58, $0x10;
	v47 =	vmul.f32 v45, v21;
	v33 =	vadd.f32 v63, v33  }
0x7c: {  	v49 =	vand.u32 $0xFFFF0000, v58;
	v50 =	vld [tilespmem:s0+$0x390];
	v37 =	vmul.f32 v48, v20;
	v35 =	vadd.f32 v36, v35  }
0x7d: {  	v52 =	vshll.u32 v62, $0x10;
	v51 =	vmul.f32 v49, v20;
	v33 =	vadd.f32 v47, v33  }
0x7e: {  	v53 =	vand.u32 $0xFFFF0000, v62;
	v36 =	vmul.f32 v52, v19;
	v35 =	vadd.f32 v37, v35  }
0x7f: {  	v54 =	vmul.f32 v53, v19;
	v55 =	vshll.u32 v46, $0x10;
	v33 =	vadd.f32 v51, v33  }
0x80: {  	v56 =	vand.u32 $0xFFFF0000, v46;
	v37 =	vmul.f32 v55, v18;
	v35 =	vadd.f32 v36, v35  }
0x81: {  	v58 =	vshll.u32 v50, $0x10;
	v57 =	vmul.f32 v56, v18;
	v33 =	vadd.f32 v54, v33  }
0x82: {  	v59 =	vand.u32 $0xFFFF0000, v50;
	v36 =	vmul.f32 v58, v17;
	v35 =	vadd.f32 v37, v35  }
0x83: {  	v60 =	vmul.f32 v59, v17;
	v33 =	vadd.f32 v57, v33  }
0x84: {  	v35 =	vadd.f32 v36, v35  }
0x85: {  	v33 =	vadd.f32 v60, v33  }
0x86: {  	[tilespmem:s1+$0xFFFFFC10] =	vst v35  }
0x87: {  	[tilespmem:s1+$0x10] =	vst v33  }
0x88: {  	v33 =	vld [tilespmem:s0+$0xFFFFFC20];
	_ =	sdelay $0x1  }
0x89: {  	v61 =	vld [tilespmem:s0+$0xFFFFFCA0];
	_ =	sdelay $0x1  }
0x8a: {  	v35 =	vld [tilespmem:s0+$0xFFFFFD20]  }
0x8b: {  	v62 =	vshll.u32 v33, $0x10  }
0x8c: {  	v63 =	vld [tilespmem:s0+$0xFFFFFDA0];
	v33 =	vand.u32 $0xFFFF0000, v33;
	v36 =	vmul.f32 v62, v32  }
0x8d: {  	v44 =	vshll.u32 v61, $0x10;
	v33 =	vmul.f32 v33, v32  }
0x8e: {  	v45 =	vld [tilespmem:s0+$0xFFFFFE20];
	v34 =	vand.u32 $0xFFFF0000, v61;
	v38 =	vmul.f32 v44, v31;
	v36 =	vadd.f32 $0.0e+00, v36  }
0x8f: {  	v46 =	vshll.u32 v35, $0x10;
	v34 =	vmul.f32 v34, v31;
	v33 =	vadd.f32 $0.0e+00, v33  }
0x90: {  	v48 =	vld [tilespmem:s0+$0xFFFFFEA0];
	v35 =	vand.u32 $0xFFFF0000, v35;
	v47 =	vmul.f32 v46, v30;
	v36 =	vadd.f32 v38, v36  }
0x91: {  	v50 =	vshll.u32 v63, $0x10;
	v49 =	vmul.f32 v35, v30;
	v33 =	vadd.f32 v34, v33  }
0x92: {  	v51 =	vld [tilespmem:s0+$0xFFFFFF20];
	v37 =	vand.u32 $0xFFFF0000, v63;
	v35 =	vmul.f32 v50, v29;
	v36 =	vadd.f32 v47, v36  }
0x93: {  	v53 =	vshll.u32 v45, $0x10;
	v52 =	vmul.f32 v37, v29;
	v33 =	vadd.f32 v49, v33  }
0x94: {  	v55 =	vld [tilespmem:s0+$0xFFFFFFA0];
	v54 =	vand.u32 $0xFFFF0000, v45;
	v37 =	vmul.f32 v53, v28;
	v35 =	vadd.f32 v35, v36  }
0x95: {  	v57 =	vshll.u32 v48, $0x10;
	v56 =	vmul.f32 v54, v28;
	v33 =	vadd.f32 v52, v33  }
0x96: {  	v59 =	vld [tilespmem:s0+$0x20];
	v58 =	vand.u32 $0xFFFF0000, v48;
	v36 =	vmul.f32 v57, v27;
	v35 =	vadd.f32 v37, v35  }
0x97: {  	v61 =	vshll.u32 v51, $0x10;
	v60 =	vmul.f32 v58, v27;
	v33 =	vadd.f32 v56, v33  }
0x98: {  	v63 =	vld [tilespmem:s0+$0xA0];
	v62 =	vand.u32 $0xFFFF0000, v51;
	v37 =	vmul.f32 v61, v26;
	v35 =	vadd.f32 v36, v35  }
0x99: {  	v43 =	vshll.u32 v55, $0x10;
	v42 =	vmul.f32 v62, v26;
	v33 =	vadd.f32 v60, v33  }
0x9a: {  	v45 =	vld [tilespmem:s0+$0x120];
	v44 =	vand.u32 $0xFFFF0000, v55;
	v36 =	vmul.f32 v43, v25;
	v35 =	vadd.f32 v37, v35  }
0x9b: {  	v46 =	vmul.f32 v44, v25;
	v47 =	vshll.u32 v59, $0x10;
	v33 =	vadd.f32 v42, v33  }
0x9c: {  	v48 =	vand.u32 $0xFFFF0000, v59;
	v49 =	vld [tilespmem:s0+$0x1A0];
	v37 =	vmul.f32 v47, v24;
	v35 =	vadd.f32 v36, v35  }
0x9d: {  	v50 =	vmul.f32 v48, v24;
	v51 =	vshll.u32 v63, $0x10;
	v33 =	vadd.f32 v46, v33  }
0x9e: {  	v53 =	vld [tilespmem:s0+$0x220];
	v52 =	vand.u32 $0xFFFF0000, v63;
	v36 =	vmul.f32 v51, v23;
	v35 =	vadd.f32 v37, v35  }
0x9f: {  	v55 =	vshll.u32 v45, $0x10;
	v54 =	vmul.f32 v52, v23;
	v33 =	vadd.f32 v50, v33  }
0xa0: {  	v57 =	vld [tilespmem:s0+$0x2A0];
	v56 =	vand.u32 $0xFFFF0000, v45;
	v37 =	vmul.f32 v55, v22;
	v35 =	vadd.f32 v36, v35  }
0xa1: {  	v58 =	vmul.f32 v56, v22;
	v59 =	vshll.u32 v49, $0x10;
	v33 =	vadd.f32 v54, v33  }
0xa2: {  	v61 =	vld [tilespmem:s0+$0x320];
	v60 =	vand.u32 $0xFFFF0000, v49;
	v36 =	vmul.f32 v59, v21;
	v35 =	vadd.f32 v37, v35  }
0xa3: {  	v63 =	vshll.u32 v53, $0x10;
	v62 =	vmul.f32 v60, v21;
	v33 =	vadd.f32 v58, v33  }
0xa4: {  	v41 =	vand.u32 $0xFFFF0000, v53;
	v42 =	vld [tilespmem:s0+$0x3A0];
	v37 =	vmul.f32 v63, v20;
	v35 =	vadd.f32 v36, v35  }
0xa5: {  	v43 =	vmul.f32 v41, v20;
	v44 =	vshll.u32 v57, $0x10;
	v33 =	vadd.f32 v62, v33  }
0xa6: {  	v45 =	vand.u32 $0xFFFF0000, v57;
	v36 =	vmul.f32 v44, v19;
	v35 =	vadd.f32 v37, v35  }
0xa7: {  	v47 =	vshll.u32 v61, $0x10;
	v46 =	vmul.f32 v45, v19;
	v33 =	vadd.f32 v43, v33  }
0xa8: {  	v48 =	vand.u32 $0xFFFF0000, v61;
	v37 =	vmul.f32 v47, v18;
	v35 =	vadd.f32 v36, v35  }
0xa9: {  	v49 =	vmul.f32 v48, v18;
	v50 =	vshll.u32 v42, $0x10;
	v33 =	vadd.f32 v46, v33  }
0xaa: {  	v51 =	vand.u32 $0xFFFF0000, v42;
	v36 =	vmul.f32 v50, v17;
	v35 =	vadd.f32 v37, v35  }
0xab: {  	v52 =	vmul.f32 v51, v17;
	v33 =	vadd.f32 v49, v33  }
0xac: {  	v35 =	vadd.f32 v36, v35  }
0xad: {  	v33 =	vadd.f32 v52, v33  }
0xae: {  	[tilespmem:s1+$0xFFFFFC20] =	vst v35  }
0xaf: {  	[tilespmem:s1+$0x20] =	vst v33  }
0xb0: {  	v33 =	vld [tilespmem:s0+$0xFFFFFC30];
	_ =	sdelay $0x1  }
0xb1: {  	v53 =	vld [tilespmem:s0+$0xFFFFFCB0];
	_ =	sdelay $0x1  }
0xb2: {  	v35 =	vld [tilespmem:s0+$0xFFFFFD30]  }
0xb3: {  	v54 =	vshll.u32 v33, $0x10  }
0xb4: {  	v55 =	vld [tilespmem:s0+$0xFFFFFDB0];
	v33 =	vand.u32 $0xFFFF0000, v33;
	v36 =	vmul.f32 v54, v32  }
0xb5: {  	v56 =	vshll.u32 v53, $0x10;
	v33 =	vmul.f32 v33, v32  }
0xb6: {  	v57 =	vld [tilespmem:s0+$0xFFFFFE30];
	v34 =	vand.u32 $0xFFFF0000, v53;
	v38 =	vmul.f32 v56, v31;
	v36 =	vadd.f32 $0.0e+00, v36  }
0xb7: {  	v58 =	vshll.u32 v35, $0x10;
	v34 =	vmul.f32 v34, v31;
	v33 =	vadd.f32 $0.0e+00, v33  }
0xb8: {  	v60 =	vld [tilespmem:s0+$0xFFFFFEB0];
	v35 =	vand.u32 $0xFFFF0000, v35;
	v59 =	vmul.f32 v58, v30;
	v36 =	vadd.f32 v38, v36  }
0xb9: {  	v62 =	vshll.u32 v55, $0x10;
	v61 =	vmul.f32 v35, v30;
	v33 =	vadd.f32 v34, v33  }
0xba: {  	v63 =	vld [tilespmem:s0+$0xFFFFFF30];
	v37 =	vand.u32 $0xFFFF0000, v55;
	v35 =	vmul.f32 v62, v29;
	v36 =	vadd.f32 v59, v36  }
0xbb: {  	v45 =	vshll.u32 v57, $0x10;
	v44 =	vmul.f32 v37, v29;
	v33 =	vadd.f32 v61, v33  }
0xbc: {  	v47 =	vld [tilespmem:s0+$0xFFFFFFB0];
	v46 =	vand.u32 $0xFFFF0000, v57;
	v37 =	vmul.f32 v45, v28;
	v35 =	vadd.f32 v35, v36  }
0xbd: {  	v49 =	vshll.u32 v60, $0x10;
	v48 =	vmul.f32 v46, v28;
	v33 =	vadd.f32 v44, v33  }
0xbe: {  	v51 =	vld [tilespmem:s0+$0x30];
	v50 =	vand.u32 $0xFFFF0000, v60;
	v36 =	vmul.f32 v49, v27;
	v35 =	vadd.f32 v37, v35  }
0xbf: {  	v53 =	vshll.u32 v63, $0x10;
	v52 =	vmul.f32 v50, v27;
	v33 =	vadd.f32 v48, v33  }
0xc0: {  	v55 =	vld [tilespmem:s0+$0xB0];
	v54 =	vand.u32 $0xFFFF0000, v63;
	v37 =	vmul.f32 v53, v26;
	v35 =	vadd.f32 v36, v35  }
0xc1: {  	v57 =	vshll.u32 v47, $0x10;
	v56 =	vmul.f32 v54, v26;
	v33 =	vadd.f32 v52, v33  }
0xc2: {  	v58 =	vand.u32 $0xFFFF0000, v47;
	v59 =	vld [tilespmem:s0+$0x130];
	v36 =	vmul.f32 v57, v25;
	v35 =	vadd.f32 v37, v35  }
0xc3: {  	v60 =	vmul.f32 v58, v25;
	v61 =	vshll.u32 v51, $0x10;
	v33 =	vadd.f32 v56, v33  }
0xc4: {  	v62 =	vand.u32 $0xFFFF0000, v51;
	v63 =	vld [tilespmem:s0+$0x1B0];
	v37 =	vmul.f32 v61, v24;
	v35 =	vadd.f32 v36, v35  }
0xc5: {  	v43 =	vmul.f32 v62, v24;
	v44 =	vshll.u32 v55, $0x10;
	v33 =	vadd.f32 v60, v33  }
0xc6: {  	v46 =	vld [tilespmem:s0+$0x230];
	v45 =	vand.u32 $0xFFFF0000, v55;
	v36 =	vmul.f32 v44, v23;
	v35 =	vadd.f32 v37, v35  }
0xc7: {  	v47 =	vmul.f32 v45, v23;
	v48 =	vshll.u32 v59, $0x10;
	v33 =	vadd.f32 v43, v33  }
0xc8: {  	v50 =	vld [tilespmem:s0+$0x2B0];
	v49 =	vand.u32 $0xFFFF0000, v59;
	v37 =	vmul.f32 v48, v22;
	v35 =	vadd.f32 v36, v35  }
0xc9: {  	v51 =	vmul.f32 v49, v22;
	v52 =	vshll.u32 v63, $0x10;
	v33 =	vadd.f32 v47, v33  }
0xca: {  	v54 =	vld [tilespmem:s0+$0x330];
	v53 =	vand.u32 $0xFFFF0000, v63;
	v36 =	vmul.f32 v52, v21;
	v35 =	vadd.f32 v37, v35  }
0xcb: {  	v55 =	vmul.f32 v53, v21;
	v56 =	vshll.u32 v46, $0x10;
	v33 =	vadd.f32 v51, v33  }
0xcc: {  	v58 =	vld [tilespmem:s0+$0x3B0];
	v57 =	vand.u32 $0xFFFF0000, v46;
	v37 =	vmul.f32 v56, v20;
	v35 =	vadd.f32 v36, v35  }
0xcd: {  	v59 =	vmul.f32 v57, v20;
	v60 =	vshll.u32 v50, $0x10;
	v33 =	vadd.f32 v55, v33  }
0xce: {  	v61 =	vand.u32 $0xFFFF0000, v50;
	v36 =	vmul.f32 v60, v19;
	v35 =	vadd.f32 v37, v35  }
0xcf: {  	v63 =	vshll.u32 v54, $0x10;
	v62 =	vmul.f32 v61, v19;
	v33 =	vadd.f32 v59, v33  }
0xd0: {  	v40 =	vand.u32 $0xFFFF0000, v54;
	v37 =	vmul.f32 v63, v18;
	v35 =	vadd.f32 v36, v35  }
0xd1: {  	v42 =	vshll.u32 v58, $0x10;
	v41 =	vmul.f32 v40, v18;
	v33 =	vadd.f32 v62, v33  }
0xd2: {  	v43 =	vand.u32 $0xFFFF0000, v58;
	v36 =	vmul.f32 v42, v17;
	v35 =	vadd.f32 v37, v35  }
0xd3: {  	v44 =	vmul.f32 v43, v17;
	v33 =	vadd.f32 v41, v33  }
0xd4: {  	v35 =	vadd.f32 v36, v35  }
0xd5: {  	v33 =	vadd.f32 v44, v33  }
0xd6: {  	[tilespmem:s1+$0xFFFFFC30] =	vst v35  }
0xd7: {  	[tilespmem:s1+$0x30] =	vst v33  }
0xd8: {  	v33 =	vld [tilespmem:s0+$0xFFFFFC40];
	_ =	sdelay $0x1  }
0xd9: {  	v45 =	vld [tilespmem:s0+$0xFFFFFCC0];
	_ =	sdelay $0x1  }
0xda: {  	v35 =	vld [tilespmem:s0+$0xFFFFFD40]  }
0xdb: {  	v46 =	vshll.u32 v33, $0x10  }
0xdc: {  	v47 =	vld [tilespmem:s0+$0xFFFFFDC0];
	v33 =	vand.u32 $0xFFFF0000, v33;
	v36 =	vmul.f32 v46, v32  }
0xdd: {  	v48 =	vshll.u32 v45, $0x10;
	v33 =	vmul.f32 v33, v32  }
0xde: {  	v49 =	vld [tilespmem:s0+$0xFFFFFE40];
	v34 =	vand.u32 $0xFFFF0000, v45;
	v38 =	vmul.f32 v48, v31;
	v36 =	vadd.f32 $0.0e+00, v36  }
0xdf: {  	v50 =	vshll.u32 v35, $0x10;
	v34 =	vmul.f32 v34, v31;
	v33 =	vadd.f32 $0.0e+00, v33  }
0xe0: {  	v52 =	vld [tilespmem:s0+$0xFFFFFEC0];
	v35 =	vand.u32 $0xFFFF0000, v35;
	v51 =	vmul.f32 v50, v30;
	v36 =	vadd.f32 v38, v36  }
0xe1: {  	v54 =	vshll.u32 v47, $0x10;
	v53 =	vmul.f32 v35, v30;
	v33 =	vadd.f32 v34, v33  }
0xe2: {  	v55 =	vld [tilespmem:s0+$0xFFFFFF40];
	v37 =	vand.u32 $0xFFFF0000, v47;
	v35 =	vmul.f32 v54, v29;
	v36 =	vadd.f32 v51, v36  }
0xe3: {  	v57 =	vshll.u32 v49, $0x10;
	v56 =	vmul.f32 v37, v29;
	v33 =	vadd.f32 v53, v33  }
0xe4: {  	v59 =	vld [tilespmem:s0+$0xFFFFFFC0];
	v58 =	vand.u32 $0xFFFF0000, v49;
	v37 =	vmul.f32 v57, v28;
	v35 =	vadd.f32 v35, v36  }
0xe5: {  	v61 =	vshll.u32 v52, $0x10;
	v60 =	vmul.f32 v58, v28;
	v33 =	vadd.f32 v56, v33  }
0xe6: {  	v63 =	vld [tilespmem:s0+$0x40];
	v62 =	vand.u32 $0xFFFF0000, v52;
	v36 =	vmul.f32 v61, v27;
	v35 =	vadd.f32 v37, v35  }
0xe7: {  	v44 =	vshll.u32 v55, $0x10;
	v43 =	vmul.f32 v62, v27;
	v33 =	vadd.f32 v60, v33  }
0xe8: {  	v45 =	vand.u32 $0xFFFF0000, v55;
	v46 =	vld [tilespmem:s0+$0xC0];
	v37 =	vmul.f32 v44, v26;
	v35 =	vadd.f32 v36, v35  }
0xe9: {  	v47 =	vmul.f32 v45, v26;
	v48 =	vshll.u32 v59, $0x10;
	v33 =	vadd.f32 v43, v33  }
0xea: {  	v49 =	vand.u32 $0xFFFF0000, v59;
	v50 =	vld [tilespmem:s0+$0x140];
	v36 =	vmul.f32 v48, v25;
	v35 =	vadd.f32 v37, v35  }
0xeb: {  	v52 =	vshll.u32 v63, $0x10;
	v51 =	vmul.f32 v49, v25;
	v33 =	vadd.f32 v47, v33  }
0xec: {  	v54 =	vld [tilespmem:s0+$0x1C0];
	v53 =	vand.u32 $0xFFFF0000, v63;
	v37 =	vmul.f32 v52, v24;
	v35 =	vadd.f32 v36, v35  }
0xed: {  	v55 =	vmul.f32 v53, v24;
	v56 =	vshll.u32 v46, $0x10;
	v33 =	vadd.f32 v51, v33  }
0xee: {  	v58 =	vld [tilespmem:s0+$0x240];
	v57 =	vand.u32 $0xFFFF0000, v46;
	v36 =	vmul.f32 v56, v23;
	v35 =	vadd.f32 v37, v35  }
0xef: {  	v59 =	vmul.f32 v57, v23;
	v60 =	vshll.u32 v50, $0x10;
	v33 =	vadd.f32 v55, v33  }
0xf0: {  	v62 =	vld [tilespmem:s0+$0x2C0];
	v61 =	vand.u32 $0xFFFF0000, v50;
	v37 =	vmul.f32 v60, v22;
	v35 =	vadd.f32 v36, v35  }
0xf1: {  	v63 =	vmul.f32 v61, v22;
	v44 =	vshll.u32 v54, $0x10;
	v33 =	vadd.f32 v59, v33  }
0xf2: {  	v45 =	vand.u32 $0xFFFF0000, v54;
	v46 =	vld [tilespmem:s0+$0x340];
	v36 =	vmul.f32 v44, v21;
	v35 =	vadd.f32 v37, v35  }
0xf3: {  	v48 =	vshll.u32 v58, $0x10;
	v47 =	vmul.f32 v45, v21;
	v33 =	vadd.f32 v63, v33  }
0xf4: {  	v49 =	vand.u32 $0xFFFF0000, v58;
	v50 =	vld [tilespmem:s0+$0x3C0];
	v37 =	vmul.f32 v48, v20;
	v35 =	vadd.f32 v36, v35  }
0xf5: {  	v52 =	vshll.u32 v62, $0x10;
	v51 =	vmul.f32 v49, v20;
	v33 =	vadd.f32 v47, v33  }
0xf6: {  	v53 =	vand.u32 $0xFFFF0000, v62;
	v36 =	vmul.f32 v52, v19;
	v35 =	vadd.f32 v37, v35  }
0xf7: {  	v54 =	vmul.f32 v53, v19;
	v55 =	vshll.u32 v46, $0x10;
	v33 =	vadd.f32 v51, v33  }
0xf8: {  	v56 =	vand.u32 $0xFFFF0000, v46;
	v37 =	vmul.f32 v55, v18;
	v35 =	vadd.f32 v36, v35  }
0xf9: {  	v58 =	vshll.u32 v50, $0x10;
	v57 =	vmul.f32 v56, v18;
	v33 =	vadd.f32 v54, v33  }
0xfa: {  	v59 =	vand.u32 $0xFFFF0000, v50;
	v36 =	vmul.f32 v58, v17;
	v35 =	vadd.f32 v37, v35  }
0xfb: {  	v60 =	vmul.f32 v59, v17;
	v33 =	vadd.f32 v57, v33  }
0xfc: {  	v35 =	vadd.f32 v36, v35  }
0xfd: {  	v33 =	vadd.f32 v60, v33  }
0xfe: {  	[tilespmem:s1+$0xFFFFFC40] =	vst v35  }
0xff: {  	[tilespmem:s1+$0x40] =	vst v33  }
0x100: {  	v33 =	vld [tilespmem:s0+$0xFFFFFC50];
	_ =	sdelay $0x1  }
0x101: {  	v61 =	vld [tilespmem:s0+$0xFFFFFCD0];
	_ =	sdelay $0x1  }
0x102: {  	v35 =	vld [tilespmem:s0+$0xFFFFFD50]  }
0x103: {  	v62 =	vshll.u32 v33, $0x10  }
0x104: {  	v63 =	vld [tilespmem:s0+$0xFFFFFDD0];
	v33 =	vand.u32 $0xFFFF0000, v33;
	v36 =	vmul.f32 v62, v32  }
0x105: {  	v44 =	vshll.u32 v61, $0x10;
	v33 =	vmul.f32 v33, v32  }
0x106: {  	v45 =	vld [tilespmem:s0+$0xFFFFFE50];
	v34 =	vand.u32 $0xFFFF0000, v61;
	v38 =	vmul.f32 v44, v31;
	v36 =	vadd.f32 $0.0e+00, v36  }
0x107: {  	v46 =	vshll.u32 v35, $0x10;
	v34 =	vmul.f32 v34, v31;
	v33 =	vadd.f32 $0.0e+00, v33  }
0x108: {  	v48 =	vld [tilespmem:s0+$0xFFFFFED0];
	v35 =	vand.u32 $0xFFFF0000, v35;
	v47 =	vmul.f32 v46, v30;
	v36 =	vadd.f32 v38, v36  }
0x109: {  	v50 =	vshll.u32 v63, $0x10;
	v49 =	vmul.f32 v35, v30;
	v33 =	vadd.f32 v34, v33  }
0x10a: {  	v51 =	vld [tilespmem:s0+$0xFFFFFF50];
	v37 =	vand.u32 $0xFFFF0000, v63;
	v35 =	vmul.f32 v50, v29;
	v36 =	vadd.f32 v47, v36  }
0x10b: {  	v53 =	vshll.u32 v45, $0x10;
	v52 =	vmul.f32 v37, v29;
	v33 =	vadd.f32 v49, v33  }
0x10c: {  	v55 =	vld [tilespmem:s0+$0xFFFFFFD0];
	v54 =	vand.u32 $0xFFFF0000, v45;
	v37 =	vmul.f32 v53, v28;
	v35 =	vadd.f32 v35, v36  }
0x10d: {  	v57 =	vshll.u32 v48, $0x10;
	v56 =	vmul.f32 v54, v28;
	v33 =	vadd.f32 v52, v33  }
0x10e: {  	v59 =	vld [tilespmem:s0+$0x50];
	v58 =	vand.u32 $0xFFFF0000, v48;
	v36 =	vmul.f32 v57, v27;
	v35 =	vadd.f32 v37, v35  }
0x10f: {  	v61 =	vshll.u32 v51, $0x10;
	v60 =	vmul.f32 v58, v27;
	v33 =	vadd.f32 v56, v33  }
0x110: {  	v63 =	vld [tilespmem:s0+$0xD0];
	v62 =	vand.u32 $0xFFFF0000, v51;
	v37 =	vmul.f32 v61, v26;
	v35 =	vadd.f32 v36, v35  }
0x111: {  	v45 =	vshll.u32 v55, $0x10;
	v44 =	vmul.f32 v62, v26;
	v33 =	vadd.f32 v60, v33  }
0x112: {  	v46 =	vand.u32 $0xFFFF0000, v55;
	v47 =	vld [tilespmem:s0+$0x150];
	v36 =	vmul.f32 v45, v25;
	v35 =	vadd.f32 v37, v35  }
0x113: {  	v48 =	vmul.f32 v46, v25;
	v49 =	vshll.u32 v59, $0x10;
	v33 =	vadd.f32 v44, v33  }
0x114: {  	v50 =	vand.u32 $0xFFFF0000, v59;
	v51 =	vld [tilespmem:s0+$0x1D0];
	v37 =	vmul.f32 v49, v24;
	v35 =	vadd.f32 v36, v35  }
0x115: {  	v53 =	vshll.u32 v63, $0x10;
	v52 =	vmul.f32 v50, v24;
	v33 =	vadd.f32 v48, v33  }
0x116: {  	v55 =	vld [tilespmem:s0+$0x250];
	v54 =	vand.u32 $0xFFFF0000, v63;
	v36 =	vmul.f32 v53, v23;
	v35 =	vadd.f32 v37, v35  }
0x117: {  	v56 =	vmul.f32 v54, v23;
	v57 =	vshll.u32 v47, $0x10;
	v33 =	vadd.f32 v52, v33  }
0x118: {  	v59 =	vld [tilespmem:s0+$0x2D0];
	v58 =	vand.u32 $0xFFFF0000, v47;
	v37 =	vmul.f32 v57, v22;
	v35 =	vadd.f32 v36, v35  }
0x119: {  	v61 =	vshll.u32 v51, $0x10;
	v60 =	vmul.f32 v58, v22;
	v33 =	vadd.f32 v56, v33  }
0x11a: {  	v63 =	vld [tilespmem:s0+$0x350];
	v62 =	vand.u32 $0xFFFF0000, v51;
	v36 =	vmul.f32 v61, v21;
	v35 =	vadd.f32 v37, v35  }
0x11b: {  	v43 =	vshll.u32 v55, $0x10;
	v42 =	vmul.f32 v62, v21;
	v33 =	vadd.f32 v60, v33  }
0x11c: {  	v45 =	vld [tilespmem:s0+$0x3D0];
	v44 =	vand.u32 $0xFFFF0000, v55;
	v37 =	vmul.f32 v43, v20;
	v35 =	vadd.f32 v36, v35  }
0x11d: {  	v47 =	vshll.u32 v59, $0x10;
	v46 =	vmul.f32 v44, v20;
	v33 =	vadd.f32 v42, v33  }
0x11e: {  	v48 =	vand.u32 $0xFFFF0000, v59;
	v36 =	vmul.f32 v47, v19;
	v35 =	vadd.f32 v37, v35  }
0x11f: {  	v50 =	vshll.u32 v63, $0x10;
	v49 =	vmul.f32 v48, v19;
	v33 =	vadd.f32 v46, v33  }
0x120: {  	v51 =	vand.u32 $0xFFFF0000, v63;
	v37 =	vmul.f32 v50, v18;
	v35 =	vadd.f32 v36, v35  }
0x121: {  	v53 =	vshll.u32 v45, $0x10;
	v52 =	vmul.f32 v51, v18;
	v33 =	vadd.f32 v49, v33  }
0x122: {  	v54 =	vand.u32 $0xFFFF0000, v45;
	v36 =	vmul.f32 v53, v17;
	v35 =	vadd.f32 v37, v35  }
0x123: {  	v55 =	vmul.f32 v54, v17;
	v33 =	vadd.f32 v52, v33  }
0x124: {  	v35 =	vadd.f32 v36, v35  }
0x125: {  	v33 =	vadd.f32 v55, v33  }
0x126: {  	[tilespmem:s1+$0xFFFFFC50] =	vst v35  }
0x127: {  	[tilespmem:s1+$0x50] =	vst v33  }
0x128: {  	v33 =	vld [tilespmem:s0+$0xFFFFFC60];
	_ =	sdelay $0x1  }
0x129: {  	v56 =	vld [tilespmem:s0+$0xFFFFFCE0];
	_ =	sdelay $0x1  }
0x12a: {  	v35 =	vld [tilespmem:s0+$0xFFFFFD60]  }
0x12b: {  	v57 =	vshll.u32 v33, $0x10  }
0x12c: {  	v58 =	vld [tilespmem:s0+$0xFFFFFDE0];
	v33 =	vand.u32 $0xFFFF0000, v33;
	v36 =	vmul.f32 v57, v32  }
0x12d: {  	v59 =	vshll.u32 v56, $0x10;
	v33 =	vmul.f32 v33, v32  }
0x12e: {  	v60 =	vld [tilespmem:s0+$0xFFFFFE60];
	v34 =	vand.u32 $0xFFFF0000, v56;
	v38 =	vmul.f32 v59, v31;
	v36 =	vadd.f32 $0.0e+00, v36  }
0x12f: {  	v61 =	vshll.u32 v35, $0x10;
	v34 =	vmul.f32 v34, v31;
	v33 =	vadd.f32 $0.0e+00, v33  }
0x130: {  	v63 =	vld [tilespmem:s0+$0xFFFFFEE0];
	v35 =	vand.u32 $0xFFFF0000, v35;
	v62 =	vmul.f32 v61, v30;
	v36 =	vadd.f32 v38, v36  }
0x131: {  	v45 =	vshll.u32 v58, $0x10;
	v44 =	vmul.f32 v35, v30;
	v33 =	vadd.f32 v34, v33  }
0x132: {  	v46 =	vld [tilespmem:s0+$0xFFFFFF60];
	v37 =	vand.u32 $0xFFFF0000, v58;
	v35 =	vmul.f32 v45, v29;
	v36 =	vadd.f32 v62, v36  }
0x133: {  	v48 =	vshll.u32 v60, $0x10;
	v47 =	vmul.f32 v37, v29;
	v33 =	vadd.f32 v44, v33  }
0x134: {  	v50 =	vld [tilespmem:s0+$0xFFFFFFE0];
	v49 =	vand.u32 $0xFFFF0000, v60;
	v37 =	vmul.f32 v48, v28;
	v35 =	vadd.f32 v35, v36  }
0x135: {  	v52 =	vshll.u32 v63, $0x10;
	v51 =	vmul.f32 v49, v28;
	v33 =	vadd.f32 v47, v33  }
0x136: {  	v54 =	vld [tilespmem:s0+$0x60];
	v53 =	vand.u32 $0xFFFF0000, v63;
	v36 =	vmul.f32 v52, v27;
	v35 =	vadd.f32 v37, v35  }
0x137: {  	v56 =	vshll.u32 v46, $0x10;
	v55 =	vmul.f32 v53, v27;
	v33 =	vadd.f32 v51, v33  }
0x138: {  	v58 =	vld [tilespmem:s0+$0xE0];
	v57 =	vand.u32 $0xFFFF0000, v46;
	v37 =	vmul.f32 v56, v26;
	v35 =	vadd.f32 v36, v35  }
0x139: {  	v60 =	vshll.u32 v50, $0x10;
	v59 =	vmul.f32 v57, v26;
	v33 =	vadd.f32 v55, v33  }
0x13a: {  	v61 =	vand.u32 $0xFFFF0000, v50;
	v62 =	vld [tilespmem:s0+$0x160];
	v36 =	vmul.f32 v60, v25;
	v35 =	vadd.f32 v37, v35  }
0x13b: {  	v43 =	vshll.u32 v54, $0x10;
	v63 =	vmul.f32 v61, v25;
	v33 =	vadd.f32 v59, v33  }
0x13c: {  	v45 =	vld [tilespmem:s0+$0x1E0];
	v44 =	vand.u32 $0xFFFF0000, v54;
	v37 =	vmul.f32 v43, v24;
	v35 =	vadd.f32 v36, v35  }
0x13d: {  	v46 =	vmul.f32 v44, v24;
	v47 =	vshll.u32 v58, $0x10;
	v33 =	vadd.f32 v63, v33  }
0x13e: {  	v49 =	vld [tilespmem:s0+$0x260];
	v48 =	vand.u32 $0xFFFF0000, v58;
	v36 =	vmul.f32 v47, v23;
	v35 =	vadd.f32 v37, v35  }
0x13f: {  	v50 =	vmul.f32 v48, v23;
	v51 =	vshll.u32 v62, $0x10;
	v33 =	vadd.f32 v46, v33  }
0x140: {  	v53 =	vld [tilespmem:s0+$0x2E0];
	v52 =	vand.u32 $0xFFFF0000, v62;
	v37 =	vmul.f32 v51, v22;
	v35 =	vadd.f32 v36, v35  }
0x141: {  	v54 =	vmul.f32 v52, v22;
	v55 =	vshll.u32 v45, $0x10;
	v33 =	vadd.f32 v50, v33  }
0x142: {  	v57 =	vld [tilespmem:s0+$0x360];
	v56 =	vand.u32 $0xFFFF0000, v45;
	v36 =	vmul.f32 v55, v21;
	v35 =	vadd.f32 v37, v35  }
0x143: {  	v58 =	vmul.f32 v56, v21;
	v59 =	vshll.u32 v49, $0x10;
	v33 =	vadd.f32 v54, v33  }
0x144: {  	v61 =	vld [tilespmem:s0+$0x3E0];
	v60 =	vand.u32 $0xFFFF0000, v49;
	v37 =	vmul.f32 v59, v20;
	v35 =	vadd.f32 v36, v35  }
0x145: {  	v62 =	vmul.f32 v60, v20;
	v63 =	vshll.u32 v53, $0x10;
	v33 =	vadd.f32 v58, v33  }
0x146: {  	v41 =	vand.u32 $0xFFFF0000, v53;
	v36 =	vmul.f32 v63, v19;
	v35 =	vadd.f32 v37, v35  }
0x147: {  	v42 =	vmul.f32 v41, v19;
	v43 =	vshll.u32 v57, $0x10;
	v33 =	vadd.f32 v62, v33  }
0x148: {  	v44 =	vand.u32 $0xFFFF0000, v57;
	v37 =	vmul.f32 v43, v18;
	v35 =	vadd.f32 v36, v35  }
0x149: {  	v45 =	vmul.f32 v44, v18;
	v46 =	vshll.u32 v61, $0x10;
	v33 =	vadd.f32 v42, v33  }
0x14a: {  	v47 =	vand.u32 $0xFFFF0000, v61;
	v36 =	vmul.f32 v46, v17;
	v35 =	vadd.f32 v37, v35  }
0x14b: {  	v48 =	vmul.f32 v47, v17;
	v33 =	vadd.f32 v45, v33  }
0x14c: {  	v35 =	vadd.f32 v36, v35  }
0x14d: {  	v33 =	vadd.f32 v48, v33  }
0x14e: {  	[tilespmem:s1+$0xFFFFFC60] =	vst v35  }
0x14f: {  	[tilespmem:s1+$0x60] =	vst v33  }
0x150: {  	v33 =	vld [tilespmem:s0+$0xFFFFFC70];
	_ =	sdelay $0x1  }
0x151: {  	v49 =	vld [tilespmem:s0+$0xFFFFFCF0];
	_ =	sdelay $0x1  }
0x152: {  	v35 =	vld [tilespmem:s0+$0xFFFFFD70]  }
0x153: {  	v50 =	vshll.u32 v33, $0x10  }
0x154: {  	v51 =	vld [tilespmem:s0+$0xFFFFFDF0];
	v33 =	vand.u32 $0xFFFF0000, v33;
	v36 =	vmul.f32 v50, v32  }
0x155: {  	v52 =	vshll.u32 v49, $0x10;
	v32 =	vmul.f32 v33, v32  }
0x156: {  	v53 =	vld [tilespmem:s0+$0xFFFFFE70];
	v34 =	vand.u32 $0xFFFF0000, v49;
	v33 =	vmul.f32 v52, v31;
	v36 =	vadd.f32 $0.0e+00, v36  }
0x157: {  	v54 =	vshll.u32 v35, $0x10;
	v31 =	vmul.f32 v34, v31;
	v32 =	vadd.f32 $0.0e+00, v32  }
0x158: {  	v55 =	vld [tilespmem:s0+$0xFFFFFEF0];
	v35 =	vand.u32 $0xFFFF0000, v35;
	v34 =	vmul.f32 v54, v30;
	v33 =	vadd.f32 v33, v36  }
0x159: {  	v56 =	vshll.u32 v51, $0x10;
	v30 =	vmul.f32 v35, v30;
	v31 =	vadd.f32 v31, v32  }
0x15a: {  	v58 =	vld [tilespmem:s0+$0xFFFFFF70];
	v57 =	vand.u32 $0xFFFF0000, v51;
	v32 =	vmul.f32 v56, v29;
	v33 =	vadd.f32 v34, v33  }
0x15b: {  	v59 =	vshll.u32 v53, $0x10;
	v29 =	vmul.f32 v57, v29;
	v30 =	vadd.f32 v30, v31  }
0x15c: {  	v61 =	vld [tilespmem:s0+$0xFFFFFFF0];
	v60 =	vand.u32 $0xFFFF0000, v53;
	v31 =	vmul.f32 v59, v28;
	v32 =	vadd.f32 v32, v33  }
0x15d: {  	v62 =	vshll.u32 v55, $0x10;
	v28 =	vmul.f32 v60, v28;
	v29 =	vadd.f32 v29, v30  }
0x15e: {  	v63 =	vand.u32 $0xFFFF0000, v55;
	v36 =	vld [tilespmem:s0+$0x70];
	v30 =	vmul.f32 v62, v27;
	v31 =	vadd.f32 v31, v32  }
0x15f: {  	v37 =	vshll.u32 v58, $0x10;
	v27 =	vmul.f32 v63, v27;
	v28 =	vadd.f32 v28, v29  }
0x160: {  	v39 =	vld [tilespmem:s0+$0xF0];
	v38 =	vand.u32 $0xFFFF0000, v58;
	v29 =	vmul.f32 v37, v26;
	v30 =	vadd.f32 v30, v31  }
0x161: {  	v40 =	vshll.u32 v61, $0x10;
	v26 =	vmul.f32 v38, v26;
	v27 =	vadd.f32 v27, v28  }
0x162: {  	v42 =	vld [tilespmem:s0+$0x170];
	v41 =	vand.u32 $0xFFFF0000, v61;
	v28 =	vmul.f32 v40, v25;
	v29 =	vadd.f32 v29, v30  }
0x163: {  	v43 =	vshll.u32 v36, $0x10;
	v25 =	vmul.f32 v41, v25;
	v26 =	vadd.f32 v26, v27  }
0x164: {  	v45 =	vld [tilespmem:s0+$0x1F0];
	v44 =	vand.u32 $0xFFFF0000, v36;
	v27 =	vmul.f32 v43, v24;
	v28 =	vadd.f32 v28, v29  }
0x165: {  	v46 =	vshll.u32 v39, $0x10;
	v24 =	vmul.f32 v44, v24;
	v25 =	vadd.f32 v25, v26  }
0x166: {  	v48 =	vld [tilespmem:s0+$0x270];
	v47 =	vand.u32 $0xFFFF0000, v39;
	v26 =	vmul.f32 v46, v23;
	v27 =	vadd.f32 v27, v28  }
0x167: {  	v49 =	vshll.u32 v42, $0x10;
	v23 =	vmul.f32 v47, v23;
	v24 =	vadd.f32 v24, v25  }
0x168: {  	v51 =	vld [tilespmem:s0+$0x2F0];
	v50 =	vand.u32 $0xFFFF0000, v42;
	v25 =	vmul.f32 v49, v22;
	v26 =	vadd.f32 v26, v27  }
0x169: {  	v52 =	vshll.u32 v45, $0x10;
	v22 =	vmul.f32 v50, v22;
	v23 =	vadd.f32 v23, v24  }
0x16a: {  	v53 =	vand.u32 $0xFFFF0000, v45;
	v54 =	vld [tilespmem:s0+$0x370];
	v24 =	vmul.f32 v52, v21;
	v25 =	vadd.f32 v25, v26  }
0x16b: {  	v55 =	vshll.u32 v48, $0x10;
	v21 =	vmul.f32 v53, v21;
	v22 =	vadd.f32 v22, v23  }
0x16c: {  	v56 =	vand.u32 $0xFFFF0000, v48;
	v57 =	vld [tilespmem:s0+$0x3F0];
	v23 =	vmul.f32 v55, v20;
	v24 =	vadd.f32 v24, v25  }
0x16d: {  	v58 =	vshll.u32 v51, $0x10;
	v20 =	vmul.f32 v56, v20;
	v21 =	vadd.f32 v21, v22  }
0x16e: {  	v59 =	vand.u32 $0xFFFF0000, v51;
	v22 =	vmul.f32 v58, v19;
	v23 =	vadd.f32 v23, v24  }
0x16f: {  	v60 =	vshll.u32 v54, $0x10;
	v19 =	vmul.f32 v59, v19;
	v20 =	vadd.f32 v20, v21  }
0x170: {  	v61 =	vand.u32 $0xFFFF0000, v54;
	v21 =	vmul.f32 v60, v18;
	v22 =	vadd.f32 v22, v23  }
0x171: {  	v62 =	vshll.u32 v57, $0x10;
	v18 =	vmul.f32 v61, v18;
	v19 =	vadd.f32 v19, v20  }
0x172: {  	p1 =	sne.s32 s31, $0x1C0;
	v63 =	vand.u32 $0xFFFF0000, v57;
	v20 =	vmul.f32 v62, v17;
	v21 =	vadd.f32 v21, v22  }
.Ltmp2:
0x173: {  	v17 =	vmul.f32 v63, v17;
	v18 =	vadd.f32 v18, v19;
	(pc) =	sbr.rel @p1 .LBB2_3-.Ltmp2, $4  }
0x174: {  	v19 =	vadd.f32 v20, v21  }
0x175: {  	v17 =	vadd.f32 v17, v18  }
0x176: {  	[tilespmem:s1+$0xFFFFFC70] =	vst v19  }
0x177: {  	s31 =	sadd.s32 $0x40, s31;
	s0 =	sadd.s32 $0x800, s0;
	[tilespmem:s1+$0x70] =	vst v17;
	s1 =	sadd.s32 $0x80, s1  }
0x178: {  	s0 =	sshll.u32 s28, $0xC  }
0x179: {  	s0 =	sadd.s32 s9, s0  }
0x17a: {  	s0 =	sshrl.u32 s0, $0x3  }
0x17b: {  	p1 =	seq.s32 s28, $0x13;
	s0 =	sadd.s32 s4, s0  }
0x17c: {  	[hbm4b:s0+s3] =	stream.linear.scatter [tilespmem:s19], [sflag:$0x3], $0x800, $0x38;
	[tilespmem:$0x1F400] =	vst v63  }
0x17d: {  	s0 =	sshrl.u32 @!p1 s29, $0x2  }
0x17e: {  	s1 =	simm.s32 @!p1 $0x80;
	s15 =	simm.s32 @!p1 $0x2800;
	s0 =	sadd.s32 @!p1 $0x100, s0  }
0x17f: {  	[tilespmem:s15], [sflag:$0x1] =	stream.indirect.gather @!p1 [spmem:s2], $0x80, s0, s1, $0xb8;
	[tilespmem:$0x1F400] =	vst v63  }
0x180: {  	_ =	swait.ge [sflag:s20], $0x4000  }
0x181: {  	[sflag:s20] =	ssyncset.done $0x0  }
0x182: {  	s0 =	simm.s32 @!p0 $0x4;
	[sflag:s20] =	ssyncadd.s32 $0xFFFFC000  }
0x183: {  	_ =	swait.ge @!p0 [sflag:s0], $0x800  }
0x184: {  	s30 =	sor.u32 $0x1, s30;
	s31 =	simm.s32 $0x0;
	[sflag:s0] =	ssyncset.done @!p0 $0x0  }
0x185: {  	v16 =	vmov s26;
	s1 =	simm.s32 $0xB400;
	[sflag:s0] =	ssyncadd.s32 @!p0 $0xFFFFF800;
	s0 =	simm.s32 $0x6C00  }
.LBB2_5:
0x186: {  	v33 =	vld [tilespmem:s0+$0xFFFFFC00]  }
0x187: {  	v34 =	vld [tilespmem:s0+$0xFFFFFC80]  }
0x188: {  	v35 =	vld [tilespmem:s0+$0xFFFFFD00]  }
0x189: {  	v37 =	vld [tilespmem:s0+$0xFFFFFD80]  }
0x18a: {  	v39 =	vld [tilespmem:s0+$0xFFFFFE00]  }
0x18b: {  	s15 =	sshra.s32 s31, $0x2;
	v60 =	vld [tilespmem:s0+$0xFFFFFE80]  }
0x18c: {  	v17 =	vld.idx.msk [tilespmem:v16+s15+$0x0 ss:$0x1], $0xffff  }
0x18d: {  	v63 =	vld [tilespmem:s0+$0xFFFFFF00]  }
0x18e: {  	v47 =	vld [tilespmem:s0+$0xFFFFFF80];
	v36 =	vshll.u32 v33, $0x10;
	v33 =	vand.u32 $0xFFFF0000, v33;
	v38 =	vshll.u32 v34, $0x10  }
0x18f: {  	v34 =	vand.u32 $0xFFFF0000, v34;
	v40 =	vshll.u32 v35, $0x10;
	v35 =	vand.u32 $0xFFFF0000, v35  }
0x190: {  	v62 =	vshll.u32 v37, $0x10;
	v37 =	vand.u32 $0xFFFF0000, v37;
	v45 =	vshll.u32 v39, $0x10  }
0x191: {  	v46 =	vand.u32 $0xFFFF0000, v39;
	v49 =	vshll.u32 v60, $0x10;
	v32 =	vperm.xlane v17, v0  }
0x192: {  	v50 =	vand.u32 $0xFFFF0000, v60;
	v53 =	vshll.u32 v63, $0x10;
	v54 =	vand.u32 $0xFFFF0000, v63  }
0x193: {  	v57 =	vshll.u32 v47, $0x10;
	v31 =	vperm.xlane v17, v1;
	v36 =	vmul.f32 v36, v32  }
0x194: {  	v58 =	vand.u32 $0xFFFF0000, v47;
	v30 =	vperm.xlane v17, v2;
	v33 =	vmul.f32 v33, v32  }
0x195: {  	v29 =	vperm.xlane v17, v3;
	v38 =	vmul.f32 v38, v31;
	v36 =	vadd.f32 $0.0e+00, v36  }
0x196: {  	v28 =	vperm.xlane v17, v4;
	v34 =	vmul.f32 v34, v31;
	v33 =	vadd.f32 $0.0e+00, v33  }
0x197: {  	v27 =	vperm.xlane v17, v5;
	v59 =	vmul.f32 v40, v30;
	v36 =	vadd.f32 v38, v36  }
0x198: {  	v26 =	vperm.xlane v17, v6;
	v61 =	vmul.f32 v35, v30;
	v33 =	vadd.f32 v34, v33  }
0x199: {  	v25 =	vperm.xlane v17, v7;
	v35 =	vmul.f32 v62, v29;
	v36 =	vadd.f32 v59, v36  }
0x19a: {  	v24 =	vperm.xlane v17, v8;
	v44 =	vmul.f32 v37, v29;
	v33 =	vadd.f32 v61, v33  }
0x19b: {  	v23 =	vperm.xlane v17, v9;
	v37 =	vmul.f32 v45, v28;
	v35 =	vadd.f32 v35, v36  }
0x19c: {  	v22 =	vperm.xlane v17, v10;
	v48 =	vmul.f32 v46, v28;
	v33 =	vadd.f32 v44, v33  }
0x19d: {  	v51 =	vld [tilespmem:s0+$0x0];
	v21 =	vperm.xlane v17, v11;
	v36 =	vmul.f32 v49, v27;
	v35 =	vadd.f32 v37, v35  }
0x19e: {  	v20 =	vperm.xlane v17, v12;
	v52 =	vmul.f32 v50, v27;
	v33 =	vadd.f32 v48, v33  }
0x19f: {  	v55 =	vld [tilespmem:s0+$0x80];
	v19 =	vperm.xlane v17, v13;
	v37 =	vmul.f32 v53, v26;
	v35 =	vadd.f32 v36, v35  }
0x1a0: {  	v18 =	vperm.xlane v17, v14;
	v56 =	vmul.f32 v54, v26;
	v33 =	vadd.f32 v52, v33  }
0x1a1: {  	v17 =	vperm.xlane v17, v15;
	v59 =	vld [tilespmem:s0+$0x100];
	v36 =	vmul.f32 v57, v25;
	v35 =	vadd.f32 v37, v35  }
0x1a2: {  	v60 =	vmul.f32 v58, v25;
	v61 =	vshll.u32 v51, $0x10;
	v33 =	vadd.f32 v56, v33  }
0x1a3: {  	v63 =	vld [tilespmem:s0+$0x180];
	v62 =	vand.u32 $0xFFFF0000, v51;
	v37 =	vmul.f32 v61, v24;
	v35 =	vadd.f32 v36, v35  }
0x1a4: {  	v43 =	vmul.f32 v62, v24;
	v44 =	vshll.u32 v55, $0x10;
	v33 =	vadd.f32 v60, v33  }
0x1a5: {  	v45 =	vand.u32 $0xFFFF0000, v55;
	v46 =	vld [tilespmem:s0+$0x200];
	v36 =	vmul.f32 v44, v23;
	v35 =	vadd.f32 v37, v35  }
0x1a6: {  	v47 =	vmul.f32 v45, v23;
	v48 =	vshll.u32 v59, $0x10;
	v33 =	vadd.f32 v43, v33  }
0x1a7: {  	v50 =	vld [tilespmem:s0+$0x280];
	v49 =	vand.u32 $0xFFFF0000, v59;
	v37 =	vmul.f32 v48, v22;
	v35 =	vadd.f32 v36, v35  }
0x1a8: {  	v51 =	vmul.f32 v49, v22;
	v52 =	vshll.u32 v63, $0x10;
	v33 =	vadd.f32 v47, v33  }
0x1a9: {  	v54 =	vld [tilespmem:s0+$0x300];
	v53 =	vand.u32 $0xFFFF0000, v63;
	v36 =	vmul.f32 v52, v21;
	v35 =	vadd.f32 v37, v35  }
0x1aa: {  	v55 =	vmul.f32 v53, v21;
	v56 =	vshll.u32 v46, $0x10;
	v33 =	vadd.f32 v51, v33  }
0x1ab: {  	v58 =	vld [tilespmem:s0+$0x380];
	v57 =	vand.u32 $0xFFFF0000, v46;
	v37 =	vmul.f32 v56, v20;
	v35 =	vadd.f32 v36, v35  }
0x1ac: {  	v59 =	vmul.f32 v57, v20;
	v60 =	vshll.u32 v50, $0x10;
	v33 =	vadd.f32 v55, v33  }
0x1ad: {  	v61 =	vand.u32 $0xFFFF0000, v50;
	v36 =	vmul.f32 v60, v19;
	v35 =	vadd.f32 v37, v35  }
0x1ae: {  	v63 =	vshll.u32 v54, $0x10;
	v62 =	vmul.f32 v61, v19;
	v33 =	vadd.f32 v59, v33  }
0x1af: {  	v40 =	vand.u32 $0xFFFF0000, v54;
	v37 =	vmul.f32 v63, v18;
	v35 =	vadd.f32 v36, v35  }
0x1b0: {  	v42 =	vshll.u32 v58, $0x10;
	v41 =	vmul.f32 v40, v18;
	v33 =	vadd.f32 v62, v33  }
0x1b1: {  	v43 =	vand.u32 $0xFFFF0000, v58;
	v36 =	vmul.f32 v42, v17;
	v35 =	vadd.f32 v37, v35  }
0x1b2: {  	v44 =	vmul.f32 v43, v17;
	v33 =	vadd.f32 v41, v33  }
0x1b3: {  	v35 =	vadd.f32 v36, v35  }
0x1b4: {  	v33 =	vadd.f32 v44, v33  }
0x1b5: {  	[tilespmem:s1+$0xFFFFFC00] =	vst v35  }
0x1b6: {  	[tilespmem:s1+$0x0] =	vst v33  }
0x1b7: {  	v33 =	vld [tilespmem:s0+$0xFFFFFC10];
	_ =	sdelay $0x1  }
0x1b8: {  	v45 =	vld [tilespmem:s0+$0xFFFFFC90];
	_ =	sdelay $0x1  }
0x1b9: {  	v35 =	vld [tilespmem:s0+$0xFFFFFD10]  }
0x1ba: {  	v46 =	vshll.u32 v33, $0x10  }
0x1bb: {  	v47 =	vld [tilespmem:s0+$0xFFFFFD90];
	v33 =	vand.u32 $0xFFFF0000, v33;
	v36 =	vmul.f32 v46, v32  }
0x1bc: {  	v48 =	vshll.u32 v45, $0x10;
	v33 =	vmul.f32 v33, v32  }
0x1bd: {  	v49 =	vld [tilespmem:s0+$0xFFFFFE10];
	v34 =	vand.u32 $0xFFFF0000, v45;
	v38 =	vmul.f32 v48, v31;
	v36 =	vadd.f32 $0.0e+00, v36  }
0x1be: {  	v50 =	vshll.u32 v35, $0x10;
	v34 =	vmul.f32 v34, v31;
	v33 =	vadd.f32 $0.0e+00, v33  }
0x1bf: {  	v52 =	vld [tilespmem:s0+$0xFFFFFE90];
	v35 =	vand.u32 $0xFFFF0000, v35;
	v51 =	vmul.f32 v50, v30;
	v36 =	vadd.f32 v38, v36  }
0x1c0: {  	v54 =	vshll.u32 v47, $0x10;
	v53 =	vmul.f32 v35, v30;
	v33 =	vadd.f32 v34, v33  }
0x1c1: {  	v55 =	vld [tilespmem:s0+$0xFFFFFF10];
	v37 =	vand.u32 $0xFFFF0000, v47;
	v35 =	vmul.f32 v54, v29;
	v36 =	vadd.f32 v51, v36  }
0x1c2: {  	v57 =	vshll.u32 v49, $0x10;
	v56 =	vmul.f32 v37, v29;
	v33 =	vadd.f32 v53, v33  }
0x1c3: {  	v59 =	vld [tilespmem:s0+$0xFFFFFF90];
	v58 =	vand.u32 $0xFFFF0000, v49;
	v37 =	vmul.f32 v57, v28;
	v35 =	vadd.f32 v35, v36  }
0x1c4: {  	v61 =	vshll.u32 v52, $0x10;
	v60 =	vmul.f32 v58, v28;
	v33 =	vadd.f32 v56, v33  }
0x1c5: {  	v63 =	vld [tilespmem:s0+$0x10];
	v62 =	vand.u32 $0xFFFF0000, v52;
	v36 =	vmul.f32 v61, v27;
	v35 =	vadd.f32 v37, v35  }
0x1c6: {  	v44 =	vshll.u32 v55, $0x10;
	v43 =	vmul.f32 v62, v27;
	v33 =	vadd.f32 v60, v33  }
0x1c7: {  	v45 =	vand.u32 $0xFFFF0000, v55;
	v46 =	vld [tilespmem:s0+$0x90];
	v37 =	vmul.f32 v44, v26;
	v35 =	vadd.f32 v36, v35  }
0x1c8: {  	v47 =	vmul.f32 v45, v26;
	v48 =	vshll.u32 v59, $0x10;
	v33 =	vadd.f32 v43, v33  }
0x1c9: {  	v49 =	vand.u32 $0xFFFF0000, v59;
	v50 =	vld [tilespmem:s0+$0x110];
	v36 =	vmul.f32 v48, v25;
	v35 =	vadd.f32 v37, v35  }
0x1ca: {  	v52 =	vshll.u32 v63, $0x10;
	v51 =	vmul.f32 v49, v25;
	v33 =	vadd.f32 v47, v33  }
0x1cb: {  	v54 =	vld [tilespmem:s0+$0x190];
	v53 =	vand.u32 $0xFFFF0000, v63;
	v37 =	vmul.f32 v52, v24;
	v35 =	vadd.f32 v36, v35  }
0x1cc: {  	v55 =	vmul.f32 v53, v24;
	v56 =	vshll.u32 v46, $0x10;
	v33 =	vadd.f32 v51, v33  }
0x1cd: {  	v58 =	vld [tilespmem:s0+$0x210];
	v57 =	vand.u32 $0xFFFF0000, v46;
	v36 =	vmul.f32 v56, v23;
	v35 =	vadd.f32 v37, v35  }
0x1ce: {  	v59 =	vmul.f32 v57, v23;
	v60 =	vshll.u32 v50, $0x10;
	v33 =	vadd.f32 v55, v33  }
0x1cf: {  	v62 =	vld [tilespmem:s0+$0x290];
	v61 =	vand.u32 $0xFFFF0000, v50;
	v37 =	vmul.f32 v60, v22;
	v35 =	vadd.f32 v36, v35  }
0x1d0: {  	v63 =	vmul.f32 v61, v22;
	v44 =	vshll.u32 v54, $0x10;
	v33 =	vadd.f32 v59, v33  }
0x1d1: {  	v45 =	vand.u32 $0xFFFF0000, v54;
	v46 =	vld [tilespmem:s0+$0x310];
	v36 =	vmul.f32 v44, v21;
	v35 =	vadd.f32 v37, v35  }
0x1d2: {  	v48 =	vshll.u32 v58, $0x10;
	v47 =	vmul.f32 v45, v21;
	v33 =	vadd.f32 v63, v33  }
0x1d3: {  	v49 =	vand.u32 $0xFFFF0000, v58;
	v50 =	vld [tilespmem:s0+$0x390];
	v37 =	vmul.f32 v48, v20;
	v35 =	vadd.f32 v36, v35  }
0x1d4: {  	v52 =	vshll.u32 v62, $0x10;
	v51 =	vmul.f32 v49, v20;
	v33 =	vadd.f32 v47, v33  }
0x1d5: {  	v53 =	vand.u32 $0xFFFF0000, v62;
	v36 =	vmul.f32 v52, v19;
	v35 =	vadd.f32 v37, v35  }
0x1d6: {  	v54 =	vmul.f32 v53, v19;
	v55 =	vshll.u32 v46, $0x10;
	v33 =	vadd.f32 v51, v33  }
0x1d7: {  	v56 =	vand.u32 $0xFFFF0000, v46;
	v37 =	vmul.f32 v55, v18;
	v35 =	vadd.f32 v36, v35  }
0x1d8: {  	v58 =	vshll.u32 v50, $0x10;
	v57 =	vmul.f32 v56, v18;
	v33 =	vadd.f32 v54, v33  }
0x1d9: {  	v59 =	vand.u32 $0xFFFF0000, v50;
	v36 =	vmul.f32 v58, v17;
	v35 =	vadd.f32 v37, v35  }
0x1da: {  	v60 =	vmul.f32 v59, v17;
	v33 =	vadd.f32 v57, v33  }
0x1db: {  	v35 =	vadd.f32 v36, v35  }
0x1dc: {  	v33 =	vadd.f32 v60, v33  }
0x1dd: {  	[tilespmem:s1+$0xFFFFFC10] =	vst v35  }
0x1de: {  	[tilespmem:s1+$0x10] =	vst v33  }
0x1df: {  	v33 =	vld [tilespmem:s0+$0xFFFFFC20];
	_ =	sdelay $0x1  }
0x1e0: {  	v61 =	vld [tilespmem:s0+$0xFFFFFCA0];
	_ =	sdelay $0x1  }
0x1e1: {  	v35 =	vld [tilespmem:s0+$0xFFFFFD20]  }
0x1e2: {  	v62 =	vshll.u32 v33, $0x10  }
0x1e3: {  	v63 =	vld [tilespmem:s0+$0xFFFFFDA0];
	v33 =	vand.u32 $0xFFFF0000, v33;
	v36 =	vmul.f32 v62, v32  }
0x1e4: {  	v44 =	vshll.u32 v61, $0x10;
	v33 =	vmul.f32 v33, v32  }
0x1e5: {  	v45 =	vld [tilespmem:s0+$0xFFFFFE20];
	v34 =	vand.u32 $0xFFFF0000, v61;
	v38 =	vmul.f32 v44, v31;
	v36 =	vadd.f32 $0.0e+00, v36  }
0x1e6: {  	v46 =	vshll.u32 v35, $0x10;
	v34 =	vmul.f32 v34, v31;
	v33 =	vadd.f32 $0.0e+00, v33  }
0x1e7: {  	v48 =	vld [tilespmem:s0+$0xFFFFFEA0];
	v35 =	vand.u32 $0xFFFF0000, v35;
	v47 =	vmul.f32 v46, v30;
	v36 =	vadd.f32 v38, v36  }
0x1e8: {  	v50 =	vshll.u32 v63, $0x10;
	v49 =	vmul.f32 v35, v30;
	v33 =	vadd.f32 v34, v33  }
0x1e9: {  	v51 =	vld [tilespmem:s0+$0xFFFFFF20];
	v37 =	vand.u32 $0xFFFF0000, v63;
	v35 =	vmul.f32 v50, v29;
	v36 =	vadd.f32 v47, v36  }
0x1ea: {  	v53 =	vshll.u32 v45, $0x10;
	v52 =	vmul.f32 v37, v29;
	v33 =	vadd.f32 v49, v33  }
0x1eb: {  	v55 =	vld [tilespmem:s0+$0xFFFFFFA0];
	v54 =	vand.u32 $0xFFFF0000, v45;
	v37 =	vmul.f32 v53, v28;
	v35 =	vadd.f32 v35, v36  }
0x1ec: {  	v57 =	vshll.u32 v48, $0x10;
	v56 =	vmul.f32 v54, v28;
	v33 =	vadd.f32 v52, v33  }
0x1ed: {  	v59 =	vld [tilespmem:s0+$0x20];
	v58 =	vand.u32 $0xFFFF0000, v48;
	v36 =	vmul.f32 v57, v27;
	v35 =	vadd.f32 v37, v35  }
0x1ee: {  	v61 =	vshll.u32 v51, $0x10;
	v60 =	vmul.f32 v58, v27;
	v33 =	vadd.f32 v56, v33  }
0x1ef: {  	v63 =	vld [tilespmem:s0+$0xA0];
	v62 =	vand.u32 $0xFFFF0000, v51;
	v37 =	vmul.f32 v61, v26;
	v35 =	vadd.f32 v36, v35  }
0x1f0: {  	v43 =	vshll.u32 v55, $0x10;
	v42 =	vmul.f32 v62, v26;
	v33 =	vadd.f32 v60, v33  }
0x1f1: {  	v45 =	vld [tilespmem:s0+$0x120];
	v44 =	vand.u32 $0xFFFF0000, v55;
	v36 =	vmul.f32 v43, v25;
	v35 =	vadd.f32 v37, v35  }
0x1f2: {  	v46 =	vmul.f32 v44, v25;
	v47 =	vshll.u32 v59, $0x10;
	v33 =	vadd.f32 v42, v33  }
0x1f3: {  	v48 =	vand.u32 $0xFFFF0000, v59;
	v49 =	vld [tilespmem:s0+$0x1A0];
	v37 =	vmul.f32 v47, v24;
	v35 =	vadd.f32 v36, v35  }
0x1f4: {  	v50 =	vmul.f32 v48, v24;
	v51 =	vshll.u32 v63, $0x10;
	v33 =	vadd.f32 v46, v33  }
0x1f5: {  	v53 =	vld [tilespmem:s0+$0x220];
	v52 =	vand.u32 $0xFFFF0000, v63;
	v36 =	vmul.f32 v51, v23;
	v35 =	vadd.f32 v37, v35  }
0x1f6: {  	v55 =	vshll.u32 v45, $0x10;
	v54 =	vmul.f32 v52, v23;
	v33 =	vadd.f32 v50, v33  }
0x1f7: {  	v57 =	vld [tilespmem:s0+$0x2A0];
	v56 =	vand.u32 $0xFFFF0000, v45;
	v37 =	vmul.f32 v55, v22;
	v35 =	vadd.f32 v36, v35  }
0x1f8: {  	v58 =	vmul.f32 v56, v22;
	v59 =	vshll.u32 v49, $0x10;
	v33 =	vadd.f32 v54, v33  }
0x1f9: {  	v61 =	vld [tilespmem:s0+$0x320];
	v60 =	vand.u32 $0xFFFF0000, v49;
	v36 =	vmul.f32 v59, v21;
	v35 =	vadd.f32 v37, v35  }
0x1fa: {  	v63 =	vshll.u32 v53, $0x10;
	v62 =	vmul.f32 v60, v21;
	v33 =	vadd.f32 v58, v33  }
0x1fb: {  	v41 =	vand.u32 $0xFFFF0000, v53;
	v42 =	vld [tilespmem:s0+$0x3A0];
	v37 =	vmul.f32 v63, v20;
	v35 =	vadd.f32 v36, v35  }
0x1fc: {  	v43 =	vmul.f32 v41, v20;
	v44 =	vshll.u32 v57, $0x10;
	v33 =	vadd.f32 v62, v33  }
0x1fd: {  	v45 =	vand.u32 $0xFFFF0000, v57;
	v36 =	vmul.f32 v44, v19;
	v35 =	vadd.f32 v37, v35  }
0x1fe: {  	v47 =	vshll.u32 v61, $0x10;
	v46 =	vmul.f32 v45, v19;
	v33 =	vadd.f32 v43, v33  }
0x1ff: {  	v48 =	vand.u32 $0xFFFF0000, v61;
	v37 =	vmul.f32 v47, v18;
	v35 =	vadd.f32 v36, v35  }
0x200: {  	v49 =	vmul.f32 v48, v18;
	v50 =	vshll.u32 v42, $0x10;
	v33 =	vadd.f32 v46, v33  }
0x201: {  	v51 =	vand.u32 $0xFFFF0000, v42;
	v36 =	vmul.f32 v50, v17;
	v35 =	vadd.f32 v37, v35  }
0x202: {  	v52 =	vmul.f32 v51, v17;
	v33 =	vadd.f32 v49, v33  }
0x203: {  	v35 =	vadd.f32 v36, v35  }
0x204: {  	v33 =	vadd.f32 v52, v33  }
0x205: {  	[tilespmem:s1+$0xFFFFFC20] =	vst v35  }
0x206: {  	[tilespmem:s1+$0x20] =	vst v33  }
0x207: {  	v33 =	vld [tilespmem:s0+$0xFFFFFC30];
	_ =	sdelay $0x1  }
0x208: {  	v53 =	vld [tilespmem:s0+$0xFFFFFCB0];
	_ =	sdelay $0x1  }
0x209: {  	v35 =	vld [tilespmem:s0+$0xFFFFFD30]  }
0x20a: {  	v54 =	vshll.u32 v33, $0x10  }
0x20b: {  	v55 =	vld [tilespmem:s0+$0xFFFFFDB0];
	v33 =	vand.u32 $0xFFFF0000, v33;
	v36 =	vmul.f32 v54, v32  }
0x20c: {  	v56 =	vshll.u32 v53, $0x10;
	v33 =	vmul.f32 v33, v32  }
0x20d: {  	v57 =	vld [tilespmem:s0+$0xFFFFFE30];
	v34 =	vand.u32 $0xFFFF0000, v53;
	v38 =	vmul.f32 v56, v31;
	v36 =	vadd.f32 $0.0e+00, v36  }
0x20e: {  	v58 =	vshll.u32 v35, $0x10;
	v34 =	vmul.f32 v34, v31;
	v33 =	vadd.f32 $0.0e+00, v33  }
0x20f: {  	v60 =	vld [tilespmem:s0+$0xFFFFFEB0];
	v35 =	vand.u32 $0xFFFF0000, v35;
	v59 =	vmul.f32 v58, v30;
	v36 =	vadd.f32 v38, v36  }
0x210: {  	v62 =	vshll.u32 v55, $0x10;
	v61 =	vmul.f32 v35, v30;
	v33 =	vadd.f32 v34, v33  }
0x211: {  	v63 =	vld [tilespmem:s0+$0xFFFFFF30];
	v37 =	vand.u32 $0xFFFF0000, v55;
	v35 =	vmul.f32 v62, v29;
	v36 =	vadd.f32 v59, v36  }
0x212: {  	v45 =	vshll.u32 v57, $0x10;
	v44 =	vmul.f32 v37, v29;
	v33 =	vadd.f32 v61, v33  }
0x213: {  	v47 =	vld [tilespmem:s0+$0xFFFFFFB0];
	v46 =	vand.u32 $0xFFFF0000, v57;
	v37 =	vmul.f32 v45, v28;
	v35 =	vadd.f32 v35, v36  }
0x214: {  	v49 =	vshll.u32 v60, $0x10;
	v48 =	vmul.f32 v46, v28;
	v33 =	vadd.f32 v44, v33  }
0x215: {  	v51 =	vld [tilespmem:s0+$0x30];
	v50 =	vand.u32 $0xFFFF0000, v60;
	v36 =	vmul.f32 v49, v27;
	v35 =	vadd.f32 v37, v35  }
0x216: {  	v53 =	vshll.u32 v63, $0x10;
	v52 =	vmul.f32 v50, v27;
	v33 =	vadd.f32 v48, v33  }
0x217: {  	v55 =	vld [tilespmem:s0+$0xB0];
	v54 =	vand.u32 $0xFFFF0000, v63;
	v37 =	vmul.f32 v53, v26;
	v35 =	vadd.f32 v36, v35  }
0x218: {  	v57 =	vshll.u32 v47, $0x10;
	v56 =	vmul.f32 v54, v26;
	v33 =	vadd.f32 v52, v33  }
0x219: {  	v58 =	vand.u32 $0xFFFF0000, v47;
	v59 =	vld [tilespmem:s0+$0x130];
	v36 =	vmul.f32 v57, v25;
	v35 =	vadd.f32 v37, v35  }
0x21a: {  	v60 =	vmul.f32 v58, v25;
	v61 =	vshll.u32 v51, $0x10;
	v33 =	vadd.f32 v56, v33  }
0x21b: {  	v62 =	vand.u32 $0xFFFF0000, v51;
	v63 =	vld [tilespmem:s0+$0x1B0];
	v37 =	vmul.f32 v61, v24;
	v35 =	vadd.f32 v36, v35  }
0x21c: {  	v43 =	vmul.f32 v62, v24;
	v44 =	vshll.u32 v55, $0x10;
	v33 =	vadd.f32 v60, v33  }
0x21d: {  	v46 =	vld [tilespmem:s0+$0x230];
	v45 =	vand.u32 $0xFFFF0000, v55;
	v36 =	vmul.f32 v44, v23;
	v35 =	vadd.f32 v37, v35  }
0x21e: {  	v47 =	vmul.f32 v45, v23;
	v48 =	vshll.u32 v59, $0x10;
	v33 =	vadd.f32 v43, v33  }
0x21f: {  	v50 =	vld [tilespmem:s0+$0x2B0];
	v49 =	vand.u32 $0xFFFF0000, v59;
	v37 =	vmul.f32 v48, v22;
	v35 =	vadd.f32 v36, v35  }
0x220: {  	v51 =	vmul.f32 v49, v22;
	v52 =	vshll.u32 v63, $0x10;
	v33 =	vadd.f32 v47, v33  }
0x221: {  	v54 =	vld [tilespmem:s0+$0x330];
	v53 =	vand.u32 $0xFFFF0000, v63;
	v36 =	vmul.f32 v52, v21;
	v35 =	vadd.f32 v37, v35  }
0x222: {  	v55 =	vmul.f32 v53, v21;
	v56 =	vshll.u32 v46, $0x10;
	v33 =	vadd.f32 v51, v33  }
0x223: {  	v58 =	vld [tilespmem:s0+$0x3B0];
	v57 =	vand.u32 $0xFFFF0000, v46;
	v37 =	vmul.f32 v56, v20;
	v35 =	vadd.f32 v36, v35  }
0x224: {  	v59 =	vmul.f32 v57, v20;
	v60 =	vshll.u32 v50, $0x10;
	v33 =	vadd.f32 v55, v33  }
0x225: {  	v61 =	vand.u32 $0xFFFF0000, v50;
	v36 =	vmul.f32 v60, v19;
	v35 =	vadd.f32 v37, v35  }
0x226: {  	v63 =	vshll.u32 v54, $0x10;
	v62 =	vmul.f32 v61, v19;
	v33 =	vadd.f32 v59, v33  }
0x227: {  	v40 =	vand.u32 $0xFFFF0000, v54;
	v37 =	vmul.f32 v63, v18;
	v35 =	vadd.f32 v36, v35  }
0x228: {  	v42 =	vshll.u32 v58, $0x10;
	v41 =	vmul.f32 v40, v18;
	v33 =	vadd.f32 v62, v33  }
0x229: {  	v43 =	vand.u32 $0xFFFF0000, v58;
	v36 =	vmul.f32 v42, v17;
	v35 =	vadd.f32 v37, v35  }
0x22a: {  	v44 =	vmul.f32 v43, v17;
	v33 =	vadd.f32 v41, v33  }
0x22b: {  	v35 =	vadd.f32 v36, v35  }
0x22c: {  	v33 =	vadd.f32 v44, v33  }
0x22d: {  	[tilespmem:s1+$0xFFFFFC30] =	vst v35  }
0x22e: {  	[tilespmem:s1+$0x30] =	vst v33  }
0x22f: {  	v33 =	vld [tilespmem:s0+$0xFFFFFC40];
	_ =	sdelay $0x1  }
0x230: {  	v45 =	vld [tilespmem:s0+$0xFFFFFCC0];
	_ =	sdelay $0x1  }
0x231: {  	v35 =	vld [tilespmem:s0+$0xFFFFFD40]  }
0x232: {  	v46 =	vshll.u32 v33, $0x10  }
0x233: {  	v47 =	vld [tilespmem:s0+$0xFFFFFDC0];
	v33 =	vand.u32 $0xFFFF0000, v33;
	v36 =	vmul.f32 v46, v32  }
0x234: {  	v48 =	vshll.u32 v45, $0x10;
	v33 =	vmul.f32 v33, v32  }
0x235: {  	v49 =	vld [tilespmem:s0+$0xFFFFFE40];
	v34 =	vand.u32 $0xFFFF0000, v45;
	v38 =	vmul.f32 v48, v31;
	v36 =	vadd.f32 $0.0e+00, v36  }
0x236: {  	v50 =	vshll.u32 v35, $0x10;
	v34 =	vmul.f32 v34, v31;
	v33 =	vadd.f32 $0.0e+00, v33  }
0x237: {  	v52 =	vld [tilespmem:s0+$0xFFFFFEC0];
	v35 =	vand.u32 $0xFFFF0000, v35;
	v51 =	vmul.f32 v50, v30;
	v36 =	vadd.f32 v38, v36  }
0x238: {  	v54 =	vshll.u32 v47, $0x10;
	v53 =	vmul.f32 v35, v30;
	v33 =	vadd.f32 v34, v33  }
0x239: {  	v55 =	vld [tilespmem:s0+$0xFFFFFF40];
	v37 =	vand.u32 $0xFFFF0000, v47;
	v35 =	vmul.f32 v54, v29;
	v36 =	vadd.f32 v51, v36  }
0x23a: {  	v57 =	vshll.u32 v49, $0x10;
	v56 =	vmul.f32 v37, v29;
	v33 =	vadd.f32 v53, v33  }
0x23b: {  	v59 =	vld [tilespmem:s0+$0xFFFFFFC0];
	v58 =	vand.u32 $0xFFFF0000, v49;
	v37 =	vmul.f32 v57, v28;
	v35 =	vadd.f32 v35, v36  }
0x23c: {  	v61 =	vshll.u32 v52, $0x10;
	v60 =	vmul.f32 v58, v28;
	v33 =	vadd.f32 v56, v33  }
0x23d: {  	v63 =	vld [tilespmem:s0+$0x40];
	v62 =	vand.u32 $0xFFFF0000, v52;
	v36 =	vmul.f32 v61, v27;
	v35 =	vadd.f32 v37, v35  }
0x23e: {  	v44 =	vshll.u32 v55, $0x10;
	v43 =	vmul.f32 v62, v27;
	v33 =	vadd.f32 v60, v33  }
0x23f: {  	v45 =	vand.u32 $0xFFFF0000, v55;
	v46 =	vld [tilespmem:s0+$0xC0];
	v37 =	vmul.f32 v44, v26;
	v35 =	vadd.f32 v36, v35  }
0x240: {  	v47 =	vmul.f32 v45, v26;
	v48 =	vshll.u32 v59, $0x10;
	v33 =	vadd.f32 v43, v33  }
0x241: {  	v49 =	vand.u32 $0xFFFF0000, v59;
	v50 =	vld [tilespmem:s0+$0x140];
	v36 =	vmul.f32 v48, v25;
	v35 =	vadd.f32 v37, v35  }
0x242: {  	v52 =	vshll.u32 v63, $0x10;
	v51 =	vmul.f32 v49, v25;
	v33 =	vadd.f32 v47, v33  }
0x243: {  	v54 =	vld [tilespmem:s0+$0x1C0];
	v53 =	vand.u32 $0xFFFF0000, v63;
	v37 =	vmul.f32 v52, v24;
	v35 =	vadd.f32 v36, v35  }
0x244: {  	v55 =	vmul.f32 v53, v24;
	v56 =	vshll.u32 v46, $0x10;
	v33 =	vadd.f32 v51, v33  }
0x245: {  	v58 =	vld [tilespmem:s0+$0x240];
	v57 =	vand.u32 $0xFFFF0000, v46;
	v36 =	vmul.f32 v56, v23;
	v35 =	vadd.f32 v37, v35  }
0x246: {  	v59 =	vmul.f32 v57, v23;
	v60 =	vshll.u32 v50, $0x10;
	v33 =	vadd.f32 v55, v33  }
0x247: {  	v62 =	vld [tilespmem:s0+$0x2C0];
	v61 =	vand.u32 $0xFFFF0000, v50;
	v37 =	vmul.f32 v60, v22;
	v35 =	vadd.f32 v36, v35  }
0x248: {  	v63 =	vmul.f32 v61, v22;
	v44 =	vshll.u32 v54, $0x10;
	v33 =	vadd.f32 v59, v33  }
0x249: {  	v45 =	vand.u32 $0xFFFF0000, v54;
	v46 =	vld [tilespmem:s0+$0x340];
	v36 =	vmul.f32 v44, v21;
	v35 =	vadd.f32 v37, v35  }
0x24a: {  	v48 =	vshll.u32 v58, $0x10;
	v47 =	vmul.f32 v45, v21;
	v33 =	vadd.f32 v63, v33  }
0x24b: {  	v49 =	vand.u32 $0xFFFF0000, v58;
	v50 =	vld [tilespmem:s0+$0x3C0];
	v37 =	vmul.f32 v48, v20;
	v35 =	vadd.f32 v36, v35  }
0x24c: {  	v52 =	vshll.u32 v62, $0x10;
	v51 =	vmul.f32 v49, v20;
	v33 =	vadd.f32 v47, v33  }
0x24d: {  	v53 =	vand.u32 $0xFFFF0000, v62;
	v36 =	vmul.f32 v52, v19;
	v35 =	vadd.f32 v37, v35  }
0x24e: {  	v54 =	vmul.f32 v53, v19;
	v55 =	vshll.u32 v46, $0x10;
	v33 =	vadd.f32 v51, v33  }
0x24f: {  	v56 =	vand.u32 $0xFFFF0000, v46;
	v37 =	vmul.f32 v55, v18;
	v35 =	vadd.f32 v36, v35  }
0x250: {  	v58 =	vshll.u32 v50, $0x10;
	v57 =	vmul.f32 v56, v18;
	v33 =	vadd.f32 v54, v33  }
0x251: {  	v59 =	vand.u32 $0xFFFF0000, v50;
	v36 =	vmul.f32 v58, v17;
	v35 =	vadd.f32 v37, v35  }
0x252: {  	v60 =	vmul.f32 v59, v17;
	v33 =	vadd.f32 v57, v33  }
0x253: {  	v35 =	vadd.f32 v36, v35  }
0x254: {  	v33 =	vadd.f32 v60, v33  }
0x255: {  	[tilespmem:s1+$0xFFFFFC40] =	vst v35  }
0x256: {  	[tilespmem:s1+$0x40] =	vst v33  }
0x257: {  	v33 =	vld [tilespmem:s0+$0xFFFFFC50];
	_ =	sdelay $0x1  }
0x258: {  	v61 =	vld [tilespmem:s0+$0xFFFFFCD0];
	_ =	sdelay $0x1  }
0x259: {  	v35 =	vld [tilespmem:s0+$0xFFFFFD50]  }
0x25a: {  	v62 =	vshll.u32 v33, $0x10  }
0x25b: {  	v63 =	vld [tilespmem:s0+$0xFFFFFDD0];
	v33 =	vand.u32 $0xFFFF0000, v33;
	v36 =	vmul.f32 v62, v32  }
0x25c: {  	v44 =	vshll.u32 v61, $0x10;
	v33 =	vmul.f32 v33, v32  }
0x25d: {  	v45 =	vld [tilespmem:s0+$0xFFFFFE50];
	v34 =	vand.u32 $0xFFFF0000, v61;
	v38 =	vmul.f32 v44, v31;
	v36 =	vadd.f32 $0.0e+00, v36  }
0x25e: {  	v46 =	vshll.u32 v35, $0x10;
	v34 =	vmul.f32 v34, v31;
	v33 =	vadd.f32 $0.0e+00, v33  }
0x25f: {  	v48 =	vld [tilespmem:s0+$0xFFFFFED0];
	v35 =	vand.u32 $0xFFFF0000, v35;
	v47 =	vmul.f32 v46, v30;
	v36 =	vadd.f32 v38, v36  }
0x260: {  	v50 =	vshll.u32 v63, $0x10;
	v49 =	vmul.f32 v35, v30;
	v33 =	vadd.f32 v34, v33  }
0x261: {  	v51 =	vld [tilespmem:s0+$0xFFFFFF50];
	v37 =	vand.u32 $0xFFFF0000, v63;
	v35 =	vmul.f32 v50, v29;
	v36 =	vadd.f32 v47, v36  }
0x262: {  	v53 =	vshll.u32 v45, $0x10;
	v52 =	vmul.f32 v37, v29;
	v33 =	vadd.f32 v49, v33  }
0x263: {  	v55 =	vld [tilespmem:s0+$0xFFFFFFD0];
	v54 =	vand.u32 $0xFFFF0000, v45;
	v37 =	vmul.f32 v53, v28;
	v35 =	vadd.f32 v35, v36  }
0x264: {  	v57 =	vshll.u32 v48, $0x10;
	v56 =	vmul.f32 v54, v28;
	v33 =	vadd.f32 v52, v33  }
0x265: {  	v59 =	vld [tilespmem:s0+$0x50];
	v58 =	vand.u32 $0xFFFF0000, v48;
	v36 =	vmul.f32 v57, v27;
	v35 =	vadd.f32 v37, v35  }
0x266: {  	v61 =	vshll.u32 v51, $0x10;
	v60 =	vmul.f32 v58, v27;
	v33 =	vadd.f32 v56, v33  }
0x267: {  	v63 =	vld [tilespmem:s0+$0xD0];
	v62 =	vand.u32 $0xFFFF0000, v51;
	v37 =	vmul.f32 v61, v26;
	v35 =	vadd.f32 v36, v35  }
0x268: {  	v45 =	vshll.u32 v55, $0x10;
	v44 =	vmul.f32 v62, v26;
	v33 =	vadd.f32 v60, v33  }
0x269: {  	v46 =	vand.u32 $0xFFFF0000, v55;
	v47 =	vld [tilespmem:s0+$0x150];
	v36 =	vmul.f32 v45, v25;
	v35 =	vadd.f32 v37, v35  }
0x26a: {  	v48 =	vmul.f32 v46, v25;
	v49 =	vshll.u32 v59, $0x10;
	v33 =	vadd.f32 v44, v33  }
0x26b: {  	v50 =	vand.u32 $0xFFFF0000, v59;
	v51 =	vld [tilespmem:s0+$0x1D0];
	v37 =	vmul.f32 v49, v24;
	v35 =	vadd.f32 v36, v35  }
0x26c: {  	v53 =	vshll.u32 v63, $0x10;
	v52 =	vmul.f32 v50, v24;
	v33 =	vadd.f32 v48, v33  }
0x26d: {  	v55 =	vld [tilespmem:s0+$0x250];
	v54 =	vand.u32 $0xFFFF0000, v63;
	v36 =	vmul.f32 v53, v23;
	v35 =	vadd.f32 v37, v35  }
0x26e: {  	v56 =	vmul.f32 v54, v23;
	v57 =	vshll.u32 v47, $0x10;
	v33 =	vadd.f32 v52, v33  }
0x26f: {  	v59 =	vld [tilespmem:s0+$0x2D0];
	v58 =	vand.u32 $0xFFFF0000, v47;
	v37 =	vmul.f32 v57, v22;
	v35 =	vadd.f32 v36, v35  }
0x270: {  	v61 =	vshll.u32 v51, $0x10;
	v60 =	vmul.f32 v58, v22;
	v33 =	vadd.f32 v56, v33  }
0x271: {  	v63 =	vld [tilespmem:s0+$0x350];
	v62 =	vand.u32 $0xFFFF0000, v51;
	v36 =	vmul.f32 v61, v21;
	v35 =	vadd.f32 v37, v35  }
0x272: {  	v43 =	vshll.u32 v55, $0x10;
	v42 =	vmul.f32 v62, v21;
	v33 =	vadd.f32 v60, v33  }
0x273: {  	v45 =	vld [tilespmem:s0+$0x3D0];
	v44 =	vand.u32 $0xFFFF0000, v55;
	v37 =	vmul.f32 v43, v20;
	v35 =	vadd.f32 v36, v35  }
0x274: {  	v47 =	vshll.u32 v59, $0x10;
	v46 =	vmul.f32 v44, v20;
	v33 =	vadd.f32 v42, v33  }
0x275: {  	v48 =	vand.u32 $0xFFFF0000, v59;
	v36 =	vmul.f32 v47, v19;
	v35 =	vadd.f32 v37, v35  }
0x276: {  	v50 =	vshll.u32 v63, $0x10;
	v49 =	vmul.f32 v48, v19;
	v33 =	vadd.f32 v46, v33  }
0x277: {  	v51 =	vand.u32 $0xFFFF0000, v63;
	v37 =	vmul.f32 v50, v18;
	v35 =	vadd.f32 v36, v35  }
0x278: {  	v53 =	vshll.u32 v45, $0x10;
	v52 =	vmul.f32 v51, v18;
	v33 =	vadd.f32 v49, v33  }
0x279: {  	v54 =	vand.u32 $0xFFFF0000, v45;
	v36 =	vmul.f32 v53, v17;
	v35 =	vadd.f32 v37, v35  }
0x27a: {  	v55 =	vmul.f32 v54, v17;
	v33 =	vadd.f32 v52, v33  }
0x27b: {  	v35 =	vadd.f32 v36, v35  }
0x27c: {  	v33 =	vadd.f32 v55, v33  }
0x27d: {  	[tilespmem:s1+$0xFFFFFC50] =	vst v35  }
0x27e: {  	[tilespmem:s1+$0x50] =	vst v33  }
0x27f: {  	v33 =	vld [tilespmem:s0+$0xFFFFFC60];
	_ =	sdelay $0x1  }
0x280: {  	v56 =	vld [tilespmem:s0+$0xFFFFFCE0];
	_ =	sdelay $0x1  }
0x281: {  	v35 =	vld [tilespmem:s0+$0xFFFFFD60]  }
0x282: {  	v57 =	vshll.u32 v33, $0x10  }
0x283: {  	v58 =	vld [tilespmem:s0+$0xFFFFFDE0];
	v33 =	vand.u32 $0xFFFF0000, v33;
	v36 =	vmul.f32 v57, v32  }
0x284: {  	v59 =	vshll.u32 v56, $0x10;
	v33 =	vmul.f32 v33, v32  }
0x285: {  	v60 =	vld [tilespmem:s0+$0xFFFFFE60];
	v34 =	vand.u32 $0xFFFF0000, v56;
	v38 =	vmul.f32 v59, v31;
	v36 =	vadd.f32 $0.0e+00, v36  }
0x286: {  	v61 =	vshll.u32 v35, $0x10;
	v34 =	vmul.f32 v34, v31;
	v33 =	vadd.f32 $0.0e+00, v33  }
0x287: {  	v63 =	vld [tilespmem:s0+$0xFFFFFEE0];
	v35 =	vand.u32 $0xFFFF0000, v35;
	v62 =	vmul.f32 v61, v30;
	v36 =	vadd.f32 v38, v36  }
0x288: {  	v45 =	vshll.u32 v58, $0x10;
	v44 =	vmul.f32 v35, v30;
	v33 =	vadd.f32 v34, v33  }
0x289: {  	v46 =	vld [tilespmem:s0+$0xFFFFFF60];
	v37 =	vand.u32 $0xFFFF0000, v58;
	v35 =	vmul.f32 v45, v29;
	v36 =	vadd.f32 v62, v36  }
0x28a: {  	v48 =	vshll.u32 v60, $0x10;
	v47 =	vmul.f32 v37, v29;
	v33 =	vadd.f32 v44, v33  }
0x28b: {  	v50 =	vld [tilespmem:s0+$0xFFFFFFE0];
	v49 =	vand.u32 $0xFFFF0000, v60;
	v37 =	vmul.f32 v48, v28;
	v35 =	vadd.f32 v35, v36  }
0x28c: {  	v52 =	vshll.u32 v63, $0x10;
	v51 =	vmul.f32 v49, v28;
	v33 =	vadd.f32 v47, v33  }
0x28d: {  	v54 =	vld [tilespmem:s0+$0x60];
	v53 =	vand.u32 $0xFFFF0000, v63;
	v36 =	vmul.f32 v52, v27;
	v35 =	vadd.f32 v37, v35  }
0x28e: {  	v56 =	vshll.u32 v46, $0x10;
	v55 =	vmul.f32 v53, v27;
	v33 =	vadd.f32 v51, v33  }
0x28f: {  	v58 =	vld [tilespmem:s0+$0xE0];
	v57 =	vand.u32 $0xFFFF0000, v46;
	v37 =	vmul.f32 v56, v26;
	v35 =	vadd.f32 v36, v35  }
0x290: {  	v60 =	vshll.u32 v50, $0x10;
	v59 =	vmul.f32 v57, v26;
	v33 =	vadd.f32 v55, v33  }
0x291: {  	v61 =	vand.u32 $0xFFFF0000, v50;
	v62 =	vld [tilespmem:s0+$0x160];
	v36 =	vmul.f32 v60, v25;
	v35 =	vadd.f32 v37, v35  }
0x292: {  	v43 =	vshll.u32 v54, $0x10;
	v63 =	vmul.f32 v61, v25;
	v33 =	vadd.f32 v59, v33  }
0x293: {  	v45 =	vld [tilespmem:s0+$0x1E0];
	v44 =	vand.u32 $0xFFFF0000, v54;
	v37 =	vmul.f32 v43, v24;
	v35 =	vadd.f32 v36, v35  }
0x294: {  	v46 =	vmul.f32 v44, v24;
	v47 =	vshll.u32 v58, $0x10;
	v33 =	vadd.f32 v63, v33  }
0x295: {  	v49 =	vld [tilespmem:s0+$0x260];
	v48 =	vand.u32 $0xFFFF0000, v58;
	v36 =	vmul.f32 v47, v23;
	v35 =	vadd.f32 v37, v35  }
0x296: {  	v50 =	vmul.f32 v48, v23;
	v51 =	vshll.u32 v62, $0x10;
	v33 =	vadd.f32 v46, v33  }
0x297: {  	v53 =	vld [tilespmem:s0+$0x2E0];
	v52 =	vand.u32 $0xFFFF0000, v62;
	v37 =	vmul.f32 v51, v22;
	v35 =	vadd.f32 v36, v35  }
0x298: {  	v54 =	vmul.f32 v52, v22;
	v55 =	vshll.u32 v45, $0x10;
	v33 =	vadd.f32 v50, v33  }
0x299: {  	v57 =	vld [tilespmem:s0+$0x360];
	v56 =	vand.u32 $0xFFFF0000, v45;
	v36 =	vmul.f32 v55, v21;
	v35 =	vadd.f32 v37, v35  }
0x29a: {  	v58 =	vmul.f32 v56, v21;
	v59 =	vshll.u32 v49, $0x10;
	v33 =	vadd.f32 v54, v33  }
0x29b: {  	v61 =	vld [tilespmem:s0+$0x3E0];
	v60 =	vand.u32 $0xFFFF0000, v49;
	v37 =	vmul.f32 v59, v20;
	v35 =	vadd.f32 v36, v35  }
0x29c: {  	v62 =	vmul.f32 v60, v20;
	v63 =	vshll.u32 v53, $0x10;
	v33 =	vadd.f32 v58, v33  }
0x29d: {  	v41 =	vand.u32 $0xFFFF0000, v53;
	v36 =	vmul.f32 v63, v19;
	v35 =	vadd.f32 v37, v35  }
0x29e: {  	v42 =	vmul.f32 v41, v19;
	v43 =	vshll.u32 v57, $0x10;
	v33 =	vadd.f32 v62, v33  }
0x29f: {  	v44 =	vand.u32 $0xFFFF0000, v57;
	v37 =	vmul.f32 v43, v18;
	v35 =	vadd.f32 v36, v35  }
0x2a0: {  	v45 =	vmul.f32 v44, v18;
	v46 =	vshll.u32 v61, $0x10;
	v33 =	vadd.f32 v42, v33  }
0x2a1: {  	v47 =	vand.u32 $0xFFFF0000, v61;
	v36 =	vmul.f32 v46, v17;
	v35 =	vadd.f32 v37, v35  }
0x2a2: {  	v48 =	vmul.f32 v47, v17;
	v33 =	vadd.f32 v45, v33  }
0x2a3: {  	v35 =	vadd.f32 v36, v35  }
0x2a4: {  	v33 =	vadd.f32 v48, v33  }
0x2a5: {  	[tilespmem:s1+$0xFFFFFC60] =	vst v35  }
0x2a6: {  	[tilespmem:s1+$0x60] =	vst v33  }
0x2a7: {  	v33 =	vld [tilespmem:s0+$0xFFFFFC70];
	_ =	sdelay $0x1  }
0x2a8: {  	v49 =	vld [tilespmem:s0+$0xFFFFFCF0];
	_ =	sdelay $0x1  }
0x2a9: {  	v35 =	vld [tilespmem:s0+$0xFFFFFD70]  }
0x2aa: {  	v50 =	vshll.u32 v33, $0x10  }
0x2ab: {  	v51 =	vld [tilespmem:s0+$0xFFFFFDF0];
	v33 =	vand.u32 $0xFFFF0000, v33;
	v36 =	vmul.f32 v50, v32  }
0x2ac: {  	v52 =	vshll.u32 v49, $0x10;
	v32 =	vmul.f32 v33, v32  }
0x2ad: {  	v53 =	vld [tilespmem:s0+$0xFFFFFE70];
	v34 =	vand.u32 $0xFFFF0000, v49;
	v33 =	vmul.f32 v52, v31;
	v36 =	vadd.f32 $0.0e+00, v36  }
0x2ae: {  	v54 =	vshll.u32 v35, $0x10;
	v31 =	vmul.f32 v34, v31;
	v32 =	vadd.f32 $0.0e+00, v32  }
0x2af: {  	v55 =	vld [tilespmem:s0+$0xFFFFFEF0];
	v35 =	vand.u32 $0xFFFF0000, v35;
	v34 =	vmul.f32 v54, v30;
	v33 =	vadd.f32 v33, v36  }
0x2b0: {  	v56 =	vshll.u32 v51, $0x10;
	v30 =	vmul.f32 v35, v30;
	v31 =	vadd.f32 v31, v32  }
0x2b1: {  	v58 =	vld [tilespmem:s0+$0xFFFFFF70];
	v57 =	vand.u32 $0xFFFF0000, v51;
	v32 =	vmul.f32 v56, v29;
	v33 =	vadd.f32 v34, v33  }
0x2b2: {  	v59 =	vshll.u32 v53, $0x10;
	v29 =	vmul.f32 v57, v29;
	v30 =	vadd.f32 v30, v31  }
0x2b3: {  	v61 =	vld [tilespmem:s0+$0xFFFFFFF0];
	v60 =	vand.u32 $0xFFFF0000, v53;
	v31 =	vmul.f32 v59, v28;
	v32 =	vadd.f32 v32, v33  }
0x2b4: {  	v62 =	vshll.u32 v55, $0x10;
	v28 =	vmul.f32 v60, v28;
	v29 =	vadd.f32 v29, v30  }
0x2b5: {  	v63 =	vand.u32 $0xFFFF0000, v55;
	v36 =	vld [tilespmem:s0+$0x70];
	v30 =	vmul.f32 v62, v27;
	v31 =	vadd.f32 v31, v32  }
0x2b6: {  	v37 =	vshll.u32 v58, $0x10;
	v27 =	vmul.f32 v63, v27;
	v28 =	vadd.f32 v28, v29  }
0x2b7: {  	v39 =	vld [tilespmem:s0+$0xF0];
	v38 =	vand.u32 $0xFFFF0000, v58;
	v29 =	vmul.f32 v37, v26;
	v30 =	vadd.f32 v30, v31  }
0x2b8: {  	v40 =	vshll.u32 v61, $0x10;
	v26 =	vmul.f32 v38, v26;
	v27 =	vadd.f32 v27, v28  }
0x2b9: {  	v42 =	vld [tilespmem:s0+$0x170];
	v41 =	vand.u32 $0xFFFF0000, v61;
	v28 =	vmul.f32 v40, v25;
	v29 =	vadd.f32 v29, v30  }
0x2ba: {  	v43 =	vshll.u32 v36, $0x10;
	v25 =	vmul.f32 v41, v25;
	v26 =	vadd.f32 v26, v27  }
0x2bb: {  	v45 =	vld [tilespmem:s0+$0x1F0];
	v44 =	vand.u32 $0xFFFF0000, v36;
	v27 =	vmul.f32 v43, v24;
	v28 =	vadd.f32 v28, v29  }
0x2bc: {  	v46 =	vshll.u32 v39, $0x10;
	v24 =	vmul.f32 v44, v24;
	v25 =	vadd.f32 v25, v26  }
0x2bd: {  	v48 =	vld [tilespmem:s0+$0x270];
	v47 =	vand.u32 $0xFFFF0000, v39;
	v26 =	vmul.f32 v46, v23;
	v27 =	vadd.f32 v27, v28  }
0x2be: {  	v49 =	vshll.u32 v42, $0x10;
	v23 =	vmul.f32 v47, v23;
	v24 =	vadd.f32 v24, v25  }
0x2bf: {  	v51 =	vld [tilespmem:s0+$0x2F0];
	v50 =	vand.u32 $0xFFFF0000, v42;
	v25 =	vmul.f32 v49, v22;
	v26 =	vadd.f32 v26, v27  }
0x2c0: {  	v52 =	vshll.u32 v45, $0x10;
	v22 =	vmul.f32 v50, v22;
	v23 =	vadd.f32 v23, v24  }
0x2c1: {  	v53 =	vand.u32 $0xFFFF0000, v45;
	v54 =	vld [tilespmem:s0+$0x370];
	v24 =	vmul.f32 v52, v21;
	v25 =	vadd.f32 v25, v26  }
0x2c2: {  	v55 =	vshll.u32 v48, $0x10;
	v21 =	vmul.f32 v53, v21;
	v22 =	vadd.f32 v22, v23  }
0x2c3: {  	v56 =	vand.u32 $0xFFFF0000, v48;
	v57 =	vld [tilespmem:s0+$0x3F0];
	v23 =	vmul.f32 v55, v20;
	v24 =	vadd.f32 v24, v25  }
0x2c4: {  	v58 =	vshll.u32 v51, $0x10;
	v20 =	vmul.f32 v56, v20;
	v21 =	vadd.f32 v21, v22  }
0x2c5: {  	v59 =	vand.u32 $0xFFFF0000, v51;
	v22 =	vmul.f32 v58, v19;
	v23 =	vadd.f32 v23, v24  }
0x2c6: {  	v60 =	vshll.u32 v54, $0x10;
	v19 =	vmul.f32 v59, v19;
	v20 =	vadd.f32 v20, v21  }
0x2c7: {  	v61 =	vand.u32 $0xFFFF0000, v54;
	v21 =	vmul.f32 v60, v18;
	v22 =	vadd.f32 v22, v23  }
0x2c8: {  	v62 =	vshll.u32 v57, $0x10;
	v18 =	vmul.f32 v61, v18;
	v19 =	vadd.f32 v19, v20  }
0x2c9: {  	p0 =	sne.s32 s31, $0x1C0;
	v63 =	vand.u32 $0xFFFF0000, v57;
	v20 =	vmul.f32 v62, v17;
	v21 =	vadd.f32 v21, v22  }
.Ltmp3:
0x2ca: {  	v17 =	vmul.f32 v63, v17;
	v18 =	vadd.f32 v18, v19;
	(pc) =	sbr.rel @p0 .LBB2_5-.Ltmp3, $4  }
0x2cb: {  	v19 =	vadd.f32 v20, v21  }
0x2cc: {  	v17 =	vadd.f32 v17, v18  }
0x2cd: {  	[tilespmem:s1+$0xFFFFFC70] =	vst v19  }
0x2ce: {  	s31 =	sadd.s32 $0x40, s31;
	s0 =	sadd.s32 $0x800, s0;
	[tilespmem:s1+$0x70] =	vst v17;
	s1 =	sadd.s32 $0x80, s1  }
.Ltmp4:
0x2cf: {  	s0 =	sadd.s32 s10, s30;
	(pc) =	sbr.rel @p1 .LBB2_8-.Ltmp4, $4  }
0x2d0: {  	s0 =	sshll.u32 s0, $0x8  }
0x2d1: {  	s0 =	sand.u32 $0x1FFFFF00, s0  }
0x2d2: {  	s0 =	sadd.s32 s4, s0  }
0x2d3: {  	[hbm4b:s0+s3] =	stream.linear.scatter [tilespmem:s21], [sflag:$0x4], $0x800, $0x38;
	[tilespmem:$0x1F400] =	vst v63  }
.Ltmp5:
0x2d4: {  	(pc) =	sbr.rel .LBB2_2-.Ltmp5, $4  }
0x2d5: {  	_ = 	snop  }
0x2d6: {  	s0 =	sshrl.u32 s29, $0x2;
	s28 =	sadd.s32 $0x1, s28  }
0x2d7: {  	s25 =	sadd.s32 $0x100, s25;
	s26 =	sadd.s32 $0x100, s26;
	s0 =	sadd.s32 $0x180, s0  }
0x2d8: {  	[tilespmem:s17], [sflag:$0x2] =	stream.indirect.gather [spmem:s2], $0x80, s0, s14, $0xb8;
	[tilespmem:$0x1F400] =	vst v63  }
.LBB2_9:
0x2d9: {  	_ =	sfence.sel $0x180000  }
0x2da: {  	[bflag:$0x0] =	sbarrier.arrive $0xFFFF  }
0x2db: {  	_ =	strace $0x90000047  }
0x2dc: {  	s0 =	stileid.u32;
	[bflag:$0x2] =	sbarrier.arrive $0xFFFF  }
0x2dd: {  	p0 =	sne.s32 s0, $0x0;
	s0 =	rddreg [dreg:$0x3]  }
0x2de: {  	s0 =	sadd.s32 @!p0 $0x100000, s0  }
0x2df: {  	[sflag:s0] =	ssyncadd.tile.s32 @!p0 $0x1;
	_ =	shalt  }
.Lfunc_end2:
_tile_overlayer_lowered:
.L_overlay_start_2:
0x2e0: {  	(tag) =	ssettag $0x2  }
0x2e1: {  	s0 =	rddreg [dreg:$0x0];
	s2 =	stileid.u32  }
0x2e2: {  	s1 =	rddreg [dreg:$0x1];
	p0 =	sne.s32 s2, $0x0  }
0x2e3: {  	s3 =	rddreg [dreg:$0x2];
	[bflag:$0x3] =	sbarrier.arrive $0xFFFF;
	s2 =	simm.s32 @!p0 $0x1C05  }
0x2e4: {  	[timem:s3], [sflag:s2] =	dma.local @!p0 [hbm:s0], s1  }
0x2e5: {  	s0 =	simm.s32 @!p0 $0x5  }
0x2e6: {  	_ =	swait.ge @!p0 [sflag:s0], s1  }
0x2e7: {  	s1 =	ssub.s32 @!p0 $0x0, s1;
	[sflag:s0] =	ssyncset.done @!p0 $0x0  }
0x2e8: {  	[sflag:s0] =	ssyncadd.s32 @!p0 s1  }
0x2e9: {  	[bflag:$0x3] =	sbarrier.arrive $0xFFFF  }
0x2ea: {  	_ =	shalt  }

</sc_bundles>
